<compile_context>
chip_gen: v7x
topology: tpu7x:2x2x1
jax: 0.10.2.dev20260603
libtpu: 0.0.44.dev20260713+nightly
codegen_flags: <defaults>
</compile_context>

<pallas_src>
import jax
import jax.numpy as jnp
from jax import lax
from jax.experimental import pallas as pl
from jax.experimental.pallas import tpu as pltpu
from jax.experimental.pallas import tpu_sc as plsc

ROWS, COLS = 16384, 200
TR, TC_ = COLS, ROWS
NC, NS = 2, 16
NW = NC * NS
COLS_W = TC_ // NW
RCHUNK = 8
NCHUNK = TR // RCHUNK
NBUF = 8
LANES = 16
CGROUPS = COLS_W // LANES


def _body(in_hbm, map_hbm, out_hbm, table_v, table_rep_v, *bufs_and_sems):
    wid = lax.axis_index("s") * NC + lax.axis_index("c")
    c0 = wid * COLS_W

    in_bufs = bufs_and_sems[0:NBUF]
    out_bufs = bufs_and_sems[NBUF:2 * NBUF]
    in_sems = bufs_and_sems[2 * NBUF:3 * NBUF]
    out_sems = bufs_and_sems[3 * NBUF:4 * NBUF]

    def start_in(k):
        return pltpu.async_copy(
            in_hbm.at[pl.ds(k * RCHUNK, RCHUNK), pl.ds(c0, COLS_W)],
            in_bufs[k % NBUF], in_sems[k % NBUF])

    def start_out(k):
        return pltpu.async_copy(
            out_bufs[k % NBUF],
            out_hbm.at[pl.ds(k * RCHUNK, RCHUNK), pl.ds(c0, COLS_W)],
            out_sems[k % NBUF])

    def compute(k):
        src = in_bufs[k % NBUF]
        dst = out_bufs[k % NBUF]

        lane = lax.iota(jnp.int32, LANES)

        @plsc.parallel_loop(0, RCHUNK * CGROUPS, unroll=8)
        def gather_step(i):
            r = lax.shift_right_logical(i, 5)
            c16 = (i & (CGROUPS - 1)) * LANES
            idx = src[r, pl.ds(c16, LANES)]
            dst[r, pl.ds(c16, LANES)] = plsc.load_gather(
                table_rep_v, [idx * LANES + lane])

    in_dma = [None] * NCHUNK
    out_dma = [None] * NCHUNK
    for k in range(NBUF):
        in_dma[k] = start_in(k)
    pltpu.sync_copy(map_hbm, table_v)

    lane16 = lax.iota(jnp.int32, LANES) * LANES

    @plsc.parallel_loop(0, 16)
    def build_rep(g):
        tv = table_v[pl.ds(g * LANES, LANES)]
        for j in range(LANES):
            plsc.store_scatter(table_rep_v, [lane16 + (g * (LANES * LANES) + j)], tv)
    for k in range(NCHUNK):
        in_dma[k].wait()
        if k >= NBUF:
            out_dma[k - NBUF].wait()
        compute(k)
        out_dma[k] = start_out(k)
        if k + NBUF < NCHUNK:
            in_dma[k + NBUF] = start_in(k + NBUF)
    for k in range(NCHUNK - NBUF, NCHUNK):
        out_dma[k].wait()


@jax.jit
def _lookup(inputs_t, mapping):
    mesh = plsc.VectorSubcoreMesh(core_axis_name="c", subcore_axis_name="s")
    run = pl.kernel(
        _body,
        out_type=jax.ShapeDtypeStruct((TR, TC_), jnp.int32),
        mesh=mesh,
        scratch_types=(
            [pltpu.VMEM((256,), jnp.int32),
             pltpu.VMEM((256 * LANES,), jnp.int32)]
            + [pltpu.VMEM((RCHUNK, COLS_W), jnp.int32)] * (2 * NBUF)
            + [pltpu.SemaphoreType.DMA] * (2 * NBUF)
        ),
        compiler_params=pltpu.CompilerParams(
            needs_layout_passes=False,
            disable_bounds_checks=True,
            disable_semaphore_checks=True,
        ),
    )
    return run(inputs_t, mapping)


def kernel(inputs, mapping):
    return _lookup(inputs.T, mapping).T

# --- scband reference (transcript-rebuilt; emitter-appended) ---
"""Pipeline reference for scband-char-mapping-7636451852650 (READ-ONLY COPY).

The authoritative reference and input builder live on the scoring server;
editing this copy changes nothing except your own understanding.
"""

import jax, jax.numpy as jnp
import numpy as np

CHARS = "abcdefghijklmnopqrstuvwxyzABCDEFGHIJKLMNOPQRSTUVWXYZ0123456789 .,;:!?'-_()"

def _build_vocab():
    vocab = ['<UNK>'] + list(CHARS)
    # dedupe preserving order, like the original dict.fromkeys
    vocab = list(dict.fromkeys(vocab))
    return vocab

def setup_inputs(seed: int = 0) -> dict:
    key = jax.random.key(seed)
    vocab = _build_vocab()
    # StaticHashTable equivalent: dense byte-codepoint -> vocab-index mapping,
    # default_value=0 (the <UNK> slot) for any byte not in the char set.
    mapping = np.zeros(256, dtype=np.int32)
    for i, c in enumerate(vocab):
        if c == '<UNK>':
            continue
        mapping[ord(c)] = i
    # inputs: batch of character sequences, represented as byte codepoints
    inputs = jax.random.randint(key, (16384, 200), 0, 256, dtype=jnp.int32)
    return {"inputs": inputs, "mapping": jnp.asarray(mapping)}

def reference(inputs, mapping):
    # table.lookup(inputs): pure gather from the mapping table
    return jnp.take(mapping, inputs, axis=0)

if __name__ == "__main__":
    import jax
    _d = setup_inputs()
    print(jax.jit(kernel)(*tuple(_d.values())))

</pallas_src>

<mosaic_0001>
#map = affine_map<(d0, d1) -> (0, 0)>
#map1 = affine_map<(d0, d1) -> (0)>
module attributes {stable_mosaic.version = 14 : i64} {
  func.func @_body(%arg0: i32, %arg1: i32, %arg2: memref<200x16384xi32, #tpu.memory_space<hbm>>, %arg3: memref<256xi32, #tpu.memory_space<hbm>>, %arg4: memref<200x16384xi32, #tpu.memory_space<hbm>>, %arg5: memref<256xi32, #tpu.memory_space<vmem>>, %arg6: memref<4096xi32, #tpu.memory_space<vmem>>, %arg7: memref<8x512xi32, #tpu.memory_space<vmem>>, %arg8: memref<8x512xi32, #tpu.memory_space<vmem>>, %arg9: memref<8x512xi32, #tpu.memory_space<vmem>>, %arg10: memref<8x512xi32, #tpu.memory_space<vmem>>, %arg11: memref<8x512xi32, #tpu.memory_space<vmem>>, %arg12: memref<8x512xi32, #tpu.memory_space<vmem>>, %arg13: memref<8x512xi32, #tpu.memory_space<vmem>>, %arg14: memref<8x512xi32, #tpu.memory_space<vmem>>, %arg15: memref<8x512xi32, #tpu.memory_space<vmem>>, %arg16: memref<8x512xi32, #tpu.memory_space<vmem>>, %arg17: memref<8x512xi32, #tpu.memory_space<vmem>>, %arg18: memref<8x512xi32, #tpu.memory_space<vmem>>, %arg19: memref<8x512xi32, #tpu.memory_space<vmem>>, %arg20: memref<8x512xi32, #tpu.memory_space<vmem>>, %arg21: memref<8x512xi32, #tpu.memory_space<vmem>>, %arg22: memref<8x512xi32, #tpu.memory_space<vmem>>, %arg23: memref<!tpu.dma_semaphore, #tpu.memory_space<semaphore_mem>>, %arg24: memref<!tpu.dma_semaphore, #tpu.memory_space<semaphore_mem>>, %arg25: memref<!tpu.dma_semaphore, #tpu.memory_space<semaphore_mem>>, %arg26: memref<!tpu.dma_semaphore, #tpu.memory_space<semaphore_mem>>, %arg27: memref<!tpu.dma_semaphore, #tpu.memory_space<semaphore_mem>>, %arg28: memref<!tpu.dma_semaphore, #tpu.memory_space<semaphore_mem>>, %arg29: memref<!tpu.dma_semaphore, #tpu.memory_space<semaphore_mem>>, %arg30: memref<!tpu.dma_semaphore, #tpu.memory_space<semaphore_mem>>, %arg31: memref<!tpu.dma_semaphore, #tpu.memory_space<semaphore_mem>>, %arg32: memref<!tpu.dma_semaphore, #tpu.memory_space<semaphore_mem>>, %arg33: memref<!tpu.dma_semaphore, #tpu.memory_space<semaphore_mem>>, %arg34: memref<!tpu.dma_semaphore, #tpu.memory_space<semaphore_mem>>, %arg35: memref<!tpu.dma_semaphore, #tpu.memory_space<semaphore_mem>>, %arg36: memref<!tpu.dma_semaphore, #tpu.memory_space<semaphore_mem>>, %arg37: memref<!tpu.dma_semaphore, #tpu.memory_space<semaphore_mem>>, %arg38: memref<!tpu.dma_semaphore, #tpu.memory_space<semaphore_mem>>) attributes {dimension_semantics = [#tpu.dimension_semantics<core_parallel>, #tpu.dimension_semantics<subcore_parallel>], iteration_bounds = array<i64: 2, 16>, scalar_prefetch = 0 : i64, scratch_operands = 34 : i64, tpu.core_type = #tpu.core_type<sc_vector_subcore>, window_params = [{transform_indices = #map}, {transform_indices = #map1}, {transform_indices = #map}]} {
    %mul3A = arith.constant 2 : i32
    %mul3A_0 = arith.muli %arg1, %mul3A : i32
    %add3A = arith.addi %mul3A_0, %arg0 : i32
    %mul3A_1 = arith.constant 512 : i32
    %mul3A_2 = arith.muli %add3A, %mul3A_1 : i32
    %dma_start3A = arith.constant 0 : i32
    %dma_start3A_3 = tpu.memref_slice %arg2[%dma_start3A, %mul3A_2] : memref<200x16384xi32, #tpu.memory_space<hbm>> -> memref<8x512xi32, #tpu.memory_space<hbm>>
    %dma_start3A_4 = arith.constant 0 : i32
    %dma_start3A_5 = tpu.memref_slice %arg2[%dma_start3A_4, %mul3A_2] : memref<200x16384xi32, #tpu.memory_space<hbm>> -> memref<8x512xi32, #tpu.memory_space<hbm>>
    tpu.enqueue_dma source(%dma_start3A_5 : memref<8x512xi32, #tpu.memory_space<hbm>>) target(%arg7 : memref<8x512xi32, #tpu.memory_space<vmem>>) target_semaphore(%arg23 : memref<!tpu.dma_semaphore, #tpu.memory_space<semaphore_mem>>)
    %dma_start3A_6 = arith.constant 8 : i32
    %dma_start3A_7 = tpu.memref_slice %arg2[%dma_start3A_6, %mul3A_2] : memref<200x16384xi32, #tpu.memory_space<hbm>> -> memref<8x512xi32, #tpu.memory_space<hbm>>
    %dma_start3A_8 = arith.constant 8 : i32
    %dma_start3A_9 = tpu.memref_slice %arg2[%dma_start3A_8, %mul3A_2] : memref<200x16384xi32, #tpu.memory_space<hbm>> -> memref<8x512xi32, #tpu.memory_space<hbm>>
    tpu.enqueue_dma source(%dma_start3A_9 : memref<8x512xi32, #tpu.memory_space<hbm>>) target(%arg8 : memref<8x512xi32, #tpu.memory_space<vmem>>) target_semaphore(%arg24 : memref<!tpu.dma_semaphore, #tpu.memory_space<semaphore_mem>>)
    %dma_start3A_10 = arith.constant 16 : i32
    %dma_start3A_11 = tpu.memref_slice %arg2[%dma_start3A_10, %mul3A_2] : memref<200x16384xi32, #tpu.memory_space<hbm>> -> memref<8x512xi32, #tpu.memory_space<hbm>>
    %dma_start3A_12 = arith.constant 16 : i32
    %dma_start3A_13 = tpu.memref_slice %arg2[%dma_start3A_12, %mul3A_2] : memref<200x16384xi32, #tpu.memory_space<hbm>> -> memref<8x512xi32, #tpu.memory_space<hbm>>
    tpu.enqueue_dma source(%dma_start3A_13 : memref<8x512xi32, #tpu.memory_space<hbm>>) target(%arg9 : memref<8x512xi32, #tpu.memory_space<vmem>>) target_semaphore(%arg25 : memref<!tpu.dma_semaphore, #tpu.memory_space<semaphore_mem>>)
    %dma_start3A_14 = arith.constant 24 : i32
    %dma_start3A_15 = tpu.memref_slice %arg2[%dma_start3A_14, %mul3A_2] : memref<200x16384xi32, #tpu.memory_space<hbm>> -> memref<8x512xi32, #tpu.memory_space<hbm>>
    %dma_start3A_16 = arith.constant 24 : i32
    %dma_start3A_17 = tpu.memref_slice %arg2[%dma_start3A_16, %mul3A_2] : memref<200x16384xi32, #tpu.memory_space<hbm>> -> memref<8x512xi32, #tpu.memory_space<hbm>>
    tpu.enqueue_dma source(%dma_start3A_17 : memref<8x512xi32, #tpu.memory_space<hbm>>) target(%arg10 : memref<8x512xi32, #tpu.memory_space<vmem>>) target_semaphore(%arg26 : memref<!tpu.dma_semaphore, #tpu.memory_space<semaphore_mem>>)
    %dma_start3A_18 = arith.constant 32 : i32
    %dma_start3A_19 = tpu.memref_slice %arg2[%dma_start3A_18, %mul3A_2] : memref<200x16384xi32, #tpu.memory_space<hbm>> -> memref<8x512xi32, #tpu.memory_space<hbm>>
    %dma_start3A_20 = arith.constant 32 : i32
    %dma_start3A_21 = tpu.memref_slice %arg2[%dma_start3A_20, %mul3A_2] : memref<200x16384xi32, #tpu.memory_space<hbm>> -> memref<8x512xi32, #tpu.memory_space<hbm>>
    tpu.enqueue_dma source(%dma_start3A_21 : memref<8x512xi32, #tpu.memory_space<hbm>>) target(%arg11 : memref<8x512xi32, #tpu.memory_space<vmem>>) target_semaphore(%arg27 : memref<!tpu.dma_semaphore, #tpu.memory_space<semaphore_mem>>)
    %dma_start3A_22 = arith.constant 40 : i32
    %dma_start3A_23 = tpu.memref_slice %arg2[%dma_start3A_22, %mul3A_2] : memref<200x16384xi32, #tpu.memory_space<hbm>> -> memref<8x512xi32, #tpu.memory_space<hbm>>
    %dma_start3A_24 = arith.constant 40 : i32
    %dma_start3A_25 = tpu.memref_slice %arg2[%dma_start3A_24, %mul3A_2] : memref<200x16384xi32, #tpu.memory_space<hbm>> -> memref<8x512xi32, #tpu.memory_space<hbm>>
    tpu.enqueue_dma source(%dma_start3A_25 : memref<8x512xi32, #tpu.memory_space<hbm>>) target(%arg12 : memref<8x512xi32, #tpu.memory_space<vmem>>) target_semaphore(%arg28 : memref<!tpu.dma_semaphore, #tpu.memory_space<semaphore_mem>>)
    %dma_start3A_26 = arith.constant 48 : i32
    %dma_start3A_27 = tpu.memref_slice %arg2[%dma_start3A_26, %mul3A_2] : memref<200x16384xi32, #tpu.memory_space<hbm>> -> memref<8x512xi32, #tpu.memory_space<hbm>>
    %dma_start3A_28 = arith.constant 48 : i32
    %dma_start3A_29 = tpu.memref_slice %arg2[%dma_start3A_28, %mul3A_2] : memref<200x16384xi32, #tpu.memory_space<hbm>> -> memref<8x512xi32, #tpu.memory_space<hbm>>
    tpu.enqueue_dma source(%dma_start3A_29 : memref<8x512xi32, #tpu.memory_space<hbm>>) target(%arg13 : memref<8x512xi32, #tpu.memory_space<vmem>>) target_semaphore(%arg29 : memref<!tpu.dma_semaphore, #tpu.memory_space<semaphore_mem>>)
    %dma_start3A_30 = arith.constant 56 : i32
    %dma_start3A_31 = tpu.memref_slice %arg2[%dma_start3A_30, %mul3A_2] : memref<200x16384xi32, #tpu.memory_space<hbm>> -> memref<8x512xi32, #tpu.memory_space<hbm>>
    %dma_start3A_32 = arith.constant 56 : i32
    %dma_start3A_33 = tpu.memref_slice %arg2[%dma_start3A_32, %mul3A_2] : memref<200x16384xi32, #tpu.memory_space<hbm>> -> memref<8x512xi32, #tpu.memory_space<hbm>>
    tpu.enqueue_dma source(%dma_start3A_33 : memref<8x512xi32, #tpu.memory_space<hbm>>) target(%arg14 : memref<8x512xi32, #tpu.memory_space<vmem>>) target_semaphore(%arg30 : memref<!tpu.dma_semaphore, #tpu.memory_space<semaphore_mem>>)
    "tpu.region"() ({
      %run_scoped3A = tpu.sem_alloc : memref<!tpu.dma_semaphore, #tpu.memory_space<semaphore_mem>>
      tpu.enqueue_dma source(%arg3 : memref<256xi32, #tpu.memory_space<hbm>>) target(%arg5 : memref<256xi32, #tpu.memory_space<vmem>>) target_semaphore(%run_scoped3A : memref<!tpu.dma_semaphore, #tpu.memory_space<semaphore_mem>>)
      tpu.wait_dma2 semaphore(%run_scoped3A : memref<!tpu.dma_semaphore, #tpu.memory_space<semaphore_mem>>) src(%arg3 : memref<256xi32, #tpu.memory_space<hbm>>) dst(%arg5 : memref<256xi32, #tpu.memory_space<vmem>>)
      tpu.yield
    }) : () -> ()
    %iota3A = tpu.iota {dimensions = array<i32: 0>} : vector<16xi32>
    %mul3A_34 = arith.constant 16 : i32
    %mul3A_35 = vector.broadcast %mul3A_34 : i32 to vector<16xi32>
    %mul3A_36 = arith.muli %iota3A, %mul3A_35 : vector<16xi32>
    %parallel_loop3A = arith.constant 0 : i32
    %parallel_loop3A_37 = arith.constant 16 : i32
    %parallel_loop3A_38 = arith.constant 1 : i32
    scf.for %parallel_loop3A_506 = %parallel_loop3A to %parallel_loop3A_37 step %parallel_loop3A_38  : i32 {
      %parallel_loop3A_507 = arith.constant 16 : i32
      %parallel_loop3A_508 = arith.muli %parallel_loop3A_506, %parallel_loop3A_507 : i32
      %parallel_loop3A_509 = arith.index_cast %parallel_loop3A_508 : i32 to index
      %parallel_loop3A_510 = tpu.vector_load %arg5[%parallel_loop3A_509] {strides = array<i32>} : memref<256xi32, #tpu.memory_space<vmem>>, vector<16xi32>,
      %parallel_loop3A_511 = arith.constant 256 : i32
      %parallel_loop3A_512 = arith.muli %parallel_loop3A_506, %parallel_loop3A_511 : i32
      %parallel_loop3A_513 = arith.constant 0 : i32
      %parallel_loop3A_514 = arith.addi %parallel_loop3A_512, %parallel_loop3A_513 : i32
      %parallel_loop3A_515 = vector.broadcast %parallel_loop3A_514 : i32 to vector<16xi32>
      %parallel_loop3A_516 = arith.addi %mul3A_36, %parallel_loop3A_515 : vector<16xi32>
      tpu.vector_store_idx %arg6[%parallel_loop3A_516], %parallel_loop3A_510 : memref<4096xi32, #tpu.memory_space<vmem>>[vector<16xi32>], vector<16xi32>,
      %parallel_loop3A_517 = arith.constant 256 : i32
      %parallel_loop3A_518 = arith.muli %parallel_loop3A_506, %parallel_loop3A_517 : i32
      %parallel_loop3A_519 = arith.constant 1 : i32
      %parallel_loop3A_520 = arith.addi %parallel_loop3A_518, %parallel_loop3A_519 : i32
      %parallel_loop3A_521 = vector.broadcast %parallel_loop3A_520 : i32 to vector<16xi32>
      %parallel_loop3A_522 = arith.addi %mul3A_36, %parallel_loop3A_521 : vector<16xi32>
      tpu.vector_store_idx %arg6[%parallel_loop3A_522], %parallel_loop3A_510 : memref<4096xi32, #tpu.memory_space<vmem>>[vector<16xi32>], vector<16xi32>,
      %parallel_loop3A_523 = arith.constant 256 : i32
      %parallel_loop3A_524 = arith.muli %parallel_loop3A_506, %parallel_loop3A_523 : i32
      %parallel_loop3A_525 = arith.constant 2 : i32
      %parallel_loop3A_526 = arith.addi %parallel_loop3A_524, %parallel_loop3A_525 : i32
      %parallel_loop3A_527 = vector.broadcast %parallel_loop3A_526 : i32 to vector<16xi32>
      %parallel_loop3A_528 = arith.addi %mul3A_36, %parallel_loop3A_527 : vector<16xi32>
      tpu.vector_store_idx %arg6[%parallel_loop3A_528], %parallel_loop3A_510 : memref<4096xi32, #tpu.memory_space<vmem>>[vector<16xi32>], vector<16xi32>,
      %parallel_loop3A_529 = arith.constant 256 : i32
      %parallel_loop3A_530 = arith.muli %parallel_loop3A_506, %parallel_loop3A_529 : i32
      %parallel_loop3A_531 = arith.constant 3 : i32
      %parallel_loop3A_532 = arith.addi %parallel_loop3A_530, %parallel_loop3A_531 : i32
      %parallel_loop3A_533 = vector.broadcast %parallel_loop3A_532 : i32 to vector<16xi32>
      %parallel_loop3A_534 = arith.addi %mul3A_36, %parallel_loop3A_533 : vector<16xi32>
      tpu.vector_store_idx %arg6[%parallel_loop3A_534], %parallel_loop3A_510 : memref<4096xi32, #tpu.memory_space<vmem>>[vector<16xi32>], vector<16xi32>,
      %parallel_loop3A_535 = arith.constant 256 : i32
      %parallel_loop3A_536 = arith.muli %parallel_loop3A_506, %parallel_loop3A_535 : i32
      %parallel_loop3A_537 = arith.constant 4 : i32
      %parallel_loop3A_538 = arith.addi %parallel_loop3A_536, %parallel_loop3A_537 : i32
      %parallel_loop3A_539 = vector.broadcast %parallel_loop3A_538 : i32 to vector<16xi32>
      %parallel_loop3A_540 = arith.addi %mul3A_36, %parallel_loop3A_539 : vector<16xi32>
      tpu.vector_store_idx %arg6[%parallel_loop3A_540], %parallel_loop3A_510 : memref<4096xi32, #tpu.memory_space<vmem>>[vector<16xi32>], vector<16xi32>,
      %parallel_loop3A_541 = arith.constant 256 : i32
      %parallel_loop3A_542 = arith.muli %parallel_loop3A_506, %parallel_loop3A_541 : i32
      %parallel_loop3A_543 = arith.constant 5 : i32
      %parallel_loop3A_544 = arith.addi %parallel_loop3A_542, %parallel_loop3A_543 : i32
      %parallel_loop3A_545 = vector.broadcast %parallel_loop3A_544 : i32 to vector<16xi32>
      %parallel_loop3A_546 = arith.addi %mul3A_36, %parallel_loop3A_545 : vector<16xi32>
      tpu.vector_store_idx %arg6[%parallel_loop3A_546], %parallel_loop3A_510 : memref<4096xi32, #tpu.memory_space<vmem>>[vector<16xi32>], vector<16xi32>,
      %parallel_loop3A_547 = arith.constant 256 : i32
      %parallel_loop3A_548 = arith.muli %parallel_loop3A_506, %parallel_loop3A_547 : i32
      %parallel_loop3A_549 = arith.constant 6 : i32
      %parallel_loop3A_550 = arith.addi %parallel_loop3A_548, %parallel_loop3A_549 : i32
      %parallel_loop3A_551 = vector.broadcast %parallel_loop3A_550 : i32 to vector<16xi32>
      %parallel_loop3A_552 = arith.addi %mul3A_36, %parallel_loop3A_551 : vector<16xi32>
      tpu.vector_store_idx %arg6[%parallel_loop3A_552], %parallel_loop3A_510 : memref<4096xi32, #tpu.memory_space<vmem>>[vector<16xi32>], vector<16xi32>,
      %parallel_loop3A_553 = arith.constant 256 : i32
      %parallel_loop3A_554 = arith.muli %parallel_loop3A_506, %parallel_loop3A_553 : i32
      %parallel_loop3A_555 = arith.constant 7 : i32
      %parallel_loop3A_556 = arith.addi %parallel_loop3A_554, %parallel_loop3A_555 : i32
      %parallel_loop3A_557 = vector.broadcast %parallel_loop3A_556 : i32 to vector<16xi32>
      %parallel_loop3A_558 = arith.addi %mul3A_36, %parallel_loop3A_557 : vector<16xi32>
      tpu.vector_store_idx %arg6[%parallel_loop3A_558], %parallel_loop3A_510 : memref<4096xi32, #tpu.memory_space<vmem>>[vector<16xi32>], vector<16xi32>,
      %parallel_loop3A_559 = arith.constant 256 : i32
      %parallel_loop3A_560 = arith.muli %parallel_loop3A_506, %parallel_loop3A_559 : i32
      %parallel_loop3A_561 = arith.constant 8 : i32
      %parallel_loop3A_562 = arith.addi %parallel_loop3A_560, %parallel_loop3A_561 : i32
      %parallel_loop3A_563 = vector.broadcast %parallel_loop3A_562 : i32 to vector<16xi32>
      %parallel_loop3A_564 = arith.addi %mul3A_36, %parallel_loop3A_563 : vector<16xi32>
      tpu.vector_store_idx %arg6[%parallel_loop3A_564], %parallel_loop3A_510 : memref<4096xi32, #tpu.memory_space<vmem>>[vector<16xi32>], vector<16xi32>,
      %parallel_loop3A_565 = arith.constant 256 : i32
      %parallel_loop3A_566 = arith.muli %parallel_loop3A_506, %parallel_loop3A_565 : i32
      %parallel_loop3A_567 = arith.constant 9 : i32
      %parallel_loop3A_568 = arith.addi %parallel_loop3A_566, %parallel_loop3A_567 : i32
      %parallel_loop3A_569 = vector.broadcast %parallel_loop3A_568 : i32 to vector<16xi32>
      %parallel_loop3A_570 = arith.addi %mul3A_36, %parallel_loop3A_569 : vector<16xi32>
      tpu.vector_store_idx %arg6[%parallel_loop3A_570], %parallel_loop3A_510 : memref<4096xi32, #tpu.memory_space<vmem>>[vector<16xi32>], vector<16xi32>,
      %parallel_loop3A_571 = arith.constant 256 : i32
      %parallel_loop3A_572 = arith.muli %parallel_loop3A_506, %parallel_loop3A_571 : i32
      %parallel_loop3A_573 = arith.constant 10 : i32
      %parallel_loop3A_574 = arith.addi %parallel_loop3A_572, %parallel_loop3A_573 : i32
      %parallel_loop3A_575 = vector.broadcast %parallel_loop3A_574 : i32 to vector<16xi32>
      %parallel_loop3A_576 = arith.addi %mul3A_36, %parallel_loop3A_575 : vector<16xi32>
      tpu.vector_store_idx %arg6[%parallel_loop3A_576], %parallel_loop3A_510 : memref<4096xi32, #tpu.memory_space<vmem>>[vector<16xi32>], vector<16xi32>,
      %parallel_loop3A_577 = arith.constant 256 : i32
      %parallel_loop3A_578 = arith.muli %parallel_loop3A_506, %parallel_loop3A_577 : i32
      %parallel_loop3A_579 = arith.constant 11 : i32
      %parallel_loop3A_580 = arith.addi %parallel_loop3A_578, %parallel_loop3A_579 : i32
      %parallel_loop3A_581 = vector.broadcast %parallel_loop3A_580 : i32 to vector<16xi32>
      %parallel_loop3A_582 = arith.addi %mul3A_36, %parallel_loop3A_581 : vector<16xi32>
      tpu.vector_store_idx %arg6[%parallel_loop3A_582], %parallel_loop3A_510 : memref<4096xi32, #tpu.memory_space<vmem>>[vector<16xi32>], vector<16xi32>,
      %parallel_loop3A_583 = arith.constant 256 : i32
      %parallel_loop3A_584 = arith.muli %parallel_loop3A_506, %parallel_loop3A_583 : i32
      %parallel_loop3A_585 = arith.constant 12 : i32
      %parallel_loop3A_586 = arith.addi %parallel_loop3A_584, %parallel_loop3A_585 : i32
      %parallel_loop3A_587 = vector.broadcast %parallel_loop3A_586 : i32 to vector<16xi32>
      %parallel_loop3A_588 = arith.addi %mul3A_36, %parallel_loop3A_587 : vector<16xi32>
      tpu.vector_store_idx %arg6[%parallel_loop3A_588], %parallel_loop3A_510 : memref<4096xi32, #tpu.memory_space<vmem>>[vector<16xi32>], vector<16xi32>,
      %parallel_loop3A_589 = arith.constant 256 : i32
      %parallel_loop3A_590 = arith.muli %parallel_loop3A_506, %parallel_loop3A_589 : i32
      %parallel_loop3A_591 = arith.constant 13 : i32
      %parallel_loop3A_592 = arith.addi %parallel_loop3A_590, %parallel_loop3A_591 : i32
      %parallel_loop3A_593 = vector.broadcast %parallel_loop3A_592 : i32 to vector<16xi32>
      %parallel_loop3A_594 = arith.addi %mul3A_36, %parallel_loop3A_593 : vector<16xi32>
      tpu.vector_store_idx %arg6[%parallel_loop3A_594], %parallel_loop3A_510 : memref<4096xi32, #tpu.memory_space<vmem>>[vector<16xi32>], vector<16xi32>,
      %parallel_loop3A_595 = arith.constant 256 : i32
      %parallel_loop3A_596 = arith.muli %parallel_loop3A_506, %parallel_loop3A_595 : i32
      %parallel_loop3A_597 = arith.constant 14 : i32
      %parallel_loop3A_598 = arith.addi %parallel_loop3A_596, %parallel_loop3A_597 : i32
      %parallel_loop3A_599 = vector.broadcast %parallel_loop3A_598 : i32 to vector<16xi32>
      %parallel_loop3A_600 = arith.addi %mul3A_36, %parallel_loop3A_599 : vector<16xi32>
      tpu.vector_store_idx %arg6[%parallel_loop3A_600], %parallel_loop3A_510 : memref<4096xi32, #tpu.memory_space<vmem>>[vector<16xi32>], vector<16xi32>,
      %parallel_loop3A_601 = arith.constant 256 : i32
      %parallel_loop3A_602 = arith.muli %parallel_loop3A_506, %parallel_loop3A_601 : i32
      %parallel_loop3A_603 = arith.constant 15 : i32
      %parallel_loop3A_604 = arith.addi %parallel_loop3A_602, %parallel_loop3A_603 : i32
      %parallel_loop3A_605 = vector.broadcast %parallel_loop3A_604 : i32 to vector<16xi32>
      %parallel_loop3A_606 = arith.addi %mul3A_36, %parallel_loop3A_605 : vector<16xi32>
      tpu.vector_store_idx %arg6[%parallel_loop3A_606], %parallel_loop3A_510 : memref<4096xi32, #tpu.memory_space<vmem>>[vector<16xi32>], vector<16xi32>,
    } {sc.loop_unroll_factor = 1 : i64, sc.parallel_access}
    %dma_wait3A = arith.constant 0 : i32
    %dma_wait3A_39 = tpu.memref_slice %arg2[%dma_wait3A, %mul3A_2] : memref<200x16384xi32, #tpu.memory_space<hbm>> -> memref<8x512xi32, #tpu.memory_space<hbm>>
    %dma_wait3A_40 = arith.constant 0 : i32
    %dma_wait3A_41 = tpu.memref_slice %arg2[%dma_wait3A_40, %mul3A_2] : memref<200x16384xi32, #tpu.memory_space<hbm>> -> memref<8x512xi32, #tpu.memory_space<hbm>>
    tpu.wait_dma2 semaphore(%arg23 : memref<!tpu.dma_semaphore, #tpu.memory_space<semaphore_mem>>) src(%dma_wait3A_41 : memref<8x512xi32, #tpu.memory_space<hbm>>) dst(%arg7 : memref<8x512xi32, #tpu.memory_space<vmem>>)
    %iota3A_42 = tpu.iota {dimensions = array<i32: 0>} : vector<16xi32>
    %parallel_loop3A_43 = arith.constant 0 : i32
    %parallel_loop3A_44 = arith.constant 256 : i32
    %parallel_loop3A_45 = arith.constant 1 : i32
    scf.for %parallel_loop3A_506 = %parallel_loop3A_43 to %parallel_loop3A_44 step %parallel_loop3A_45  : i32 {
      %parallel_loop3A_507 = arith.constant 5 : i32
      %parallel_loop3A_508 = arith.shrui %parallel_loop3A_506, %parallel_loop3A_507 : i32
      %parallel_loop3A_509 = arith.constant 31 : i32
      %parallel_loop3A_510 = arith.andi %parallel_loop3A_506, %parallel_loop3A_509 : i32
      %parallel_loop3A_511 = arith.constant 16 : i32
      %parallel_loop3A_512 = arith.muli %parallel_loop3A_510, %parallel_loop3A_511 : i32
      %parallel_loop3A_513 = arith.index_cast %parallel_loop3A_508 : i32 to index
      %parallel_loop3A_514 = arith.index_cast %parallel_loop3A_512 : i32 to index
      %parallel_loop3A_515 = tpu.vector_load %arg7[%parallel_loop3A_513, %parallel_loop3A_514] {strides = array<i32>} : memref<8x512xi32, #tpu.memory_space<vmem>>, vector<16xi32>,
      %parallel_loop3A_516 = arith.constant 16 : i32
      %parallel_loop3A_517 = vector.broadcast %parallel_loop3A_516 : i32 to vector<16xi32>
      %parallel_loop3A_518 = arith.muli %parallel_loop3A_515, %parallel_loop3A_517 : vector<16xi32>
      %parallel_loop3A_519 = arith.addi %parallel_loop3A_518, %iota3A_42 : vector<16xi32>
      %parallel_loop3A_520 = tpu.vector_load_idx %arg6[%parallel_loop3A_519] : memref<4096xi32, #tpu.memory_space<vmem>>[vector<16xi32>], vector<16xi32>,
      %parallel_loop3A_521 = arith.index_cast %parallel_loop3A_508 : i32 to index
      %parallel_loop3A_522 = arith.index_cast %parallel_loop3A_512 : i32 to index
      %parallel_loop3A_523 = tpu.vector_load %arg15[%parallel_loop3A_521, %parallel_loop3A_522] {strides = array<i32>} : memref<8x512xi32, #tpu.memory_space<vmem>>, vector<16xi32>,
      tpu.vector_store %arg15[%parallel_loop3A_521, %parallel_loop3A_522], %parallel_loop3A_520 {strides = array<i32>} : memref<8x512xi32, #tpu.memory_space<vmem>>, vector<16xi32>,
    } {sc.loop_unroll_factor = 8 : i64, sc.parallel_access}
    %dma_start3A_46 = arith.constant 0 : i32
    %dma_start3A_47 = tpu.memref_slice %arg4[%dma_start3A_46, %mul3A_2] : memref<200x16384xi32, #tpu.memory_space<hbm>> -> memref<8x512xi32, #tpu.memory_space<hbm>>
    %dma_start3A_48 = arith.constant 0 : i32
    %dma_start3A_49 = tpu.memref_slice %arg4[%dma_start3A_48, %mul3A_2] : memref<200x16384xi32, #tpu.memory_space<hbm>> -> memref<8x512xi32, #tpu.memory_space<hbm>>
    tpu.enqueue_dma source(%arg15 : memref<8x512xi32, #tpu.memory_space<vmem>>) target(%dma_start3A_49 : memref<8x512xi32, #tpu.memory_space<hbm>>) target_semaphore(%arg31 : memref<!tpu.dma_semaphore, #tpu.memory_space<semaphore_mem>>)
    %dma_start3A_50 = arith.constant 64 : i32
    %dma_start3A_51 = tpu.memref_slice %arg2[%dma_start3A_50, %mul3A_2] : memref<200x16384xi32, #tpu.memory_space<hbm>> -> memref<8x512xi32, #tpu.memory_space<hbm>>
    %dma_start3A_52 = arith.constant 64 : i32
    %dma_start3A_53 = tpu.memref_slice %arg2[%dma_start3A_52, %mul3A_2] : memref<200x16384xi32, #tpu.memory_space<hbm>> -> memref<8x512xi32, #tpu.memory_space<hbm>>
    tpu.enqueue_dma source(%dma_start3A_53 : memref<8x512xi32, #tpu.memory_space<hbm>>) target(%arg7 : memref<8x512xi32, #tpu.memory_space<vmem>>) target_semaphore(%arg23 : memref<!tpu.dma_semaphore, #tpu.memory_space<semaphore_mem>>)
    %dma_wait3A_54 = arith.constant 8 : i32
    %dma_wait3A_55 = tpu.memref_slice %arg2[%dma_wait3A_54, %mul3A_2] : memref<200x16384xi32, #tpu.memory_space<hbm>> -> memref<8x512xi32, #tpu.memory_space<hbm>>
    %dma_wait3A_56 = arith.constant 8 : i32
    %dma_wait3A_57 = tpu.memref_slice %arg2[%dma_wait3A_56, %mul3A_2] : memref<200x16384xi32, #tpu.memory_space<hbm>> -> memref<8x512xi32, #tpu.memory_space<hbm>>
    tpu.wait_dma2 semaphore(%arg24 : memref<!tpu.dma_semaphore, #tpu.memory_space<semaphore_mem>>) src(%dma_wait3A_57 : memref<8x512xi32, #tpu.memory_space<hbm>>) dst(%arg8 : memref<8x512xi32, #tpu.memory_space<vmem>>)
    %iota3A_58 = tpu.iota {dimensions = array<i32: 0>} : vector<16xi32>
    %parallel_loop3A_59 = arith.constant 0 : i32
    %parallel_loop3A_60 = arith.constant 256 : i32
    %parallel_loop3A_61 = arith.constant 1 : i32
    scf.for %parallel_loop3A_506 = %parallel_loop3A_59 to %parallel_loop3A_60 step %parallel_loop3A_61  : i32 {
      %parallel_loop3A_507 = arith.constant 5 : i32
      %parallel_loop3A_508 = arith.shrui %parallel_loop3A_506, %parallel_loop3A_507 : i32
      %parallel_loop3A_509 = arith.constant 31 : i32
      %parallel_loop3A_510 = arith.andi %parallel_loop3A_506, %parallel_loop3A_509 : i32
      %parallel_loop3A_511 = arith.constant 16 : i32
      %parallel_loop3A_512 = arith.muli %parallel_loop3A_510, %parallel_loop3A_511 : i32
      %parallel_loop3A_513 = arith.index_cast %parallel_loop3A_508 : i32 to index
      %parallel_loop3A_514 = arith.index_cast %parallel_loop3A_512 : i32 to index
      %parallel_loop3A_515 = tpu.vector_load %arg8[%parallel_loop3A_513, %parallel_loop3A_514] {strides = array<i32>} : memref<8x512xi32, #tpu.memory_space<vmem>>, vector<16xi32>,
      %parallel_loop3A_516 = arith.constant 16 : i32
      %parallel_loop3A_517 = vector.broadcast %parallel_loop3A_516 : i32 to vector<16xi32>
      %parallel_loop3A_518 = arith.muli %parallel_loop3A_515, %parallel_loop3A_517 : vector<16xi32>
      %parallel_loop3A_519 = arith.addi %parallel_loop3A_518, %iota3A_58 : vector<16xi32>
      %parallel_loop3A_520 = tpu.vector_load_idx %arg6[%parallel_loop3A_519] : memref<4096xi32, #tpu.memory_space<vmem>>[vector<16xi32>], vector<16xi32>,
      %parallel_loop3A_521 = arith.index_cast %parallel_loop3A_508 : i32 to index
      %parallel_loop3A_522 = arith.index_cast %parallel_loop3A_512 : i32 to index
      %parallel_loop3A_523 = tpu.vector_load %arg16[%parallel_loop3A_521, %parallel_loop3A_522] {strides = array<i32>} : memref<8x512xi32, #tpu.memory_space<vmem>>, vector<16xi32>,
      tpu.vector_store %arg16[%parallel_loop3A_521, %parallel_loop3A_522], %parallel_loop3A_520 {strides = array<i32>} : memref<8x512xi32, #tpu.memory_space<vmem>>, vector<16xi32>,
    } {sc.loop_unroll_factor = 8 : i64, sc.parallel_access}
    %dma_start3A_62 = arith.constant 8 : i32
    %dma_start3A_63 = tpu.memref_slice %arg4[%dma_start3A_62, %mul3A_2] : memref<200x16384xi32, #tpu.memory_space<hbm>> -> memref<8x512xi32, #tpu.memory_space<hbm>>
    %dma_start3A_64 = arith.constant 8 : i32
    %dma_start3A_65 = tpu.memref_slice %arg4[%dma_start3A_64, %mul3A_2] : memref<200x16384xi32, #tpu.memory_space<hbm>> -> memref<8x512xi32, #tpu.memory_space<hbm>>
    tpu.enqueue_dma source(%arg16 : memref<8x512xi32, #tpu.memory_space<vmem>>) target(%dma_start3A_65 : memref<8x512xi32, #tpu.memory_space<hbm>>) target_semaphore(%arg32 : memref<!tpu.dma_semaphore, #tpu.memory_space<semaphore_mem>>)
    %dma_start3A_66 = arith.constant 72 : i32
    %dma_start3A_67 = tpu.memref_slice %arg2[%dma_start3A_66, %mul3A_2] : memref<200x16384xi32, #tpu.memory_space<hbm>> -> memref<8x512xi32, #tpu.memory_space<hbm>>
    %dma_start3A_68 = arith.constant 72 : i32
    %dma_start3A_69 = tpu.memref_slice %arg2[%dma_start3A_68, %mul3A_2] : memref<200x16384xi32, #tpu.memory_space<hbm>> -> memref<8x512xi32, #tpu.memory_space<hbm>>
    tpu.enqueue_dma source(%dma_start3A_69 : memref<8x512xi32, #tpu.memory_space<hbm>>) target(%arg8 : memref<8x512xi32, #tpu.memory_space<vmem>>) target_semaphore(%arg24 : memref<!tpu.dma_semaphore, #tpu.memory_space<semaphore_mem>>)
    %dma_wait3A_70 = arith.constant 16 : i32
    %dma_wait3A_71 = tpu.memref_slice %arg2[%dma_wait3A_70, %mul3A_2] : memref<200x16384xi32, #tpu.memory_space<hbm>> -> memref<8x512xi32, #tpu.memory_space<hbm>>
    %dma_wait3A_72 = arith.constant 16 : i32
    %dma_wait3A_73 = tpu.memref_slice %arg2[%dma_wait3A_72, %mul3A_2] : memref<200x16384xi32, #tpu.memory_space<hbm>> -> memref<8x512xi32, #tpu.memory_space<hbm>>
    tpu.wait_dma2 semaphore(%arg25 : memref<!tpu.dma_semaphore, #tpu.memory_space<semaphore_mem>>) src(%dma_wait3A_73 : memref<8x512xi32, #tpu.memory_space<hbm>>) dst(%arg9 : memref<8x512xi32, #tpu.memory_space<vmem>>)
    %iota3A_74 = tpu.iota {dimensions = array<i32: 0>} : vector<16xi32>
    %parallel_loop3A_75 = arith.constant 0 : i32
    %parallel_loop3A_76 = arith.constant 256 : i32
    %parallel_loop3A_77 = arith.constant 1 : i32
    scf.for %parallel_loop3A_506 = %parallel_loop3A_75 to %parallel_loop3A_76 step %parallel_loop3A_77  : i32 {
      %parallel_loop3A_507 = arith.constant 5 : i32
      %parallel_loop3A_508 = arith.shrui %parallel_loop3A_506, %parallel_loop3A_507 : i32
      %parallel_loop3A_509 = arith.constant 31 : i32
      %parallel_loop3A_510 = arith.andi %parallel_loop3A_506, %parallel_loop3A_509 : i32
      %parallel_loop3A_511 = arith.constant 16 : i32
      %parallel_loop3A_512 = arith.muli %parallel_loop3A_510, %parallel_loop3A_511 : i32
      %parallel_loop3A_513 = arith.index_cast %parallel_loop3A_508 : i32 to index
      %parallel_loop3A_514 = arith.index_cast %parallel_loop3A_512 : i32 to index
      %parallel_loop3A_515 = tpu.vector_load %arg9[%parallel_loop3A_513, %parallel_loop3A_514] {strides = array<i32>} : memref<8x512xi32, #tpu.memory_space<vmem>>, vector<16xi32>,
      %parallel_loop3A_516 = arith.constant 16 : i32
      %parallel_loop3A_517 = vector.broadcast %parallel_loop3A_516 : i32 to vector<16xi32>
      %parallel_loop3A_518 = arith.muli %parallel_loop3A_515, %parallel_loop3A_517 : vector<16xi32>
      %parallel_loop3A_519 = arith.addi %parallel_loop3A_518, %iota3A_74 : vector<16xi32>
      %parallel_loop3A_520 = tpu.vector_load_idx %arg6[%parallel_loop3A_519] : memref<4096xi32, #tpu.memory_space<vmem>>[vector<16xi32>], vector<16xi32>,
      %parallel_loop3A_521 = arith.index_cast %parallel_loop3A_508 : i32 to index
      %parallel_loop3A_522 = arith.index_cast %parallel_loop3A_512 : i32 to index
      %parallel_loop3A_523 = tpu.vector_load %arg17[%parallel_loop3A_521, %parallel_loop3A_522] {strides = array<i32>} : memref<8x512xi32, #tpu.memory_space<vmem>>, vector<16xi32>,
      tpu.vector_store %arg17[%parallel_loop3A_521, %parallel_loop3A_522], %parallel_loop3A_520 {strides = array<i32>} : memref<8x512xi32, #tpu.memory_space<vmem>>, vector<16xi32>,
    } {sc.loop_unroll_factor = 8 : i64, sc.parallel_access}
    %dma_start3A_78 = arith.constant 16 : i32
    %dma_start3A_79 = tpu.memref_slice %arg4[%dma_start3A_78, %mul3A_2] : memref<200x16384xi32, #tpu.memory_space<hbm>> -> memref<8x512xi32, #tpu.memory_space<hbm>>
    %dma_start3A_80 = arith.constant 16 : i32
    %dma_start3A_81 = tpu.memref_slice %arg4[%dma_start3A_80, %mul3A_2] : memref<200x16384xi32, #tpu.memory_space<hbm>> -> memref<8x512xi32, #tpu.memory_space<hbm>>
    tpu.enqueue_dma source(%arg17 : memref<8x512xi32, #tpu.memory_space<vmem>>) target(%dma_start3A_81 : memref<8x512xi32, #tpu.memory_space<hbm>>) target_semaphore(%arg33 : memref<!tpu.dma_semaphore, #tpu.memory_space<semaphore_mem>>)
    %dma_start3A_82 = arith.constant 80 : i32
    %dma_start3A_83 = tpu.memref_slice %arg2[%dma_start3A_82, %mul3A_2] : memref<200x16384xi32, #tpu.memory_space<hbm>> -> memref<8x512xi32, #tpu.memory_space<hbm>>
    %dma_start3A_84 = arith.constant 80 : i32
    %dma_start3A_85 = tpu.memref_slice %arg2[%dma_start3A_84, %mul3A_2] : memref<200x16384xi32, #tpu.memory_space<hbm>> -> memref<8x512xi32, #tpu.memory_space<hbm>>
    tpu.enqueue_dma source(%dma_start3A_85 : memref<8x512xi32, #tpu.memory_space<hbm>>) target(%arg9 : memref<8x512xi32, #tpu.memory_space<vmem>>) target_semaphore(%arg25 : memref<!tpu.dma_semaphore, #tpu.memory_space<semaphore_mem>>)
    %dma_wait3A_86 = arith.constant 24 : i32
    %dma_wait3A_87 = tpu.memref_slice %arg2[%dma_wait3A_86, %mul3A_2] : memref<200x16384xi32, #tpu.memory_space<hbm>> -> memref<8x512xi32, #tpu.memory_space<hbm>>
    %dma_wait3A_88 = arith.constant 24 : i32
    %dma_wait3A_89 = tpu.memref_slice %arg2[%dma_wait3A_88, %mul3A_2] : memref<200x16384xi32, #tpu.memory_space<hbm>> -> memref<8x512xi32, #tpu.memory_space<hbm>>
    tpu.wait_dma2 semaphore(%arg26 : memref<!tpu.dma_semaphore, #tpu.memory_space<semaphore_mem>>) src(%dma_wait3A_89 : memref<8x512xi32, #tpu.memory_space<hbm>>) dst(%arg10 : memref<8x512xi32, #tpu.memory_space<vmem>>)
    %iota3A_90 = tpu.iota {dimensions = array<i32: 0>} : vector<16xi32>
    %parallel_loop3A_91 = arith.constant 0 : i32
    %parallel_loop3A_92 = arith.constant 256 : i32
    %parallel_loop3A_93 = arith.constant 1 : i32
    scf.for %parallel_loop3A_506 = %parallel_loop3A_91 to %parallel_loop3A_92 step %parallel_loop3A_93  : i32 {
      %parallel_loop3A_507 = arith.constant 5 : i32
      %parallel_loop3A_508 = arith.shrui %parallel_loop3A_506, %parallel_loop3A_507 : i32
      %parallel_loop3A_509 = arith.constant 31 : i32
      %parallel_loop3A_510 = arith.andi %parallel_loop3A_506, %parallel_loop3A_509 : i32
      %parallel_loop3A_511 = arith.constant 16 : i32
      %parallel_loop3A_512 = arith.muli %parallel_loop3A_510, %parallel_loop3A_511 : i32
      %parallel_loop3A_513 = arith.index_cast %parallel_loop3A_508 : i32 to index
      %parallel_loop3A_514 = arith.index_cast %parallel_loop3A_512 : i32 to index
      %parallel_loop3A_515 = tpu.vector_load %arg10[%parallel_loop3A_513, %parallel_loop3A_514] {strides = array<i32>} : memref<8x512xi32, #tpu.memory_space<vmem>>, vector<16xi32>,
      %parallel_loop3A_516 = arith.constant 16 : i32
      %parallel_loop3A_517 = vector.broadcast %parallel_loop3A_516 : i32 to vector<16xi32>
      %parallel_loop3A_518 = arith.muli %parallel_loop3A_515, %parallel_loop3A_517 : vector<16xi32>
      %parallel_loop3A_519 = arith.addi %parallel_loop3A_518, %iota3A_90 : vector<16xi32>
      %parallel_loop3A_520 = tpu.vector_load_idx %arg6[%parallel_loop3A_519] : memref<4096xi32, #tpu.memory_space<vmem>>[vector<16xi32>], vector<16xi32>,
      %parallel_loop3A_521 = arith.index_cast %parallel_loop3A_508 : i32 to index
      %parallel_loop3A_522 = arith.index_cast %parallel_loop3A_512 : i32 to index
      %parallel_loop3A_523 = tpu.vector_load %arg18[%parallel_loop3A_521, %parallel_loop3A_522] {strides = array<i32>} : memref<8x512xi32, #tpu.memory_space<vmem>>, vector<16xi32>,
      tpu.vector_store %arg18[%parallel_loop3A_521, %parallel_loop3A_522], %parallel_loop3A_520 {strides = array<i32>} : memref<8x512xi32, #tpu.memory_space<vmem>>, vector<16xi32>,
    } {sc.loop_unroll_factor = 8 : i64, sc.parallel_access}
    %dma_start3A_94 = arith.constant 24 : i32
    %dma_start3A_95 = tpu.memref_slice %arg4[%dma_start3A_94, %mul3A_2] : memref<200x16384xi32, #tpu.memory_space<hbm>> -> memref<8x512xi32, #tpu.memory_space<hbm>>
    %dma_start3A_96 = arith.constant 24 : i32
    %dma_start3A_97 = tpu.memref_slice %arg4[%dma_start3A_96, %mul3A_2] : memref<200x16384xi32, #tpu.memory_space<hbm>> -> memref<8x512xi32, #tpu.memory_space<hbm>>
    tpu.enqueue_dma source(%arg18 : memref<8x512xi32, #tpu.memory_space<vmem>>) target(%dma_start3A_97 : memref<8x512xi32, #tpu.memory_space<hbm>>) target_semaphore(%arg34 : memref<!tpu.dma_semaphore, #tpu.memory_space<semaphore_mem>>)
    %dma_start3A_98 = arith.constant 88 : i32
    %dma_start3A_99 = tpu.memref_slice %arg2[%dma_start3A_98, %mul3A_2] : memref<200x16384xi32, #tpu.memory_space<hbm>> -> memref<8x512xi32, #tpu.memory_space<hbm>>
    %dma_start3A_100 = arith.constant 88 : i32
    %dma_start3A_101 = tpu.memref_slice %arg2[%dma_start3A_100, %mul3A_2] : memref<200x16384xi32, #tpu.memory_space<hbm>> -> memref<8x512xi32, #tpu.memory_space<hbm>>
    tpu.enqueue_dma source(%dma_start3A_101 : memref<8x512xi32, #tpu.memory_space<hbm>>) target(%arg10 : memref<8x512xi32, #tpu.memory_space<vmem>>) target_semaphore(%arg26 : memref<!tpu.dma_semaphore, #tpu.memory_space<semaphore_mem>>)
    %dma_wait3A_102 = arith.constant 32 : i32
    %dma_wait3A_103 = tpu.memref_slice %arg2[%dma_wait3A_102, %mul3A_2] : memref<200x16384xi32, #tpu.memory_space<hbm>> -> memref<8x512xi32, #tpu.memory_space<hbm>>
    %dma_wait3A_104 = arith.constant 32 : i32
    %dma_wait3A_105 = tpu.memref_slice %arg2[%dma_wait3A_104, %mul3A_2] : memref<200x16384xi32, #tpu.memory_space<hbm>> -> memref<8x512xi32, #tpu.memory_space<hbm>>
    tpu.wait_dma2 semaphore(%arg27 : memref<!tpu.dma_semaphore, #tpu.memory_space<semaphore_mem>>) src(%dma_wait3A_105 : memref<8x512xi32, #tpu.memory_space<hbm>>) dst(%arg11 : memref<8x512xi32, #tpu.memory_space<vmem>>)
    %iota3A_106 = tpu.iota {dimensions = array<i32: 0>} : vector<16xi32>
    %parallel_loop3A_107 = arith.constant 0 : i32
    %parallel_loop3A_108 = arith.constant 256 : i32
    %parallel_loop3A_109 = arith.constant 1 : i32
    scf.for %parallel_loop3A_506 = %parallel_loop3A_107 to %parallel_loop3A_108 step %parallel_loop3A_109  : i32 {
      %parallel_loop3A_507 = arith.constant 5 : i32
      %parallel_loop3A_508 = arith.shrui %parallel_loop3A_506, %parallel_loop3A_507 : i32
      %parallel_loop3A_509 = arith.constant 31 : i32
      %parallel_loop3A_510 = arith.andi %parallel_loop3A_506, %parallel_loop3A_509 : i32
      %parallel_loop3A_511 = arith.constant 16 : i32
      %parallel_loop3A_512 = arith.muli %parallel_loop3A_510, %parallel_loop3A_511 : i32
      %parallel_loop3A_513 = arith.index_cast %parallel_loop3A_508 : i32 to index
      %parallel_loop3A_514 = arith.index_cast %parallel_loop3A_512 : i32 to index
      %parallel_loop3A_515 = tpu.vector_load %arg11[%parallel_loop3A_513, %parallel_loop3A_514] {strides = array<i32>} : memref<8x512xi32, #tpu.memory_space<vmem>>, vector<16xi32>,
      %parallel_loop3A_516 = arith.constant 16 : i32
      %parallel_loop3A_517 = vector.broadcast %parallel_loop3A_516 : i32 to vector<16xi32>
      %parallel_loop3A_518 = arith.muli %parallel_loop3A_515, %parallel_loop3A_517 : vector<16xi32>
      %parallel_loop3A_519 = arith.addi %parallel_loop3A_518, %iota3A_106 : vector<16xi32>
      %parallel_loop3A_520 = tpu.vector_load_idx %arg6[%parallel_loop3A_519] : memref<4096xi32, #tpu.memory_space<vmem>>[vector<16xi32>], vector<16xi32>,
      %parallel_loop3A_521 = arith.index_cast %parallel_loop3A_508 : i32 to index
      %parallel_loop3A_522 = arith.index_cast %parallel_loop3A_512 : i32 to index
      %parallel_loop3A_523 = tpu.vector_load %arg19[%parallel_loop3A_521, %parallel_loop3A_522] {strides = array<i32>} : memref<8x512xi32, #tpu.memory_space<vmem>>, vector<16xi32>,
      tpu.vector_store %arg19[%parallel_loop3A_521, %parallel_loop3A_522], %parallel_loop3A_520 {strides = array<i32>} : memref<8x512xi32, #tpu.memory_space<vmem>>, vector<16xi32>,
    } {sc.loop_unroll_factor = 8 : i64, sc.parallel_access}
    %dma_start3A_110 = arith.constant 32 : i32
    %dma_start3A_111 = tpu.memref_slice %arg4[%dma_start3A_110, %mul3A_2] : memref<200x16384xi32, #tpu.memory_space<hbm>> -> memref<8x512xi32, #tpu.memory_space<hbm>>
    %dma_start3A_112 = arith.constant 32 : i32
    %dma_start3A_113 = tpu.memref_slice %arg4[%dma_start3A_112, %mul3A_2] : memref<200x16384xi32, #tpu.memory_space<hbm>> -> memref<8x512xi32, #tpu.memory_space<hbm>>
    tpu.enqueue_dma source(%arg19 : memref<8x512xi32, #tpu.memory_space<vmem>>) target(%dma_start3A_113 : memref<8x512xi32, #tpu.memory_space<hbm>>) target_semaphore(%arg35 : memref<!tpu.dma_semaphore, #tpu.memory_space<semaphore_mem>>)
    %dma_start3A_114 = arith.constant 96 : i32
    %dma_start3A_115 = tpu.memref_slice %arg2[%dma_start3A_114, %mul3A_2] : memref<200x16384xi32, #tpu.memory_space<hbm>> -> memref<8x512xi32, #tpu.memory_space<hbm>>
    %dma_start3A_116 = arith.constant 96 : i32
    %dma_start3A_117 = tpu.memref_slice %arg2[%dma_start3A_116, %mul3A_2] : memref<200x16384xi32, #tpu.memory_space<hbm>> -> memref<8x512xi32, #tpu.memory_space<hbm>>
    tpu.enqueue_dma source(%dma_start3A_117 : memref<8x512xi32, #tpu.memory_space<hbm>>) target(%arg11 : memref<8x512xi32, #tpu.memory_space<vmem>>) target_semaphore(%arg27 : memref<!tpu.dma_semaphore, #tpu.memory_space<semaphore_mem>>)
    %dma_wait3A_118 = arith.constant 40 : i32
    %dma_wait3A_119 = tpu.memref_slice %arg2[%dma_wait3A_118, %mul3A_2] : memref<200x16384xi32, #tpu.memory_space<hbm>> -> memref<8x512xi32, #tpu.memory_space<hbm>>
    %dma_wait3A_120 = arith.constant 40 : i32
    %dma_wait3A_121 = tpu.memref_slice %arg2[%dma_wait3A_120, %mul3A_2] : memref<200x16384xi32, #tpu.memory_space<hbm>> -> memref<8x512xi32, #tpu.memory_space<hbm>>
    tpu.wait_dma2 semaphore(%arg28 : memref<!tpu.dma_semaphore, #tpu.memory_space<semaphore_mem>>) src(%dma_wait3A_121 : memref<8x512xi32, #tpu.memory_space<hbm>>) dst(%arg12 : memref<8x512xi32, #tpu.memory_space<vmem>>)
    %iota3A_122 = tpu.iota {dimensions = array<i32: 0>} : vector<16xi32>
    %parallel_loop3A_123 = arith.constant 0 : i32
    %parallel_loop3A_124 = arith.constant 256 : i32
    %parallel_loop3A_125 = arith.constant 1 : i32
    scf.for %parallel_loop3A_506 = %parallel_loop3A_123 to %parallel_loop3A_124 step %parallel_loop3A_125  : i32 {
      %parallel_loop3A_507 = arith.constant 5 : i32
      %parallel_loop3A_508 = arith.shrui %parallel_loop3A_506, %parallel_loop3A_507 : i32
      %parallel_loop3A_509 = arith.constant 31 : i32
      %parallel_loop3A_510 = arith.andi %parallel_loop3A_506, %parallel_loop3A_509 : i32
      %parallel_loop3A_511 = arith.constant 16 : i32
      %parallel_loop3A_512 = arith.muli %parallel_loop3A_510, %parallel_loop3A_511 : i32
      %parallel_loop3A_513 = arith.index_cast %parallel_loop3A_508 : i32 to index
      %parallel_loop3A_514 = arith.index_cast %parallel_loop3A_512 : i32 to index
      %parallel_loop3A_515 = tpu.vector_load %arg12[%parallel_loop3A_513, %parallel_loop3A_514] {strides = array<i32>} : memref<8x512xi32, #tpu.memory_space<vmem>>, vector<16xi32>,
      %parallel_loop3A_516 = arith.constant 16 : i32
      %parallel_loop3A_517 = vector.broadcast %parallel_loop3A_516 : i32 to vector<16xi32>
      %parallel_loop3A_518 = arith.muli %parallel_loop3A_515, %parallel_loop3A_517 : vector<16xi32>
      %parallel_loop3A_519 = arith.addi %parallel_loop3A_518, %iota3A_122 : vector<16xi32>
      %parallel_loop3A_520 = tpu.vector_load_idx %arg6[%parallel_loop3A_519] : memref<4096xi32, #tpu.memory_space<vmem>>[vector<16xi32>], vector<16xi32>,
      %parallel_loop3A_521 = arith.index_cast %parallel_loop3A_508 : i32 to index
      %parallel_loop3A_522 = arith.index_cast %parallel_loop3A_512 : i32 to index
      %parallel_loop3A_523 = tpu.vector_load %arg20[%parallel_loop3A_521, %parallel_loop3A_522] {strides = array<i32>} : memref<8x512xi32, #tpu.memory_space<vmem>>, vector<16xi32>,
      tpu.vector_store %arg20[%parallel_loop3A_521, %parallel_loop3A_522], %parallel_loop3A_520 {strides = array<i32>} : memref<8x512xi32, #tpu.memory_space<vmem>>, vector<16xi32>,
    } {sc.loop_unroll_factor = 8 : i64, sc.parallel_access}
    %dma_start3A_126 = arith.constant 40 : i32
    %dma_start3A_127 = tpu.memref_slice %arg4[%dma_start3A_126, %mul3A_2] : memref<200x16384xi32, #tpu.memory_space<hbm>> -> memref<8x512xi32, #tpu.memory_space<hbm>>
    %dma_start3A_128 = arith.constant 40 : i32
    %dma_start3A_129 = tpu.memref_slice %arg4[%dma_start3A_128, %mul3A_2] : memref<200x16384xi32, #tpu.memory_space<hbm>> -> memref<8x512xi32, #tpu.memory_space<hbm>>
    tpu.enqueue_dma source(%arg20 : memref<8x512xi32, #tpu.memory_space<vmem>>) target(%dma_start3A_129 : memref<8x512xi32, #tpu.memory_space<hbm>>) target_semaphore(%arg36 : memref<!tpu.dma_semaphore, #tpu.memory_space<semaphore_mem>>)
    %dma_start3A_130 = arith.constant 104 : i32
    %dma_start3A_131 = tpu.memref_slice %arg2[%dma_start3A_130, %mul3A_2] : memref<200x16384xi32, #tpu.memory_space<hbm>> -> memref<8x512xi32, #tpu.memory_space<hbm>>
    %dma_start3A_132 = arith.constant 104 : i32
    %dma_start3A_133 = tpu.memref_slice %arg2[%dma_start3A_132, %mul3A_2] : memref<200x16384xi32, #tpu.memory_space<hbm>> -> memref<8x512xi32, #tpu.memory_space<hbm>>
    tpu.enqueue_dma source(%dma_start3A_133 : memref<8x512xi32, #tpu.memory_space<hbm>>) target(%arg12 : memref<8x512xi32, #tpu.memory_space<vmem>>) target_semaphore(%arg28 : memref<!tpu.dma_semaphore, #tpu.memory_space<semaphore_mem>>)
    %dma_wait3A_134 = arith.constant 48 : i32
    %dma_wait3A_135 = tpu.memref_slice %arg2[%dma_wait3A_134, %mul3A_2] : memref<200x16384xi32, #tpu.memory_space<hbm>> -> memref<8x512xi32, #tpu.memory_space<hbm>>
    %dma_wait3A_136 = arith.constant 48 : i32
    %dma_wait3A_137 = tpu.memref_slice %arg2[%dma_wait3A_136, %mul3A_2] : memref<200x16384xi32, #tpu.memory_space<hbm>> -> memref<8x512xi32, #tpu.memory_space<hbm>>
    tpu.wait_dma2 semaphore(%arg29 : memref<!tpu.dma_semaphore, #tpu.memory_space<semaphore_mem>>) src(%dma_wait3A_137 : memref<8x512xi32, #tpu.memory_space<hbm>>) dst(%arg13 : memref<8x512xi32, #tpu.memory_space<vmem>>)
    %iota3A_138 = tpu.iota {dimensions = array<i32: 0>} : vector<16xi32>
    %parallel_loop3A_139 = arith.constant 0 : i32
    %parallel_loop3A_140 = arith.constant 256 : i32
    %parallel_loop3A_141 = arith.constant 1 : i32
    scf.for %parallel_loop3A_506 = %parallel_loop3A_139 to %parallel_loop3A_140 step %parallel_loop3A_141  : i32 {
      %parallel_loop3A_507 = arith.constant 5 : i32
      %parallel_loop3A_508 = arith.shrui %parallel_loop3A_506, %parallel_loop3A_507 : i32
      %parallel_loop3A_509 = arith.constant 31 : i32
      %parallel_loop3A_510 = arith.andi %parallel_loop3A_506, %parallel_loop3A_509 : i32
      %parallel_loop3A_511 = arith.constant 16 : i32
      %parallel_loop3A_512 = arith.muli %parallel_loop3A_510, %parallel_loop3A_511 : i32
      %parallel_loop3A_513 = arith.index_cast %parallel_loop3A_508 : i32 to index
      %parallel_loop3A_514 = arith.index_cast %parallel_loop3A_512 : i32 to index
      %parallel_loop3A_515 = tpu.vector_load %arg13[%parallel_loop3A_513, %parallel_loop3A_514] {strides = array<i32>} : memref<8x512xi32, #tpu.memory_space<vmem>>, vector<16xi32>,
      %parallel_loop3A_516 = arith.constant 16 : i32
      %parallel_loop3A_517 = vector.broadcast %parallel_loop3A_516 : i32 to vector<16xi32>
      %parallel_loop3A_518 = arith.muli %parallel_loop3A_515, %parallel_loop3A_517 : vector<16xi32>
      %parallel_loop3A_519 = arith.addi %parallel_loop3A_518, %iota3A_138 : vector<16xi32>
      %parallel_loop3A_520 = tpu.vector_load_idx %arg6[%parallel_loop3A_519] : memref<4096xi32, #tpu.memory_space<vmem>>[vector<16xi32>], vector<16xi32>,
      %parallel_loop3A_521 = arith.index_cast %parallel_loop3A_508 : i32 to index
      %parallel_loop3A_522 = arith.index_cast %parallel_loop3A_512 : i32 to index
      %parallel_loop3A_523 = tpu.vector_load %arg21[%parallel_loop3A_521, %parallel_loop3A_522] {strides = array<i32>} : memref<8x512xi32, #tpu.memory_space<vmem>>, vector<16xi32>,
      tpu.vector_store %arg21[%parallel_loop3A_521, %parallel_loop3A_522], %parallel_loop3A_520 {strides = array<i32>} : memref<8x512xi32, #tpu.memory_space<vmem>>, vector<16xi32>,
    } {sc.loop_unroll_factor = 8 : i64, sc.parallel_access}
    %dma_start3A_142 = arith.constant 48 : i32
    %dma_start3A_143 = tpu.memref_slice %arg4[%dma_start3A_142, %mul3A_2] : memref<200x16384xi32, #tpu.memory_space<hbm>> -> memref<8x512xi32, #tpu.memory_space<hbm>>
    %dma_start3A_144 = arith.constant 48 : i32
    %dma_start3A_145 = tpu.memref_slice %arg4[%dma_start3A_144, %mul3A_2] : memref<200x16384xi32, #tpu.memory_space<hbm>> -> memref<8x512xi32, #tpu.memory_space<hbm>>
    tpu.enqueue_dma source(%arg21 : memref<8x512xi32, #tpu.memory_space<vmem>>) target(%dma_start3A_145 : memref<8x512xi32, #tpu.memory_space<hbm>>) target_semaphore(%arg37 : memref<!tpu.dma_semaphore, #tpu.memory_space<semaphore_mem>>)
    %dma_start3A_146 = arith.constant 112 : i32
    %dma_start3A_147 = tpu.memref_slice %arg2[%dma_start3A_146, %mul3A_2] : memref<200x16384xi32, #tpu.memory_space<hbm>> -> memref<8x512xi32, #tpu.memory_space<hbm>>
    %dma_start3A_148 = arith.constant 112 : i32
    %dma_start3A_149 = tpu.memref_slice %arg2[%dma_start3A_148, %mul3A_2] : memref<200x16384xi32, #tpu.memory_space<hbm>> -> memref<8x512xi32, #tpu.memory_space<hbm>>
    tpu.enqueue_dma source(%dma_start3A_149 : memref<8x512xi32, #tpu.memory_space<hbm>>) target(%arg13 : memref<8x512xi32, #tpu.memory_space<vmem>>) target_semaphore(%arg29 : memref<!tpu.dma_semaphore, #tpu.memory_space<semaphore_mem>>)
    %dma_wait3A_150 = arith.constant 56 : i32
    %dma_wait3A_151 = tpu.memref_slice %arg2[%dma_wait3A_150, %mul3A_2] : memref<200x16384xi32, #tpu.memory_space<hbm>> -> memref<8x512xi32, #tpu.memory_space<hbm>>
    %dma_wait3A_152 = arith.constant 56 : i32
    %dma_wait3A_153 = tpu.memref_slice %arg2[%dma_wait3A_152, %mul3A_2] : memref<200x16384xi32, #tpu.memory_space<hbm>> -> memref<8x512xi32, #tpu.memory_space<hbm>>
    tpu.wait_dma2 semaphore(%arg30 : memref<!tpu.dma_semaphore, #tpu.memory_space<semaphore_mem>>) src(%dma_wait3A_153 : memref<8x512xi32, #tpu.memory_space<hbm>>) dst(%arg14 : memref<8x512xi32, #tpu.memory_space<vmem>>)
    %iota3A_154 = tpu.iota {dimensions = array<i32: 0>} : vector<16xi32>
    %parallel_loop3A_155 = arith.constant 0 : i32
    %parallel_loop3A_156 = arith.constant 256 : i32
    %parallel_loop3A_157 = arith.constant 1 : i32
    scf.for %parallel_loop3A_506 = %parallel_loop3A_155 to %parallel_loop3A_156 step %parallel_loop3A_157  : i32 {
      %parallel_loop3A_507 = arith.constant 5 : i32
      %parallel_loop3A_508 = arith.shrui %parallel_loop3A_506, %parallel_loop3A_507 : i32
      %parallel_loop3A_509 = arith.constant 31 : i32
      %parallel_loop3A_510 = arith.andi %parallel_loop3A_506, %parallel_loop3A_509 : i32
      %parallel_loop3A_511 = arith.constant 16 : i32
      %parallel_loop3A_512 = arith.muli %parallel_loop3A_510, %parallel_loop3A_511 : i32
      %parallel_loop3A_513 = arith.index_cast %parallel_loop3A_508 : i32 to index
      %parallel_loop3A_514 = arith.index_cast %parallel_loop3A_512 : i32 to index
      %parallel_loop3A_515 = tpu.vector_load %arg14[%parallel_loop3A_513, %parallel_loop3A_514] {strides = array<i32>} : memref<8x512xi32, #tpu.memory_space<vmem>>, vector<16xi32>,
      %parallel_loop3A_516 = arith.constant 16 : i32
      %parallel_loop3A_517 = vector.broadcast %parallel_loop3A_516 : i32 to vector<16xi32>
      %parallel_loop3A_518 = arith.muli %parallel_loop3A_515, %parallel_loop3A_517 : vector<16xi32>
      %parallel_loop3A_519 = arith.addi %parallel_loop3A_518, %iota3A_154 : vector<16xi32>
      %parallel_loop3A_520 = tpu.vector_load_idx %arg6[%parallel_loop3A_519] : memref<4096xi32, #tpu.memory_space<vmem>>[vector<16xi32>], vector<16xi32>,
      %parallel_loop3A_521 = arith.index_cast %parallel_loop3A_508 : i32 to index
      %parallel_loop3A_522 = arith.index_cast %parallel_loop3A_512 : i32 to index
      %parallel_loop3A_523 = tpu.vector_load %arg22[%parallel_loop3A_521, %parallel_loop3A_522] {strides = array<i32>} : memref<8x512xi32, #tpu.memory_space<vmem>>, vector<16xi32>,
      tpu.vector_store %arg22[%parallel_loop3A_521, %parallel_loop3A_522], %parallel_loop3A_520 {strides = array<i32>} : memref<8x512xi32, #tpu.memory_space<vmem>>, vector<16xi32>,
    } {sc.loop_unroll_factor = 8 : i64, sc.parallel_access}
    %dma_start3A_158 = arith.constant 56 : i32
    %dma_start3A_159 = tpu.memref_slice %arg4[%dma_start3A_158, %mul3A_2] : memref<200x16384xi32, #tpu.memory_space<hbm>> -> memref<8x512xi32, #tpu.memory_space<hbm>>
    %dma_start3A_160 = arith.constant 56 : i32
    %dma_start3A_161 = tpu.memref_slice %arg4[%dma_start3A_160, %mul3A_2] : memref<200x16384xi32, #tpu.memory_space<hbm>> -> memref<8x512xi32, #tpu.memory_space<hbm>>
    tpu.enqueue_dma source(%arg22 : memref<8x512xi32, #tpu.memory_space<vmem>>) target(%dma_start3A_161 : memref<8x512xi32, #tpu.memory_space<hbm>>) target_semaphore(%arg38 : memref<!tpu.dma_semaphore, #tpu.memory_space<semaphore_mem>>)
    %dma_start3A_162 = arith.constant 120 : i32
    %dma_start3A_163 = tpu.memref_slice %arg2[%dma_start3A_162, %mul3A_2] : memref<200x16384xi32, #tpu.memory_space<hbm>> -> memref<8x512xi32, #tpu.memory_space<hbm>>
    %dma_start3A_164 = arith.constant 120 : i32
    %dma_start3A_165 = tpu.memref_slice %arg2[%dma_start3A_164, %mul3A_2] : memref<200x16384xi32, #tpu.memory_space<hbm>> -> memref<8x512xi32, #tpu.memory_space<hbm>>
    tpu.enqueue_dma source(%dma_start3A_165 : memref<8x512xi32, #tpu.memory_space<hbm>>) target(%arg14 : memref<8x512xi32, #tpu.memory_space<vmem>>) target_semaphore(%arg30 : memref<!tpu.dma_semaphore, #tpu.memory_space<semaphore_mem>>)
    %dma_wait3A_166 = arith.constant 64 : i32
    %dma_wait3A_167 = tpu.memref_slice %arg2[%dma_wait3A_166, %mul3A_2] : memref<200x16384xi32, #tpu.memory_space<hbm>> -> memref<8x512xi32, #tpu.memory_space<hbm>>
    %dma_wait3A_168 = arith.constant 64 : i32
    %dma_wait3A_169 = tpu.memref_slice %arg2[%dma_wait3A_168, %mul3A_2] : memref<200x16384xi32, #tpu.memory_space<hbm>> -> memref<8x512xi32, #tpu.memory_space<hbm>>
    tpu.wait_dma2 semaphore(%arg23 : memref<!tpu.dma_semaphore, #tpu.memory_space<semaphore_mem>>) src(%dma_wait3A_169 : memref<8x512xi32, #tpu.memory_space<hbm>>) dst(%arg7 : memref<8x512xi32, #tpu.memory_space<vmem>>)
    %dma_wait3A_170 = arith.constant 0 : i32
    %dma_wait3A_171 = tpu.memref_slice %arg4[%dma_wait3A_170, %mul3A_2] : memref<200x16384xi32, #tpu.memory_space<hbm>> -> memref<8x512xi32, #tpu.memory_space<hbm>>
    %dma_wait3A_172 = arith.constant 0 : i32
    %dma_wait3A_173 = tpu.memref_slice %arg4[%dma_wait3A_172, %mul3A_2] : memref<200x16384xi32, #tpu.memory_space<hbm>> -> memref<8x512xi32, #tpu.memory_space<hbm>>
    tpu.wait_dma2 semaphore(%arg31 : memref<!tpu.dma_semaphore, #tpu.memory_space<semaphore_mem>>) src(%arg15 : memref<8x512xi32, #tpu.memory_space<vmem>>) dst(%dma_wait3A_173 : memref<8x512xi32, #tpu.memory_space<hbm>>)
    %iota3A_174 = tpu.iota {dimensions = array<i32: 0>} : vector<16xi32>
    %parallel_loop3A_175 = arith.constant 0 : i32
    %parallel_loop3A_176 = arith.constant 256 : i32
    %parallel_loop3A_177 = arith.constant 1 : i32
    scf.for %parallel_loop3A_506 = %parallel_loop3A_175 to %parallel_loop3A_176 step %parallel_loop3A_177  : i32 {
      %parallel_loop3A_507 = arith.constant 5 : i32
      %parallel_loop3A_508 = arith.shrui %parallel_loop3A_506, %parallel_loop3A_507 : i32
      %parallel_loop3A_509 = arith.constant 31 : i32
      %parallel_loop3A_510 = arith.andi %parallel_loop3A_506, %parallel_loop3A_509 : i32
      %parallel_loop3A_511 = arith.constant 16 : i32
      %parallel_loop3A_512 = arith.muli %parallel_loop3A_510, %parallel_loop3A_511 : i32
      %parallel_loop3A_513 = arith.index_cast %parallel_loop3A_508 : i32 to index
      %parallel_loop3A_514 = arith.index_cast %parallel_loop3A_512 : i32 to index
      %parallel_loop3A_515 = tpu.vector_load %arg7[%parallel_loop3A_513, %parallel_loop3A_514] {strides = array<i32>} : memref<8x512xi32, #tpu.memory_space<vmem>>, vector<16xi32>,
      %parallel_loop3A_516 = arith.constant 16 : i32
      %parallel_loop3A_517 = vector.broadcast %parallel_loop3A_516 : i32 to vector<16xi32>
      %parallel_loop3A_518 = arith.muli %parallel_loop3A_515, %parallel_loop3A_517 : vector<16xi32>
      %parallel_loop3A_519 = arith.addi %parallel_loop3A_518, %iota3A_174 : vector<16xi32>
      %parallel_loop3A_520 = tpu.vector_load_idx %arg6[%parallel_loop3A_519] : memref<4096xi32, #tpu.memory_space<vmem>>[vector<16xi32>], vector<16xi32>,
      %parallel_loop3A_521 = arith.index_cast %parallel_loop3A_508 : i32 to index
      %parallel_loop3A_522 = arith.index_cast %parallel_loop3A_512 : i32 to index
      %parallel_loop3A_523 = tpu.vector_load %arg15[%parallel_loop3A_521, %parallel_loop3A_522] {strides = array<i32>} : memref<8x512xi32, #tpu.memory_space<vmem>>, vector<16xi32>,
      tpu.vector_store %arg15[%parallel_loop3A_521, %parallel_loop3A_522], %parallel_loop3A_520 {strides = array<i32>} : memref<8x512xi32, #tpu.memory_space<vmem>>, vector<16xi32>,
    } {sc.loop_unroll_factor = 8 : i64, sc.parallel_access}
    %dma_start3A_178 = arith.constant 64 : i32
    %dma_start3A_179 = tpu.memref_slice %arg4[%dma_start3A_178, %mul3A_2] : memref<200x16384xi32, #tpu.memory_space<hbm>> -> memref<8x512xi32, #tpu.memory_space<hbm>>
    %dma_start3A_180 = arith.constant 64 : i32
    %dma_start3A_181 = tpu.memref_slice %arg4[%dma_start3A_180, %mul3A_2] : memref<200x16384xi32, #tpu.memory_space<hbm>> -> memref<8x512xi32, #tpu.memory_space<hbm>>
    tpu.enqueue_dma source(%arg15 : memref<8x512xi32, #tpu.memory_space<vmem>>) target(%dma_start3A_181 : memref<8x512xi32, #tpu.memory_space<hbm>>) target_semaphore(%arg31 : memref<!tpu.dma_semaphore, #tpu.memory_space<semaphore_mem>>)
    %dma_start3A_182 = arith.constant 128 : i32
    %dma_start3A_183 = tpu.memref_slice %arg2[%dma_start3A_182, %mul3A_2] : memref<200x16384xi32, #tpu.memory_space<hbm>> -> memref<8x512xi32, #tpu.memory_space<hbm>>
    %dma_start3A_184 = arith.constant 128 : i32
    %dma_start3A_185 = tpu.memref_slice %arg2[%dma_start3A_184, %mul3A_2] : memref<200x16384xi32, #tpu.memory_space<hbm>> -> memref<8x512xi32, #tpu.memory_space<hbm>>
    tpu.enqueue_dma source(%dma_start3A_185 : memref<8x512xi32, #tpu.memory_space<hbm>>) target(%arg7 : memref<8x512xi32, #tpu.memory_space<vmem>>) target_semaphore(%arg23 : memref<!tpu.dma_semaphore, #tpu.memory_space<semaphore_mem>>)
    %dma_wait3A_186 = arith.constant 72 : i32
    %dma_wait3A_187 = tpu.memref_slice %arg2[%dma_wait3A_186, %mul3A_2] : memref<200x16384xi32, #tpu.memory_space<hbm>> -> memref<8x512xi32, #tpu.memory_space<hbm>>
    %dma_wait3A_188 = arith.constant 72 : i32
    %dma_wait3A_189 = tpu.memref_slice %arg2[%dma_wait3A_188, %mul3A_2] : memref<200x16384xi32, #tpu.memory_space<hbm>> -> memref<8x512xi32, #tpu.memory_space<hbm>>
    tpu.wait_dma2 semaphore(%arg24 : memref<!tpu.dma_semaphore, #tpu.memory_space<semaphore_mem>>) src(%dma_wait3A_189 : memref<8x512xi32, #tpu.memory_space<hbm>>) dst(%arg8 : memref<8x512xi32, #tpu.memory_space<vmem>>)
    %dma_wait3A_190 = arith.constant 8 : i32
    %dma_wait3A_191 = tpu.memref_slice %arg4[%dma_wait3A_190, %mul3A_2] : memref<200x16384xi32, #tpu.memory_space<hbm>> -> memref<8x512xi32, #tpu.memory_space<hbm>>
    %dma_wait3A_192 = arith.constant 8 : i32
    %dma_wait3A_193 = tpu.memref_slice %arg4[%dma_wait3A_192, %mul3A_2] : memref<200x16384xi32, #tpu.memory_space<hbm>> -> memref<8x512xi32, #tpu.memory_space<hbm>>
    tpu.wait_dma2 semaphore(%arg32 : memref<!tpu.dma_semaphore, #tpu.memory_space<semaphore_mem>>) src(%arg16 : memref<8x512xi32, #tpu.memory_space<vmem>>) dst(%dma_wait3A_193 : memref<8x512xi32, #tpu.memory_space<hbm>>)
    %iota3A_194 = tpu.iota {dimensions = array<i32: 0>} : vector<16xi32>
    %parallel_loop3A_195 = arith.constant 0 : i32
    %parallel_loop3A_196 = arith.constant 256 : i32
    %parallel_loop3A_197 = arith.constant 1 : i32
    scf.for %parallel_loop3A_506 = %parallel_loop3A_195 to %parallel_loop3A_196 step %parallel_loop3A_197  : i32 {
      %parallel_loop3A_507 = arith.constant 5 : i32
      %parallel_loop3A_508 = arith.shrui %parallel_loop3A_506, %parallel_loop3A_507 : i32
      %parallel_loop3A_509 = arith.constant 31 : i32
      %parallel_loop3A_510 = arith.andi %parallel_loop3A_506, %parallel_loop3A_509 : i32
      %parallel_loop3A_511 = arith.constant 16 : i32
      %parallel_loop3A_512 = arith.muli %parallel_loop3A_510, %parallel_loop3A_511 : i32
      %parallel_loop3A_513 = arith.index_cast %parallel_loop3A_508 : i32 to index
      %parallel_loop3A_514 = arith.index_cast %parallel_loop3A_512 : i32 to index
      %parallel_loop3A_515 = tpu.vector_load %arg8[%parallel_loop3A_513, %parallel_loop3A_514] {strides = array<i32>} : memref<8x512xi32, #tpu.memory_space<vmem>>, vector<16xi32>,
      %parallel_loop3A_516 = arith.constant 16 : i32
      %parallel_loop3A_517 = vector.broadcast %parallel_loop3A_516 : i32 to vector<16xi32>
      %parallel_loop3A_518 = arith.muli %parallel_loop3A_515, %parallel_loop3A_517 : vector<16xi32>
      %parallel_loop3A_519 = arith.addi %parallel_loop3A_518, %iota3A_194 : vector<16xi32>
      %parallel_loop3A_520 = tpu.vector_load_idx %arg6[%parallel_loop3A_519] : memref<4096xi32, #tpu.memory_space<vmem>>[vector<16xi32>], vector<16xi32>,
      %parallel_loop3A_521 = arith.index_cast %parallel_loop3A_508 : i32 to index
      %parallel_loop3A_522 = arith.index_cast %parallel_loop3A_512 : i32 to index
      %parallel_loop3A_523 = tpu.vector_load %arg16[%parallel_loop3A_521, %parallel_loop3A_522] {strides = array<i32>} : memref<8x512xi32, #tpu.memory_space<vmem>>, vector<16xi32>,
      tpu.vector_store %arg16[%parallel_loop3A_521, %parallel_loop3A_522], %parallel_loop3A_520 {strides = array<i32>} : memref<8x512xi32, #tpu.memory_space<vmem>>, vector<16xi32>,
    } {sc.loop_unroll_factor = 8 : i64, sc.parallel_access}
    %dma_start3A_198 = arith.constant 72 : i32
    %dma_start3A_199 = tpu.memref_slice %arg4[%dma_start3A_198, %mul3A_2] : memref<200x16384xi32, #tpu.memory_space<hbm>> -> memref<8x512xi32, #tpu.memory_space<hbm>>
    %dma_start3A_200 = arith.constant 72 : i32
    %dma_start3A_201 = tpu.memref_slice %arg4[%dma_start3A_200, %mul3A_2] : memref<200x16384xi32, #tpu.memory_space<hbm>> -> memref<8x512xi32, #tpu.memory_space<hbm>>
    tpu.enqueue_dma source(%arg16 : memref<8x512xi32, #tpu.memory_space<vmem>>) target(%dma_start3A_201 : memref<8x512xi32, #tpu.memory_space<hbm>>) target_semaphore(%arg32 : memref<!tpu.dma_semaphore, #tpu.memory_space<semaphore_mem>>)
    %dma_start3A_202 = arith.constant 136 : i32
    %dma_start3A_203 = tpu.memref_slice %arg2[%dma_start3A_202, %mul3A_2] : memref<200x16384xi32, #tpu.memory_space<hbm>> -> memref<8x512xi32, #tpu.memory_space<hbm>>
    %dma_start3A_204 = arith.constant 136 : i32
    %dma_start3A_205 = tpu.memref_slice %arg2[%dma_start3A_204, %mul3A_2] : memref<200x16384xi32, #tpu.memory_space<hbm>> -> memref<8x512xi32, #tpu.memory_space<hbm>>
    tpu.enqueue_dma source(%dma_start3A_205 : memref<8x512xi32, #tpu.memory_space<hbm>>) target(%arg8 : memref<8x512xi32, #tpu.memory_space<vmem>>) target_semaphore(%arg24 : memref<!tpu.dma_semaphore, #tpu.memory_space<semaphore_mem>>)
    %dma_wait3A_206 = arith.constant 80 : i32
    %dma_wait3A_207 = tpu.memref_slice %arg2[%dma_wait3A_206, %mul3A_2] : memref<200x16384xi32, #tpu.memory_space<hbm>> -> memref<8x512xi32, #tpu.memory_space<hbm>>
    %dma_wait3A_208 = arith.constant 80 : i32
    %dma_wait3A_209 = tpu.memref_slice %arg2[%dma_wait3A_208, %mul3A_2] : memref<200x16384xi32, #tpu.memory_space<hbm>> -> memref<8x512xi32, #tpu.memory_space<hbm>>
    tpu.wait_dma2 semaphore(%arg25 : memref<!tpu.dma_semaphore, #tpu.memory_space<semaphore_mem>>) src(%dma_wait3A_209 : memref<8x512xi32, #tpu.memory_space<hbm>>) dst(%arg9 : memref<8x512xi32, #tpu.memory_space<vmem>>)
    %dma_wait3A_210 = arith.constant 16 : i32
    %dma_wait3A_211 = tpu.memref_slice %arg4[%dma_wait3A_210, %mul3A_2] : memref<200x16384xi32, #tpu.memory_space<hbm>> -> memref<8x512xi32, #tpu.memory_space<hbm>>
    %dma_wait3A_212 = arith.constant 16 : i32
    %dma_wait3A_213 = tpu.memref_slice %arg4[%dma_wait3A_212, %mul3A_2] : memref<200x16384xi32, #tpu.memory_space<hbm>> -> memref<8x512xi32, #tpu.memory_space<hbm>>
    tpu.wait_dma2 semaphore(%arg33 : memref<!tpu.dma_semaphore, #tpu.memory_space<semaphore_mem>>) src(%arg17 : memref<8x512xi32, #tpu.memory_space<vmem>>) dst(%dma_wait3A_213 : memref<8x512xi32, #tpu.memory_space<hbm>>)
    %iota3A_214 = tpu.iota {dimensions = array<i32: 0>} : vector<16xi32>
    %parallel_loop3A_215 = arith.constant 0 : i32
    %parallel_loop3A_216 = arith.constant 256 : i32
    %parallel_loop3A_217 = arith.constant 1 : i32
    scf.for %parallel_loop3A_506 = %parallel_loop3A_215 to %parallel_loop3A_216 step %parallel_loop3A_217  : i32 {
      %parallel_loop3A_507 = arith.constant 5 : i32
      %parallel_loop3A_508 = arith.shrui %parallel_loop3A_506, %parallel_loop3A_507 : i32
      %parallel_loop3A_509 = arith.constant 31 : i32
      %parallel_loop3A_510 = arith.andi %parallel_loop3A_506, %parallel_loop3A_509 : i32
      %parallel_loop3A_511 = arith.constant 16 : i32
      %parallel_loop3A_512 = arith.muli %parallel_loop3A_510, %parallel_loop3A_511 : i32
      %parallel_loop3A_513 = arith.index_cast %parallel_loop3A_508 : i32 to index
      %parallel_loop3A_514 = arith.index_cast %parallel_loop3A_512 : i32 to index
      %parallel_loop3A_515 = tpu.vector_load %arg9[%parallel_loop3A_513, %parallel_loop3A_514] {strides = array<i32>} : memref<8x512xi32, #tpu.memory_space<vmem>>, vector<16xi32>,
      %parallel_loop3A_516 = arith.constant 16 : i32
      %parallel_loop3A_517 = vector.broadcast %parallel_loop3A_516 : i32 to vector<16xi32>
      %parallel_loop3A_518 = arith.muli %parallel_loop3A_515, %parallel_loop3A_517 : vector<16xi32>
      %parallel_loop3A_519 = arith.addi %parallel_loop3A_518, %iota3A_214 : vector<16xi32>
      %parallel_loop3A_520 = tpu.vector_load_idx %arg6[%parallel_loop3A_519] : memref<4096xi32, #tpu.memory_space<vmem>>[vector<16xi32>], vector<16xi32>,
      %parallel_loop3A_521 = arith.index_cast %parallel_loop3A_508 : i32 to index
      %parallel_loop3A_522 = arith.index_cast %parallel_loop3A_512 : i32 to index
      %parallel_loop3A_523 = tpu.vector_load %arg17[%parallel_loop3A_521, %parallel_loop3A_522] {strides = array<i32>} : memref<8x512xi32, #tpu.memory_space<vmem>>, vector<16xi32>,
      tpu.vector_store %arg17[%parallel_loop3A_521, %parallel_loop3A_522], %parallel_loop3A_520 {strides = array<i32>} : memref<8x512xi32, #tpu.memory_space<vmem>>, vector<16xi32>,
    } {sc.loop_unroll_factor = 8 : i64, sc.parallel_access}
    %dma_start3A_218 = arith.constant 80 : i32
    %dma_start3A_219 = tpu.memref_slice %arg4[%dma_start3A_218, %mul3A_2] : memref<200x16384xi32, #tpu.memory_space<hbm>> -> memref<8x512xi32, #tpu.memory_space<hbm>>
    %dma_start3A_220 = arith.constant 80 : i32
    %dma_start3A_221 = tpu.memref_slice %arg4[%dma_start3A_220, %mul3A_2] : memref<200x16384xi32, #tpu.memory_space<hbm>> -> memref<8x512xi32, #tpu.memory_space<hbm>>
    tpu.enqueue_dma source(%arg17 : memref<8x512xi32, #tpu.memory_space<vmem>>) target(%dma_start3A_221 : memref<8x512xi32, #tpu.memory_space<hbm>>) target_semaphore(%arg33 : memref<!tpu.dma_semaphore, #tpu.memory_space<semaphore_mem>>)
    %dma_start3A_222 = arith.constant 144 : i32
    %dma_start3A_223 = tpu.memref_slice %arg2[%dma_start3A_222, %mul3A_2] : memref<200x16384xi32, #tpu.memory_space<hbm>> -> memref<8x512xi32, #tpu.memory_space<hbm>>
    %dma_start3A_224 = arith.constant 144 : i32
    %dma_start3A_225 = tpu.memref_slice %arg2[%dma_start3A_224, %mul3A_2] : memref<200x16384xi32, #tpu.memory_space<hbm>> -> memref<8x512xi32, #tpu.memory_space<hbm>>
    tpu.enqueue_dma source(%dma_start3A_225 : memref<8x512xi32, #tpu.memory_space<hbm>>) target(%arg9 : memref<8x512xi32, #tpu.memory_space<vmem>>) target_semaphore(%arg25 : memref<!tpu.dma_semaphore, #tpu.memory_space<semaphore_mem>>)
    %dma_wait3A_226 = arith.constant 88 : i32
    %dma_wait3A_227 = tpu.memref_slice %arg2[%dma_wait3A_226, %mul3A_2] : memref<200x16384xi32, #tpu.memory_space<hbm>> -> memref<8x512xi32, #tpu.memory_space<hbm>>
    %dma_wait3A_228 = arith.constant 88 : i32
    %dma_wait3A_229 = tpu.memref_slice %arg2[%dma_wait3A_228, %mul3A_2] : memref<200x16384xi32, #tpu.memory_space<hbm>> -> memref<8x512xi32, #tpu.memory_space<hbm>>
    tpu.wait_dma2 semaphore(%arg26 : memref<!tpu.dma_semaphore, #tpu.memory_space<semaphore_mem>>) src(%dma_wait3A_229 : memref<8x512xi32, #tpu.memory_space<hbm>>) dst(%arg10 : memref<8x512xi32, #tpu.memory_space<vmem>>)
    %dma_wait3A_230 = arith.constant 24 : i32
    %dma_wait3A_231 = tpu.memref_slice %arg4[%dma_wait3A_230, %mul3A_2] : memref<200x16384xi32, #tpu.memory_space<hbm>> -> memref<8x512xi32, #tpu.memory_space<hbm>>
    %dma_wait3A_232 = arith.constant 24 : i32
    %dma_wait3A_233 = tpu.memref_slice %arg4[%dma_wait3A_232, %mul3A_2] : memref<200x16384xi32, #tpu.memory_space<hbm>> -> memref<8x512xi32, #tpu.memory_space<hbm>>
    tpu.wait_dma2 semaphore(%arg34 : memref<!tpu.dma_semaphore, #tpu.memory_space<semaphore_mem>>) src(%arg18 : memref<8x512xi32, #tpu.memory_space<vmem>>) dst(%dma_wait3A_233 : memref<8x512xi32, #tpu.memory_space<hbm>>)
    %iota3A_234 = tpu.iota {dimensions = array<i32: 0>} : vector<16xi32>
    %parallel_loop3A_235 = arith.constant 0 : i32
    %parallel_loop3A_236 = arith.constant 256 : i32
    %parallel_loop3A_237 = arith.constant 1 : i32
    scf.for %parallel_loop3A_506 = %parallel_loop3A_235 to %parallel_loop3A_236 step %parallel_loop3A_237  : i32 {
      %parallel_loop3A_507 = arith.constant 5 : i32
      %parallel_loop3A_508 = arith.shrui %parallel_loop3A_506, %parallel_loop3A_507 : i32
      %parallel_loop3A_509 = arith.constant 31 : i32
      %parallel_loop3A_510 = arith.andi %parallel_loop3A_506, %parallel_loop3A_509 : i32
      %parallel_loop3A_511 = arith.constant 16 : i32
      %parallel_loop3A_512 = arith.muli %parallel_loop3A_510, %parallel_loop3A_511 : i32
      %parallel_loop3A_513 = arith.index_cast %parallel_loop3A_508 : i32 to index
      %parallel_loop3A_514 = arith.index_cast %parallel_loop3A_512 : i32 to index
      %parallel_loop3A_515 = tpu.vector_load %arg10[%parallel_loop3A_513, %parallel_loop3A_514] {strides = array<i32>} : memref<8x512xi32, #tpu.memory_space<vmem>>, vector<16xi32>,
      %parallel_loop3A_516 = arith.constant 16 : i32
      %parallel_loop3A_517 = vector.broadcast %parallel_loop3A_516 : i32 to vector<16xi32>
      %parallel_loop3A_518 = arith.muli %parallel_loop3A_515, %parallel_loop3A_517 : vector<16xi32>
      %parallel_loop3A_519 = arith.addi %parallel_loop3A_518, %iota3A_234 : vector<16xi32>
      %parallel_loop3A_520 = tpu.vector_load_idx %arg6[%parallel_loop3A_519] : memref<4096xi32, #tpu.memory_space<vmem>>[vector<16xi32>], vector<16xi32>,
      %parallel_loop3A_521 = arith.index_cast %parallel_loop3A_508 : i32 to index
      %parallel_loop3A_522 = arith.index_cast %parallel_loop3A_512 : i32 to index
      %parallel_loop3A_523 = tpu.vector_load %arg18[%parallel_loop3A_521, %parallel_loop3A_522] {strides = array<i32>} : memref<8x512xi32, #tpu.memory_space<vmem>>, vector<16xi32>,
      tpu.vector_store %arg18[%parallel_loop3A_521, %parallel_loop3A_522], %parallel_loop3A_520 {strides = array<i32>} : memref<8x512xi32, #tpu.memory_space<vmem>>, vector<16xi32>,
    } {sc.loop_unroll_factor = 8 : i64, sc.parallel_access}
    %dma_start3A_238 = arith.constant 88 : i32
    %dma_start3A_239 = tpu.memref_slice %arg4[%dma_start3A_238, %mul3A_2] : memref<200x16384xi32, #tpu.memory_space<hbm>> -> memref<8x512xi32, #tpu.memory_space<hbm>>
    %dma_start3A_240 = arith.constant 88 : i32
    %dma_start3A_241 = tpu.memref_slice %arg4[%dma_start3A_240, %mul3A_2] : memref<200x16384xi32, #tpu.memory_space<hbm>> -> memref<8x512xi32, #tpu.memory_space<hbm>>
    tpu.enqueue_dma source(%arg18 : memref<8x512xi32, #tpu.memory_space<vmem>>) target(%dma_start3A_241 : memref<8x512xi32, #tpu.memory_space<hbm>>) target_semaphore(%arg34 : memref<!tpu.dma_semaphore, #tpu.memory_space<semaphore_mem>>)
    %dma_start3A_242 = arith.constant 152 : i32
    %dma_start3A_243 = tpu.memref_slice %arg2[%dma_start3A_242, %mul3A_2] : memref<200x16384xi32, #tpu.memory_space<hbm>> -> memref<8x512xi32, #tpu.memory_space<hbm>>
    %dma_start3A_244 = arith.constant 152 : i32
    %dma_start3A_245 = tpu.memref_slice %arg2[%dma_start3A_244, %mul3A_2] : memref<200x16384xi32, #tpu.memory_space<hbm>> -> memref<8x512xi32, #tpu.memory_space<hbm>>
    tpu.enqueue_dma source(%dma_start3A_245 : memref<8x512xi32, #tpu.memory_space<hbm>>) target(%arg10 : memref<8x512xi32, #tpu.memory_space<vmem>>) target_semaphore(%arg26 : memref<!tpu.dma_semaphore, #tpu.memory_space<semaphore_mem>>)
    %dma_wait3A_246 = arith.constant 96 : i32
    %dma_wait3A_247 = tpu.memref_slice %arg2[%dma_wait3A_246, %mul3A_2] : memref<200x16384xi32, #tpu.memory_space<hbm>> -> memref<8x512xi32, #tpu.memory_space<hbm>>
    %dma_wait3A_248 = arith.constant 96 : i32
    %dma_wait3A_249 = tpu.memref_slice %arg2[%dma_wait3A_248, %mul3A_2] : memref<200x16384xi32, #tpu.memory_space<hbm>> -> memref<8x512xi32, #tpu.memory_space<hbm>>
    tpu.wait_dma2 semaphore(%arg27 : memref<!tpu.dma_semaphore, #tpu.memory_space<semaphore_mem>>) src(%dma_wait3A_249 : memref<8x512xi32, #tpu.memory_space<hbm>>) dst(%arg11 : memref<8x512xi32, #tpu.memory_space<vmem>>)
    %dma_wait3A_250 = arith.constant 32 : i32
    %dma_wait3A_251 = tpu.memref_slice %arg4[%dma_wait3A_250, %mul3A_2] : memref<200x16384xi32, #tpu.memory_space<hbm>> -> memref<8x512xi32, #tpu.memory_space<hbm>>
    %dma_wait3A_252 = arith.constant 32 : i32
    %dma_wait3A_253 = tpu.memref_slice %arg4[%dma_wait3A_252, %mul3A_2] : memref<200x16384xi32, #tpu.memory_space<hbm>> -> memref<8x512xi32, #tpu.memory_space<hbm>>
    tpu.wait_dma2 semaphore(%arg35 : memref<!tpu.dma_semaphore, #tpu.memory_space<semaphore_mem>>) src(%arg19 : memref<8x512xi32, #tpu.memory_space<vmem>>) dst(%dma_wait3A_253 : memref<8x512xi32, #tpu.memory_space<hbm>>)
    %iota3A_254 = tpu.iota {dimensions = array<i32: 0>} : vector<16xi32>
    %parallel_loop3A_255 = arith.constant 0 : i32
    %parallel_loop3A_256 = arith.constant 256 : i32
    %parallel_loop3A_257 = arith.constant 1 : i32
    scf.for %parallel_loop3A_506 = %parallel_loop3A_255 to %parallel_loop3A_256 step %parallel_loop3A_257  : i32 {
      %parallel_loop3A_507 = arith.constant 5 : i32
      %parallel_loop3A_508 = arith.shrui %parallel_loop3A_506, %parallel_loop3A_507 : i32
      %parallel_loop3A_509 = arith.constant 31 : i32
      %parallel_loop3A_510 = arith.andi %parallel_loop3A_506, %parallel_loop3A_509 : i32
      %parallel_loop3A_511 = arith.constant 16 : i32
      %parallel_loop3A_512 = arith.muli %parallel_loop3A_510, %parallel_loop3A_511 : i32
      %parallel_loop3A_513 = arith.index_cast %parallel_loop3A_508 : i32 to index
      %parallel_loop3A_514 = arith.index_cast %parallel_loop3A_512 : i32 to index
      %parallel_loop3A_515 = tpu.vector_load %arg11[%parallel_loop3A_513, %parallel_loop3A_514] {strides = array<i32>} : memref<8x512xi32, #tpu.memory_space<vmem>>, vector<16xi32>,
      %parallel_loop3A_516 = arith.constant 16 : i32
      %parallel_loop3A_517 = vector.broadcast %parallel_loop3A_516 : i32 to vector<16xi32>
      %parallel_loop3A_518 = arith.muli %parallel_loop3A_515, %parallel_loop3A_517 : vector<16xi32>
      %parallel_loop3A_519 = arith.addi %parallel_loop3A_518, %iota3A_254 : vector<16xi32>
      %parallel_loop3A_520 = tpu.vector_load_idx %arg6[%parallel_loop3A_519] : memref<4096xi32, #tpu.memory_space<vmem>>[vector<16xi32>], vector<16xi32>,
      %parallel_loop3A_521 = arith.index_cast %parallel_loop3A_508 : i32 to index
      %parallel_loop3A_522 = arith.index_cast %parallel_loop3A_512 : i32 to index
      %parallel_loop3A_523 = tpu.vector_load %arg19[%parallel_loop3A_521, %parallel_loop3A_522] {strides = array<i32>} : memref<8x512xi32, #tpu.memory_space<vmem>>, vector<16xi32>,
      tpu.vector_store %arg19[%parallel_loop3A_521, %parallel_loop3A_522], %parallel_loop3A_520 {strides = array<i32>} : memref<8x512xi32, #tpu.memory_space<vmem>>, vector<16xi32>,
    } {sc.loop_unroll_factor = 8 : i64, sc.parallel_access}
    %dma_start3A_258 = arith.constant 96 : i32
    %dma_start3A_259 = tpu.memref_slice %arg4[%dma_start3A_258, %mul3A_2] : memref<200x16384xi32, #tpu.memory_space<hbm>> -> memref<8x512xi32, #tpu.memory_space<hbm>>
    %dma_start3A_260 = arith.constant 96 : i32
    %dma_start3A_261 = tpu.memref_slice %arg4[%dma_start3A_260, %mul3A_2] : memref<200x16384xi32, #tpu.memory_space<hbm>> -> memref<8x512xi32, #tpu.memory_space<hbm>>
    tpu.enqueue_dma source(%arg19 : memref<8x512xi32, #tpu.memory_space<vmem>>) target(%dma_start3A_261 : memref<8x512xi32, #tpu.memory_space<hbm>>) target_semaphore(%arg35 : memref<!tpu.dma_semaphore, #tpu.memory_space<semaphore_mem>>)
    %dma_start3A_262 = arith.constant 160 : i32
    %dma_start3A_263 = tpu.memref_slice %arg2[%dma_start3A_262, %mul3A_2] : memref<200x16384xi32, #tpu.memory_space<hbm>> -> memref<8x512xi32, #tpu.memory_space<hbm>>
    %dma_start3A_264 = arith.constant 160 : i32
    %dma_start3A_265 = tpu.memref_slice %arg2[%dma_start3A_264, %mul3A_2] : memref<200x16384xi32, #tpu.memory_space<hbm>> -> memref<8x512xi32, #tpu.memory_space<hbm>>
    tpu.enqueue_dma source(%dma_start3A_265 : memref<8x512xi32, #tpu.memory_space<hbm>>) target(%arg11 : memref<8x512xi32, #tpu.memory_space<vmem>>) target_semaphore(%arg27 : memref<!tpu.dma_semaphore, #tpu.memory_space<semaphore_mem>>)
    %dma_wait3A_266 = arith.constant 104 : i32
    %dma_wait3A_267 = tpu.memref_slice %arg2[%dma_wait3A_266, %mul3A_2] : memref<200x16384xi32, #tpu.memory_space<hbm>> -> memref<8x512xi32, #tpu.memory_space<hbm>>
    %dma_wait3A_268 = arith.constant 104 : i32
    %dma_wait3A_269 = tpu.memref_slice %arg2[%dma_wait3A_268, %mul3A_2] : memref<200x16384xi32, #tpu.memory_space<hbm>> -> memref<8x512xi32, #tpu.memory_space<hbm>>
    tpu.wait_dma2 semaphore(%arg28 : memref<!tpu.dma_semaphore, #tpu.memory_space<semaphore_mem>>) src(%dma_wait3A_269 : memref<8x512xi32, #tpu.memory_space<hbm>>) dst(%arg12 : memref<8x512xi32, #tpu.memory_space<vmem>>)
    %dma_wait3A_270 = arith.constant 40 : i32
    %dma_wait3A_271 = tpu.memref_slice %arg4[%dma_wait3A_270, %mul3A_2] : memref<200x16384xi32, #tpu.memory_space<hbm>> -> memref<8x512xi32, #tpu.memory_space<hbm>>
    %dma_wait3A_272 = arith.constant 40 : i32
    %dma_wait3A_273 = tpu.memref_slice %arg4[%dma_wait3A_272, %mul3A_2] : memref<200x16384xi32, #tpu.memory_space<hbm>> -> memref<8x512xi32, #tpu.memory_space<hbm>>
    tpu.wait_dma2 semaphore(%arg36 : memref<!tpu.dma_semaphore, #tpu.memory_space<semaphore_mem>>) src(%arg20 : memref<8x512xi32, #tpu.memory_space<vmem>>) dst(%dma_wait3A_273 : memref<8x512xi32, #tpu.memory_space<hbm>>)
    %iota3A_274 = tpu.iota {dimensions = array<i32: 0>} : vector<16xi32>
    %parallel_loop3A_275 = arith.constant 0 : i32
    %parallel_loop3A_276 = arith.constant 256 : i32
    %parallel_loop3A_277 = arith.constant 1 : i32
    scf.for %parallel_loop3A_506 = %parallel_loop3A_275 to %parallel_loop3A_276 step %parallel_loop3A_277  : i32 {
      %parallel_loop3A_507 = arith.constant 5 : i32
      %parallel_loop3A_508 = arith.shrui %parallel_loop3A_506, %parallel_loop3A_507 : i32
      %parallel_loop3A_509 = arith.constant 31 : i32
      %parallel_loop3A_510 = arith.andi %parallel_loop3A_506, %parallel_loop3A_509 : i32
      %parallel_loop3A_511 = arith.constant 16 : i32
      %parallel_loop3A_512 = arith.muli %parallel_loop3A_510, %parallel_loop3A_511 : i32
      %parallel_loop3A_513 = arith.index_cast %parallel_loop3A_508 : i32 to index
      %parallel_loop3A_514 = arith.index_cast %parallel_loop3A_512 : i32 to index
      %parallel_loop3A_515 = tpu.vector_load %arg12[%parallel_loop3A_513, %parallel_loop3A_514] {strides = array<i32>} : memref<8x512xi32, #tpu.memory_space<vmem>>, vector<16xi32>,
      %parallel_loop3A_516 = arith.constant 16 : i32
      %parallel_loop3A_517 = vector.broadcast %parallel_loop3A_516 : i32 to vector<16xi32>
      %parallel_loop3A_518 = arith.muli %parallel_loop3A_515, %parallel_loop3A_517 : vector<16xi32>
      %parallel_loop3A_519 = arith.addi %parallel_loop3A_518, %iota3A_274 : vector<16xi32>
      %parallel_loop3A_520 = tpu.vector_load_idx %arg6[%parallel_loop3A_519] : memref<4096xi32, #tpu.memory_space<vmem>>[vector<16xi32>], vector<16xi32>,
      %parallel_loop3A_521 = arith.index_cast %parallel_loop3A_508 : i32 to index
      %parallel_loop3A_522 = arith.index_cast %parallel_loop3A_512 : i32 to index
      %parallel_loop3A_523 = tpu.vector_load %arg20[%parallel_loop3A_521, %parallel_loop3A_522] {strides = array<i32>} : memref<8x512xi32, #tpu.memory_space<vmem>>, vector<16xi32>,
      tpu.vector_store %arg20[%parallel_loop3A_521, %parallel_loop3A_522], %parallel_loop3A_520 {strides = array<i32>} : memref<8x512xi32, #tpu.memory_space<vmem>>, vector<16xi32>,
    } {sc.loop_unroll_factor = 8 : i64, sc.parallel_access}
    %dma_start3A_278 = arith.constant 104 : i32
    %dma_start3A_279 = tpu.memref_slice %arg4[%dma_start3A_278, %mul3A_2] : memref<200x16384xi32, #tpu.memory_space<hbm>> -> memref<8x512xi32, #tpu.memory_space<hbm>>
    %dma_start3A_280 = arith.constant 104 : i32
    %dma_start3A_281 = tpu.memref_slice %arg4[%dma_start3A_280, %mul3A_2] : memref<200x16384xi32, #tpu.memory_space<hbm>> -> memref<8x512xi32, #tpu.memory_space<hbm>>
    tpu.enqueue_dma source(%arg20 : memref<8x512xi32, #tpu.memory_space<vmem>>) target(%dma_start3A_281 : memref<8x512xi32, #tpu.memory_space<hbm>>) target_semaphore(%arg36 : memref<!tpu.dma_semaphore, #tpu.memory_space<semaphore_mem>>)
    %dma_start3A_282 = arith.constant 168 : i32
    %dma_start3A_283 = tpu.memref_slice %arg2[%dma_start3A_282, %mul3A_2] : memref<200x16384xi32, #tpu.memory_space<hbm>> -> memref<8x512xi32, #tpu.memory_space<hbm>>
    %dma_start3A_284 = arith.constant 168 : i32
    %dma_start3A_285 = tpu.memref_slice %arg2[%dma_start3A_284, %mul3A_2] : memref<200x16384xi32, #tpu.memory_space<hbm>> -> memref<8x512xi32, #tpu.memory_space<hbm>>
    tpu.enqueue_dma source(%dma_start3A_285 : memref<8x512xi32, #tpu.memory_space<hbm>>) target(%arg12 : memref<8x512xi32, #tpu.memory_space<vmem>>) target_semaphore(%arg28 : memref<!tpu.dma_semaphore, #tpu.memory_space<semaphore_mem>>)
    %dma_wait3A_286 = arith.constant 112 : i32
    %dma_wait3A_287 = tpu.memref_slice %arg2[%dma_wait3A_286, %mul3A_2] : memref<200x16384xi32, #tpu.memory_space<hbm>> -> memref<8x512xi32, #tpu.memory_space<hbm>>
    %dma_wait3A_288 = arith.constant 112 : i32
    %dma_wait3A_289 = tpu.memref_slice %arg2[%dma_wait3A_288, %mul3A_2] : memref<200x16384xi32, #tpu.memory_space<hbm>> -> memref<8x512xi32, #tpu.memory_space<hbm>>
    tpu.wait_dma2 semaphore(%arg29 : memref<!tpu.dma_semaphore, #tpu.memory_space<semaphore_mem>>) src(%dma_wait3A_289 : memref<8x512xi32, #tpu.memory_space<hbm>>) dst(%arg13 : memref<8x512xi32, #tpu.memory_space<vmem>>)
    %dma_wait3A_290 = arith.constant 48 : i32
    %dma_wait3A_291 = tpu.memref_slice %arg4[%dma_wait3A_290, %mul3A_2] : memref<200x16384xi32, #tpu.memory_space<hbm>> -> memref<8x512xi32, #tpu.memory_space<hbm>>
    %dma_wait3A_292 = arith.constant 48 : i32
    %dma_wait3A_293 = tpu.memref_slice %arg4[%dma_wait3A_292, %mul3A_2] : memref<200x16384xi32, #tpu.memory_space<hbm>> -> memref<8x512xi32, #tpu.memory_space<hbm>>
    tpu.wait_dma2 semaphore(%arg37 : memref<!tpu.dma_semaphore, #tpu.memory_space<semaphore_mem>>) src(%arg21 : memref<8x512xi32, #tpu.memory_space<vmem>>) dst(%dma_wait3A_293 : memref<8x512xi32, #tpu.memory_space<hbm>>)
    %iota3A_294 = tpu.iota {dimensions = array<i32: 0>} : vector<16xi32>
    %parallel_loop3A_295 = arith.constant 0 : i32
    %parallel_loop3A_296 = arith.constant 256 : i32
    %parallel_loop3A_297 = arith.constant 1 : i32
    scf.for %parallel_loop3A_506 = %parallel_loop3A_295 to %parallel_loop3A_296 step %parallel_loop3A_297  : i32 {
      %parallel_loop3A_507 = arith.constant 5 : i32
      %parallel_loop3A_508 = arith.shrui %parallel_loop3A_506, %parallel_loop3A_507 : i32
      %parallel_loop3A_509 = arith.constant 31 : i32
      %parallel_loop3A_510 = arith.andi %parallel_loop3A_506, %parallel_loop3A_509 : i32
      %parallel_loop3A_511 = arith.constant 16 : i32
      %parallel_loop3A_512 = arith.muli %parallel_loop3A_510, %parallel_loop3A_511 : i32
      %parallel_loop3A_513 = arith.index_cast %parallel_loop3A_508 : i32 to index
      %parallel_loop3A_514 = arith.index_cast %parallel_loop3A_512 : i32 to index
      %parallel_loop3A_515 = tpu.vector_load %arg13[%parallel_loop3A_513, %parallel_loop3A_514] {strides = array<i32>} : memref<8x512xi32, #tpu.memory_space<vmem>>, vector<16xi32>,
      %parallel_loop3A_516 = arith.constant 16 : i32
      %parallel_loop3A_517 = vector.broadcast %parallel_loop3A_516 : i32 to vector<16xi32>
      %parallel_loop3A_518 = arith.muli %parallel_loop3A_515, %parallel_loop3A_517 : vector<16xi32>
      %parallel_loop3A_519 = arith.addi %parallel_loop3A_518, %iota3A_294 : vector<16xi32>
      %parallel_loop3A_520 = tpu.vector_load_idx %arg6[%parallel_loop3A_519] : memref<4096xi32, #tpu.memory_space<vmem>>[vector<16xi32>], vector<16xi32>,
      %parallel_loop3A_521 = arith.index_cast %parallel_loop3A_508 : i32 to index
      %parallel_loop3A_522 = arith.index_cast %parallel_loop3A_512 : i32 to index
      %parallel_loop3A_523 = tpu.vector_load %arg21[%parallel_loop3A_521, %parallel_loop3A_522] {strides = array<i32>} : memref<8x512xi32, #tpu.memory_space<vmem>>, vector<16xi32>,
      tpu.vector_store %arg21[%parallel_loop3A_521, %parallel_loop3A_522], %parallel_loop3A_520 {strides = array<i32>} : memref<8x512xi32, #tpu.memory_space<vmem>>, vector<16xi32>,
    } {sc.loop_unroll_factor = 8 : i64, sc.parallel_access}
    %dma_start3A_298 = arith.constant 112 : i32
    %dma_start3A_299 = tpu.memref_slice %arg4[%dma_start3A_298, %mul3A_2] : memref<200x16384xi32, #tpu.memory_space<hbm>> -> memref<8x512xi32, #tpu.memory_space<hbm>>
    %dma_start3A_300 = arith.constant 112 : i32
    %dma_start3A_301 = tpu.memref_slice %arg4[%dma_start3A_300, %mul3A_2] : memref<200x16384xi32, #tpu.memory_space<hbm>> -> memref<8x512xi32, #tpu.memory_space<hbm>>
    tpu.enqueue_dma source(%arg21 : memref<8x512xi32, #tpu.memory_space<vmem>>) target(%dma_start3A_301 : memref<8x512xi32, #tpu.memory_space<hbm>>) target_semaphore(%arg37 : memref<!tpu.dma_semaphore, #tpu.memory_space<semaphore_mem>>)
    %dma_start3A_302 = arith.constant 176 : i32
    %dma_start3A_303 = tpu.memref_slice %arg2[%dma_start3A_302, %mul3A_2] : memref<200x16384xi32, #tpu.memory_space<hbm>> -> memref<8x512xi32, #tpu.memory_space<hbm>>
    %dma_start3A_304 = arith.constant 176 : i32
    %dma_start3A_305 = tpu.memref_slice %arg2[%dma_start3A_304, %mul3A_2] : memref<200x16384xi32, #tpu.memory_space<hbm>> -> memref<8x512xi32, #tpu.memory_space<hbm>>
    tpu.enqueue_dma source(%dma_start3A_305 : memref<8x512xi32, #tpu.memory_space<hbm>>) target(%arg13 : memref<8x512xi32, #tpu.memory_space<vmem>>) target_semaphore(%arg29 : memref<!tpu.dma_semaphore, #tpu.memory_space<semaphore_mem>>)
    %dma_wait3A_306 = arith.constant 120 : i32
    %dma_wait3A_307 = tpu.memref_slice %arg2[%dma_wait3A_306, %mul3A_2] : memref<200x16384xi32, #tpu.memory_space<hbm>> -> memref<8x512xi32, #tpu.memory_space<hbm>>
    %dma_wait3A_308 = arith.constant 120 : i32
    %dma_wait3A_309 = tpu.memref_slice %arg2[%dma_wait3A_308, %mul3A_2] : memref<200x16384xi32, #tpu.memory_space<hbm>> -> memref<8x512xi32, #tpu.memory_space<hbm>>
    tpu.wait_dma2 semaphore(%arg30 : memref<!tpu.dma_semaphore, #tpu.memory_space<semaphore_mem>>) src(%dma_wait3A_309 : memref<8x512xi32, #tpu.memory_space<hbm>>) dst(%arg14 : memref<8x512xi32, #tpu.memory_space<vmem>>)
    %dma_wait3A_310 = arith.constant 56 : i32
    %dma_wait3A_311 = tpu.memref_slice %arg4[%dma_wait3A_310, %mul3A_2] : memref<200x16384xi32, #tpu.memory_space<hbm>> -> memref<8x512xi32, #tpu.memory_space<hbm>>
    %dma_wait3A_312 = arith.constant 56 : i32
    %dma_wait3A_313 = tpu.memref_slice %arg4[%dma_wait3A_312, %mul3A_2] : memref<200x16384xi32, #tpu.memory_space<hbm>> -> memref<8x512xi32, #tpu.memory_space<hbm>>
    tpu.wait_dma2 semaphore(%arg38 : memref<!tpu.dma_semaphore, #tpu.memory_space<semaphore_mem>>) src(%arg22 : memref<8x512xi32, #tpu.memory_space<vmem>>) dst(%dma_wait3A_313 : memref<8x512xi32, #tpu.memory_space<hbm>>)
    %iota3A_314 = tpu.iota {dimensions = array<i32: 0>} : vector<16xi32>
    %parallel_loop3A_315 = arith.constant 0 : i32
    %parallel_loop3A_316 = arith.constant 256 : i32
    %parallel_loop3A_317 = arith.constant 1 : i32
    scf.for %parallel_loop3A_506 = %parallel_loop3A_315 to %parallel_loop3A_316 step %parallel_loop3A_317  : i32 {
      %parallel_loop3A_507 = arith.constant 5 : i32
      %parallel_loop3A_508 = arith.shrui %parallel_loop3A_506, %parallel_loop3A_507 : i32
      %parallel_loop3A_509 = arith.constant 31 : i32
      %parallel_loop3A_510 = arith.andi %parallel_loop3A_506, %parallel_loop3A_509 : i32
      %parallel_loop3A_511 = arith.constant 16 : i32
      %parallel_loop3A_512 = arith.muli %parallel_loop3A_510, %parallel_loop3A_511 : i32
      %parallel_loop3A_513 = arith.index_cast %parallel_loop3A_508 : i32 to index
      %parallel_loop3A_514 = arith.index_cast %parallel_loop3A_512 : i32 to index
      %parallel_loop3A_515 = tpu.vector_load %arg14[%parallel_loop3A_513, %parallel_loop3A_514] {strides = array<i32>} : memref<8x512xi32, #tpu.memory_space<vmem>>, vector<16xi32>,
      %parallel_loop3A_516 = arith.constant 16 : i32
      %parallel_loop3A_517 = vector.broadcast %parallel_loop3A_516 : i32 to vector<16xi32>
      %parallel_loop3A_518 = arith.muli %parallel_loop3A_515, %parallel_loop3A_517 : vector<16xi32>
      %parallel_loop3A_519 = arith.addi %parallel_loop3A_518, %iota3A_314 : vector<16xi32>
      %parallel_loop3A_520 = tpu.vector_load_idx %arg6[%parallel_loop3A_519] : memref<4096xi32, #tpu.memory_space<vmem>>[vector<16xi32>], vector<16xi32>,
      %parallel_loop3A_521 = arith.index_cast %parallel_loop3A_508 : i32 to index
      %parallel_loop3A_522 = arith.index_cast %parallel_loop3A_512 : i32 to index
      %parallel_loop3A_523 = tpu.vector_load %arg22[%parallel_loop3A_521, %parallel_loop3A_522] {strides = array<i32>} : memref<8x512xi32, #tpu.memory_space<vmem>>, vector<16xi32>,
      tpu.vector_store %arg22[%parallel_loop3A_521, %parallel_loop3A_522], %parallel_loop3A_520 {strides = array<i32>} : memref<8x512xi32, #tpu.memory_space<vmem>>, vector<16xi32>,
    } {sc.loop_unroll_factor = 8 : i64, sc.parallel_access}
    %dma_start3A_318 = arith.constant 120 : i32
    %dma_start3A_319 = tpu.memref_slice %arg4[%dma_start3A_318, %mul3A_2] : memref<200x16384xi32, #tpu.memory_space<hbm>> -> memref<8x512xi32, #tpu.memory_space<hbm>>
    %dma_start3A_320 = arith.constant 120 : i32
    %dma_start3A_321 = tpu.memref_slice %arg4[%dma_start3A_320, %mul3A_2] : memref<200x16384xi32, #tpu.memory_space<hbm>> -> memref<8x512xi32, #tpu.memory_space<hbm>>
    tpu.enqueue_dma source(%arg22 : memref<8x512xi32, #tpu.memory_space<vmem>>) target(%dma_start3A_321 : memref<8x512xi32, #tpu.memory_space<hbm>>) target_semaphore(%arg38 : memref<!tpu.dma_semaphore, #tpu.memory_space<semaphore_mem>>)
    %dma_start3A_322 = arith.constant 184 : i32
    %dma_start3A_323 = tpu.memref_slice %arg2[%dma_start3A_322, %mul3A_2] : memref<200x16384xi32, #tpu.memory_space<hbm>> -> memref<8x512xi32, #tpu.memory_space<hbm>>
    %dma_start3A_324 = arith.constant 184 : i32
    %dma_start3A_325 = tpu.memref_slice %arg2[%dma_start3A_324, %mul3A_2] : memref<200x16384xi32, #tpu.memory_space<hbm>> -> memref<8x512xi32, #tpu.memory_space<hbm>>
    tpu.enqueue_dma source(%dma_start3A_325 : memref<8x512xi32, #tpu.memory_space<hbm>>) target(%arg14 : memref<8x512xi32, #tpu.memory_space<vmem>>) target_semaphore(%arg30 : memref<!tpu.dma_semaphore, #tpu.memory_space<semaphore_mem>>)
    %dma_wait3A_326 = arith.constant 128 : i32
    %dma_wait3A_327 = tpu.memref_slice %arg2[%dma_wait3A_326, %mul3A_2] : memref<200x16384xi32, #tpu.memory_space<hbm>> -> memref<8x512xi32, #tpu.memory_space<hbm>>
    %dma_wait3A_328 = arith.constant 128 : i32
    %dma_wait3A_329 = tpu.memref_slice %arg2[%dma_wait3A_328, %mul3A_2] : memref<200x16384xi32, #tpu.memory_space<hbm>> -> memref<8x512xi32, #tpu.memory_space<hbm>>
    tpu.wait_dma2 semaphore(%arg23 : memref<!tpu.dma_semaphore, #tpu.memory_space<semaphore_mem>>) src(%dma_wait3A_329 : memref<8x512xi32, #tpu.memory_space<hbm>>) dst(%arg7 : memref<8x512xi32, #tpu.memory_space<vmem>>)
    %dma_wait3A_330 = arith.constant 64 : i32
    %dma_wait3A_331 = tpu.memref_slice %arg4[%dma_wait3A_330, %mul3A_2] : memref<200x16384xi32, #tpu.memory_space<hbm>> -> memref<8x512xi32, #tpu.memory_space<hbm>>
    %dma_wait3A_332 = arith.constant 64 : i32
    %dma_wait3A_333 = tpu.memref_slice %arg4[%dma_wait3A_332, %mul3A_2] : memref<200x16384xi32, #tpu.memory_space<hbm>> -> memref<8x512xi32, #tpu.memory_space<hbm>>
    tpu.wait_dma2 semaphore(%arg31 : memref<!tpu.dma_semaphore, #tpu.memory_space<semaphore_mem>>) src(%arg15 : memref<8x512xi32, #tpu.memory_space<vmem>>) dst(%dma_wait3A_333 : memref<8x512xi32, #tpu.memory_space<hbm>>)
    %iota3A_334 = tpu.iota {dimensions = array<i32: 0>} : vector<16xi32>
    %parallel_loop3A_335 = arith.constant 0 : i32
    %parallel_loop3A_336 = arith.constant 256 : i32
    %parallel_loop3A_337 = arith.constant 1 : i32
    scf.for %parallel_loop3A_506 = %parallel_loop3A_335 to %parallel_loop3A_336 step %parallel_loop3A_337  : i32 {
      %parallel_loop3A_507 = arith.constant 5 : i32
      %parallel_loop3A_508 = arith.shrui %parallel_loop3A_506, %parallel_loop3A_507 : i32
      %parallel_loop3A_509 = arith.constant 31 : i32
      %parallel_loop3A_510 = arith.andi %parallel_loop3A_506, %parallel_loop3A_509 : i32
      %parallel_loop3A_511 = arith.constant 16 : i32
      %parallel_loop3A_512 = arith.muli %parallel_loop3A_510, %parallel_loop3A_511 : i32
      %parallel_loop3A_513 = arith.index_cast %parallel_loop3A_508 : i32 to index
      %parallel_loop3A_514 = arith.index_cast %parallel_loop3A_512 : i32 to index
      %parallel_loop3A_515 = tpu.vector_load %arg7[%parallel_loop3A_513, %parallel_loop3A_514] {strides = array<i32>} : memref<8x512xi32, #tpu.memory_space<vmem>>, vector<16xi32>,
      %parallel_loop3A_516 = arith.constant 16 : i32
      %parallel_loop3A_517 = vector.broadcast %parallel_loop3A_516 : i32 to vector<16xi32>
      %parallel_loop3A_518 = arith.muli %parallel_loop3A_515, %parallel_loop3A_517 : vector<16xi32>
      %parallel_loop3A_519 = arith.addi %parallel_loop3A_518, %iota3A_334 : vector<16xi32>
      %parallel_loop3A_520 = tpu.vector_load_idx %arg6[%parallel_loop3A_519] : memref<4096xi32, #tpu.memory_space<vmem>>[vector<16xi32>], vector<16xi32>,
      %parallel_loop3A_521 = arith.index_cast %parallel_loop3A_508 : i32 to index
      %parallel_loop3A_522 = arith.index_cast %parallel_loop3A_512 : i32 to index
      %parallel_loop3A_523 = tpu.vector_load %arg15[%parallel_loop3A_521, %parallel_loop3A_522] {strides = array<i32>} : memref<8x512xi32, #tpu.memory_space<vmem>>, vector<16xi32>,
      tpu.vector_store %arg15[%parallel_loop3A_521, %parallel_loop3A_522], %parallel_loop3A_520 {strides = array<i32>} : memref<8x512xi32, #tpu.memory_space<vmem>>, vector<16xi32>,
    } {sc.loop_unroll_factor = 8 : i64, sc.parallel_access}
    %dma_start3A_338 = arith.constant 128 : i32
    %dma_start3A_339 = tpu.memref_slice %arg4[%dma_start3A_338, %mul3A_2] : memref<200x16384xi32, #tpu.memory_space<hbm>> -> memref<8x512xi32, #tpu.memory_space<hbm>>
    %dma_start3A_340 = arith.constant 128 : i32
    %dma_start3A_341 = tpu.memref_slice %arg4[%dma_start3A_340, %mul3A_2] : memref<200x16384xi32, #tpu.memory_space<hbm>> -> memref<8x512xi32, #tpu.memory_space<hbm>>
    tpu.enqueue_dma source(%arg15 : memref<8x512xi32, #tpu.memory_space<vmem>>) target(%dma_start3A_341 : memref<8x512xi32, #tpu.memory_space<hbm>>) target_semaphore(%arg31 : memref<!tpu.dma_semaphore, #tpu.memory_space<semaphore_mem>>)
    %dma_start3A_342 = arith.constant 192 : i32
    %dma_start3A_343 = tpu.memref_slice %arg2[%dma_start3A_342, %mul3A_2] : memref<200x16384xi32, #tpu.memory_space<hbm>> -> memref<8x512xi32, #tpu.memory_space<hbm>>
    %dma_start3A_344 = arith.constant 192 : i32
    %dma_start3A_345 = tpu.memref_slice %arg2[%dma_start3A_344, %mul3A_2] : memref<200x16384xi32, #tpu.memory_space<hbm>> -> memref<8x512xi32, #tpu.memory_space<hbm>>
    tpu.enqueue_dma source(%dma_start3A_345 : memref<8x512xi32, #tpu.memory_space<hbm>>) target(%arg7 : memref<8x512xi32, #tpu.memory_space<vmem>>) target_semaphore(%arg23 : memref<!tpu.dma_semaphore, #tpu.memory_space<semaphore_mem>>)
    %dma_wait3A_346 = arith.constant 136 : i32
    %dma_wait3A_347 = tpu.memref_slice %arg2[%dma_wait3A_346, %mul3A_2] : memref<200x16384xi32, #tpu.memory_space<hbm>> -> memref<8x512xi32, #tpu.memory_space<hbm>>
    %dma_wait3A_348 = arith.constant 136 : i32
    %dma_wait3A_349 = tpu.memref_slice %arg2[%dma_wait3A_348, %mul3A_2] : memref<200x16384xi32, #tpu.memory_space<hbm>> -> memref<8x512xi32, #tpu.memory_space<hbm>>
    tpu.wait_dma2 semaphore(%arg24 : memref<!tpu.dma_semaphore, #tpu.memory_space<semaphore_mem>>) src(%dma_wait3A_349 : memref<8x512xi32, #tpu.memory_space<hbm>>) dst(%arg8 : memref<8x512xi32, #tpu.memory_space<vmem>>)
    %dma_wait3A_350 = arith.constant 72 : i32
    %dma_wait3A_351 = tpu.memref_slice %arg4[%dma_wait3A_350, %mul3A_2] : memref<200x16384xi32, #tpu.memory_space<hbm>> -> memref<8x512xi32, #tpu.memory_space<hbm>>
    %dma_wait3A_352 = arith.constant 72 : i32
    %dma_wait3A_353 = tpu.memref_slice %arg4[%dma_wait3A_352, %mul3A_2] : memref<200x16384xi32, #tpu.memory_space<hbm>> -> memref<8x512xi32, #tpu.memory_space<hbm>>
    tpu.wait_dma2 semaphore(%arg32 : memref<!tpu.dma_semaphore, #tpu.memory_space<semaphore_mem>>) src(%arg16 : memref<8x512xi32, #tpu.memory_space<vmem>>) dst(%dma_wait3A_353 : memref<8x512xi32, #tpu.memory_space<hbm>>)
    %iota3A_354 = tpu.iota {dimensions = array<i32: 0>} : vector<16xi32>
    %parallel_loop3A_355 = arith.constant 0 : i32
    %parallel_loop3A_356 = arith.constant 256 : i32
    %parallel_loop3A_357 = arith.constant 1 : i32
    scf.for %parallel_loop3A_506 = %parallel_loop3A_355 to %parallel_loop3A_356 step %parallel_loop3A_357  : i32 {
      %parallel_loop3A_507 = arith.constant 5 : i32
      %parallel_loop3A_508 = arith.shrui %parallel_loop3A_506, %parallel_loop3A_507 : i32
      %parallel_loop3A_509 = arith.constant 31 : i32
      %parallel_loop3A_510 = arith.andi %parallel_loop3A_506, %parallel_loop3A_509 : i32
      %parallel_loop3A_511 = arith.constant 16 : i32
      %parallel_loop3A_512 = arith.muli %parallel_loop3A_510, %parallel_loop3A_511 : i32
      %parallel_loop3A_513 = arith.index_cast %parallel_loop3A_508 : i32 to index
      %parallel_loop3A_514 = arith.index_cast %parallel_loop3A_512 : i32 to index
      %parallel_loop3A_515 = tpu.vector_load %arg8[%parallel_loop3A_513, %parallel_loop3A_514] {strides = array<i32>} : memref<8x512xi32, #tpu.memory_space<vmem>>, vector<16xi32>,
      %parallel_loop3A_516 = arith.constant 16 : i32
      %parallel_loop3A_517 = vector.broadcast %parallel_loop3A_516 : i32 to vector<16xi32>
      %parallel_loop3A_518 = arith.muli %parallel_loop3A_515, %parallel_loop3A_517 : vector<16xi32>
      %parallel_loop3A_519 = arith.addi %parallel_loop3A_518, %iota3A_354 : vector<16xi32>
      %parallel_loop3A_520 = tpu.vector_load_idx %arg6[%parallel_loop3A_519] : memref<4096xi32, #tpu.memory_space<vmem>>[vector<16xi32>], vector<16xi32>,
      %parallel_loop3A_521 = arith.index_cast %parallel_loop3A_508 : i32 to index
      %parallel_loop3A_522 = arith.index_cast %parallel_loop3A_512 : i32 to index
      %parallel_loop3A_523 = tpu.vector_load %arg16[%parallel_loop3A_521, %parallel_loop3A_522] {strides = array<i32>} : memref<8x512xi32, #tpu.memory_space<vmem>>, vector<16xi32>,
      tpu.vector_store %arg16[%parallel_loop3A_521, %parallel_loop3A_522], %parallel_loop3A_520 {strides = array<i32>} : memref<8x512xi32, #tpu.memory_space<vmem>>, vector<16xi32>,
    } {sc.loop_unroll_factor = 8 : i64, sc.parallel_access}
    %dma_start3A_358 = arith.constant 136 : i32
    %dma_start3A_359 = tpu.memref_slice %arg4[%dma_start3A_358, %mul3A_2] : memref<200x16384xi32, #tpu.memory_space<hbm>> -> memref<8x512xi32, #tpu.memory_space<hbm>>
    %dma_start3A_360 = arith.constant 136 : i32
    %dma_start3A_361 = tpu.memref_slice %arg4[%dma_start3A_360, %mul3A_2] : memref<200x16384xi32, #tpu.memory_space<hbm>> -> memref<8x512xi32, #tpu.memory_space<hbm>>
    tpu.enqueue_dma source(%arg16 : memref<8x512xi32, #tpu.memory_space<vmem>>) target(%dma_start3A_361 : memref<8x512xi32, #tpu.memory_space<hbm>>) target_semaphore(%arg32 : memref<!tpu.dma_semaphore, #tpu.memory_space<semaphore_mem>>)
    %dma_wait3A_362 = arith.constant 144 : i32
    %dma_wait3A_363 = tpu.memref_slice %arg2[%dma_wait3A_362, %mul3A_2] : memref<200x16384xi32, #tpu.memory_space<hbm>> -> memref<8x512xi32, #tpu.memory_space<hbm>>
    %dma_wait3A_364 = arith.constant 144 : i32
    %dma_wait3A_365 = tpu.memref_slice %arg2[%dma_wait3A_364, %mul3A_2] : memref<200x16384xi32, #tpu.memory_space<hbm>> -> memref<8x512xi32, #tpu.memory_space<hbm>>
    tpu.wait_dma2 semaphore(%arg25 : memref<!tpu.dma_semaphore, #tpu.memory_space<semaphore_mem>>) src(%dma_wait3A_365 : memref<8x512xi32, #tpu.memory_space<hbm>>) dst(%arg9 : memref<8x512xi32, #tpu.memory_space<vmem>>)
    %dma_wait3A_366 = arith.constant 80 : i32
    %dma_wait3A_367 = tpu.memref_slice %arg4[%dma_wait3A_366, %mul3A_2] : memref<200x16384xi32, #tpu.memory_space<hbm>> -> memref<8x512xi32, #tpu.memory_space<hbm>>
    %dma_wait3A_368 = arith.constant 80 : i32
    %dma_wait3A_369 = tpu.memref_slice %arg4[%dma_wait3A_368, %mul3A_2] : memref<200x16384xi32, #tpu.memory_space<hbm>> -> memref<8x512xi32, #tpu.memory_space<hbm>>
    tpu.wait_dma2 semaphore(%arg33 : memref<!tpu.dma_semaphore, #tpu.memory_space<semaphore_mem>>) src(%arg17 : memref<8x512xi32, #tpu.memory_space<vmem>>) dst(%dma_wait3A_369 : memref<8x512xi32, #tpu.memory_space<hbm>>)
    %iota3A_370 = tpu.iota {dimensions = array<i32: 0>} : vector<16xi32>
    %parallel_loop3A_371 = arith.constant 0 : i32
    %parallel_loop3A_372 = arith.constant 256 : i32
    %parallel_loop3A_373 = arith.constant 1 : i32
    scf.for %parallel_loop3A_506 = %parallel_loop3A_371 to %parallel_loop3A_372 step %parallel_loop3A_373  : i32 {
      %parallel_loop3A_507 = arith.constant 5 : i32
      %parallel_loop3A_508 = arith.shrui %parallel_loop3A_506, %parallel_loop3A_507 : i32
      %parallel_loop3A_509 = arith.constant 31 : i32
      %parallel_loop3A_510 = arith.andi %parallel_loop3A_506, %parallel_loop3A_509 : i32
      %parallel_loop3A_511 = arith.constant 16 : i32
      %parallel_loop3A_512 = arith.muli %parallel_loop3A_510, %parallel_loop3A_511 : i32
      %parallel_loop3A_513 = arith.index_cast %parallel_loop3A_508 : i32 to index
      %parallel_loop3A_514 = arith.index_cast %parallel_loop3A_512 : i32 to index
      %parallel_loop3A_515 = tpu.vector_load %arg9[%parallel_loop3A_513, %parallel_loop3A_514] {strides = array<i32>} : memref<8x512xi32, #tpu.memory_space<vmem>>, vector<16xi32>,
      %parallel_loop3A_516 = arith.constant 16 : i32
      %parallel_loop3A_517 = vector.broadcast %parallel_loop3A_516 : i32 to vector<16xi32>
      %parallel_loop3A_518 = arith.muli %parallel_loop3A_515, %parallel_loop3A_517 : vector<16xi32>
      %parallel_loop3A_519 = arith.addi %parallel_loop3A_518, %iota3A_370 : vector<16xi32>
      %parallel_loop3A_520 = tpu.vector_load_idx %arg6[%parallel_loop3A_519] : memref<4096xi32, #tpu.memory_space<vmem>>[vector<16xi32>], vector<16xi32>,
      %parallel_loop3A_521 = arith.index_cast %parallel_loop3A_508 : i32 to index
      %parallel_loop3A_522 = arith.index_cast %parallel_loop3A_512 : i32 to index
      %parallel_loop3A_523 = tpu.vector_load %arg17[%parallel_loop3A_521, %parallel_loop3A_522] {strides = array<i32>} : memref<8x512xi32, #tpu.memory_space<vmem>>, vector<16xi32>,
      tpu.vector_store %arg17[%parallel_loop3A_521, %parallel_loop3A_522], %parallel_loop3A_520 {strides = array<i32>} : memref<8x512xi32, #tpu.memory_space<vmem>>, vector<16xi32>,
    } {sc.loop_unroll_factor = 8 : i64, sc.parallel_access}
    %dma_start3A_374 = arith.constant 144 : i32
    %dma_start3A_375 = tpu.memref_slice %arg4[%dma_start3A_374, %mul3A_2] : memref<200x16384xi32, #tpu.memory_space<hbm>> -> memref<8x512xi32, #tpu.memory_space<hbm>>
    %dma_start3A_376 = arith.constant 144 : i32
    %dma_start3A_377 = tpu.memref_slice %arg4[%dma_start3A_376, %mul3A_2] : memref<200x16384xi32, #tpu.memory_space<hbm>> -> memref<8x512xi32, #tpu.memory_space<hbm>>
    tpu.enqueue_dma source(%arg17 : memref<8x512xi32, #tpu.memory_space<vmem>>) target(%dma_start3A_377 : memref<8x512xi32, #tpu.memory_space<hbm>>) target_semaphore(%arg33 : memref<!tpu.dma_semaphore, #tpu.memory_space<semaphore_mem>>)
    %dma_wait3A_378 = arith.constant 152 : i32
    %dma_wait3A_379 = tpu.memref_slice %arg2[%dma_wait3A_378, %mul3A_2] : memref<200x16384xi32, #tpu.memory_space<hbm>> -> memref<8x512xi32, #tpu.memory_space<hbm>>
    %dma_wait3A_380 = arith.constant 152 : i32
    %dma_wait3A_381 = tpu.memref_slice %arg2[%dma_wait3A_380, %mul3A_2] : memref<200x16384xi32, #tpu.memory_space<hbm>> -> memref<8x512xi32, #tpu.memory_space<hbm>>
    tpu.wait_dma2 semaphore(%arg26 : memref<!tpu.dma_semaphore, #tpu.memory_space<semaphore_mem>>) src(%dma_wait3A_381 : memref<8x512xi32, #tpu.memory_space<hbm>>) dst(%arg10 : memref<8x512xi32, #tpu.memory_space<vmem>>)
    %dma_wait3A_382 = arith.constant 88 : i32
    %dma_wait3A_383 = tpu.memref_slice %arg4[%dma_wait3A_382, %mul3A_2] : memref<200x16384xi32, #tpu.memory_space<hbm>> -> memref<8x512xi32, #tpu.memory_space<hbm>>
    %dma_wait3A_384 = arith.constant 88 : i32
    %dma_wait3A_385 = tpu.memref_slice %arg4[%dma_wait3A_384, %mul3A_2] : memref<200x16384xi32, #tpu.memory_space<hbm>> -> memref<8x512xi32, #tpu.memory_space<hbm>>
    tpu.wait_dma2 semaphore(%arg34 : memref<!tpu.dma_semaphore, #tpu.memory_space<semaphore_mem>>) src(%arg18 : memref<8x512xi32, #tpu.memory_space<vmem>>) dst(%dma_wait3A_385 : memref<8x512xi32, #tpu.memory_space<hbm>>)
    %iota3A_386 = tpu.iota {dimensions = array<i32: 0>} : vector<16xi32>
    %parallel_loop3A_387 = arith.constant 0 : i32
    %parallel_loop3A_388 = arith.constant 256 : i32
    %parallel_loop3A_389 = arith.constant 1 : i32
    scf.for %parallel_loop3A_506 = %parallel_loop3A_387 to %parallel_loop3A_388 step %parallel_loop3A_389  : i32 {
      %parallel_loop3A_507 = arith.constant 5 : i32
      %parallel_loop3A_508 = arith.shrui %parallel_loop3A_506, %parallel_loop3A_507 : i32
      %parallel_loop3A_509 = arith.constant 31 : i32
      %parallel_loop3A_510 = arith.andi %parallel_loop3A_506, %parallel_loop3A_509 : i32
      %parallel_loop3A_511 = arith.constant 16 : i32
      %parallel_loop3A_512 = arith.muli %parallel_loop3A_510, %parallel_loop3A_511 : i32
      %parallel_loop3A_513 = arith.index_cast %parallel_loop3A_508 : i32 to index
      %parallel_loop3A_514 = arith.index_cast %parallel_loop3A_512 : i32 to index
      %parallel_loop3A_515 = tpu.vector_load %arg10[%parallel_loop3A_513, %parallel_loop3A_514] {strides = array<i32>} : memref<8x512xi32, #tpu.memory_space<vmem>>, vector<16xi32>,
      %parallel_loop3A_516 = arith.constant 16 : i32
      %parallel_loop3A_517 = vector.broadcast %parallel_loop3A_516 : i32 to vector<16xi32>
      %parallel_loop3A_518 = arith.muli %parallel_loop3A_515, %parallel_loop3A_517 : vector<16xi32>
      %parallel_loop3A_519 = arith.addi %parallel_loop3A_518, %iota3A_386 : vector<16xi32>
      %parallel_loop3A_520 = tpu.vector_load_idx %arg6[%parallel_loop3A_519] : memref<4096xi32, #tpu.memory_space<vmem>>[vector<16xi32>], vector<16xi32>,
      %parallel_loop3A_521 = arith.index_cast %parallel_loop3A_508 : i32 to index
      %parallel_loop3A_522 = arith.index_cast %parallel_loop3A_512 : i32 to index
      %parallel_loop3A_523 = tpu.vector_load %arg18[%parallel_loop3A_521, %parallel_loop3A_522] {strides = array<i32>} : memref<8x512xi32, #tpu.memory_space<vmem>>, vector<16xi32>,
      tpu.vector_store %arg18[%parallel_loop3A_521, %parallel_loop3A_522], %parallel_loop3A_520 {strides = array<i32>} : memref<8x512xi32, #tpu.memory_space<vmem>>, vector<16xi32>,
    } {sc.loop_unroll_factor = 8 : i64, sc.parallel_access}
    %dma_start3A_390 = arith.constant 152 : i32
    %dma_start3A_391 = tpu.memref_slice %arg4[%dma_start3A_390, %mul3A_2] : memref<200x16384xi32, #tpu.memory_space<hbm>> -> memref<8x512xi32, #tpu.memory_space<hbm>>
    %dma_start3A_392 = arith.constant 152 : i32
    %dma_start3A_393 = tpu.memref_slice %arg4[%dma_start3A_392, %mul3A_2] : memref<200x16384xi32, #tpu.memory_space<hbm>> -> memref<8x512xi32, #tpu.memory_space<hbm>>
    tpu.enqueue_dma source(%arg18 : memref<8x512xi32, #tpu.memory_space<vmem>>) target(%dma_start3A_393 : memref<8x512xi32, #tpu.memory_space<hbm>>) target_semaphore(%arg34 : memref<!tpu.dma_semaphore, #tpu.memory_space<semaphore_mem>>)
    %dma_wait3A_394 = arith.constant 160 : i32
    %dma_wait3A_395 = tpu.memref_slice %arg2[%dma_wait3A_394, %mul3A_2] : memref<200x16384xi32, #tpu.memory_space<hbm>> -> memref<8x512xi32, #tpu.memory_space<hbm>>
    %dma_wait3A_396 = arith.constant 160 : i32
    %dma_wait3A_397 = tpu.memref_slice %arg2[%dma_wait3A_396, %mul3A_2] : memref<200x16384xi32, #tpu.memory_space<hbm>> -> memref<8x512xi32, #tpu.memory_space<hbm>>
    tpu.wait_dma2 semaphore(%arg27 : memref<!tpu.dma_semaphore, #tpu.memory_space<semaphore_mem>>) src(%dma_wait3A_397 : memref<8x512xi32, #tpu.memory_space<hbm>>) dst(%arg11 : memref<8x512xi32, #tpu.memory_space<vmem>>)
    %dma_wait3A_398 = arith.constant 96 : i32
    %dma_wait3A_399 = tpu.memref_slice %arg4[%dma_wait3A_398, %mul3A_2] : memref<200x16384xi32, #tpu.memory_space<hbm>> -> memref<8x512xi32, #tpu.memory_space<hbm>>
    %dma_wait3A_400 = arith.constant 96 : i32
    %dma_wait3A_401 = tpu.memref_slice %arg4[%dma_wait3A_400, %mul3A_2] : memref<200x16384xi32, #tpu.memory_space<hbm>> -> memref<8x512xi32, #tpu.memory_space<hbm>>
    tpu.wait_dma2 semaphore(%arg35 : memref<!tpu.dma_semaphore, #tpu.memory_space<semaphore_mem>>) src(%arg19 : memref<8x512xi32, #tpu.memory_space<vmem>>) dst(%dma_wait3A_401 : memref<8x512xi32, #tpu.memory_space<hbm>>)
    %iota3A_402 = tpu.iota {dimensions = array<i32: 0>} : vector<16xi32>
    %parallel_loop3A_403 = arith.constant 0 : i32
    %parallel_loop3A_404 = arith.constant 256 : i32
    %parallel_loop3A_405 = arith.constant 1 : i32
    scf.for %parallel_loop3A_506 = %parallel_loop3A_403 to %parallel_loop3A_404 step %parallel_loop3A_405  : i32 {
      %parallel_loop3A_507 = arith.constant 5 : i32
      %parallel_loop3A_508 = arith.shrui %parallel_loop3A_506, %parallel_loop3A_507 : i32
      %parallel_loop3A_509 = arith.constant 31 : i32
      %parallel_loop3A_510 = arith.andi %parallel_loop3A_506, %parallel_loop3A_509 : i32
      %parallel_loop3A_511 = arith.constant 16 : i32
      %parallel_loop3A_512 = arith.muli %parallel_loop3A_510, %parallel_loop3A_511 : i32
      %parallel_loop3A_513 = arith.index_cast %parallel_loop3A_508 : i32 to index
      %parallel_loop3A_514 = arith.index_cast %parallel_loop3A_512 : i32 to index
      %parallel_loop3A_515 = tpu.vector_load %arg11[%parallel_loop3A_513, %parallel_loop3A_514] {strides = array<i32>} : memref<8x512xi32, #tpu.memory_space<vmem>>, vector<16xi32>,
      %parallel_loop3A_516 = arith.constant 16 : i32
      %parallel_loop3A_517 = vector.broadcast %parallel_loop3A_516 : i32 to vector<16xi32>
      %parallel_loop3A_518 = arith.muli %parallel_loop3A_515, %parallel_loop3A_517 : vector<16xi32>
      %parallel_loop3A_519 = arith.addi %parallel_loop3A_518, %iota3A_402 : vector<16xi32>
      %parallel_loop3A_520 = tpu.vector_load_idx %arg6[%parallel_loop3A_519] : memref<4096xi32, #tpu.memory_space<vmem>>[vector<16xi32>], vector<16xi32>,
      %parallel_loop3A_521 = arith.index_cast %parallel_loop3A_508 : i32 to index
      %parallel_loop3A_522 = arith.index_cast %parallel_loop3A_512 : i32 to index
      %parallel_loop3A_523 = tpu.vector_load %arg19[%parallel_loop3A_521, %parallel_loop3A_522] {strides = array<i32>} : memref<8x512xi32, #tpu.memory_space<vmem>>, vector<16xi32>,
      tpu.vector_store %arg19[%parallel_loop3A_521, %parallel_loop3A_522], %parallel_loop3A_520 {strides = array<i32>} : memref<8x512xi32, #tpu.memory_space<vmem>>, vector<16xi32>,
    } {sc.loop_unroll_factor = 8 : i64, sc.parallel_access}
    %dma_start3A_406 = arith.constant 160 : i32
    %dma_start3A_407 = tpu.memref_slice %arg4[%dma_start3A_406, %mul3A_2] : memref<200x16384xi32, #tpu.memory_space<hbm>> -> memref<8x512xi32, #tpu.memory_space<hbm>>
    %dma_start3A_408 = arith.constant 160 : i32
    %dma_start3A_409 = tpu.memref_slice %arg4[%dma_start3A_408, %mul3A_2] : memref<200x16384xi32, #tpu.memory_space<hbm>> -> memref<8x512xi32, #tpu.memory_space<hbm>>
    tpu.enqueue_dma source(%arg19 : memref<8x512xi32, #tpu.memory_space<vmem>>) target(%dma_start3A_409 : memref<8x512xi32, #tpu.memory_space<hbm>>) target_semaphore(%arg35 : memref<!tpu.dma_semaphore, #tpu.memory_space<semaphore_mem>>)
    %dma_wait3A_410 = arith.constant 168 : i32
    %dma_wait3A_411 = tpu.memref_slice %arg2[%dma_wait3A_410, %mul3A_2] : memref<200x16384xi32, #tpu.memory_space<hbm>> -> memref<8x512xi32, #tpu.memory_space<hbm>>
    %dma_wait3A_412 = arith.constant 168 : i32
    %dma_wait3A_413 = tpu.memref_slice %arg2[%dma_wait3A_412, %mul3A_2] : memref<200x16384xi32, #tpu.memory_space<hbm>> -> memref<8x512xi32, #tpu.memory_space<hbm>>
    tpu.wait_dma2 semaphore(%arg28 : memref<!tpu.dma_semaphore, #tpu.memory_space<semaphore_mem>>) src(%dma_wait3A_413 : memref<8x512xi32, #tpu.memory_space<hbm>>) dst(%arg12 : memref<8x512xi32, #tpu.memory_space<vmem>>)
    %dma_wait3A_414 = arith.constant 104 : i32
    %dma_wait3A_415 = tpu.memref_slice %arg4[%dma_wait3A_414, %mul3A_2] : memref<200x16384xi32, #tpu.memory_space<hbm>> -> memref<8x512xi32, #tpu.memory_space<hbm>>
    %dma_wait3A_416 = arith.constant 104 : i32
    %dma_wait3A_417 = tpu.memref_slice %arg4[%dma_wait3A_416, %mul3A_2] : memref<200x16384xi32, #tpu.memory_space<hbm>> -> memref<8x512xi32, #tpu.memory_space<hbm>>
    tpu.wait_dma2 semaphore(%arg36 : memref<!tpu.dma_semaphore, #tpu.memory_space<semaphore_mem>>) src(%arg20 : memref<8x512xi32, #tpu.memory_space<vmem>>) dst(%dma_wait3A_417 : memref<8x512xi32, #tpu.memory_space<hbm>>)
    %iota3A_418 = tpu.iota {dimensions = array<i32: 0>} : vector<16xi32>
    %parallel_loop3A_419 = arith.constant 0 : i32
    %parallel_loop3A_420 = arith.constant 256 : i32
    %parallel_loop3A_421 = arith.constant 1 : i32
    scf.for %parallel_loop3A_506 = %parallel_loop3A_419 to %parallel_loop3A_420 step %parallel_loop3A_421  : i32 {
      %parallel_loop3A_507 = arith.constant 5 : i32
      %parallel_loop3A_508 = arith.shrui %parallel_loop3A_506, %parallel_loop3A_507 : i32
      %parallel_loop3A_509 = arith.constant 31 : i32
      %parallel_loop3A_510 = arith.andi %parallel_loop3A_506, %parallel_loop3A_509 : i32
      %parallel_loop3A_511 = arith.constant 16 : i32
      %parallel_loop3A_512 = arith.muli %parallel_loop3A_510, %parallel_loop3A_511 : i32
      %parallel_loop3A_513 = arith.index_cast %parallel_loop3A_508 : i32 to index
      %parallel_loop3A_514 = arith.index_cast %parallel_loop3A_512 : i32 to index
      %parallel_loop3A_515 = tpu.vector_load %arg12[%parallel_loop3A_513, %parallel_loop3A_514] {strides = array<i32>} : memref<8x512xi32, #tpu.memory_space<vmem>>, vector<16xi32>,
      %parallel_loop3A_516 = arith.constant 16 : i32
      %parallel_loop3A_517 = vector.broadcast %parallel_loop3A_516 : i32 to vector<16xi32>
      %parallel_loop3A_518 = arith.muli %parallel_loop3A_515, %parallel_loop3A_517 : vector<16xi32>
      %parallel_loop3A_519 = arith.addi %parallel_loop3A_518, %iota3A_418 : vector<16xi32>
      %parallel_loop3A_520 = tpu.vector_load_idx %arg6[%parallel_loop3A_519] : memref<4096xi32, #tpu.memory_space<vmem>>[vector<16xi32>], vector<16xi32>,
      %parallel_loop3A_521 = arith.index_cast %parallel_loop3A_508 : i32 to index
      %parallel_loop3A_522 = arith.index_cast %parallel_loop3A_512 : i32 to index
      %parallel_loop3A_523 = tpu.vector_load %arg20[%parallel_loop3A_521, %parallel_loop3A_522] {strides = array<i32>} : memref<8x512xi32, #tpu.memory_space<vmem>>, vector<16xi32>,
      tpu.vector_store %arg20[%parallel_loop3A_521, %parallel_loop3A_522], %parallel_loop3A_520 {strides = array<i32>} : memref<8x512xi32, #tpu.memory_space<vmem>>, vector<16xi32>,
    } {sc.loop_unroll_factor = 8 : i64, sc.parallel_access}
    %dma_start3A_422 = arith.constant 168 : i32
    %dma_start3A_423 = tpu.memref_slice %arg4[%dma_start3A_422, %mul3A_2] : memref<200x16384xi32, #tpu.memory_space<hbm>> -> memref<8x512xi32, #tpu.memory_space<hbm>>
    %dma_start3A_424 = arith.constant 168 : i32
    %dma_start3A_425 = tpu.memref_slice %arg4[%dma_start3A_424, %mul3A_2] : memref<200x16384xi32, #tpu.memory_space<hbm>> -> memref<8x512xi32, #tpu.memory_space<hbm>>
    tpu.enqueue_dma source(%arg20 : memref<8x512xi32, #tpu.memory_space<vmem>>) target(%dma_start3A_425 : memref<8x512xi32, #tpu.memory_space<hbm>>) target_semaphore(%arg36 : memref<!tpu.dma_semaphore, #tpu.memory_space<semaphore_mem>>)
    %dma_wait3A_426 = arith.constant 176 : i32
    %dma_wait3A_427 = tpu.memref_slice %arg2[%dma_wait3A_426, %mul3A_2] : memref<200x16384xi32, #tpu.memory_space<hbm>> -> memref<8x512xi32, #tpu.memory_space<hbm>>
    %dma_wait3A_428 = arith.constant 176 : i32
    %dma_wait3A_429 = tpu.memref_slice %arg2[%dma_wait3A_428, %mul3A_2] : memref<200x16384xi32, #tpu.memory_space<hbm>> -> memref<8x512xi32, #tpu.memory_space<hbm>>
    tpu.wait_dma2 semaphore(%arg29 : memref<!tpu.dma_semaphore, #tpu.memory_space<semaphore_mem>>) src(%dma_wait3A_429 : memref<8x512xi32, #tpu.memory_space<hbm>>) dst(%arg13 : memref<8x512xi32, #tpu.memory_space<vmem>>)
    %dma_wait3A_430 = arith.constant 112 : i32
    %dma_wait3A_431 = tpu.memref_slice %arg4[%dma_wait3A_430, %mul3A_2] : memref<200x16384xi32, #tpu.memory_space<hbm>> -> memref<8x512xi32, #tpu.memory_space<hbm>>
    %dma_wait3A_432 = arith.constant 112 : i32
    %dma_wait3A_433 = tpu.memref_slice %arg4[%dma_wait3A_432, %mul3A_2] : memref<200x16384xi32, #tpu.memory_space<hbm>> -> memref<8x512xi32, #tpu.memory_space<hbm>>
    tpu.wait_dma2 semaphore(%arg37 : memref<!tpu.dma_semaphore, #tpu.memory_space<semaphore_mem>>) src(%arg21 : memref<8x512xi32, #tpu.memory_space<vmem>>) dst(%dma_wait3A_433 : memref<8x512xi32, #tpu.memory_space<hbm>>)
    %iota3A_434 = tpu.iota {dimensions = array<i32: 0>} : vector<16xi32>
    %parallel_loop3A_435 = arith.constant 0 : i32
    %parallel_loop3A_436 = arith.constant 256 : i32
    %parallel_loop3A_437 = arith.constant 1 : i32
    scf.for %parallel_loop3A_506 = %parallel_loop3A_435 to %parallel_loop3A_436 step %parallel_loop3A_437  : i32 {
      %parallel_loop3A_507 = arith.constant 5 : i32
      %parallel_loop3A_508 = arith.shrui %parallel_loop3A_506, %parallel_loop3A_507 : i32
      %parallel_loop3A_509 = arith.constant 31 : i32
      %parallel_loop3A_510 = arith.andi %parallel_loop3A_506, %parallel_loop3A_509 : i32
      %parallel_loop3A_511 = arith.constant 16 : i32
      %parallel_loop3A_512 = arith.muli %parallel_loop3A_510, %parallel_loop3A_511 : i32
      %parallel_loop3A_513 = arith.index_cast %parallel_loop3A_508 : i32 to index
      %parallel_loop3A_514 = arith.index_cast %parallel_loop3A_512 : i32 to index
      %parallel_loop3A_515 = tpu.vector_load %arg13[%parallel_loop3A_513, %parallel_loop3A_514] {strides = array<i32>} : memref<8x512xi32, #tpu.memory_space<vmem>>, vector<16xi32>,
      %parallel_loop3A_516 = arith.constant 16 : i32
      %parallel_loop3A_517 = vector.broadcast %parallel_loop3A_516 : i32 to vector<16xi32>
      %parallel_loop3A_518 = arith.muli %parallel_loop3A_515, %parallel_loop3A_517 : vector<16xi32>
      %parallel_loop3A_519 = arith.addi %parallel_loop3A_518, %iota3A_434 : vector<16xi32>
      %parallel_loop3A_520 = tpu.vector_load_idx %arg6[%parallel_loop3A_519] : memref<4096xi32, #tpu.memory_space<vmem>>[vector<16xi32>], vector<16xi32>,
      %parallel_loop3A_521 = arith.index_cast %parallel_loop3A_508 : i32 to index
      %parallel_loop3A_522 = arith.index_cast %parallel_loop3A_512 : i32 to index
      %parallel_loop3A_523 = tpu.vector_load %arg21[%parallel_loop3A_521, %parallel_loop3A_522] {strides = array<i32>} : memref<8x512xi32, #tpu.memory_space<vmem>>, vector<16xi32>,
      tpu.vector_store %arg21[%parallel_loop3A_521, %parallel_loop3A_522], %parallel_loop3A_520 {strides = array<i32>} : memref<8x512xi32, #tpu.memory_space<vmem>>, vector<16xi32>,
    } {sc.loop_unroll_factor = 8 : i64, sc.parallel_access}
    %dma_start3A_438 = arith.constant 176 : i32
    %dma_start3A_439 = tpu.memref_slice %arg4[%dma_start3A_438, %mul3A_2] : memref<200x16384xi32, #tpu.memory_space<hbm>> -> memref<8x512xi32, #tpu.memory_space<hbm>>
    %dma_start3A_440 = arith.constant 176 : i32
    %dma_start3A_441 = tpu.memref_slice %arg4[%dma_start3A_440, %mul3A_2] : memref<200x16384xi32, #tpu.memory_space<hbm>> -> memref<8x512xi32, #tpu.memory_space<hbm>>
    tpu.enqueue_dma source(%arg21 : memref<8x512xi32, #tpu.memory_space<vmem>>) target(%dma_start3A_441 : memref<8x512xi32, #tpu.memory_space<hbm>>) target_semaphore(%arg37 : memref<!tpu.dma_semaphore, #tpu.memory_space<semaphore_mem>>)
    %dma_wait3A_442 = arith.constant 184 : i32
    %dma_wait3A_443 = tpu.memref_slice %arg2[%dma_wait3A_442, %mul3A_2] : memref<200x16384xi32, #tpu.memory_space<hbm>> -> memref<8x512xi32, #tpu.memory_space<hbm>>
    %dma_wait3A_444 = arith.constant 184 : i32
    %dma_wait3A_445 = tpu.memref_slice %arg2[%dma_wait3A_444, %mul3A_2] : memref<200x16384xi32, #tpu.memory_space<hbm>> -> memref<8x512xi32, #tpu.memory_space<hbm>>
    tpu.wait_dma2 semaphore(%arg30 : memref<!tpu.dma_semaphore, #tpu.memory_space<semaphore_mem>>) src(%dma_wait3A_445 : memref<8x512xi32, #tpu.memory_space<hbm>>) dst(%arg14 : memref<8x512xi32, #tpu.memory_space<vmem>>)
    %dma_wait3A_446 = arith.constant 120 : i32
    %dma_wait3A_447 = tpu.memref_slice %arg4[%dma_wait3A_446, %mul3A_2] : memref<200x16384xi32, #tpu.memory_space<hbm>> -> memref<8x512xi32, #tpu.memory_space<hbm>>
    %dma_wait3A_448 = arith.constant 120 : i32
    %dma_wait3A_449 = tpu.memref_slice %arg4[%dma_wait3A_448, %mul3A_2] : memref<200x16384xi32, #tpu.memory_space<hbm>> -> memref<8x512xi32, #tpu.memory_space<hbm>>
    tpu.wait_dma2 semaphore(%arg38 : memref<!tpu.dma_semaphore, #tpu.memory_space<semaphore_mem>>) src(%arg22 : memref<8x512xi32, #tpu.memory_space<vmem>>) dst(%dma_wait3A_449 : memref<8x512xi32, #tpu.memory_space<hbm>>)
    %iota3A_450 = tpu.iota {dimensions = array<i32: 0>} : vector<16xi32>
    %parallel_loop3A_451 = arith.constant 0 : i32
    %parallel_loop3A_452 = arith.constant 256 : i32
    %parallel_loop3A_453 = arith.constant 1 : i32
    scf.for %parallel_loop3A_506 = %parallel_loop3A_451 to %parallel_loop3A_452 step %parallel_loop3A_453  : i32 {
      %parallel_loop3A_507 = arith.constant 5 : i32
      %parallel_loop3A_508 = arith.shrui %parallel_loop3A_506, %parallel_loop3A_507 : i32
      %parallel_loop3A_509 = arith.constant 31 : i32
      %parallel_loop3A_510 = arith.andi %parallel_loop3A_506, %parallel_loop3A_509 : i32
      %parallel_loop3A_511 = arith.constant 16 : i32
      %parallel_loop3A_512 = arith.muli %parallel_loop3A_510, %parallel_loop3A_511 : i32
      %parallel_loop3A_513 = arith.index_cast %parallel_loop3A_508 : i32 to index
      %parallel_loop3A_514 = arith.index_cast %parallel_loop3A_512 : i32 to index
      %parallel_loop3A_515 = tpu.vector_load %arg14[%parallel_loop3A_513, %parallel_loop3A_514] {strides = array<i32>} : memref<8x512xi32, #tpu.memory_space<vmem>>, vector<16xi32>,
      %parallel_loop3A_516 = arith.constant 16 : i32
      %parallel_loop3A_517 = vector.broadcast %parallel_loop3A_516 : i32 to vector<16xi32>
      %parallel_loop3A_518 = arith.muli %parallel_loop3A_515, %parallel_loop3A_517 : vector<16xi32>
      %parallel_loop3A_519 = arith.addi %parallel_loop3A_518, %iota3A_450 : vector<16xi32>
      %parallel_loop3A_520 = tpu.vector_load_idx %arg6[%parallel_loop3A_519] : memref<4096xi32, #tpu.memory_space<vmem>>[vector<16xi32>], vector<16xi32>,
      %parallel_loop3A_521 = arith.index_cast %parallel_loop3A_508 : i32 to index
      %parallel_loop3A_522 = arith.index_cast %parallel_loop3A_512 : i32 to index
      %parallel_loop3A_523 = tpu.vector_load %arg22[%parallel_loop3A_521, %parallel_loop3A_522] {strides = array<i32>} : memref<8x512xi32, #tpu.memory_space<vmem>>, vector<16xi32>,
      tpu.vector_store %arg22[%parallel_loop3A_521, %parallel_loop3A_522], %parallel_loop3A_520 {strides = array<i32>} : memref<8x512xi32, #tpu.memory_space<vmem>>, vector<16xi32>,
    } {sc.loop_unroll_factor = 8 : i64, sc.parallel_access}
    %dma_start3A_454 = arith.constant 184 : i32
    %dma_start3A_455 = tpu.memref_slice %arg4[%dma_start3A_454, %mul3A_2] : memref<200x16384xi32, #tpu.memory_space<hbm>> -> memref<8x512xi32, #tpu.memory_space<hbm>>
    %dma_start3A_456 = arith.constant 184 : i32
    %dma_start3A_457 = tpu.memref_slice %arg4[%dma_start3A_456, %mul3A_2] : memref<200x16384xi32, #tpu.memory_space<hbm>> -> memref<8x512xi32, #tpu.memory_space<hbm>>
    tpu.enqueue_dma source(%arg22 : memref<8x512xi32, #tpu.memory_space<vmem>>) target(%dma_start3A_457 : memref<8x512xi32, #tpu.memory_space<hbm>>) target_semaphore(%arg38 : memref<!tpu.dma_semaphore, #tpu.memory_space<semaphore_mem>>)
    %dma_wait3A_458 = arith.constant 192 : i32
    %dma_wait3A_459 = tpu.memref_slice %arg2[%dma_wait3A_458, %mul3A_2] : memref<200x16384xi32, #tpu.memory_space<hbm>> -> memref<8x512xi32, #tpu.memory_space<hbm>>
    %dma_wait3A_460 = arith.constant 192 : i32
    %dma_wait3A_461 = tpu.memref_slice %arg2[%dma_wait3A_460, %mul3A_2] : memref<200x16384xi32, #tpu.memory_space<hbm>> -> memref<8x512xi32, #tpu.memory_space<hbm>>
    tpu.wait_dma2 semaphore(%arg23 : memref<!tpu.dma_semaphore, #tpu.memory_space<semaphore_mem>>) src(%dma_wait3A_461 : memref<8x512xi32, #tpu.memory_space<hbm>>) dst(%arg7 : memref<8x512xi32, #tpu.memory_space<vmem>>)
    %dma_wait3A_462 = arith.constant 128 : i32
    %dma_wait3A_463 = tpu.memref_slice %arg4[%dma_wait3A_462, %mul3A_2] : memref<200x16384xi32, #tpu.memory_space<hbm>> -> memref<8x512xi32, #tpu.memory_space<hbm>>
    %dma_wait3A_464 = arith.constant 128 : i32
    %dma_wait3A_465 = tpu.memref_slice %arg4[%dma_wait3A_464, %mul3A_2] : memref<200x16384xi32, #tpu.memory_space<hbm>> -> memref<8x512xi32, #tpu.memory_space<hbm>>
    tpu.wait_dma2 semaphore(%arg31 : memref<!tpu.dma_semaphore, #tpu.memory_space<semaphore_mem>>) src(%arg15 : memref<8x512xi32, #tpu.memory_space<vmem>>) dst(%dma_wait3A_465 : memref<8x512xi32, #tpu.memory_space<hbm>>)
    %iota3A_466 = tpu.iota {dimensions = array<i32: 0>} : vector<16xi32>
    %parallel_loop3A_467 = arith.constant 0 : i32
    %parallel_loop3A_468 = arith.constant 256 : i32
    %parallel_loop3A_469 = arith.constant 1 : i32
    scf.for %parallel_loop3A_506 = %parallel_loop3A_467 to %parallel_loop3A_468 step %parallel_loop3A_469  : i32 {
      %parallel_loop3A_507 = arith.constant 5 : i32
      %parallel_loop3A_508 = arith.shrui %parallel_loop3A_506, %parallel_loop3A_507 : i32
      %parallel_loop3A_509 = arith.constant 31 : i32
      %parallel_loop3A_510 = arith.andi %parallel_loop3A_506, %parallel_loop3A_509 : i32
      %parallel_loop3A_511 = arith.constant 16 : i32
      %parallel_loop3A_512 = arith.muli %parallel_loop3A_510, %parallel_loop3A_511 : i32
      %parallel_loop3A_513 = arith.index_cast %parallel_loop3A_508 : i32 to index
      %parallel_loop3A_514 = arith.index_cast %parallel_loop3A_512 : i32 to index
      %parallel_loop3A_515 = tpu.vector_load %arg7[%parallel_loop3A_513, %parallel_loop3A_514] {strides = array<i32>} : memref<8x512xi32, #tpu.memory_space<vmem>>, vector<16xi32>,
      %parallel_loop3A_516 = arith.constant 16 : i32
      %parallel_loop3A_517 = vector.broadcast %parallel_loop3A_516 : i32 to vector<16xi32>
      %parallel_loop3A_518 = arith.muli %parallel_loop3A_515, %parallel_loop3A_517 : vector<16xi32>
      %parallel_loop3A_519 = arith.addi %parallel_loop3A_518, %iota3A_466 : vector<16xi32>
      %parallel_loop3A_520 = tpu.vector_load_idx %arg6[%parallel_loop3A_519] : memref<4096xi32, #tpu.memory_space<vmem>>[vector<16xi32>], vector<16xi32>,
      %parallel_loop3A_521 = arith.index_cast %parallel_loop3A_508 : i32 to index
      %parallel_loop3A_522 = arith.index_cast %parallel_loop3A_512 : i32 to index
      %parallel_loop3A_523 = tpu.vector_load %arg15[%parallel_loop3A_521, %parallel_loop3A_522] {strides = array<i32>} : memref<8x512xi32, #tpu.memory_space<vmem>>, vector<16xi32>,
      tpu.vector_store %arg15[%parallel_loop3A_521, %parallel_loop3A_522], %parallel_loop3A_520 {strides = array<i32>} : memref<8x512xi32, #tpu.memory_space<vmem>>, vector<16xi32>,
    } {sc.loop_unroll_factor = 8 : i64, sc.parallel_access}
    %dma_start3A_470 = arith.constant 192 : i32
    %dma_start3A_471 = tpu.memref_slice %arg4[%dma_start3A_470, %mul3A_2] : memref<200x16384xi32, #tpu.memory_space<hbm>> -> memref<8x512xi32, #tpu.memory_space<hbm>>
    %dma_start3A_472 = arith.constant 192 : i32
    %dma_start3A_473 = tpu.memref_slice %arg4[%dma_start3A_472, %mul3A_2] : memref<200x16384xi32, #tpu.memory_space<hbm>> -> memref<8x512xi32, #tpu.memory_space<hbm>>
    tpu.enqueue_dma source(%arg15 : memref<8x512xi32, #tpu.memory_space<vmem>>) target(%dma_start3A_473 : memref<8x512xi32, #tpu.memory_space<hbm>>) target_semaphore(%arg31 : memref<!tpu.dma_semaphore, #tpu.memory_space<semaphore_mem>>)
    %dma_wait3A_474 = arith.constant 136 : i32
    %dma_wait3A_475 = tpu.memref_slice %arg4[%dma_wait3A_474, %mul3A_2] : memref<200x16384xi32, #tpu.memory_space<hbm>> -> memref<8x512xi32, #tpu.memory_space<hbm>>
    %dma_wait3A_476 = arith.constant 136 : i32
    %dma_wait3A_477 = tpu.memref_slice %arg4[%dma_wait3A_476, %mul3A_2] : memref<200x16384xi32, #tpu.memory_space<hbm>> -> memref<8x512xi32, #tpu.memory_space<hbm>>
    tpu.wait_dma2 semaphore(%arg32 : memref<!tpu.dma_semaphore, #tpu.memory_space<semaphore_mem>>) src(%arg16 : memref<8x512xi32, #tpu.memory_space<vmem>>) dst(%dma_wait3A_477 : memref<8x512xi32, #tpu.memory_space<hbm>>)
    %dma_wait3A_478 = arith.constant 144 : i32
    %dma_wait3A_479 = tpu.memref_slice %arg4[%dma_wait3A_478, %mul3A_2] : memref<200x16384xi32, #tpu.memory_space<hbm>> -> memref<8x512xi32, #tpu.memory_space<hbm>>
    %dma_wait3A_480 = arith.constant 144 : i32
    %dma_wait3A_481 = tpu.memref_slice %arg4[%dma_wait3A_480, %mul3A_2] : memref<200x16384xi32, #tpu.memory_space<hbm>> -> memref<8x512xi32, #tpu.memory_space<hbm>>
    tpu.wait_dma2 semaphore(%arg33 : memref<!tpu.dma_semaphore, #tpu.memory_space<semaphore_mem>>) src(%arg17 : memref<8x512xi32, #tpu.memory_space<vmem>>) dst(%dma_wait3A_481 : memref<8x512xi32, #tpu.memory_space<hbm>>)
    %dma_wait3A_482 = arith.constant 152 : i32
    %dma_wait3A_483 = tpu.memref_slice %arg4[%dma_wait3A_482, %mul3A_2] : memref<200x16384xi32, #tpu.memory_space<hbm>> -> memref<8x512xi32, #tpu.memory_space<hbm>>
    %dma_wait3A_484 = arith.constant 152 : i32
    %dma_wait3A_485 = tpu.memref_slice %arg4[%dma_wait3A_484, %mul3A_2] : memref<200x16384xi32, #tpu.memory_space<hbm>> -> memref<8x512xi32, #tpu.memory_space<hbm>>
    tpu.wait_dma2 semaphore(%arg34 : memref<!tpu.dma_semaphore, #tpu.memory_space<semaphore_mem>>) src(%arg18 : memref<8x512xi32, #tpu.memory_space<vmem>>) dst(%dma_wait3A_485 : memref<8x512xi32, #tpu.memory_space<hbm>>)
    %dma_wait3A_486 = arith.constant 160 : i32
    %dma_wait3A_487 = tpu.memref_slice %arg4[%dma_wait3A_486, %mul3A_2] : memref<200x16384xi32, #tpu.memory_space<hbm>> -> memref<8x512xi32, #tpu.memory_space<hbm>>
    %dma_wait3A_488 = arith.constant 160 : i32
    %dma_wait3A_489 = tpu.memref_slice %arg4[%dma_wait3A_488, %mul3A_2] : memref<200x16384xi32, #tpu.memory_space<hbm>> -> memref<8x512xi32, #tpu.memory_space<hbm>>
    tpu.wait_dma2 semaphore(%arg35 : memref<!tpu.dma_semaphore, #tpu.memory_space<semaphore_mem>>) src(%arg19 : memref<8x512xi32, #tpu.memory_space<vmem>>) dst(%dma_wait3A_489 : memref<8x512xi32, #tpu.memory_space<hbm>>)
    %dma_wait3A_490 = arith.constant 168 : i32
    %dma_wait3A_491 = tpu.memref_slice %arg4[%dma_wait3A_490, %mul3A_2] : memref<200x16384xi32, #tpu.memory_space<hbm>> -> memref<8x512xi32, #tpu.memory_space<hbm>>
    %dma_wait3A_492 = arith.constant 168 : i32
    %dma_wait3A_493 = tpu.memref_slice %arg4[%dma_wait3A_492, %mul3A_2] : memref<200x16384xi32, #tpu.memory_space<hbm>> -> memref<8x512xi32, #tpu.memory_space<hbm>>
    tpu.wait_dma2 semaphore(%arg36 : memref<!tpu.dma_semaphore, #tpu.memory_space<semaphore_mem>>) src(%arg20 : memref<8x512xi32, #tpu.memory_space<vmem>>) dst(%dma_wait3A_493 : memref<8x512xi32, #tpu.memory_space<hbm>>)
    %dma_wait3A_494 = arith.constant 176 : i32
    %dma_wait3A_495 = tpu.memref_slice %arg4[%dma_wait3A_494, %mul3A_2] : memref<200x16384xi32, #tpu.memory_space<hbm>> -> memref<8x512xi32, #tpu.memory_space<hbm>>
    %dma_wait3A_496 = arith.constant 176 : i32
    %dma_wait3A_497 = tpu.memref_slice %arg4[%dma_wait3A_496, %mul3A_2] : memref<200x16384xi32, #tpu.memory_space<hbm>> -> memref<8x512xi32, #tpu.memory_space<hbm>>
    tpu.wait_dma2 semaphore(%arg37 : memref<!tpu.dma_semaphore, #tpu.memory_space<semaphore_mem>>) src(%arg21 : memref<8x512xi32, #tpu.memory_space<vmem>>) dst(%dma_wait3A_497 : memref<8x512xi32, #tpu.memory_space<hbm>>)
    %dma_wait3A_498 = arith.constant 184 : i32
    %dma_wait3A_499 = tpu.memref_slice %arg4[%dma_wait3A_498, %mul3A_2] : memref<200x16384xi32, #tpu.memory_space<hbm>> -> memref<8x512xi32, #tpu.memory_space<hbm>>
    %dma_wait3A_500 = arith.constant 184 : i32
    %dma_wait3A_501 = tpu.memref_slice %arg4[%dma_wait3A_500, %mul3A_2] : memref<200x16384xi32, #tpu.memory_space<hbm>> -> memref<8x512xi32, #tpu.memory_space<hbm>>
    tpu.wait_dma2 semaphore(%arg38 : memref<!tpu.dma_semaphore, #tpu.memory_space<semaphore_mem>>) src(%arg22 : memref<8x512xi32, #tpu.memory_space<vmem>>) dst(%dma_wait3A_501 : memref<8x512xi32, #tpu.memory_space<hbm>>)
    %dma_wait3A_502 = arith.constant 192 : i32
    %dma_wait3A_503 = tpu.memref_slice %arg4[%dma_wait3A_502, %mul3A_2] : memref<200x16384xi32, #tpu.memory_space<hbm>> -> memref<8x512xi32, #tpu.memory_space<hbm>>
    %dma_wait3A_504 = arith.constant 192 : i32
    %dma_wait3A_505 = tpu.memref_slice %arg4[%dma_wait3A_504, %mul3A_2] : memref<200x16384xi32, #tpu.memory_space<hbm>> -> memref<8x512xi32, #tpu.memory_space<hbm>>
    tpu.wait_dma2 semaphore(%arg31 : memref<!tpu.dma_semaphore, #tpu.memory_space<semaphore_mem>>) src(%arg15 : memref<8x512xi32, #tpu.memory_space<vmem>>) dst(%dma_wait3A_505 : memref<8x512xi32, #tpu.memory_space<hbm>>)
    return
  }
}

</mosaic_0001>

<sc_bundles>
// kernel: _lookup.3.cloned.1.call-start
scs
__scs_entry_jumppad:
0x0: {  	(pc) =	sbr.rel $0x88, $3  }
0x1: {  	(tag) =	ssettag $0x0;
	lr =	simm.s32 $0x1  }
0x2: {  	[smem:$0x3F9F] =	sst lr;
	_ =	strace $0xD0000000  }
0x3: {  	_ = 	snop  }
0x4: {  	_ = 	snop  }
0x5: {  	_ = 	snop  }
0x6: {  	_ = 	snop  }
0x7: {  	_ = 	snop  }
__scs_overlays_trampoline_lowered:
0x8: {  	[smem:$0x3FAE] =	sst s0  }
0x9: {  	[smem:$0x3FAF] =	sst s1  }
0xa: {  	[smem:$0x3FB0] =	sst s2  }
0xb: {  	[smem:$0x3FB1] =	sst s3  }
0xc: {  	[smem:$0x3FB2] =	sst s4  }
0xd: {  	[smem:$0x3FB3] =	sst s5  }
0xe: {  	[smem:$0x3FB4] =	sst s6  }
0xf: {  	[smem:$0x3FB5] =	sst s7  }
0x10: {  	[smem:$0x3FB6] =	sst s8  }
0x11: {  	[smem:$0x3FB7] =	sst s9;
	s0 =	simm.s32 @!p0 $0x0  }
0x12: {  	s1 =	sld [smem:$0x3F9D];
	s0 =	simm.s32 @p0 $0x1  }
0x13: {  	[smem:$0x3FB8] =	sst s0;
	s0 =	simm.s32 @!p1 $0x0  }
0x14: {  	s2 =	sld [smem:$0x3F9C];
	s0 =	simm.s32 @p1 $0x1  }
0x15: {  	[smem:$0x3FB9] =	sst s0;
	s0 =	simm.s32 @!p2 $0x0  }
0x16: {  	s3 =	sld [smem:$0x3FDB];
	s0 =	simm.s32 @p2 $0x1  }
0x17: {  	s4 =	simm.s32 $0x1BF5;
	[smem:$0x3FBB] =	sst s0  }
0x18: {  	s0 =	sld [smem:$0x3F9E];
	_ =	swait.ge [sflag:s4], $0x0  }
0x19: {  	s7 =	sld [smem:$0x3F9F]  }
0x1a: {  	s8 =	sadd.s32 $0xFFFFE003, lr  }
0x1b: {  	s9 =	sadd.s32 $0xFFFFFEF7, lr;
	s5 =	simm.s32 $0xFFFFFFFF;
	p2 =	slt.u32 s8, $0xFFFFF086  }
0x1c: {  	p1 =	slt.u32 s9, $0xF7A;
	s5 =	simm.s32 @!p2 $0x0  }
0x1d: {  	s5 =	simm.s32 @p1 $0x1;
	p0 =	seq.s32 s7, s2  }
0x1e: {  	s7 =	smul.u32 @!p0 $0xF7A, s2;
	p2 =	seq.s32 @!p0 s5, $0x0  }
0x1f: {  	s9 =	smul.u32 $0xF7A, s1;
	s8 =	simm.s32 @!p0 $0x1BF5;
	p2 =	por !p2, p0  }
0x20: {  	[sflag:s8] =	ssyncset.s32 @!p0 $0xFFFFF086;
	s6 =	sadd.s32 @!p0 s3, s7;
	s7 =	simm.s32 @!p0 $0x108  }
0x21: {  	s3 =	sadd.s32 s3, s9;
	s6 =	sadd.s32 @!p0 $0x88, s6;
	s7 =	simm.s32 @p2 $0x1082  }
0x22: {  	[simem:s7], [sflag:s8] =	dma.local @!p0 [hbm:s6], $0xF7A  }
0x23: {  	s9 =	sor.u32 $0xD0000000, s2;
	s6 =	simm.s32 $0x108;
	_ =	swait.ge @!p0 [sflag:s8], $0x0  }
0x24: {  	s3 =	sadd.s32 $0x88, s3;
	s6 =	simm.s32 @!p1 $0x1082;
	[sflag:s4] =	ssyncset.s32 $0xFFFFF086  }
0x25: {  	[simem:s6], [sflag:s4] =	dma.local [hbm:s3], $0xF7A  }
0x26: {  	[smem:$0x3F9F] =	sst s1;
	(tag) =	ssettag s2;
	_ =	strace s9  }
0x27: {  	s1 =	sld [smem:$0x3FAF]  }
0x28: {  	s2 =	sld [smem:$0x3FB0]  }
0x29: {  	s4 =	sld [smem:$0x3FB2]  }
0x2a: {  	p0 =	seq.s32 s5, $0x0;
	s5 =	sld [smem:$0x3FB3]  }
0x2b: {  	s6 =	sld [smem:$0x3FB4]  }
0x2c: {  	s7 =	sld [smem:$0x3FB5]  }
0x2d: {  	s3 =	simm.s32 $0x108;
	s8 =	sld [smem:$0x3FB6]  }
0x2e: {  	s3 =	simm.s32 @!p0 $0x1082;
	s9 =	sld [smem:$0x3FB7]  }
0x2f: {  	lr =	sadd.s32 s0, s3;
	s0 =	sld [smem:$0x3FAE]  }
0x30: {  	s3 =	sld [smem:$0x3FB1]  }
0x31: {  	[smem:$0x3FBA] =	sst s10  }
0x32: {  	s10 =	sld [smem:$0x3FB8];
	_ =	sdelay $0x3  }
0x33: {  	p0 =	seq.s32 s10, $0x1;
	s10 =	sld [smem:$0x3FBA];
	_ =	sdelay $0x3  }
0x34: {  	[smem:$0x3FBA] =	sst s10  }
0x35: {  	s10 =	sld [smem:$0x3FB9];
	_ =	sdelay $0x3  }
0x36: {  	p1 =	seq.s32 s10, $0x1;
	s10 =	sld [smem:$0x3FBA];
	_ =	sdelay $0x3  }
0x37: {  	[smem:$0x3FBA] =	sst s10  }
0x38: {  	s10 =	sld [smem:$0x3FBB]  }
0x39: {  	_ = 	snop;
	(pc) =	sbr.ind lr, $3  }
0x3a: {  	_ = 	snop  }
0x3b: {  	_ = 	snop  }
0x3c: {  	p2 =	seq.s32 s10, $0x1;
	s10 =	sld [smem:$0x3FBA]  }
0x3d: {  	_ =	shalt  }
0x3e: {  	_ =	shalt  }
0x3f: {  	_ =	shalt  }
0x40: {  	_ =	shalt  }
0x41: {  	_ =	shalt  }
0x42: {  	_ =	shalt  }
0x43: {  	_ =	shalt  }
0x44: {  	_ =	shalt  }
0x45: {  	_ =	shalt  }
0x46: {  	_ =	shalt  }
0x47: {  	_ =	shalt  }
0x48: {  	_ =	shalt  }
0x49: {  	_ =	shalt  }
0x4a: {  	_ =	shalt  }
0x4b: {  	_ =	shalt  }
0x4c: {  	_ =	shalt  }
0x4d: {  	_ =	shalt  }
0x4e: {  	_ =	shalt  }
0x4f: {  	_ =	shalt  }
0x50: {  	_ =	shalt  }
0x51: {  	_ =	shalt  }
0x52: {  	_ =	shalt  }
0x53: {  	_ =	shalt  }
0x54: {  	_ =	shalt  }
0x55: {  	_ =	shalt  }
0x56: {  	_ =	shalt  }
0x57: {  	_ =	shalt  }
0x58: {  	_ =	shalt  }
0x59: {  	_ =	shalt  }
0x5a: {  	_ =	shalt  }
0x5b: {  	_ =	shalt  }
0x5c: {  	_ =	shalt  }
0x5d: {  	_ =	shalt  }
0x5e: {  	_ =	shalt  }
0x5f: {  	_ =	shalt  }
0x60: {  	_ =	shalt  }
0x61: {  	_ =	shalt  }
0x62: {  	_ =	shalt  }
0x63: {  	_ =	shalt  }
0x64: {  	_ =	shalt  }
0x65: {  	_ =	shalt  }
0x66: {  	_ =	shalt  }
0x67: {  	_ =	shalt  }
0x68: {  	_ =	shalt  }
0x69: {  	_ =	shalt  }
0x6a: {  	_ =	shalt  }
0x6b: {  	_ =	shalt  }
0x6c: {  	_ =	shalt  }
0x6d: {  	_ =	shalt  }
0x6e: {  	_ =	shalt  }
0x6f: {  	_ =	shalt  }
0x70: {  	_ =	shalt  }
0x71: {  	_ =	shalt  }
0x72: {  	_ =	shalt  }
0x73: {  	_ =	shalt  }
0x74: {  	_ =	shalt  }
0x75: {  	_ =	shalt  }
0x76: {  	_ =	shalt  }
0x77: {  	_ =	shalt  }
0x78: {  	_ =	shalt  }
0x79: {  	_ =	shalt  }
0x7a: {  	_ =	shalt  }
0x7b: {  	_ =	shalt  }
0x7c: {  	_ =	shalt  }
0x7d: {  	_ =	shalt  }
0x7e: {  	_ =	shalt  }
0x7f: {  	_ =	shalt  }
0x80: {  	_ =	shalt  }
0x81: {  	_ =	shalt  }
0x82: {  	_ =	shalt  }
0x83: {  	_ =	shalt  }
0x84: {  	_ =	shalt  }
0x85: {  	_ =	shalt  }
0x86: {  	_ =	shalt  }
0x87: {  	_ =	shalt  }
.Lfunc_end0:
.L_simem_size_0:
called_computation_lowered:
.L_overlay_start_0:
0x88: {  	s2 =	sld [smem:$0x3FD9]  }
0x89: {  	s3 =	sld [smem:$0x3FFE];
	_ =	sdelay $0x1  }
0x8a: {  	s1 =	srdreg.scid  }
0x8b: {  	s0 =	sand.u32 $0x1, s1  }
0x8c: {  	s18 =	sshll.u32 s0, $0xA;
	s2 =	sadd.s32 s3, s2  }
0x8d: {  	s2 =	sadd.s32 s2, s18  }
0x8e: {  	[smem:$0x3FC6] =	sst s2  }
0x8f: {  	_ = 	snop  }
0x90: {  	s2 =	sld [smem:$0x3FC9]  }
0x91: {  	s19 =	sld [smem:$0x3FC8]  }
0x92: {  	s4 =	sld [smem:$0x3FD0];
	(tm) =	ssettm $0x1  }
0x93: {  	s5 =	sld [smem:$0x3FFB];
	_ =	sdelay $0x3  }
0x94: {  	_ =	strace s5  }
0x95: {  	s5 =	sld [smem:$0x3FFC];
	_ =	sdelay $0x3  }
0x96: {  	_ =	strace s5  }
0x97: {  	s5 =	sld [smem:$0x3FFD];
	_ =	sdelay $0x3  }
0x98: {  	_ =	strace s5  }
0x99: {  	_ =	strace $0x8FFFFFFF  }
0x9a: {  	s20 =	sld [smem:$0x3FDB];
	_ =	sdelay $0x1  }
0x9b: {  	s6 =	simm.s32 $_scs_section_size  }
0x9c: {  	s7 =	simm.s32 $_size__tile_overlayer_lowered;
	s8 =	simm.s32 $_tile_overlayer_lowered  }
0x9d: {  	s23 =	simm.s32 $0x1BFF;
	s22 =	sshll.u32 s8, $0x1;
	s5 =	sadd.s32 s6, s20  }
0x9e: {  	s9 =	simm.s32 $0x0;
	s21 =	sshll.u32 s7, $0x1;
	s7 =	sadd.s32 s22, s5  }
0x9f: {  	[timem:s9], [sflag:s23] =	dma.local [hbm:s7], s21  }
0xa0: {  	_ =	swait.ge [sflag:s23], s21  }
0xa1: {  	s6 =	ssub.s32 $0x0, s21;
	[sflag:s23] =	ssyncset.done $0x0  }
0xa2: {  	[sflag:s23] =	ssyncadd.s32 s6;
	_ =	sdelay $0x1  }
0xa3: {  	s24 =	simm.s32 $0x1B8B  }
0xa4: {  	_ =	swait.ge [sflag:s24], $0x1  }
0xa5: {  	[sflag:s24] =	ssyncset.done $0x0  }
0xa6: {  	s25 =	simm.s32 $0x1B8E;
	[sflag:s24] =	ssyncadd.s32 $0xFFFFFFFF  }
0xa7: {  	s26 =	simm.s32 $execute0_lowered;
	[smem:$0x3FD2] =	sst s25  }
0xa8: {  	s6 =	sshll.u32 s26, $0x1;
	_ =	strace $0x80000046;
	[dreg:$0x1] =	wrdreg $0xFFFFFFFF  }
0xa9: {  	s28 =	simm.s32 $_size_execute0_lowered;
	s5 =	sadd.s32 s5, s6;
	[dreg:$0x0] =	wrdreg $0x0  }
0xaa: {  	s6 =	sshll.u32 s28, $0x1;
	[dreg:$0x2] =	wrdreg s5  }
0xab: {  	[dreg:$0x3] =	wrdreg s6  }
0xac: {  	[dreg:$0x4] =	wrdreg $0xC0  }
0xad: {  	_ =	task [dreg:s9], $0x5FFFF  }
0xae: {  	[dreg:$0x1] =	wrdreg $0xFFFFFFFF  }
0xaf: {  	[dreg:$0x0] =	wrdreg $0x60  }
0xb0: {  	[dreg:$0x2] =	wrdreg s2  }
0xb1: {  	[dreg:$0x3] =	wrdreg s19  }
0xb2: {  	[dreg:$0x4] =	wrdreg s4  }
0xb3: {  	[dreg:$0x5] =	wrdreg $0x9  }
0xb4: {  	_ =	task.clear_ibuf [dreg:s9], $0x6FFFF;
	_ =	strace $0x90000046  }
0xb5: {  	s29 =	simm.s32 $0x9;
	_ =	strace $0x80000048  }
0xb6: {  	_ =	swait.ge [sflag:s29], $0x1  }
0xb7: {  	[sflag:s29] =	ssyncadd.s32 $0xFFFFFFFF  }
0xb8: {  	_ =	strace $0x90000048  }
0xb9: {  	_ =	sfence  }
0xba: {  	s30 =	sld [smem:$0x0];
	_ =	sdelay $0x2  }
0xbb: {  	s31 =	sshll.u32 s1, $0xD;
	s1 =	sshrl.u32 s1, $0x2  }
0xbc: {  	s3 =	sand.u32 $0x4000, s31;
	s1 =	sadd.s32 s1, s30  }
0xbd: {  	s0 =	sor.u32 s3, s0;
	s1 =	sshll.u32 s1, $0x11  }
0xbe: {  	s0 =	sor.u32 s1, s0  }
0xbf: {  	s0 =	sadd.s32 $0x8F2B, s0  }
0xc0: {  	[sflag:s0] =	ssyncadd.remote.s32 $0x1  }
0xc1: {  	_ =	sfence.sel $0xFFFF  }
0xc2: {  	[dreg:$0x0] =	wrdreg $0xFFFFFFFF;
	(pc) =	sbr.abs _section_cstart, $3  }
0xc3: {  	[dreg:$0x1] =	wrdreg $0xFFFFFFFF  }
0xc4: {  	_ =	task.clear_ibuf [dreg:s9], $0x2FFFF;
	_ =	strace $0x9FFFFFFF  }
0xc5: {  	(tm) =	ssettm $0x7FFFFFFF  }
tec
execute0_lowered:
.L_overlay_start_1:
0x0: {  	(tag) =	ssettag $0x1  }
0x1: {  	s3 =	srdreg.scid  }
0x2: {  	s2 =	rddreg [dreg:$0x0];
	s5 =	stileid.u32;
	s3 =	sand.u32 $0x1, s3  }
0x3: {  	s5 =	sshll.u32 s5, $0xA;
	s4 =	ssub.s32 $0x2, s3;
	s3 =	sshll.u32 s3, $0x9  }
0x4: {  	s0 =	rddreg [dreg:$0x2];
	s1 =	simm.s32 $0x0;
	s5 =	sor.u32 s3, s5  }
0x5: {  	[smem:$0x7FF] =	sst s1;
	s14 =	sor.u32 $0x4000, s5  }
0x6: {  	s6 =	sshrl.u32 s4, $0x1;
	s15 =	sor.u32 $0x8000, s5;
	s7 =	sadd.s32 s2, s14  }
0x7: {  	s17 =	sor.u32 $0xC000, s5;
	s16 =	sadd.s32 s2, s15;
	[dreg:$0x4] =	wrdreg s7  }
0x8: {  	s18 =	sor.u32 $0x10000, s5;
	s8 =	sadd.s32 s2, s17;
	[dreg:$0x5] =	wrdreg s16  }
0x9: {  	s9 =	sor.u32 $0x14000, s5;
	s10 =	sadd.s32 s2, s18;
	[dreg:$0x6] =	wrdreg s8  }
0xa: {  	s20 =	sor.u32 $0x18000, s5;
	s19 =	sadd.s32 s2, s9;
	[dreg:$0x7] =	wrdreg s10  }
0xb: {  	s21 =	sor.u32 $0x1C000, s5;
	s11 =	sadd.s32 s2, s20;
	[dreg:$0x8] =	wrdreg s19  }
0xc: {  	s12 =	sor.u32 $0x20000, s5;
	s13 =	sadd.s32 s2, s21;
	[dreg:$0x9] =	wrdreg s11  }
0xd: {  	s3 =	ssub.s32 s4, s6;
	s22 =	sadd.s32 s2, s12;
	[dreg:$0xa] =	wrdreg s13  }
0xe: {  	s23 =	sor.u32 $0x24000, s5;
	s4 =	sadd.s32 s0, s14;
	[dreg:$0xb] =	wrdreg s22  }
0xf: {  	s24 =	sadd.s32 s2, s23;
	[dreg:$0xc] =	wrdreg s4  }
0x10: {  	s25 =	sor.u32 $0x28000, s5;
	s6 =	sadd.s32 s0, s15;
	[dreg:$0xd] =	wrdreg s24  }
0x11: {  	s26 =	sadd.s32 s2, s25;
	[dreg:$0xe] =	wrdreg s6  }
0x12: {  	s30 =	sadd.s32 s0, s17;
	[dreg:$0xf] =	wrdreg s26  }
0x13: {  	s31 =	sadd.s32 s0, s18;
	[dreg:$0x10] =	wrdreg s30  }
0x14: {  	[dreg:$0x11] =	wrdreg s31;
	s7 =	sadd.s32 s0, s9  }
0x15: {  	s8 =	sadd.s32 s0, s20;
	[dreg:$0x12] =	wrdreg s7  }
0x16: {  	s9 =	sadd.s32 s0, s21;
	[dreg:$0x13] =	wrdreg s8  }
0x17: {  	s10 =	sadd.s32 s0, s12;
	[dreg:$0x14] =	wrdreg s9  }
0x18: {  	s11 =	sadd.s32 s0, s23;
	[dreg:$0x15] =	wrdreg s10  }
0x19: {  	s17 =	sor.u32 $0x34000, s5;
	s4 =	sadd.s32 s0, s25;
	[dreg:$0x16] =	wrdreg s11  }
0x1a: {  	s18 =	sor.u32 $0x38000, s5;
	s19 =	sadd.s32 s2, s17;
	[dreg:$0x17] =	wrdreg s4  }
0x1b: {  	s20 =	sadd.s32 s2, s18;
	[dreg:$0x1c] =	wrdreg s19  }
0x1c: {  	s21 =	sadd.s32 s0, s18;
	[dreg:$0x1e] =	wrdreg s20  }
0x1d: {  	s30 =	sadd.s32 s2, s5;
	[dreg:$0x1f] =	wrdreg s21  }
0x1e: {  	s12 =	sor.u32 $0x2C000, s5;
	s31 =	sadd.s32 s0, s5;
	[smem:$0x7EB] =	sst s30  }
0x1f: {  	s14 =	sadd.s32 s2, s12;
	[smem:$0x7EC] =	sst s31  }
0x20: {  	s13 =	sor.u32 $0x30000, s5;
	s4 =	sadd.s32 s0, s12;
	[dreg:$0x18] =	wrdreg s14  }
0x21: {  	s15 =	sadd.s32 s2, s13;
	[dreg:$0x19] =	wrdreg s4  }
0x22: {  	s22 =	sor.u32 $0x3C000, s5;
	s16 =	sadd.s32 s0, s13;
	[dreg:$0x1a] =	wrdreg s15  }
0x23: {  	s23 =	sor.u32 $0x40000, s5;
	s24 =	sadd.s32 s2, s22;
	[dreg:$0x1b] =	wrdreg s16  }
0x24: {  	s25 =	sadd.s32 s2, s23;
	[smem:$0x7E7] =	sst s24  }
0x25: {  	s6 =	sor.u32 $0x44000, s5;
	s26 =	sadd.s32 s0, s23;
	[smem:$0x7E9] =	sst s25  }
0x26: {  	s28 =	simm.s32 $0x10;
	s21 =	sadd.s32 s0, s6;
	[smem:$0x7EA] =	sst s26  }
0x27: {  	s29 =	simm.s32 $0x0;
	s4 =	sadd.s32 s0, s17;
	[smem:$0x7F5] =	sst s21  }
0x28: {  	s7 =	sor.u32 $0x48000, s5;
	s14 =	sadd.s32 s2, s6;
	[dreg:$0x1d] =	wrdreg s4  }
0x29: {  	s8 =	sor.u32 $0x4C000, s5;
	s15 =	sadd.s32 s2, s7;
	[smem:$0x7ED] =	sst s14  }
0x2a: {  	s9 =	sor.u32 $0x50000, s5;
	s16 =	sadd.s32 s2, s8;
	[smem:$0x7EE] =	sst s15  }
0x2b: {  	s10 =	sor.u32 $0x54000, s5;
	s17 =	sadd.s32 s2, s9;
	[smem:$0x7EF] =	sst s16  }
0x2c: {  	s11 =	sor.u32 $0x58000, s5;
	s18 =	sadd.s32 s2, s10;
	[smem:$0x7F0] =	sst s17  }
0x2d: {  	s13 =	sor.u32 $0x5C000, s5;
	s19 =	sadd.s32 s2, s11;
	[smem:$0x7F1] =	sst s18  }
0x2e: {  	s5 =	sor.u32 $0x60000, s5;
	s20 =	sadd.s32 s2, s13;
	[smem:$0x7F2] =	sst s19  }
0x2f: {  	s31 =	smax.u32 s3, $0x1;
	s2 =	sadd.s32 s2, s5;
	[smem:$0x7F3] =	sst s20  }
0x30: {  	s3 =	simm.s32 $0x1;
	s23 =	sadd.s32 s0, s8;
	[smem:$0x7F4] =	sst s2  }
0x31: {  	s24 =	sadd.s32 s0, s9;
	s25 =	sadd.s32 s0, s10;
	[smem:$0x7F7] =	sst s23  }
0x32: {  	s26 =	sadd.s32 s0, s11;
	s30 =	sadd.s32 s0, s13;
	[smem:$0x7F8] =	sst s24  }
0x33: {  	s9 =	simm.s32 $0x4;
	s11 =	simm.s32 $0x5;
	[smem:$0x7F9] =	sst s25  }
0x34: {  	s13 =	simm.s32 $0x6;
	s21 =	simm.s32 $0xB;
	[smem:$0x7FA] =	sst s26  }
0x35: {  	s4 =	sadd.s32 s0, s22;
	s22 =	sadd.s32 s0, s7;
	[smem:$0x7FB] =	sst s30  }
0x36: {  	s0 =	sadd.s32 s0, s5;
	s2 =	simm.s32 $0x100;
	s5 =	simm.s32 $0x2  }
0x37: {  	s7 =	simm.s32 $0x3;
	s15 =	simm.s32 $0x7;
	s17 =	simm.s32 $0x8  }
0x38: {  	s19 =	simm.s32 $0x9;
	s20 =	simm.s32 $0xA;
	[smem:$0x7E8] =	sst s4  }
0x39: {  	v0 =	vlaneseq.u32;
	s24 =	simm.s32 $0xD;
	s25 =	simm.s32 $0xE;
	[smem:$0x7F6] =	sst s22  }
0x3a: {  	v1 =	vmul.u32 $0x10, v0;
	s26 =	simm.s32 $0xF;
	[smem:$0x7FC] =	sst s0;
	s4 =	simm.s32 $0x9100  }
0x3b: {  	s22 =	simm.s32 $0xC;
	_ =	strace $0x80000047;
	[smem:$0x7FD] =	sst s31  }
.LBB2_1:
0x3c: {  	s0 =	sld [smem:$0x7EB];
	_ =	sdelay $0x1  }
0x3d: {  	s6 =	simm.s32 $0x1100  }
0x3e: {  	[tilespmem:s6], [sflag:$0x1] =	stream.linear.gather [hbm4b:s0+s1], $0x1000, $0x38;
	[tilespmem:$0x11100] =	vst v63  }
0x3f: {  	s8 =	simm.s32 $0x2100;
	s6 =	rddreg [dreg:$0x4]  }
0x40: {  	[tilespmem:s8], [sflag:$0x2] =	stream.linear.gather [hbm4b:s6+s1], $0x1000, $0x38;
	[tilespmem:$0x11100] =	vst v63  }
0x41: {  	s10 =	rddreg [dreg:$0x5];
	s12 =	simm.s32 $0x3100  }
0x42: {  	[tilespmem:s12], [sflag:$0x3] =	stream.linear.gather [hbm4b:s10+s1], $0x1000, $0x38;
	[tilespmem:$0x11100] =	vst v63  }
0x43: {  	s14 =	rddreg [dreg:$0x6];
	s16 =	simm.s32 $0x4100  }
0x44: {  	[tilespmem:s16], [sflag:$0x4] =	stream.linear.gather [hbm4b:s14+s1], $0x1000, $0x38;
	[tilespmem:$0x11100] =	vst v63  }
0x45: {  	s18 =	rddreg [dreg:$0x7];
	s23 =	simm.s32 $0x5100  }
0x46: {  	[tilespmem:s23], [sflag:$0x5] =	stream.linear.gather [hbm4b:s18+s1], $0x1000, $0x38;
	[tilespmem:$0x11100] =	vst v63  }
0x47: {  	s30 =	rddreg [dreg:$0x8];
	s31 =	simm.s32 $0x6100  }
0x48: {  	[tilespmem:s31], [sflag:$0x6] =	stream.linear.gather [hbm4b:s30+s1], $0x1000, $0x38;
	[tilespmem:$0x11100] =	vst v63  }
0x49: {  	s6 =	rddreg [dreg:$0x9];
	s8 =	simm.s32 $0x7100  }
0x4a: {  	[tilespmem:s8], [sflag:$0x7] =	stream.linear.gather [hbm4b:s6+s1], $0x1000, $0x38;
	[tilespmem:$0x11100] =	vst v63  }
0x4b: {  	s10 =	rddreg [dreg:$0xa];
	s12 =	simm.s32 $0x8100  }
0x4c: {  	[tilespmem:s12], [sflag:$0x8] =	stream.linear.gather [hbm4b:s10+s1], $0x1000, $0x38;
	[tilespmem:$0x11100] =	vst v63  }
0x4d: {  	s14 =	rddreg [dreg:$0x1];
	s16 =	simm.s32 $0x11  }
0x4e: {  	[tilespmem:s1], [sflag:$0x11] =	stream.linear.gather [hbm4b:s14+s1], $0x100, $0x38;
	[tilespmem:$0x11100] =	vst v63  }
0x4f: {  	_ =	swait.ge [sflag:s16], $0x100  }
0x50: {  	[sflag:s16] =	ssyncset.done $0x0  }
0x51: {  	s18 =	simm.s32 $0x0;
	[sflag:s16] =	ssyncadd.s32 $0xFFFFFF00  }
0x52: {  	s23 =	simm.s32 $0x1;
	v3 =	vor.u32 s18, v1;
	v2 =	vld [tilespmem:s1+$0x0]  }
0x53: {  	v4 =	vor.u32 s23, v1;
	s30 =	simm.s32 $0x2  }
0x54: {  	s31 =	simm.s32 $0x3;
	v5 =	vor.u32 s30, v1  }
0x55: {  	v6 =	vor.u32 s31, v1;
	s6 =	simm.s32 $0x4  }
0x56: {  	s8 =	simm.s32 $0x5;
	v7 =	vor.u32 s6, v1  }
0x57: {  	s10 =	simm.s32 $0x6;
	[tilespmem:v3+s2+$0x0] =	vst.idx.msk $0xffff, v2;
	v3 =	vor.u32 s8, v1  }
0x58: {  	s12 =	simm.s32 $0x7;
	[tilespmem:v4+s2+$0x0] =	vst.idx.msk $0xffff, v2;
	v4 =	vor.u32 s10, v1  }
0x59: {  	s14 =	simm.s32 $0x8;
	[tilespmem:v5+s2+$0x0] =	vst.idx.msk $0xffff, v2;
	v5 =	vor.u32 s12, v1  }
0x5a: {  	v8 =	vor.u32 s14, v1;
	s16 =	simm.s32 $0x9;
	[tilespmem:v6+s2+$0x0] =	vst.idx.msk $0xffff, v2  }
0x5b: {  	s18 =	simm.s32 $0xA;
	[tilespmem:v7+s2+$0x0] =	vst.idx.msk $0xffff, v2;
	v7 =	vor.u32 s16, v1  }
0x5c: {  	s23 =	simm.s32 $0xB;
	v6 =	vor.u32 s18, v1;
	[tilespmem:v3+s2+$0x0] =	vst.idx.msk $0xffff, v2  }
0x5d: {  	s30 =	simm.s32 $0xC;
	v3 =	vor.u32 s23, v1;
	[tilespmem:v4+s2+$0x0] =	vst.idx.msk $0xffff, v2  }
0x5e: {  	s31 =	simm.s32 $0xD;
	v4 =	vor.u32 s30, v1;
	[tilespmem:v5+s2+$0x0] =	vst.idx.msk $0xffff, v2  }
0x5f: {  	s8 =	simm.s32 $0xE;
	v5 =	vor.u32 s31, v1;
	[tilespmem:v8+s2+$0x0] =	vst.idx.msk $0xffff, v2  }
0x60: {  	s0 =	simm.s32 $0x10F;
	s6 =	simm.s32 $0x0;
	[tilespmem:v7+s2+$0x0] =	vst.idx.msk $0xffff, v2;
	v7 =	vor.u32 s8, v1;
	s8 =	simm.s32 $0xF  }
.LBB2_2:
0x61: {  	s10 =	sadd.s32 $0xFFFFFFF1, s0;
	p0 =	sne.s32 s0, $0xF0F;
	[tilespmem:v6+s2+$0x0] =	vst.idx.msk $0xffff, v2;
	v6 =	vor.u32 s8, v1;
	s6 =	sadd.s32 $0x10, s6  }
0x62: {  	s8 =	smov.u32 s0;
	v8 =	vld [tilespmem:s6+$0x0];
	v9 =	vor.u32 s10, v1;
	s10 =	sadd.s32 $0xFFFFFFF2, s0;
	[tilespmem:v3+s2+$0x0] =	vst.idx.msk $0xffff, v2  }
0x63: {  	v3 =	vor.u32 s10, v1;
	s10 =	sadd.s32 $0xFFFFFFF3, s0;
	[tilespmem:v4+s2+$0x0] =	vst.idx.msk $0xffff, v2  }
0x64: {  	v4 =	vor.u32 s10, v1;
	s10 =	sadd.s32 $0xFFFFFFF4, s0;
	[tilespmem:v5+s2+$0x0] =	vst.idx.msk $0xffff, v2  }
0x65: {  	v5 =	vor.u32 s10, v1;
	s10 =	sadd.s32 $0xFFFFFFF5, s0;
	[tilespmem:v7+s2+$0x0] =	vst.idx.msk $0xffff, v2  }
0x66: {  	v7 =	vor.u32 s10, v1;
	s10 =	sadd.s32 $0xFFFFFFF6, s0;
	[tilespmem:v6+s2+$0x0] =	vst.idx.msk $0xffff, v2  }
0x67: {  	[tilespmem:v9+s2+$0x0] =	vst.idx.msk $0xffff, v8;
	v6 =	vor.u32 s10, v1;
	s10 =	sadd.s32 $0xFFFFFFF7, s0;
	v2 =	vmov v8  }
0x68: {  	[tilespmem:v3+s2+$0x0] =	vst.idx.msk $0xffff, v2;
	v3 =	vor.u32 s10, v1;
	s10 =	sadd.s32 $0xFFFFFFF8, s0  }
0x69: {  	[tilespmem:v4+s2+$0x0] =	vst.idx.msk $0xffff, v2;
	v4 =	vor.u32 s10, v1;
	s10 =	sadd.s32 $0xFFFFFFF9, s0  }
0x6a: {  	[tilespmem:v5+s2+$0x0] =	vst.idx.msk $0xffff, v2;
	v5 =	vor.u32 s10, v1;
	s10 =	sadd.s32 $0xFFFFFFFA, s0  }
0x6b: {  	[tilespmem:v7+s2+$0x0] =	vst.idx.msk $0xffff, v2;
	v7 =	vor.u32 s10, v1;
	s10 =	sadd.s32 $0xFFFFFFFB, s0  }
.Ltmp0:
0x6c: {  	[tilespmem:v6+s2+$0x0] =	vst.idx.msk $0xffff, v2;
	v6 =	vor.u32 s10, v1;
	s10 =	sadd.s32 $0xFFFFFFFC, s0;
	(pc) =	sbr.rel @p0 .LBB2_2-.Ltmp0, $4  }
0x6d: {  	[tilespmem:v3+s2+$0x0] =	vst.idx.msk $0xffff, v2;
	v3 =	vor.u32 s10, v1;
	s10 =	sadd.s32 $0xFFFFFFFD, s0  }
0x6e: {  	[tilespmem:v4+s2+$0x0] =	vst.idx.msk $0xffff, v2;
	v4 =	vor.u32 s10, v1;
	s10 =	sadd.s32 $0xFFFFFFFE, s0  }
0x6f: {  	[tilespmem:v5+s2+$0x0] =	vst.idx.msk $0xffff, v2;
	v5 =	vor.u32 s10, v1;
	s10 =	sadd.s32 $0xFFFFFFFF, s0  }
0x70: {  	s0 =	sadd.s32 $0x100, s0;
	[tilespmem:v7+s2+$0x0] =	vst.idx.msk $0xffff, v2;
	v7 =	vor.u32 s10, v1  }
0x71: {  	_ =	sdelay $0x3  }
0x72: {  	[tilespmem:v6+s2+$0x0] =	vst.idx.msk $0xffff, v2;
	v6 =	vor.u32 s8, v1  }
0x73: {  	[tilespmem:v3+s2+$0x0] =	vst.idx.msk $0xffff, v2  }
0x74: {  	[tilespmem:v4+s2+$0x0] =	vst.idx.msk $0xffff, v2  }
0x75: {  	[tilespmem:v5+s2+$0x0] =	vst.idx.msk $0xffff, v2  }
0x76: {  	s0 =	simm.s32 $0x0;
	[tilespmem:v7+s2+$0x0] =	vst.idx.msk $0xffff, v2  }
0x77: {  	s6 =	sand.u32 $0x3, s0;
	[tilespmem:v6+s2+$0x0] =	vst.idx.msk $0xffff, v2  }
0x78: {  	s6 =	sshll.u32 s6, $0xA;
	_ =	swait.ge [sflag:s3], $0x1000  }
0x79: {  	s16 =	sand.u32 $0xC00, s0;
	s6 =	sadd.s32 $0x0, s6;
	[sflag:s3] =	ssyncset.done $0x0  }
0x7a: {  	s0 =	sand.u32 $0x380, s0;
	s12 =	sor.u32 $0x70, s6;
	[sflag:s3] =	ssyncadd.s32 $0xFFFFF000  }
0x7b: {  	s30 =	sor.u32 s0, s16;
	v2 =	vld [tilespmem:s12+$0x1100]  }
0x7c: {  	s14 =	sor.u32 $0x60, s6;
	v6 =	vld [tilespmem:s30+$0x1120]  }
0x7d: {  	v3 =	vld [tilespmem:s14+$0x1100]  }
0x7e: {  	s18 =	simm.s32 $0x1;
	v4 =	vld [tilespmem:s30+$0x1100]  }
0x7f: {  	s0 =	sand.u32 $0x3, s18;
	v5 =	vld [tilespmem:s30+$0x1110]  }
0x80: {  	s0 =	sshll.u32 s0, $0xA;
	v7 =	vld [tilespmem:s30+$0x1130]  }
0x81: {  	s8 =	simm.s32 $0x400;
	s10 =	simm.s32 $0x20;
	s23 =	sadd.s32 $0x20, s0;
	v8 =	vld [tilespmem:s30+$0x1140];
	v6 =	vshll.u32 v6, $0x4  }
0x82: {  	s31 =	sand.u32 $0xC00, s8;
	s16 =	sand.u32 $0x380, s10;
	s6 =	sor.u32 $0x60, s23;
	v9 =	vld [tilespmem:s30+$0x1150];
	v6 =	vor.u32 v0, v6  }
0x83: {  	s31 =	sor.u32 s16, s31;
	v11 =	vld [tilespmem:s6+$0x1100];
	v2 =	vshll.u32 v2, $0x4  }
0x84: {  	v12 =	vld [tilespmem:s31+$0x1100];
	v3 =	vshll.u32 v3, $0x4;
	v2 =	vor.u32 v0, v2  }
0x85: {  	v13 =	vld [tilespmem:s31+$0x1110];
	v4 =	vshll.u32 v4, $0x4;
	v3 =	vor.u32 v0, v3  }
0x86: {  	v14 =	vld [tilespmem:s31+$0x1120];
	v5 =	vshll.u32 v5, $0x4;
	v4 =	vor.u32 v0, v4  }
0x87: {  	s0 =	sor.u32 $0x70, s23;
	v5 =	vor.u32 v0, v5;
	v10 =	vld.idx.msk [tilespmem:v6+s2+$0x0], $0xffff  }
0x88: {  	v6 =	vld [tilespmem:s0+$0x1100]  }
0x89: {  	v2 =	vld.idx.msk [tilespmem:v2+s2+$0x0], $0xffff  }
0x8a: {  	v7 =	vshll.u32 v7, $0x4;
	v3 =	vld.idx.msk [tilespmem:v3+s2+$0x0], $0xffff  }
0x8b: {  	v8 =	vshll.u32 v8, $0x4;
	v7 =	vor.u32 v0, v7;
	v4 =	vld.idx.msk [tilespmem:v4+s2+$0x0], $0xffff  }
0x8c: {  	v9 =	vshll.u32 v9, $0x4;
	v8 =	vor.u32 v0, v8;
	v5 =	vld.idx.msk [tilespmem:v5+s2+$0x0], $0xffff  }
0x8d: {  	v16 =	vld [tilespmem:s31+$0x1130];
	v15 =	vor.u32 v0, v9;
	v6 =	vshll.u32 v6, $0x4  }
0x8e: {  	v17 =	vld [tilespmem:s31+$0x1140];
	[tilespmem:s12+$0x9100] =	vst v2;
	v2 =	vshll.u32 v11, $0x4;
	v18 =	vor.u32 v0, v6  }
0x8f: {  	v9 =	vshll.u32 v12, $0x4;
	[tilespmem:s14+$0x9100] =	vst v3;
	v6 =	vld [tilespmem:s31+$0x1150];
	v11 =	vor.u32 v0, v2  }
0x90: {  	v9 =	vor.u32 v0, v9;
	v3 =	vld.idx.msk [tilespmem:v7+s2+$0x0], $0xffff;
	[tilespmem:s30+$0x9100] =	vst v4;
	v2 =	vshll.u32 v13, $0x4  }
0x91: {  	v4 =	vld.idx.msk [tilespmem:v8+s2+$0x0], $0xffff;
	[tilespmem:s30+$0x9110] =	vst v5;
	v7 =	vor.u32 v0, v2;
	v2 =	vshll.u32 v14, $0x4  }
0x92: {  	v8 =	vshll.u32 v16, $0x4;
	v5 =	vld.idx.msk [tilespmem:v15+s2+$0x0], $0xffff;
	[tilespmem:s30+$0x9120] =	vst v10;
	v10 =	vor.u32 v0, v2  }
0x93: {  	v12 =	vshll.u32 v17, $0x4;
	s12 =	simm.s32 $0x8;
	s14 =	simm.s32 $0x2;
	v2 =	vor.u32 v0, v8;
	v8 =	vld.idx.msk [tilespmem:v18+s2+$0x0], $0xffff  }
.LBB2_4:
0x94: {  	s16 =	sand.u32 $0x3, s14;
	s12 =	sadd.s32 $0x8, s12;
	v12 =	vor.u32 v0, v12;
	v6 =	vshll.u32 v6, $0x4;
	v11 =	vld.idx.msk [tilespmem:v11+s2+$0x0], $0xffff;
	s8 =	sadd.s32 $0x400, s8  }
0x95: {  	s10 =	sadd.s32 $0x20, s10;
	s16 =	sshll.u32 s16, $0xA;
	p0 =	slt.u32 s12, $0xF8;
	v9 =	vld.idx.msk [tilespmem:v9+s2+$0x0], $0xffff;
	v13 =	vor.u32 v0, v6  }
0x96: {  	s18 =	sand.u32 $0xC00, s8;
	s23 =	sand.u32 $0x380, s10;
	s16 =	sadd.s32 s16, s10;
	v6 =	vld.idx.msk [tilespmem:v7+s2+$0x0], $0xffff;
	[tilespmem:s30+$0x9130] =	vst v3  }
0x97: {  	s18 =	sor.u32 s23, s18;
	s23 =	sor.u32 $0x60, s16;
	s16 =	sor.u32 $0x70, s16;
	v3 =	vld.idx.msk [tilespmem:v10+s2+$0x0], $0xffff;
	[tilespmem:s30+$0x9140] =	vst v4  }
0x98: {  	v4 =	vld [tilespmem:s16+$0x1100];
	[tilespmem:s30+$0x9150] =	vst v5;
	s30 =	smov.u32 s31;
	s31 =	smov.u32 s18  }
0x99: {  	v5 =	vld [tilespmem:s23+$0x1100];
	[tilespmem:s0+$0x9100] =	vst v8;
	s0 =	smov.u32 s16  }
0x9a: {  	v7 =	vld [tilespmem:s31+$0x1100];
	[tilespmem:s6+$0x9100] =	vst v11;
	s6 =	smov.u32 s23  }
0x9b: {  	v8 =	vld [tilespmem:s31+$0x1110];
	[tilespmem:s30+$0x9100] =	vst v9  }
0x9c: {  	v10 =	vld [tilespmem:s31+$0x1120];
	[tilespmem:s30+$0x9110] =	vst v6  }
0x9d: {  	v14 =	vld [tilespmem:s31+$0x1130];
	v4 =	vshll.u32 v4, $0x4;
	[tilespmem:s30+$0x9120] =	vst v3  }
0x9e: {  	v15 =	vld [tilespmem:s31+$0x1140];
	v3 =	vshll.u32 v5, $0x4;
	v16 =	vor.u32 v0, v4  }
.Ltmp1:
0x9f: {  	v4 =	vshll.u32 v7, $0x4;
	v6 =	vld [tilespmem:s31+$0x1150];
	v11 =	vor.u32 v0, v3;
	(pc) =	sbr.rel @p0 .LBB2_4-.Ltmp1, $4  }
0xa0: {  	v9 =	vor.u32 v0, v4;
	v4 =	vshll.u32 v8, $0x4;
	v3 =	vld.idx.msk [tilespmem:v2+s2+$0x0], $0xffff  }
0xa1: {  	v7 =	vor.u32 v0, v4;
	v2 =	vshll.u32 v10, $0x4;
	v4 =	vld.idx.msk [tilespmem:v12+s2+$0x0], $0xffff  }
0xa2: {  	v10 =	vor.u32 v0, v2;
	v2 =	vshll.u32 v14, $0x4;
	v5 =	vld.idx.msk [tilespmem:v13+s2+$0x0], $0xffff  }
0xa3: {  	s14 =	sadd.s32 $0x1, s14;
	v2 =	vor.u32 v0, v2;
	v12 =	vshll.u32 v15, $0x4;
	v8 =	vld.idx.msk [tilespmem:v16+s2+$0x0], $0xffff  }
0xa4: {  	_ =	sdelay $0x3  }
0xa5: {  	v12 =	vor.u32 v0, v12;
	v6 =	vshll.u32 v6, $0x4;
	v11 =	vld.idx.msk [tilespmem:v11+s2+$0x0], $0xffff  }
0xa6: {  	v9 =	vld.idx.msk [tilespmem:v9+s2+$0x0], $0xffff;
	v6 =	vor.u32 v0, v6;
	[tilespmem:s30+$0x9130] =	vst v3  }
0xa7: {  	v2 =	vld.idx.msk [tilespmem:v2+s2+$0x0], $0xffff;
	[tilespmem:s30+$0x9140] =	vst v4  }
0xa8: {  	v3 =	vld.idx.msk [tilespmem:v7+s2+$0x0], $0xffff;
	[tilespmem:s30+$0x9150] =	vst v5  }
0xa9: {  	v4 =	vld.idx.msk [tilespmem:v10+s2+$0x0], $0xffff;
	[tilespmem:s0+$0x9100] =	vst v8  }
0xaa: {  	[tilespmem:s6+$0x9100] =	vst v11;
	v5 =	vld.idx.msk [tilespmem:v12+s2+$0x0], $0xffff  }
0xab: {  	[tilespmem:s31+$0x9100] =	vst v9;
	v6 =	vld.idx.msk [tilespmem:v6+s2+$0x0], $0xffff  }
0xac: {  	[tilespmem:s31+$0x9130] =	vst v2  }
0xad: {  	[tilespmem:s31+$0x9110] =	vst v3  }
0xae: {  	[tilespmem:s31+$0x9120] =	vst v4  }
0xaf: {  	[tilespmem:s31+$0x9140] =	vst v5  }
0xb0: {  	[tilespmem:s31+$0x9150] =	vst v6  }
0xb1: {  	s6 =	sld [smem:$0x7EC];
	_ =	sdelay $0x1  }
0xb2: {  	s10 =	simm.s32 $0x0  }
0xb3: {  	[hbm4b:s6+s10] =	stream.linear.scatter [tilespmem:s4], [sflag:$0x9], $0x1000, $0x38;
	[tilespmem:$0x11100] =	vst v63  }
0xb4: {  	s8 =	simm.s32 $0x1100;
	s14 =	sand.u32 $0x3, s10;
	s12 =	rddreg [dreg:$0xb]  }
0xb5: {  	[tilespmem:s8], [sflag:$0x1] =	stream.linear.gather [hbm4b:s12+s10], $0x1000, $0x38;
	[tilespmem:$0x11100] =	vst v63  }
0xb6: {  	s6 =	sshll.u32 s14, $0xA;
	_ =	swait.ge [sflag:s5], $0x1000  }
0xb7: {  	s16 =	sand.u32 $0xC00, s10;
	s6 =	sadd.s32 $0x0, s6;
	[sflag:s5] =	ssyncset.done $0x0  }
0xb8: {  	s0 =	sand.u32 $0x380, s10;
	s12 =	sor.u32 $0x70, s6;
	[sflag:s5] =	ssyncadd.s32 $0xFFFFF000  }
0xb9: {  	s30 =	sor.u32 s0, s16;
	v2 =	vld [tilespmem:s12+$0x2100]  }
0xba: {  	s14 =	sor.u32 $0x60, s6;
	v6 =	vld [tilespmem:s30+$0x2120]  }
0xbb: {  	v3 =	vld [tilespmem:s14+$0x2100]  }
0xbc: {  	s18 =	simm.s32 $0x1;
	v4 =	vld [tilespmem:s30+$0x2100]  }
0xbd: {  	s0 =	sand.u32 $0x3, s18;
	v5 =	vld [tilespmem:s30+$0x2110]  }
0xbe: {  	s0 =	sshll.u32 s0, $0xA;
	v7 =	vld [tilespmem:s30+$0x2130]  }
0xbf: {  	s23 =	sadd.s32 $0x20, s0;
	s8 =	simm.s32 $0x400;
	s10 =	simm.s32 $0x20;
	v8 =	vld [tilespmem:s30+$0x2140];
	v6 =	vshll.u32 v6, $0x4  }
0xc0: {  	s6 =	sor.u32 $0x60, s23;
	s16 =	sand.u32 $0xC00, s8;
	s18 =	sand.u32 $0x380, s10;
	v9 =	vld [tilespmem:s30+$0x2150];
	v6 =	vor.u32 v0, v6  }
0xc1: {  	s31 =	sor.u32 s18, s16;
	v11 =	vld [tilespmem:s6+$0x2100];
	v2 =	vshll.u32 v2, $0x4  }
0xc2: {  	v12 =	vld [tilespmem:s31+$0x2100];
	v3 =	vshll.u32 v3, $0x4;
	v2 =	vor.u32 v0, v2  }
0xc3: {  	v13 =	vld [tilespmem:s31+$0x2110];
	v4 =	vshll.u32 v4, $0x4;
	v3 =	vor.u32 v0, v3  }
0xc4: {  	v14 =	vld [tilespmem:s31+$0x2120];
	v5 =	vshll.u32 v5, $0x4;
	v4 =	vor.u32 v0, v4  }
0xc5: {  	s0 =	sor.u32 $0x70, s23;
	v5 =	vor.u32 v0, v5;
	v10 =	vld.idx.msk [tilespmem:v6+s2+$0x0], $0xffff  }
0xc6: {  	v6 =	vld [tilespmem:s0+$0x2100]  }
0xc7: {  	v2 =	vld.idx.msk [tilespmem:v2+s2+$0x0], $0xffff  }
0xc8: {  	v7 =	vshll.u32 v7, $0x4;
	v3 =	vld.idx.msk [tilespmem:v3+s2+$0x0], $0xffff  }
0xc9: {  	v8 =	vshll.u32 v8, $0x4;
	v7 =	vor.u32 v0, v7;
	v4 =	vld.idx.msk [tilespmem:v4+s2+$0x0], $0xffff  }
0xca: {  	v9 =	vshll.u32 v9, $0x4;
	v8 =	vor.u32 v0, v8;
	v5 =	vld.idx.msk [tilespmem:v5+s2+$0x0], $0xffff  }
0xcb: {  	v16 =	vld [tilespmem:s31+$0x2130];
	v15 =	vor.u32 v0, v9;
	v6 =	vshll.u32 v6, $0x4  }
0xcc: {  	v17 =	vld [tilespmem:s31+$0x2140];
	[tilespmem:s12+$0xA100] =	vst v2;
	v2 =	vshll.u32 v11, $0x4;
	v18 =	vor.u32 v0, v6  }
0xcd: {  	v9 =	vshll.u32 v12, $0x4;
	[tilespmem:s14+$0xA100] =	vst v3;
	v6 =	vld [tilespmem:s31+$0x2150];
	v11 =	vor.u32 v0, v2  }
0xce: {  	v9 =	vor.u32 v0, v9;
	v3 =	vld.idx.msk [tilespmem:v7+s2+$0x0], $0xffff;
	[tilespmem:s30+$0xA100] =	vst v4;
	v2 =	vshll.u32 v13, $0x4  }
0xcf: {  	v4 =	vld.idx.msk [tilespmem:v8+s2+$0x0], $0xffff;
	[tilespmem:s30+$0xA110] =	vst v5;
	v7 =	vor.u32 v0, v2;
	v2 =	vshll.u32 v14, $0x4  }
0xd0: {  	v8 =	vshll.u32 v16, $0x4;
	v5 =	vld.idx.msk [tilespmem:v15+s2+$0x0], $0xffff;
	[tilespmem:s30+$0xA120] =	vst v10;
	v10 =	vor.u32 v0, v2  }
0xd1: {  	v12 =	vshll.u32 v17, $0x4;
	s12 =	simm.s32 $0x8;
	s14 =	simm.s32 $0x2;
	v2 =	vor.u32 v0, v8;
	v8 =	vld.idx.msk [tilespmem:v18+s2+$0x0], $0xffff  }
.LBB2_6:
0xd2: {  	s16 =	sand.u32 $0x3, s14;
	s12 =	sadd.s32 $0x8, s12;
	v12 =	vor.u32 v0, v12;
	v6 =	vshll.u32 v6, $0x4;
	v11 =	vld.idx.msk [tilespmem:v11+s2+$0x0], $0xffff;
	s8 =	sadd.s32 $0x400, s8  }
0xd3: {  	s10 =	sadd.s32 $0x20, s10;
	s16 =	sshll.u32 s16, $0xA;
	p0 =	slt.u32 s12, $0xF8;
	v9 =	vld.idx.msk [tilespmem:v9+s2+$0x0], $0xffff;
	v13 =	vor.u32 v0, v6  }
0xd4: {  	s18 =	sand.u32 $0xC00, s8;
	s23 =	sand.u32 $0x380, s10;
	s16 =	sadd.s32 s16, s10;
	v6 =	vld.idx.msk [tilespmem:v7+s2+$0x0], $0xffff;
	[tilespmem:s30+$0xA130] =	vst v3  }
0xd5: {  	s18 =	sor.u32 s23, s18;
	s23 =	sor.u32 $0x60, s16;
	s16 =	sor.u32 $0x70, s16;
	v3 =	vld.idx.msk [tilespmem:v10+s2+$0x0], $0xffff;
	[tilespmem:s30+$0xA140] =	vst v4  }
0xd6: {  	v4 =	vld [tilespmem:s16+$0x2100];
	[tilespmem:s30+$0xA150] =	vst v5;
	s30 =	smov.u32 s31;
	s31 =	smov.u32 s18  }
0xd7: {  	v5 =	vld [tilespmem:s23+$0x2100];
	[tilespmem:s0+$0xA100] =	vst v8;
	s0 =	smov.u32 s16  }
0xd8: {  	v7 =	vld [tilespmem:s31+$0x2100];
	[tilespmem:s6+$0xA100] =	vst v11;
	s6 =	smov.u32 s23  }
0xd9: {  	v8 =	vld [tilespmem:s31+$0x2110];
	[tilespmem:s30+$0xA100] =	vst v9  }
0xda: {  	v10 =	vld [tilespmem:s31+$0x2120];
	[tilespmem:s30+$0xA110] =	vst v6  }
0xdb: {  	v14 =	vld [tilespmem:s31+$0x2130];
	v4 =	vshll.u32 v4, $0x4;
	[tilespmem:s30+$0xA120] =	vst v3  }
0xdc: {  	v15 =	vld [tilespmem:s31+$0x2140];
	v3 =	vshll.u32 v5, $0x4;
	v16 =	vor.u32 v0, v4  }
.Ltmp2:
0xdd: {  	v4 =	vshll.u32 v7, $0x4;
	v6 =	vld [tilespmem:s31+$0x2150];
	v11 =	vor.u32 v0, v3;
	(pc) =	sbr.rel @p0 .LBB2_6-.Ltmp2, $4  }
0xde: {  	v9 =	vor.u32 v0, v4;
	v4 =	vshll.u32 v8, $0x4;
	v3 =	vld.idx.msk [tilespmem:v2+s2+$0x0], $0xffff  }
0xdf: {  	v7 =	vor.u32 v0, v4;
	v2 =	vshll.u32 v10, $0x4;
	v4 =	vld.idx.msk [tilespmem:v12+s2+$0x0], $0xffff  }
0xe0: {  	v10 =	vor.u32 v0, v2;
	v2 =	vshll.u32 v14, $0x4;
	v5 =	vld.idx.msk [tilespmem:v13+s2+$0x0], $0xffff  }
0xe1: {  	s14 =	sadd.s32 $0x1, s14;
	v2 =	vor.u32 v0, v2;
	v12 =	vshll.u32 v15, $0x4;
	v8 =	vld.idx.msk [tilespmem:v16+s2+$0x0], $0xffff  }
0xe2: {  	_ =	sdelay $0x3  }
0xe3: {  	v12 =	vor.u32 v0, v12;
	v6 =	vshll.u32 v6, $0x4;
	v11 =	vld.idx.msk [tilespmem:v11+s2+$0x0], $0xffff  }
0xe4: {  	v9 =	vld.idx.msk [tilespmem:v9+s2+$0x0], $0xffff;
	v6 =	vor.u32 v0, v6;
	[tilespmem:s30+$0xA130] =	vst v3  }
0xe5: {  	v2 =	vld.idx.msk [tilespmem:v2+s2+$0x0], $0xffff;
	[tilespmem:s30+$0xA140] =	vst v4  }
0xe6: {  	v3 =	vld.idx.msk [tilespmem:v7+s2+$0x0], $0xffff;
	[tilespmem:s30+$0xA150] =	vst v5  }
0xe7: {  	v4 =	vld.idx.msk [tilespmem:v10+s2+$0x0], $0xffff;
	[tilespmem:s0+$0xA100] =	vst v8  }
0xe8: {  	[tilespmem:s6+$0xA100] =	vst v11;
	v5 =	vld.idx.msk [tilespmem:v12+s2+$0x0], $0xffff  }
0xe9: {  	[tilespmem:s31+$0xA100] =	vst v9;
	v6 =	vld.idx.msk [tilespmem:v6+s2+$0x0], $0xffff  }
0xea: {  	[tilespmem:s31+$0xA130] =	vst v2  }
0xeb: {  	[tilespmem:s31+$0xA110] =	vst v3  }
0xec: {  	[tilespmem:s31+$0xA120] =	vst v4  }
0xed: {  	[tilespmem:s31+$0xA140] =	vst v5  }
0xee: {  	[tilespmem:s31+$0xA150] =	vst v6  }
0xef: {  	s23 =	simm.s32 $0x0;
	s8 =	simm.s32 $0xA100;
	s6 =	rddreg [dreg:$0xc]  }
0xf0: {  	[hbm4b:s6+s23] =	stream.linear.scatter [tilespmem:s8], [sflag:$0xA], $0x1000, $0x38;
	[tilespmem:$0x11100] =	vst v63  }
0xf1: {  	s12 =	simm.s32 $0x2100;
	s14 =	sand.u32 $0x3, s23;
	s10 =	rddreg [dreg:$0xd]  }
0xf2: {  	[tilespmem:s12], [sflag:$0x2] =	stream.linear.gather [hbm4b:s10+s23], $0x1000, $0x38;
	[tilespmem:$0x11100] =	vst v63  }
0xf3: {  	s6 =	sshll.u32 s14, $0xA;
	_ =	swait.ge [sflag:s7], $0x1000  }
0xf4: {  	s16 =	sand.u32 $0xC00, s23;
	s6 =	sadd.s32 $0x0, s6;
	[sflag:s7] =	ssyncset.done $0x0  }
0xf5: {  	s0 =	sand.u32 $0x380, s23;
	s12 =	sor.u32 $0x70, s6;
	[sflag:s7] =	ssyncadd.s32 $0xFFFFF000  }
0xf6: {  	s30 =	sor.u32 s0, s16;
	v2 =	vld [tilespmem:s12+$0x3100]  }
0xf7: {  	s14 =	sor.u32 $0x60, s6;
	v6 =	vld [tilespmem:s30+$0x3120]  }
0xf8: {  	v3 =	vld [tilespmem:s14+$0x3100]  }
0xf9: {  	s18 =	simm.s32 $0x1;
	v4 =	vld [tilespmem:s30+$0x3100]  }
0xfa: {  	s0 =	sand.u32 $0x3, s18;
	v5 =	vld [tilespmem:s30+$0x3110]  }
0xfb: {  	s0 =	sshll.u32 s0, $0xA;
	v7 =	vld [tilespmem:s30+$0x3130]  }
0xfc: {  	s8 =	simm.s32 $0x400;
	s23 =	sadd.s32 $0x20, s0;
	s10 =	simm.s32 $0x20;
	v8 =	vld [tilespmem:s30+$0x3140];
	v6 =	vshll.u32 v6, $0x4  }
0xfd: {  	s16 =	sand.u32 $0xC00, s8;
	s18 =	sand.u32 $0x380, s10;
	s6 =	sor.u32 $0x60, s23;
	v9 =	vld [tilespmem:s30+$0x3150];
	v6 =	vor.u32 v0, v6  }
0xfe: {  	s31 =	sor.u32 s18, s16;
	v11 =	vld [tilespmem:s6+$0x3100];
	v2 =	vshll.u32 v2, $0x4  }
0xff: {  	v12 =	vld [tilespmem:s31+$0x3100];
	v3 =	vshll.u32 v3, $0x4;
	v2 =	vor.u32 v0, v2  }
0x100: {  	v13 =	vld [tilespmem:s31+$0x3110];
	v4 =	vshll.u32 v4, $0x4;
	v3 =	vor.u32 v0, v3  }
0x101: {  	v14 =	vld [tilespmem:s31+$0x3120];
	v5 =	vshll.u32 v5, $0x4;
	v4 =	vor.u32 v0, v4  }
0x102: {  	s0 =	sor.u32 $0x70, s23;
	v5 =	vor.u32 v0, v5;
	v10 =	vld.idx.msk [tilespmem:v6+s2+$0x0], $0xffff  }
0x103: {  	v6 =	vld [tilespmem:s0+$0x3100]  }
0x104: {  	v2 =	vld.idx.msk [tilespmem:v2+s2+$0x0], $0xffff  }
0x105: {  	v7 =	vshll.u32 v7, $0x4;
	v3 =	vld.idx.msk [tilespmem:v3+s2+$0x0], $0xffff  }
0x106: {  	v8 =	vshll.u32 v8, $0x4;
	v7 =	vor.u32 v0, v7;
	v4 =	vld.idx.msk [tilespmem:v4+s2+$0x0], $0xffff  }
0x107: {  	v9 =	vshll.u32 v9, $0x4;
	v8 =	vor.u32 v0, v8;
	v5 =	vld.idx.msk [tilespmem:v5+s2+$0x0], $0xffff  }
0x108: {  	v16 =	vld [tilespmem:s31+$0x3130];
	v15 =	vor.u32 v0, v9;
	v6 =	vshll.u32 v6, $0x4  }
0x109: {  	v17 =	vld [tilespmem:s31+$0x3140];
	[tilespmem:s12+$0xB100] =	vst v2;
	v2 =	vshll.u32 v11, $0x4;
	v18 =	vor.u32 v0, v6  }
0x10a: {  	v9 =	vshll.u32 v12, $0x4;
	[tilespmem:s14+$0xB100] =	vst v3;
	v6 =	vld [tilespmem:s31+$0x3150];
	v11 =	vor.u32 v0, v2  }
0x10b: {  	v9 =	vor.u32 v0, v9;
	v3 =	vld.idx.msk [tilespmem:v7+s2+$0x0], $0xffff;
	[tilespmem:s30+$0xB100] =	vst v4;
	v2 =	vshll.u32 v13, $0x4  }
0x10c: {  	v4 =	vld.idx.msk [tilespmem:v8+s2+$0x0], $0xffff;
	[tilespmem:s30+$0xB110] =	vst v5;
	v7 =	vor.u32 v0, v2;
	v2 =	vshll.u32 v14, $0x4  }
0x10d: {  	v8 =	vshll.u32 v16, $0x4;
	v5 =	vld.idx.msk [tilespmem:v15+s2+$0x0], $0xffff;
	[tilespmem:s30+$0xB120] =	vst v10;
	v10 =	vor.u32 v0, v2  }
0x10e: {  	v12 =	vshll.u32 v17, $0x4;
	s12 =	simm.s32 $0x8;
	s14 =	simm.s32 $0x2;
	v2 =	vor.u32 v0, v8;
	v8 =	vld.idx.msk [tilespmem:v18+s2+$0x0], $0xffff  }
.LBB2_8:
0x10f: {  	s16 =	sand.u32 $0x3, s14;
	s12 =	sadd.s32 $0x8, s12;
	v12 =	vor.u32 v0, v12;
	v6 =	vshll.u32 v6, $0x4;
	v11 =	vld.idx.msk [tilespmem:v11+s2+$0x0], $0xffff;
	s8 =	sadd.s32 $0x400, s8  }
0x110: {  	s10 =	sadd.s32 $0x20, s10;
	s16 =	sshll.u32 s16, $0xA;
	p0 =	slt.u32 s12, $0xF8;
	v9 =	vld.idx.msk [tilespmem:v9+s2+$0x0], $0xffff;
	v13 =	vor.u32 v0, v6  }
0x111: {  	s18 =	sand.u32 $0xC00, s8;
	s23 =	sand.u32 $0x380, s10;
	s16 =	sadd.s32 s16, s10;
	v6 =	vld.idx.msk [tilespmem:v7+s2+$0x0], $0xffff;
	[tilespmem:s30+$0xB130] =	vst v3  }
0x112: {  	s18 =	sor.u32 s23, s18;
	s23 =	sor.u32 $0x60, s16;
	s16 =	sor.u32 $0x70, s16;
	v3 =	vld.idx.msk [tilespmem:v10+s2+$0x0], $0xffff;
	[tilespmem:s30+$0xB140] =	vst v4  }
0x113: {  	v4 =	vld [tilespmem:s16+$0x3100];
	[tilespmem:s30+$0xB150] =	vst v5;
	s30 =	smov.u32 s31;
	s31 =	smov.u32 s18  }
0x114: {  	v5 =	vld [tilespmem:s23+$0x3100];
	[tilespmem:s0+$0xB100] =	vst v8;
	s0 =	smov.u32 s16  }
0x115: {  	v7 =	vld [tilespmem:s31+$0x3100];
	[tilespmem:s6+$0xB100] =	vst v11;
	s6 =	smov.u32 s23  }
0x116: {  	v8 =	vld [tilespmem:s31+$0x3110];
	[tilespmem:s30+$0xB100] =	vst v9  }
0x117: {  	v10 =	vld [tilespmem:s31+$0x3120];
	[tilespmem:s30+$0xB110] =	vst v6  }
0x118: {  	v14 =	vld [tilespmem:s31+$0x3130];
	v4 =	vshll.u32 v4, $0x4;
	[tilespmem:s30+$0xB120] =	vst v3  }
0x119: {  	v15 =	vld [tilespmem:s31+$0x3140];
	v3 =	vshll.u32 v5, $0x4;
	v16 =	vor.u32 v0, v4  }
.Ltmp3:
0x11a: {  	v4 =	vshll.u32 v7, $0x4;
	v6 =	vld [tilespmem:s31+$0x3150];
	v11 =	vor.u32 v0, v3;
	(pc) =	sbr.rel @p0 .LBB2_8-.Ltmp3, $4  }
0x11b: {  	v9 =	vor.u32 v0, v4;
	v4 =	vshll.u32 v8, $0x4;
	v3 =	vld.idx.msk [tilespmem:v2+s2+$0x0], $0xffff  }
0x11c: {  	v7 =	vor.u32 v0, v4;
	v2 =	vshll.u32 v10, $0x4;
	v4 =	vld.idx.msk [tilespmem:v12+s2+$0x0], $0xffff  }
0x11d: {  	v10 =	vor.u32 v0, v2;
	v2 =	vshll.u32 v14, $0x4;
	v5 =	vld.idx.msk [tilespmem:v13+s2+$0x0], $0xffff  }
0x11e: {  	s14 =	sadd.s32 $0x1, s14;
	v2 =	vor.u32 v0, v2;
	v12 =	vshll.u32 v15, $0x4;
	v8 =	vld.idx.msk [tilespmem:v16+s2+$0x0], $0xffff  }
0x11f: {  	_ =	sdelay $0x3  }
0x120: {  	v12 =	vor.u32 v0, v12;
	v6 =	vshll.u32 v6, $0x4;
	v11 =	vld.idx.msk [tilespmem:v11+s2+$0x0], $0xffff  }
0x121: {  	v9 =	vld.idx.msk [tilespmem:v9+s2+$0x0], $0xffff;
	v6 =	vor.u32 v0, v6;
	[tilespmem:s30+$0xB130] =	vst v3  }
0x122: {  	v2 =	vld.idx.msk [tilespmem:v2+s2+$0x0], $0xffff;
	[tilespmem:s30+$0xB140] =	vst v4  }
0x123: {  	v3 =	vld.idx.msk [tilespmem:v7+s2+$0x0], $0xffff;
	[tilespmem:s30+$0xB150] =	vst v5  }
0x124: {  	v4 =	vld.idx.msk [tilespmem:v10+s2+$0x0], $0xffff;
	[tilespmem:s0+$0xB100] =	vst v8  }
0x125: {  	[tilespmem:s6+$0xB100] =	vst v11;
	v5 =	vld.idx.msk [tilespmem:v12+s2+$0x0], $0xffff  }
0x126: {  	[tilespmem:s31+$0xB100] =	vst v9;
	v6 =	vld.idx.msk [tilespmem:v6+s2+$0x0], $0xffff  }
0x127: {  	[tilespmem:s31+$0xB130] =	vst v2  }
0x128: {  	[tilespmem:s31+$0xB110] =	vst v3  }
0x129: {  	[tilespmem:s31+$0xB120] =	vst v4  }
0x12a: {  	[tilespmem:s31+$0xB140] =	vst v5  }
0x12b: {  	[tilespmem:s31+$0xB150] =	vst v6  }
0x12c: {  	s23 =	simm.s32 $0x0;
	s8 =	simm.s32 $0xB100;
	s6 =	rddreg [dreg:$0xe]  }
0x12d: {  	[hbm4b:s6+s23] =	stream.linear.scatter [tilespmem:s8], [sflag:$0xB], $0x1000, $0x38;
	[tilespmem:$0x11100] =	vst v63  }
0x12e: {  	s12 =	simm.s32 $0x3100;
	s14 =	sand.u32 $0x3, s23;
	s10 =	rddreg [dreg:$0xf]  }
0x12f: {  	[tilespmem:s12], [sflag:$0x3] =	stream.linear.gather [hbm4b:s10+s23], $0x1000, $0x38;
	[tilespmem:$0x11100] =	vst v63  }
0x130: {  	s6 =	sshll.u32 s14, $0xA;
	_ =	swait.ge [sflag:s9], $0x1000  }
0x131: {  	s16 =	sand.u32 $0xC00, s23;
	s6 =	sadd.s32 $0x0, s6;
	[sflag:s9] =	ssyncset.done $0x0  }
0x132: {  	s0 =	sand.u32 $0x380, s23;
	s12 =	sor.u32 $0x70, s6;
	[sflag:s9] =	ssyncadd.s32 $0xFFFFF000  }
0x133: {  	s30 =	sor.u32 s0, s16;
	v2 =	vld [tilespmem:s12+$0x4100]  }
0x134: {  	s14 =	sor.u32 $0x60, s6;
	v6 =	vld [tilespmem:s30+$0x4120]  }
0x135: {  	v3 =	vld [tilespmem:s14+$0x4100]  }
0x136: {  	s18 =	simm.s32 $0x1;
	v4 =	vld [tilespmem:s30+$0x4100]  }
0x137: {  	s0 =	sand.u32 $0x3, s18;
	v5 =	vld [tilespmem:s30+$0x4110]  }
0x138: {  	s0 =	sshll.u32 s0, $0xA;
	v7 =	vld [tilespmem:s30+$0x4130]  }
0x139: {  	s8 =	simm.s32 $0x400;
	s23 =	sadd.s32 $0x20, s0;
	s10 =	simm.s32 $0x20;
	v8 =	vld [tilespmem:s30+$0x4140];
	v6 =	vshll.u32 v6, $0x4  }
0x13a: {  	s16 =	sand.u32 $0xC00, s8;
	s18 =	sand.u32 $0x380, s10;
	s6 =	sor.u32 $0x60, s23;
	v9 =	vld [tilespmem:s30+$0x4150];
	v6 =	vor.u32 v0, v6  }
0x13b: {  	s31 =	sor.u32 s18, s16;
	v11 =	vld [tilespmem:s6+$0x4100];
	v2 =	vshll.u32 v2, $0x4  }
0x13c: {  	v12 =	vld [tilespmem:s31+$0x4100];
	v3 =	vshll.u32 v3, $0x4;
	v2 =	vor.u32 v0, v2  }
0x13d: {  	v13 =	vld [tilespmem:s31+$0x4110];
	v4 =	vshll.u32 v4, $0x4;
	v3 =	vor.u32 v0, v3  }
0x13e: {  	v14 =	vld [tilespmem:s31+$0x4120];
	v5 =	vshll.u32 v5, $0x4;
	v4 =	vor.u32 v0, v4  }
0x13f: {  	s0 =	sor.u32 $0x70, s23;
	v5 =	vor.u32 v0, v5;
	v10 =	vld.idx.msk [tilespmem:v6+s2+$0x0], $0xffff  }
0x140: {  	v6 =	vld [tilespmem:s0+$0x4100]  }
0x141: {  	v2 =	vld.idx.msk [tilespmem:v2+s2+$0x0], $0xffff  }
0x142: {  	v7 =	vshll.u32 v7, $0x4;
	v3 =	vld.idx.msk [tilespmem:v3+s2+$0x0], $0xffff  }
0x143: {  	v8 =	vshll.u32 v8, $0x4;
	v7 =	vor.u32 v0, v7;
	v4 =	vld.idx.msk [tilespmem:v4+s2+$0x0], $0xffff  }
0x144: {  	v9 =	vshll.u32 v9, $0x4;
	v8 =	vor.u32 v0, v8;
	v5 =	vld.idx.msk [tilespmem:v5+s2+$0x0], $0xffff  }
0x145: {  	v16 =	vld [tilespmem:s31+$0x4130];
	v15 =	vor.u32 v0, v9;
	v6 =	vshll.u32 v6, $0x4  }
0x146: {  	v17 =	vld [tilespmem:s31+$0x4140];
	[tilespmem:s12+$0xC100] =	vst v2;
	v2 =	vshll.u32 v11, $0x4;
	v18 =	vor.u32 v0, v6  }
0x147: {  	v9 =	vshll.u32 v12, $0x4;
	[tilespmem:s14+$0xC100] =	vst v3;
	v6 =	vld [tilespmem:s31+$0x4150];
	v11 =	vor.u32 v0, v2  }
0x148: {  	v9 =	vor.u32 v0, v9;
	v3 =	vld.idx.msk [tilespmem:v7+s2+$0x0], $0xffff;
	[tilespmem:s30+$0xC100] =	vst v4;
	v2 =	vshll.u32 v13, $0x4  }
0x149: {  	v4 =	vld.idx.msk [tilespmem:v8+s2+$0x0], $0xffff;
	[tilespmem:s30+$0xC110] =	vst v5;
	v7 =	vor.u32 v0, v2;
	v2 =	vshll.u32 v14, $0x4  }
0x14a: {  	v8 =	vshll.u32 v16, $0x4;
	v5 =	vld.idx.msk [tilespmem:v15+s2+$0x0], $0xffff;
	[tilespmem:s30+$0xC120] =	vst v10;
	v10 =	vor.u32 v0, v2  }
0x14b: {  	v12 =	vshll.u32 v17, $0x4;
	s12 =	simm.s32 $0x8;
	s14 =	simm.s32 $0x2;
	v2 =	vor.u32 v0, v8;
	v8 =	vld.idx.msk [tilespmem:v18+s2+$0x0], $0xffff  }
.LBB2_10:
0x14c: {  	s16 =	sand.u32 $0x3, s14;
	s12 =	sadd.s32 $0x8, s12;
	v12 =	vor.u32 v0, v12;
	v6 =	vshll.u32 v6, $0x4;
	v11 =	vld.idx.msk [tilespmem:v11+s2+$0x0], $0xffff;
	s8 =	sadd.s32 $0x400, s8  }
0x14d: {  	s10 =	sadd.s32 $0x20, s10;
	s16 =	sshll.u32 s16, $0xA;
	p0 =	slt.u32 s12, $0xF8;
	v9 =	vld.idx.msk [tilespmem:v9+s2+$0x0], $0xffff;
	v13 =	vor.u32 v0, v6  }
0x14e: {  	s18 =	sand.u32 $0xC00, s8;
	s23 =	sand.u32 $0x380, s10;
	s16 =	sadd.s32 s16, s10;
	v6 =	vld.idx.msk [tilespmem:v7+s2+$0x0], $0xffff;
	[tilespmem:s30+$0xC130] =	vst v3  }
0x14f: {  	s18 =	sor.u32 s23, s18;
	s23 =	sor.u32 $0x60, s16;
	s16 =	sor.u32 $0x70, s16;
	v3 =	vld.idx.msk [tilespmem:v10+s2+$0x0], $0xffff;
	[tilespmem:s30+$0xC140] =	vst v4  }
0x150: {  	v4 =	vld [tilespmem:s16+$0x4100];
	[tilespmem:s30+$0xC150] =	vst v5;
	s30 =	smov.u32 s31;
	s31 =	smov.u32 s18  }
0x151: {  	v5 =	vld [tilespmem:s23+$0x4100];
	[tilespmem:s0+$0xC100] =	vst v8;
	s0 =	smov.u32 s16  }
0x152: {  	v7 =	vld [tilespmem:s31+$0x4100];
	[tilespmem:s6+$0xC100] =	vst v11;
	s6 =	smov.u32 s23  }
0x153: {  	v8 =	vld [tilespmem:s31+$0x4110];
	[tilespmem:s30+$0xC100] =	vst v9  }
0x154: {  	v10 =	vld [tilespmem:s31+$0x4120];
	[tilespmem:s30+$0xC110] =	vst v6  }
0x155: {  	v14 =	vld [tilespmem:s31+$0x4130];
	v4 =	vshll.u32 v4, $0x4;
	[tilespmem:s30+$0xC120] =	vst v3  }
0x156: {  	v15 =	vld [tilespmem:s31+$0x4140];
	v3 =	vshll.u32 v5, $0x4;
	v16 =	vor.u32 v0, v4  }
.Ltmp4:
0x157: {  	v4 =	vshll.u32 v7, $0x4;
	v6 =	vld [tilespmem:s31+$0x4150];
	v11 =	vor.u32 v0, v3;
	(pc) =	sbr.rel @p0 .LBB2_10-.Ltmp4, $4  }
0x158: {  	v9 =	vor.u32 v0, v4;
	v4 =	vshll.u32 v8, $0x4;
	v3 =	vld.idx.msk [tilespmem:v2+s2+$0x0], $0xffff  }
0x159: {  	v7 =	vor.u32 v0, v4;
	v2 =	vshll.u32 v10, $0x4;
	v4 =	vld.idx.msk [tilespmem:v12+s2+$0x0], $0xffff  }
0x15a: {  	v10 =	vor.u32 v0, v2;
	v2 =	vshll.u32 v14, $0x4;
	v5 =	vld.idx.msk [tilespmem:v13+s2+$0x0], $0xffff  }
0x15b: {  	s14 =	sadd.s32 $0x1, s14;
	v2 =	vor.u32 v0, v2;
	v12 =	vshll.u32 v15, $0x4;
	v8 =	vld.idx.msk [tilespmem:v16+s2+$0x0], $0xffff  }
0x15c: {  	_ =	sdelay $0x3  }
0x15d: {  	v12 =	vor.u32 v0, v12;
	v6 =	vshll.u32 v6, $0x4;
	v11 =	vld.idx.msk [tilespmem:v11+s2+$0x0], $0xffff  }
0x15e: {  	v9 =	vld.idx.msk [tilespmem:v9+s2+$0x0], $0xffff;
	v6 =	vor.u32 v0, v6;
	[tilespmem:s30+$0xC130] =	vst v3  }
0x15f: {  	v2 =	vld.idx.msk [tilespmem:v2+s2+$0x0], $0xffff;
	[tilespmem:s30+$0xC140] =	vst v4  }
0x160: {  	v3 =	vld.idx.msk [tilespmem:v7+s2+$0x0], $0xffff;
	[tilespmem:s30+$0xC150] =	vst v5  }
0x161: {  	v4 =	vld.idx.msk [tilespmem:v10+s2+$0x0], $0xffff;
	[tilespmem:s0+$0xC100] =	vst v8  }
0x162: {  	[tilespmem:s6+$0xC100] =	vst v11;
	v5 =	vld.idx.msk [tilespmem:v12+s2+$0x0], $0xffff  }
0x163: {  	[tilespmem:s31+$0xC100] =	vst v9;
	v6 =	vld.idx.msk [tilespmem:v6+s2+$0x0], $0xffff  }
0x164: {  	[tilespmem:s31+$0xC130] =	vst v2  }
0x165: {  	[tilespmem:s31+$0xC110] =	vst v3  }
0x166: {  	[tilespmem:s31+$0xC120] =	vst v4  }
0x167: {  	[tilespmem:s31+$0xC140] =	vst v5  }
0x168: {  	[tilespmem:s31+$0xC150] =	vst v6  }
0x169: {  	s23 =	simm.s32 $0x0;
	s8 =	simm.s32 $0xC100;
	s6 =	rddreg [dreg:$0x10]  }
0x16a: {  	[hbm4b:s6+s23] =	stream.linear.scatter [tilespmem:s8], [sflag:$0xC], $0x1000, $0x38;
	[tilespmem:$0x11100] =	vst v63  }
0x16b: {  	s12 =	simm.s32 $0x4100;
	s14 =	sand.u32 $0x3, s23;
	s10 =	rddreg [dreg:$0x18]  }
0x16c: {  	[tilespmem:s12], [sflag:$0x4] =	stream.linear.gather [hbm4b:s10+s23], $0x1000, $0x38;
	[tilespmem:$0x11100] =	vst v63  }
0x16d: {  	s6 =	sshll.u32 s14, $0xA;
	_ =	swait.ge [sflag:s11], $0x1000  }
0x16e: {  	s16 =	sand.u32 $0xC00, s23;
	s6 =	sadd.s32 $0x0, s6;
	[sflag:s11] =	ssyncset.done $0x0  }
0x16f: {  	s0 =	sand.u32 $0x380, s23;
	s12 =	sor.u32 $0x70, s6;
	[sflag:s11] =	ssyncadd.s32 $0xFFFFF000  }
0x170: {  	s30 =	sor.u32 s0, s16;
	v2 =	vld [tilespmem:s12+$0x5100]  }
0x171: {  	s14 =	sor.u32 $0x60, s6;
	v6 =	vld [tilespmem:s30+$0x5120]  }
0x172: {  	v3 =	vld [tilespmem:s14+$0x5100]  }
0x173: {  	s18 =	simm.s32 $0x1;
	v4 =	vld [tilespmem:s30+$0x5100]  }
0x174: {  	s0 =	sand.u32 $0x3, s18;
	v5 =	vld [tilespmem:s30+$0x5110]  }
0x175: {  	s0 =	sshll.u32 s0, $0xA;
	v7 =	vld [tilespmem:s30+$0x5130]  }
0x176: {  	s8 =	simm.s32 $0x400;
	s23 =	sadd.s32 $0x20, s0;
	s10 =	simm.s32 $0x20;
	v8 =	vld [tilespmem:s30+$0x5140];
	v6 =	vshll.u32 v6, $0x4  }
0x177: {  	s16 =	sand.u32 $0xC00, s8;
	s18 =	sand.u32 $0x380, s10;
	s6 =	sor.u32 $0x60, s23;
	v9 =	vld [tilespmem:s30+$0x5150];
	v6 =	vor.u32 v0, v6  }
0x178: {  	s31 =	sor.u32 s18, s16;
	v11 =	vld [tilespmem:s6+$0x5100];
	v2 =	vshll.u32 v2, $0x4  }
0x179: {  	v12 =	vld [tilespmem:s31+$0x5100];
	v3 =	vshll.u32 v3, $0x4;
	v2 =	vor.u32 v0, v2  }
0x17a: {  	v13 =	vld [tilespmem:s31+$0x5110];
	v4 =	vshll.u32 v4, $0x4;
	v3 =	vor.u32 v0, v3  }
0x17b: {  	v14 =	vld [tilespmem:s31+$0x5120];
	v5 =	vshll.u32 v5, $0x4;
	v4 =	vor.u32 v0, v4  }
0x17c: {  	s0 =	sor.u32 $0x70, s23;
	v5 =	vor.u32 v0, v5;
	v10 =	vld.idx.msk [tilespmem:v6+s2+$0x0], $0xffff  }
0x17d: {  	v6 =	vld [tilespmem:s0+$0x5100]  }
0x17e: {  	v2 =	vld.idx.msk [tilespmem:v2+s2+$0x0], $0xffff  }
0x17f: {  	v7 =	vshll.u32 v7, $0x4;
	v3 =	vld.idx.msk [tilespmem:v3+s2+$0x0], $0xffff  }
0x180: {  	v8 =	vshll.u32 v8, $0x4;
	v7 =	vor.u32 v0, v7;
	v4 =	vld.idx.msk [tilespmem:v4+s2+$0x0], $0xffff  }
0x181: {  	v9 =	vshll.u32 v9, $0x4;
	v8 =	vor.u32 v0, v8;
	v5 =	vld.idx.msk [tilespmem:v5+s2+$0x0], $0xffff  }
0x182: {  	v16 =	vld [tilespmem:s31+$0x5130];
	v15 =	vor.u32 v0, v9;
	v6 =	vshll.u32 v6, $0x4  }
0x183: {  	v17 =	vld [tilespmem:s31+$0x5140];
	[tilespmem:s12+$0xD100] =	vst v2;
	v2 =	vshll.u32 v11, $0x4;
	v18 =	vor.u32 v0, v6  }
0x184: {  	v9 =	vshll.u32 v12, $0x4;
	[tilespmem:s14+$0xD100] =	vst v3;
	v6 =	vld [tilespmem:s31+$0x5150];
	v11 =	vor.u32 v0, v2  }
0x185: {  	v9 =	vor.u32 v0, v9;
	v3 =	vld.idx.msk [tilespmem:v7+s2+$0x0], $0xffff;
	[tilespmem:s30+$0xD100] =	vst v4;
	v2 =	vshll.u32 v13, $0x4  }
0x186: {  	v4 =	vld.idx.msk [tilespmem:v8+s2+$0x0], $0xffff;
	[tilespmem:s30+$0xD110] =	vst v5;
	v7 =	vor.u32 v0, v2;
	v2 =	vshll.u32 v14, $0x4  }
0x187: {  	v8 =	vshll.u32 v16, $0x4;
	v5 =	vld.idx.msk [tilespmem:v15+s2+$0x0], $0xffff;
	[tilespmem:s30+$0xD120] =	vst v10;
	v10 =	vor.u32 v0, v2  }
0x188: {  	v12 =	vshll.u32 v17, $0x4;
	s12 =	simm.s32 $0x8;
	s14 =	simm.s32 $0x2;
	v2 =	vor.u32 v0, v8;
	v8 =	vld.idx.msk [tilespmem:v18+s2+$0x0], $0xffff  }
.LBB2_12:
0x189: {  	s16 =	sand.u32 $0x3, s14;
	s12 =	sadd.s32 $0x8, s12;
	v12 =	vor.u32 v0, v12;
	v6 =	vshll.u32 v6, $0x4;
	v11 =	vld.idx.msk [tilespmem:v11+s2+$0x0], $0xffff;
	s8 =	sadd.s32 $0x400, s8  }
0x18a: {  	s10 =	sadd.s32 $0x20, s10;
	s16 =	sshll.u32 s16, $0xA;
	p0 =	slt.u32 s12, $0xF8;
	v9 =	vld.idx.msk [tilespmem:v9+s2+$0x0], $0xffff;
	v13 =	vor.u32 v0, v6  }
0x18b: {  	s18 =	sand.u32 $0xC00, s8;
	s23 =	sand.u32 $0x380, s10;
	s16 =	sadd.s32 s16, s10;
	v6 =	vld.idx.msk [tilespmem:v7+s2+$0x0], $0xffff;
	[tilespmem:s30+$0xD130] =	vst v3  }
0x18c: {  	s18 =	sor.u32 s23, s18;
	s23 =	sor.u32 $0x60, s16;
	s16 =	sor.u32 $0x70, s16;
	v3 =	vld.idx.msk [tilespmem:v10+s2+$0x0], $0xffff;
	[tilespmem:s30+$0xD140] =	vst v4  }
0x18d: {  	v4 =	vld [tilespmem:s16+$0x5100];
	[tilespmem:s30+$0xD150] =	vst v5;
	s30 =	smov.u32 s31;
	s31 =	smov.u32 s18  }
0x18e: {  	v5 =	vld [tilespmem:s23+$0x5100];
	[tilespmem:s0+$0xD100] =	vst v8;
	s0 =	smov.u32 s16  }
0x18f: {  	v7 =	vld [tilespmem:s31+$0x5100];
	[tilespmem:s6+$0xD100] =	vst v11;
	s6 =	smov.u32 s23  }
0x190: {  	v8 =	vld [tilespmem:s31+$0x5110];
	[tilespmem:s30+$0xD100] =	vst v9  }
0x191: {  	v10 =	vld [tilespmem:s31+$0x5120];
	[tilespmem:s30+$0xD110] =	vst v6  }
0x192: {  	v14 =	vld [tilespmem:s31+$0x5130];
	v4 =	vshll.u32 v4, $0x4;
	[tilespmem:s30+$0xD120] =	vst v3  }
0x193: {  	v15 =	vld [tilespmem:s31+$0x5140];
	v3 =	vshll.u32 v5, $0x4;
	v16 =	vor.u32 v0, v4  }
.Ltmp5:
0x194: {  	v4 =	vshll.u32 v7, $0x4;
	v6 =	vld [tilespmem:s31+$0x5150];
	v11 =	vor.u32 v0, v3;
	(pc) =	sbr.rel @p0 .LBB2_12-.Ltmp5, $4  }
0x195: {  	v9 =	vor.u32 v0, v4;
	v4 =	vshll.u32 v8, $0x4;
	v3 =	vld.idx.msk [tilespmem:v2+s2+$0x0], $0xffff  }
0x196: {  	v7 =	vor.u32 v0, v4;
	v2 =	vshll.u32 v10, $0x4;
	v4 =	vld.idx.msk [tilespmem:v12+s2+$0x0], $0xffff  }
0x197: {  	v10 =	vor.u32 v0, v2;
	v2 =	vshll.u32 v14, $0x4;
	v5 =	vld.idx.msk [tilespmem:v13+s2+$0x0], $0xffff  }
0x198: {  	s14 =	sadd.s32 $0x1, s14;
	v2 =	vor.u32 v0, v2;
	v12 =	vshll.u32 v15, $0x4;
	v8 =	vld.idx.msk [tilespmem:v16+s2+$0x0], $0xffff  }
0x199: {  	_ =	sdelay $0x3  }
0x19a: {  	v12 =	vor.u32 v0, v12;
	v6 =	vshll.u32 v6, $0x4;
	v11 =	vld.idx.msk [tilespmem:v11+s2+$0x0], $0xffff  }
0x19b: {  	v9 =	vld.idx.msk [tilespmem:v9+s2+$0x0], $0xffff;
	v6 =	vor.u32 v0, v6;
	[tilespmem:s30+$0xD130] =	vst v3  }
0x19c: {  	v2 =	vld.idx.msk [tilespmem:v2+s2+$0x0], $0xffff;
	[tilespmem:s30+$0xD140] =	vst v4  }
0x19d: {  	v3 =	vld.idx.msk [tilespmem:v7+s2+$0x0], $0xffff;
	[tilespmem:s30+$0xD150] =	vst v5  }
0x19e: {  	v4 =	vld.idx.msk [tilespmem:v10+s2+$0x0], $0xffff;
	[tilespmem:s0+$0xD100] =	vst v8  }
0x19f: {  	[tilespmem:s6+$0xD100] =	vst v11;
	v5 =	vld.idx.msk [tilespmem:v12+s2+$0x0], $0xffff  }
0x1a0: {  	[tilespmem:s31+$0xD100] =	vst v9;
	v6 =	vld.idx.msk [tilespmem:v6+s2+$0x0], $0xffff  }
0x1a1: {  	[tilespmem:s31+$0xD130] =	vst v2  }
0x1a2: {  	[tilespmem:s31+$0xD110] =	vst v3  }
0x1a3: {  	[tilespmem:s31+$0xD120] =	vst v4  }
0x1a4: {  	[tilespmem:s31+$0xD140] =	vst v5  }
0x1a5: {  	[tilespmem:s31+$0xD150] =	vst v6  }
0x1a6: {  	s23 =	simm.s32 $0x0;
	s8 =	simm.s32 $0xD100;
	s6 =	rddreg [dreg:$0x11]  }
0x1a7: {  	[hbm4b:s6+s23] =	stream.linear.scatter [tilespmem:s8], [sflag:$0xD], $0x1000, $0x38;
	[tilespmem:$0x11100] =	vst v63  }
0x1a8: {  	s12 =	simm.s32 $0x5100;
	s14 =	sand.u32 $0x3, s23;
	s10 =	rddreg [dreg:$0x1a]  }
0x1a9: {  	[tilespmem:s12], [sflag:$0x5] =	stream.linear.gather [hbm4b:s10+s23], $0x1000, $0x38;
	[tilespmem:$0x11100] =	vst v63  }
0x1aa: {  	s6 =	sshll.u32 s14, $0xA;
	_ =	swait.ge [sflag:s13], $0x1000  }
0x1ab: {  	s16 =	sand.u32 $0xC00, s23;
	s6 =	sadd.s32 $0x0, s6;
	[sflag:s13] =	ssyncset.done $0x0  }
0x1ac: {  	s0 =	sand.u32 $0x380, s23;
	s12 =	sor.u32 $0x70, s6;
	[sflag:s13] =	ssyncadd.s32 $0xFFFFF000  }
0x1ad: {  	s30 =	sor.u32 s0, s16;
	v2 =	vld [tilespmem:s12+$0x6100]  }
0x1ae: {  	s14 =	sor.u32 $0x60, s6;
	v6 =	vld [tilespmem:s30+$0x6120]  }
0x1af: {  	v3 =	vld [tilespmem:s14+$0x6100]  }
0x1b0: {  	s18 =	simm.s32 $0x1;
	v4 =	vld [tilespmem:s30+$0x6100]  }
0x1b1: {  	s0 =	sand.u32 $0x3, s18;
	v5 =	vld [tilespmem:s30+$0x6110]  }
0x1b2: {  	s0 =	sshll.u32 s0, $0xA;
	v7 =	vld [tilespmem:s30+$0x6130]  }
0x1b3: {  	s8 =	simm.s32 $0x400;
	s23 =	sadd.s32 $0x20, s0;
	s10 =	simm.s32 $0x20;
	v8 =	vld [tilespmem:s30+$0x6140];
	v6 =	vshll.u32 v6, $0x4  }
0x1b4: {  	s16 =	sand.u32 $0xC00, s8;
	s18 =	sand.u32 $0x380, s10;
	s6 =	sor.u32 $0x60, s23;
	v9 =	vld [tilespmem:s30+$0x6150];
	v6 =	vor.u32 v0, v6  }
0x1b5: {  	s31 =	sor.u32 s18, s16;
	v11 =	vld [tilespmem:s6+$0x6100];
	v2 =	vshll.u32 v2, $0x4  }
0x1b6: {  	v12 =	vld [tilespmem:s31+$0x6100];
	v3 =	vshll.u32 v3, $0x4;
	v2 =	vor.u32 v0, v2  }
0x1b7: {  	v13 =	vld [tilespmem:s31+$0x6110];
	v4 =	vshll.u32 v4, $0x4;
	v3 =	vor.u32 v0, v3  }
0x1b8: {  	v14 =	vld [tilespmem:s31+$0x6120];
	v5 =	vshll.u32 v5, $0x4;
	v4 =	vor.u32 v0, v4  }
0x1b9: {  	s0 =	sor.u32 $0x70, s23;
	v5 =	vor.u32 v0, v5;
	v10 =	vld.idx.msk [tilespmem:v6+s2+$0x0], $0xffff  }
0x1ba: {  	v6 =	vld [tilespmem:s0+$0x6100]  }
0x1bb: {  	v2 =	vld.idx.msk [tilespmem:v2+s2+$0x0], $0xffff  }
0x1bc: {  	v7 =	vshll.u32 v7, $0x4;
	v3 =	vld.idx.msk [tilespmem:v3+s2+$0x0], $0xffff  }
0x1bd: {  	v8 =	vshll.u32 v8, $0x4;
	v7 =	vor.u32 v0, v7;
	v4 =	vld.idx.msk [tilespmem:v4+s2+$0x0], $0xffff  }
0x1be: {  	v9 =	vshll.u32 v9, $0x4;
	v8 =	vor.u32 v0, v8;
	v5 =	vld.idx.msk [tilespmem:v5+s2+$0x0], $0xffff  }
0x1bf: {  	v16 =	vld [tilespmem:s31+$0x6130];
	v15 =	vor.u32 v0, v9;
	v6 =	vshll.u32 v6, $0x4  }
0x1c0: {  	v17 =	vld [tilespmem:s31+$0x6140];
	[tilespmem:s12+$0xE100] =	vst v2;
	v2 =	vshll.u32 v11, $0x4;
	v18 =	vor.u32 v0, v6  }
0x1c1: {  	v9 =	vshll.u32 v12, $0x4;
	[tilespmem:s14+$0xE100] =	vst v3;
	v6 =	vld [tilespmem:s31+$0x6150];
	v11 =	vor.u32 v0, v2  }
0x1c2: {  	v9 =	vor.u32 v0, v9;
	v3 =	vld.idx.msk [tilespmem:v7+s2+$0x0], $0xffff;
	[tilespmem:s30+$0xE100] =	vst v4;
	v2 =	vshll.u32 v13, $0x4  }
0x1c3: {  	v4 =	vld.idx.msk [tilespmem:v8+s2+$0x0], $0xffff;
	[tilespmem:s30+$0xE110] =	vst v5;
	v7 =	vor.u32 v0, v2;
	v2 =	vshll.u32 v14, $0x4  }
0x1c4: {  	v8 =	vshll.u32 v16, $0x4;
	v5 =	vld.idx.msk [tilespmem:v15+s2+$0x0], $0xffff;
	[tilespmem:s30+$0xE120] =	vst v10;
	v10 =	vor.u32 v0, v2  }
0x1c5: {  	v12 =	vshll.u32 v17, $0x4;
	s12 =	simm.s32 $0x8;
	s14 =	simm.s32 $0x2;
	v2 =	vor.u32 v0, v8;
	v8 =	vld.idx.msk [tilespmem:v18+s2+$0x0], $0xffff  }
.LBB2_14:
0x1c6: {  	s16 =	sand.u32 $0x3, s14;
	s12 =	sadd.s32 $0x8, s12;
	v12 =	vor.u32 v0, v12;
	v6 =	vshll.u32 v6, $0x4;
	v11 =	vld.idx.msk [tilespmem:v11+s2+$0x0], $0xffff;
	s8 =	sadd.s32 $0x400, s8  }
0x1c7: {  	s10 =	sadd.s32 $0x20, s10;
	s16 =	sshll.u32 s16, $0xA;
	p0 =	slt.u32 s12, $0xF8;
	v9 =	vld.idx.msk [tilespmem:v9+s2+$0x0], $0xffff;
	v13 =	vor.u32 v0, v6  }
0x1c8: {  	s18 =	sand.u32 $0xC00, s8;
	s23 =	sand.u32 $0x380, s10;
	s16 =	sadd.s32 s16, s10;
	v6 =	vld.idx.msk [tilespmem:v7+s2+$0x0], $0xffff;
	[tilespmem:s30+$0xE130] =	vst v3  }
0x1c9: {  	s18 =	sor.u32 s23, s18;
	s23 =	sor.u32 $0x60, s16;
	s16 =	sor.u32 $0x70, s16;
	v3 =	vld.idx.msk [tilespmem:v10+s2+$0x0], $0xffff;
	[tilespmem:s30+$0xE140] =	vst v4  }
0x1ca: {  	v4 =	vld [tilespmem:s16+$0x6100];
	[tilespmem:s30+$0xE150] =	vst v5;
	s30 =	smov.u32 s31;
	s31 =	smov.u32 s18  }
0x1cb: {  	v5 =	vld [tilespmem:s23+$0x6100];
	[tilespmem:s0+$0xE100] =	vst v8;
	s0 =	smov.u32 s16  }
0x1cc: {  	v7 =	vld [tilespmem:s31+$0x6100];
	[tilespmem:s6+$0xE100] =	vst v11;
	s6 =	smov.u32 s23  }
0x1cd: {  	v8 =	vld [tilespmem:s31+$0x6110];
	[tilespmem:s30+$0xE100] =	vst v9  }
0x1ce: {  	v10 =	vld [tilespmem:s31+$0x6120];
	[tilespmem:s30+$0xE110] =	vst v6  }
0x1cf: {  	v14 =	vld [tilespmem:s31+$0x6130];
	v4 =	vshll.u32 v4, $0x4;
	[tilespmem:s30+$0xE120] =	vst v3  }
0x1d0: {  	v15 =	vld [tilespmem:s31+$0x6140];
	v3 =	vshll.u32 v5, $0x4;
	v16 =	vor.u32 v0, v4  }
.Ltmp6:
0x1d1: {  	v4 =	vshll.u32 v7, $0x4;
	v6 =	vld [tilespmem:s31+$0x6150];
	v11 =	vor.u32 v0, v3;
	(pc) =	sbr.rel @p0 .LBB2_14-.Ltmp6, $4  }
0x1d2: {  	v9 =	vor.u32 v0, v4;
	v4 =	vshll.u32 v8, $0x4;
	v3 =	vld.idx.msk [tilespmem:v2+s2+$0x0], $0xffff  }
0x1d3: {  	v7 =	vor.u32 v0, v4;
	v2 =	vshll.u32 v10, $0x4;
	v4 =	vld.idx.msk [tilespmem:v12+s2+$0x0], $0xffff  }
0x1d4: {  	v10 =	vor.u32 v0, v2;
	v2 =	vshll.u32 v14, $0x4;
	v5 =	vld.idx.msk [tilespmem:v13+s2+$0x0], $0xffff  }
0x1d5: {  	s14 =	sadd.s32 $0x1, s14;
	v2 =	vor.u32 v0, v2;
	v12 =	vshll.u32 v15, $0x4;
	v8 =	vld.idx.msk [tilespmem:v16+s2+$0x0], $0xffff  }
0x1d6: {  	_ =	sdelay $0x3  }
0x1d7: {  	v12 =	vor.u32 v0, v12;
	v6 =	vshll.u32 v6, $0x4;
	v11 =	vld.idx.msk [tilespmem:v11+s2+$0x0], $0xffff  }
0x1d8: {  	v9 =	vld.idx.msk [tilespmem:v9+s2+$0x0], $0xffff;
	v6 =	vor.u32 v0, v6;
	[tilespmem:s30+$0xE130] =	vst v3  }
0x1d9: {  	v2 =	vld.idx.msk [tilespmem:v2+s2+$0x0], $0xffff;
	[tilespmem:s30+$0xE140] =	vst v4  }
0x1da: {  	v3 =	vld.idx.msk [tilespmem:v7+s2+$0x0], $0xffff;
	[tilespmem:s30+$0xE150] =	vst v5  }
0x1db: {  	v4 =	vld.idx.msk [tilespmem:v10+s2+$0x0], $0xffff;
	[tilespmem:s0+$0xE100] =	vst v8  }
0x1dc: {  	[tilespmem:s6+$0xE100] =	vst v11;
	v5 =	vld.idx.msk [tilespmem:v12+s2+$0x0], $0xffff  }
0x1dd: {  	[tilespmem:s31+$0xE100] =	vst v9;
	v6 =	vld.idx.msk [tilespmem:v6+s2+$0x0], $0xffff  }
0x1de: {  	[tilespmem:s31+$0xE130] =	vst v2  }
0x1df: {  	[tilespmem:s31+$0xE110] =	vst v3  }
0x1e0: {  	[tilespmem:s31+$0xE120] =	vst v4  }
0x1e1: {  	[tilespmem:s31+$0xE140] =	vst v5  }
0x1e2: {  	[tilespmem:s31+$0xE150] =	vst v6  }
0x1e3: {  	s23 =	simm.s32 $0x0;
	s8 =	simm.s32 $0xE100;
	s6 =	rddreg [dreg:$0x12]  }
0x1e4: {  	[hbm4b:s6+s23] =	stream.linear.scatter [tilespmem:s8], [sflag:$0xE], $0x1000, $0x38;
	[tilespmem:$0x11100] =	vst v63  }
0x1e5: {  	s12 =	simm.s32 $0x6100;
	s14 =	sand.u32 $0x3, s23;
	s10 =	rddreg [dreg:$0x1c]  }
0x1e6: {  	[tilespmem:s12], [sflag:$0x6] =	stream.linear.gather [hbm4b:s10+s23], $0x1000, $0x38;
	[tilespmem:$0x11100] =	vst v63  }
0x1e7: {  	s6 =	sshll.u32 s14, $0xA;
	_ =	swait.ge [sflag:s15], $0x1000  }
0x1e8: {  	s16 =	sand.u32 $0xC00, s23;
	s6 =	sadd.s32 $0x0, s6;
	[sflag:s15] =	ssyncset.done $0x0  }
0x1e9: {  	s0 =	sand.u32 $0x380, s23;
	s12 =	sor.u32 $0x70, s6;
	[sflag:s15] =	ssyncadd.s32 $0xFFFFF000  }
0x1ea: {  	s30 =	sor.u32 s0, s16;
	v2 =	vld [tilespmem:s12+$0x7100]  }
0x1eb: {  	s14 =	sor.u32 $0x60, s6;
	v6 =	vld [tilespmem:s30+$0x7120]  }
0x1ec: {  	v3 =	vld [tilespmem:s14+$0x7100]  }
0x1ed: {  	s18 =	simm.s32 $0x1;
	v4 =	vld [tilespmem:s30+$0x7100]  }
0x1ee: {  	s0 =	sand.u32 $0x3, s18;
	v5 =	vld [tilespmem:s30+$0x7110]  }
0x1ef: {  	s0 =	sshll.u32 s0, $0xA;
	v7 =	vld [tilespmem:s30+$0x7130]  }
0x1f0: {  	s8 =	simm.s32 $0x400;
	s23 =	sadd.s32 $0x20, s0;
	s10 =	simm.s32 $0x20;
	v8 =	vld [tilespmem:s30+$0x7140];
	v6 =	vshll.u32 v6, $0x4  }
0x1f1: {  	s16 =	sand.u32 $0xC00, s8;
	s18 =	sand.u32 $0x380, s10;
	s6 =	sor.u32 $0x60, s23;
	v9 =	vld [tilespmem:s30+$0x7150];
	v6 =	vor.u32 v0, v6  }
0x1f2: {  	s31 =	sor.u32 s18, s16;
	v11 =	vld [tilespmem:s6+$0x7100];
	v2 =	vshll.u32 v2, $0x4  }
0x1f3: {  	v12 =	vld [tilespmem:s31+$0x7100];
	v3 =	vshll.u32 v3, $0x4;
	v2 =	vor.u32 v0, v2  }
0x1f4: {  	v13 =	vld [tilespmem:s31+$0x7110];
	v4 =	vshll.u32 v4, $0x4;
	v3 =	vor.u32 v0, v3  }
0x1f5: {  	v14 =	vld [tilespmem:s31+$0x7120];
	v5 =	vshll.u32 v5, $0x4;
	v4 =	vor.u32 v0, v4  }
0x1f6: {  	s0 =	sor.u32 $0x70, s23;
	v5 =	vor.u32 v0, v5;
	v10 =	vld.idx.msk [tilespmem:v6+s2+$0x0], $0xffff  }
0x1f7: {  	v6 =	vld [tilespmem:s0+$0x7100]  }
0x1f8: {  	v2 =	vld.idx.msk [tilespmem:v2+s2+$0x0], $0xffff  }
0x1f9: {  	v7 =	vshll.u32 v7, $0x4;
	v3 =	vld.idx.msk [tilespmem:v3+s2+$0x0], $0xffff  }
0x1fa: {  	v8 =	vshll.u32 v8, $0x4;
	v7 =	vor.u32 v0, v7;
	v4 =	vld.idx.msk [tilespmem:v4+s2+$0x0], $0xffff  }
0x1fb: {  	v9 =	vshll.u32 v9, $0x4;
	v8 =	vor.u32 v0, v8;
	v5 =	vld.idx.msk [tilespmem:v5+s2+$0x0], $0xffff  }
0x1fc: {  	v16 =	vld [tilespmem:s31+$0x7130];
	v15 =	vor.u32 v0, v9;
	v6 =	vshll.u32 v6, $0x4  }
0x1fd: {  	v17 =	vld [tilespmem:s31+$0x7140];
	[tilespmem:s12+$0xF100] =	vst v2;
	v2 =	vshll.u32 v11, $0x4;
	v18 =	vor.u32 v0, v6  }
0x1fe: {  	v9 =	vshll.u32 v12, $0x4;
	[tilespmem:s14+$0xF100] =	vst v3;
	v6 =	vld [tilespmem:s31+$0x7150];
	v11 =	vor.u32 v0, v2  }
0x1ff: {  	v9 =	vor.u32 v0, v9;
	v3 =	vld.idx.msk [tilespmem:v7+s2+$0x0], $0xffff;
	[tilespmem:s30+$0xF100] =	vst v4;
	v2 =	vshll.u32 v13, $0x4  }
0x200: {  	v4 =	vld.idx.msk [tilespmem:v8+s2+$0x0], $0xffff;
	[tilespmem:s30+$0xF110] =	vst v5;
	v7 =	vor.u32 v0, v2;
	v2 =	vshll.u32 v14, $0x4  }
0x201: {  	v8 =	vshll.u32 v16, $0x4;
	v5 =	vld.idx.msk [tilespmem:v15+s2+$0x0], $0xffff;
	[tilespmem:s30+$0xF120] =	vst v10;
	v10 =	vor.u32 v0, v2  }
0x202: {  	v12 =	vshll.u32 v17, $0x4;
	s12 =	simm.s32 $0x8;
	s14 =	simm.s32 $0x2;
	v2 =	vor.u32 v0, v8;
	v8 =	vld.idx.msk [tilespmem:v18+s2+$0x0], $0xffff  }
.LBB2_16:
0x203: {  	s16 =	sand.u32 $0x3, s14;
	s12 =	sadd.s32 $0x8, s12;
	v12 =	vor.u32 v0, v12;
	v6 =	vshll.u32 v6, $0x4;
	v11 =	vld.idx.msk [tilespmem:v11+s2+$0x0], $0xffff;
	s8 =	sadd.s32 $0x400, s8  }
0x204: {  	s10 =	sadd.s32 $0x20, s10;
	s16 =	sshll.u32 s16, $0xA;
	p0 =	slt.u32 s12, $0xF8;
	v9 =	vld.idx.msk [tilespmem:v9+s2+$0x0], $0xffff;
	v13 =	vor.u32 v0, v6  }
0x205: {  	s18 =	sand.u32 $0xC00, s8;
	s23 =	sand.u32 $0x380, s10;
	s16 =	sadd.s32 s16, s10;
	v6 =	vld.idx.msk [tilespmem:v7+s2+$0x0], $0xffff;
	[tilespmem:s30+$0xF130] =	vst v3  }
0x206: {  	s18 =	sor.u32 s23, s18;
	s23 =	sor.u32 $0x60, s16;
	s16 =	sor.u32 $0x70, s16;
	v3 =	vld.idx.msk [tilespmem:v10+s2+$0x0], $0xffff;
	[tilespmem:s30+$0xF140] =	vst v4  }
0x207: {  	v4 =	vld [tilespmem:s16+$0x7100];
	[tilespmem:s30+$0xF150] =	vst v5;
	s30 =	smov.u32 s31;
	s31 =	smov.u32 s18  }
0x208: {  	v5 =	vld [tilespmem:s23+$0x7100];
	[tilespmem:s0+$0xF100] =	vst v8;
	s0 =	smov.u32 s16  }
0x209: {  	v7 =	vld [tilespmem:s31+$0x7100];
	[tilespmem:s6+$0xF100] =	vst v11;
	s6 =	smov.u32 s23  }
0x20a: {  	v8 =	vld [tilespmem:s31+$0x7110];
	[tilespmem:s30+$0xF100] =	vst v9  }
0x20b: {  	v10 =	vld [tilespmem:s31+$0x7120];
	[tilespmem:s30+$0xF110] =	vst v6  }
0x20c: {  	v14 =	vld [tilespmem:s31+$0x7130];
	v4 =	vshll.u32 v4, $0x4;
	[tilespmem:s30+$0xF120] =	vst v3  }
0x20d: {  	v15 =	vld [tilespmem:s31+$0x7140];
	v3 =	vshll.u32 v5, $0x4;
	v16 =	vor.u32 v0, v4  }
.Ltmp7:
0x20e: {  	v4 =	vshll.u32 v7, $0x4;
	v6 =	vld [tilespmem:s31+$0x7150];
	v11 =	vor.u32 v0, v3;
	(pc) =	sbr.rel @p0 .LBB2_16-.Ltmp7, $4  }
0x20f: {  	v9 =	vor.u32 v0, v4;
	v4 =	vshll.u32 v8, $0x4;
	v3 =	vld.idx.msk [tilespmem:v2+s2+$0x0], $0xffff  }
0x210: {  	v7 =	vor.u32 v0, v4;
	v2 =	vshll.u32 v10, $0x4;
	v4 =	vld.idx.msk [tilespmem:v12+s2+$0x0], $0xffff  }
0x211: {  	v10 =	vor.u32 v0, v2;
	v2 =	vshll.u32 v14, $0x4;
	v5 =	vld.idx.msk [tilespmem:v13+s2+$0x0], $0xffff  }
0x212: {  	s14 =	sadd.s32 $0x1, s14;
	v2 =	vor.u32 v0, v2;
	v12 =	vshll.u32 v15, $0x4;
	v8 =	vld.idx.msk [tilespmem:v16+s2+$0x0], $0xffff  }
0x213: {  	_ =	sdelay $0x3  }
0x214: {  	v12 =	vor.u32 v0, v12;
	v6 =	vshll.u32 v6, $0x4;
	v11 =	vld.idx.msk [tilespmem:v11+s2+$0x0], $0xffff  }
0x215: {  	v9 =	vld.idx.msk [tilespmem:v9+s2+$0x0], $0xffff;
	v6 =	vor.u32 v0, v6;
	[tilespmem:s30+$0xF130] =	vst v3  }
0x216: {  	v2 =	vld.idx.msk [tilespmem:v2+s2+$0x0], $0xffff;
	[tilespmem:s30+$0xF140] =	vst v4  }
0x217: {  	v3 =	vld.idx.msk [tilespmem:v7+s2+$0x0], $0xffff;
	[tilespmem:s30+$0xF150] =	vst v5  }
0x218: {  	v4 =	vld.idx.msk [tilespmem:v10+s2+$0x0], $0xffff;
	[tilespmem:s0+$0xF100] =	vst v8  }
0x219: {  	[tilespmem:s6+$0xF100] =	vst v11;
	v5 =	vld.idx.msk [tilespmem:v12+s2+$0x0], $0xffff  }
0x21a: {  	[tilespmem:s31+$0xF100] =	vst v9;
	v6 =	vld.idx.msk [tilespmem:v6+s2+$0x0], $0xffff  }
0x21b: {  	[tilespmem:s31+$0xF130] =	vst v2  }
0x21c: {  	[tilespmem:s31+$0xF110] =	vst v3  }
0x21d: {  	[tilespmem:s31+$0xF120] =	vst v4  }
0x21e: {  	[tilespmem:s31+$0xF140] =	vst v5  }
0x21f: {  	[tilespmem:s31+$0xF150] =	vst v6  }
0x220: {  	s23 =	simm.s32 $0x0;
	s8 =	simm.s32 $0xF100;
	s6 =	rddreg [dreg:$0x13]  }
0x221: {  	[hbm4b:s6+s23] =	stream.linear.scatter [tilespmem:s8], [sflag:$0xF], $0x1000, $0x38;
	[tilespmem:$0x11100] =	vst v63  }
0x222: {  	s12 =	simm.s32 $0x7100;
	s14 =	sand.u32 $0x3, s23;
	s10 =	rddreg [dreg:$0x1e]  }
0x223: {  	[tilespmem:s12], [sflag:$0x7] =	stream.linear.gather [hbm4b:s10+s23], $0x1000, $0x38;
	[tilespmem:$0x11100] =	vst v63  }
0x224: {  	s6 =	sshll.u32 s14, $0xA;
	_ =	swait.ge [sflag:s17], $0x1000  }
0x225: {  	s16 =	sand.u32 $0xC00, s23;
	s6 =	sadd.s32 $0x0, s6;
	[sflag:s17] =	ssyncset.done $0x0  }
0x226: {  	s0 =	sand.u32 $0x380, s23;
	s12 =	sor.u32 $0x70, s6;
	[sflag:s17] =	ssyncadd.s32 $0xFFFFF000  }
0x227: {  	s30 =	sor.u32 s0, s16;
	v2 =	vld [tilespmem:s12+$0x8100]  }
0x228: {  	s14 =	sor.u32 $0x60, s6;
	v6 =	vld [tilespmem:s30+$0x8120]  }
0x229: {  	v3 =	vld [tilespmem:s14+$0x8100]  }
0x22a: {  	s18 =	simm.s32 $0x1;
	v4 =	vld [tilespmem:s30+$0x8100]  }
0x22b: {  	s0 =	sand.u32 $0x3, s18;
	v5 =	vld [tilespmem:s30+$0x8110]  }
0x22c: {  	s0 =	sshll.u32 s0, $0xA;
	v7 =	vld [tilespmem:s30+$0x8130]  }
0x22d: {  	s8 =	simm.s32 $0x400;
	s23 =	sadd.s32 $0x20, s0;
	s10 =	simm.s32 $0x20;
	v8 =	vld [tilespmem:s30+$0x8140];
	v6 =	vshll.u32 v6, $0x4  }
0x22e: {  	s16 =	sand.u32 $0xC00, s8;
	s18 =	sand.u32 $0x380, s10;
	s6 =	sor.u32 $0x60, s23;
	v9 =	vld [tilespmem:s30+$0x8150];
	v6 =	vor.u32 v0, v6  }
0x22f: {  	s31 =	sor.u32 s18, s16;
	v11 =	vld [tilespmem:s6+$0x8100];
	v2 =	vshll.u32 v2, $0x4  }
0x230: {  	v12 =	vld [tilespmem:s31+$0x8100];
	v3 =	vshll.u32 v3, $0x4;
	v2 =	vor.u32 v0, v2  }
0x231: {  	v13 =	vld [tilespmem:s31+$0x8110];
	v4 =	vshll.u32 v4, $0x4;
	v3 =	vor.u32 v0, v3  }
0x232: {  	v14 =	vld [tilespmem:s31+$0x8120];
	v5 =	vshll.u32 v5, $0x4;
	v4 =	vor.u32 v0, v4  }
0x233: {  	s0 =	sor.u32 $0x70, s23;
	v5 =	vor.u32 v0, v5;
	v10 =	vld.idx.msk [tilespmem:v6+s2+$0x0], $0xffff  }
0x234: {  	v6 =	vld [tilespmem:s0+$0x8100]  }
0x235: {  	v2 =	vld.idx.msk [tilespmem:v2+s2+$0x0], $0xffff  }
0x236: {  	v7 =	vshll.u32 v7, $0x4;
	v3 =	vld.idx.msk [tilespmem:v3+s2+$0x0], $0xffff  }
0x237: {  	v8 =	vshll.u32 v8, $0x4;
	v7 =	vor.u32 v0, v7;
	v4 =	vld.idx.msk [tilespmem:v4+s2+$0x0], $0xffff  }
0x238: {  	v9 =	vshll.u32 v9, $0x4;
	v8 =	vor.u32 v0, v8;
	v5 =	vld.idx.msk [tilespmem:v5+s2+$0x0], $0xffff  }
0x239: {  	v16 =	vld [tilespmem:s31+$0x8130];
	v15 =	vor.u32 v0, v9;
	v6 =	vshll.u32 v6, $0x4  }
0x23a: {  	v17 =	vld [tilespmem:s31+$0x8140];
	[tilespmem:s12+$0x10100] =	vst v2;
	v2 =	vshll.u32 v11, $0x4;
	v18 =	vor.u32 v0, v6  }
0x23b: {  	v9 =	vshll.u32 v12, $0x4;
	[tilespmem:s14+$0x10100] =	vst v3;
	v6 =	vld [tilespmem:s31+$0x8150];
	v11 =	vor.u32 v0, v2  }
0x23c: {  	v9 =	vor.u32 v0, v9;
	v3 =	vld.idx.msk [tilespmem:v7+s2+$0x0], $0xffff;
	[tilespmem:s30+$0x10100] =	vst v4;
	v2 =	vshll.u32 v13, $0x4  }
0x23d: {  	v4 =	vld.idx.msk [tilespmem:v8+s2+$0x0], $0xffff;
	[tilespmem:s30+$0x10110] =	vst v5;
	v7 =	vor.u32 v0, v2;
	v2 =	vshll.u32 v14, $0x4  }
0x23e: {  	v8 =	vshll.u32 v16, $0x4;
	v5 =	vld.idx.msk [tilespmem:v15+s2+$0x0], $0xffff;
	[tilespmem:s30+$0x10120] =	vst v10;
	v10 =	vor.u32 v0, v2  }
0x23f: {  	v12 =	vshll.u32 v17, $0x4;
	s12 =	simm.s32 $0x8;
	s14 =	simm.s32 $0x2;
	v2 =	vor.u32 v0, v8;
	v8 =	vld.idx.msk [tilespmem:v18+s2+$0x0], $0xffff  }
.LBB2_18:
0x240: {  	s16 =	sand.u32 $0x3, s14;
	s12 =	sadd.s32 $0x8, s12;
	v12 =	vor.u32 v0, v12;
	v6 =	vshll.u32 v6, $0x4;
	v11 =	vld.idx.msk [tilespmem:v11+s2+$0x0], $0xffff;
	s8 =	sadd.s32 $0x400, s8  }
0x241: {  	s10 =	sadd.s32 $0x20, s10;
	s16 =	sshll.u32 s16, $0xA;
	p0 =	slt.u32 s12, $0xF8;
	v9 =	vld.idx.msk [tilespmem:v9+s2+$0x0], $0xffff;
	v13 =	vor.u32 v0, v6  }
0x242: {  	s18 =	sand.u32 $0xC00, s8;
	s23 =	sand.u32 $0x380, s10;
	s16 =	sadd.s32 s16, s10;
	v6 =	vld.idx.msk [tilespmem:v7+s2+$0x0], $0xffff;
	[tilespmem:s30+$0x10130] =	vst v3  }
0x243: {  	s18 =	sor.u32 s23, s18;
	s23 =	sor.u32 $0x60, s16;
	s16 =	sor.u32 $0x70, s16;
	v3 =	vld.idx.msk [tilespmem:v10+s2+$0x0], $0xffff;
	[tilespmem:s30+$0x10140] =	vst v4  }
0x244: {  	v4 =	vld [tilespmem:s16+$0x8100];
	[tilespmem:s30+$0x10150] =	vst v5;
	s30 =	smov.u32 s31;
	s31 =	smov.u32 s18  }
0x245: {  	v5 =	vld [tilespmem:s23+$0x8100];
	[tilespmem:s0+$0x10100] =	vst v8;
	s0 =	smov.u32 s16  }
0x246: {  	v7 =	vld [tilespmem:s31+$0x8100];
	[tilespmem:s6+$0x10100] =	vst v11;
	s6 =	smov.u32 s23  }
0x247: {  	v8 =	vld [tilespmem:s31+$0x8110];
	[tilespmem:s30+$0x10100] =	vst v9  }
0x248: {  	v10 =	vld [tilespmem:s31+$0x8120];
	[tilespmem:s30+$0x10110] =	vst v6  }
0x249: {  	v14 =	vld [tilespmem:s31+$0x8130];
	v4 =	vshll.u32 v4, $0x4;
	[tilespmem:s30+$0x10120] =	vst v3  }
0x24a: {  	v15 =	vld [tilespmem:s31+$0x8140];
	v3 =	vshll.u32 v5, $0x4;
	v16 =	vor.u32 v0, v4  }
.Ltmp8:
0x24b: {  	v4 =	vshll.u32 v7, $0x4;
	v6 =	vld [tilespmem:s31+$0x8150];
	v11 =	vor.u32 v0, v3;
	(pc) =	sbr.rel @p0 .LBB2_18-.Ltmp8, $4  }
0x24c: {  	v9 =	vor.u32 v0, v4;
	v4 =	vshll.u32 v8, $0x4;
	v3 =	vld.idx.msk [tilespmem:v2+s2+$0x0], $0xffff  }
0x24d: {  	v7 =	vor.u32 v0, v4;
	v2 =	vshll.u32 v10, $0x4;
	v4 =	vld.idx.msk [tilespmem:v12+s2+$0x0], $0xffff  }
0x24e: {  	v10 =	vor.u32 v0, v2;
	v2 =	vshll.u32 v14, $0x4;
	v5 =	vld.idx.msk [tilespmem:v13+s2+$0x0], $0xffff  }
0x24f: {  	s14 =	sadd.s32 $0x1, s14;
	v2 =	vor.u32 v0, v2;
	v12 =	vshll.u32 v15, $0x4;
	v8 =	vld.idx.msk [tilespmem:v16+s2+$0x0], $0xffff  }
0x250: {  	_ =	sdelay $0x3  }
0x251: {  	v12 =	vor.u32 v0, v12;
	v6 =	vshll.u32 v6, $0x4;
	v11 =	vld.idx.msk [tilespmem:v11+s2+$0x0], $0xffff  }
0x252: {  	v9 =	vld.idx.msk [tilespmem:v9+s2+$0x0], $0xffff;
	v6 =	vor.u32 v0, v6;
	[tilespmem:s30+$0x10130] =	vst v3  }
0x253: {  	v2 =	vld.idx.msk [tilespmem:v2+s2+$0x0], $0xffff;
	[tilespmem:s30+$0x10140] =	vst v4  }
0x254: {  	v3 =	vld.idx.msk [tilespmem:v7+s2+$0x0], $0xffff;
	[tilespmem:s30+$0x10150] =	vst v5  }
0x255: {  	v4 =	vld.idx.msk [tilespmem:v10+s2+$0x0], $0xffff;
	[tilespmem:s0+$0x10100] =	vst v8  }
0x256: {  	[tilespmem:s6+$0x10100] =	vst v11;
	v5 =	vld.idx.msk [tilespmem:v12+s2+$0x0], $0xffff  }
0x257: {  	[tilespmem:s31+$0x10100] =	vst v9;
	v6 =	vld.idx.msk [tilespmem:v6+s2+$0x0], $0xffff  }
0x258: {  	[tilespmem:s31+$0x10130] =	vst v2  }
0x259: {  	[tilespmem:s31+$0x10110] =	vst v3  }
0x25a: {  	[tilespmem:s31+$0x10120] =	vst v4  }
0x25b: {  	[tilespmem:s31+$0x10140] =	vst v5  }
0x25c: {  	[tilespmem:s31+$0x10150] =	vst v6  }
0x25d: {  	s6 =	rddreg [dreg:$0x14]  }
0x25e: {  	s23 =	simm.s32 $0x0;
	s8 =	simm.s32 $0x10100;
	s10 =	sld [smem:$0x7E7]  }
0x25f: {  	[hbm4b:s6+s23] =	stream.linear.scatter [tilespmem:s8], [sflag:$0x10], $0x1000, $0x38;
	[tilespmem:$0x11100] =	vst v63  }
0x260: {  	s12 =	simm.s32 $0x8100  }
0x261: {  	[tilespmem:s12], [sflag:$0x8] =	stream.linear.gather [hbm4b:s10+s23], $0x1000, $0x38;
	[tilespmem:$0x11100] =	vst v63  }
0x262: {  	_ =	swait.ge [sflag:s3], $0x1000  }
0x263: {  	[sflag:s3] =	ssyncset.done $0x0  }
0x264: {  	s14 =	sand.u32 $0x3, s23;
	[sflag:s3] =	ssyncadd.s32 $0xFFFFF000  }
0x265: {  	s6 =	sshll.u32 s14, $0xA;
	_ =	swait.ge [sflag:s19], $0x1000  }
0x266: {  	s16 =	sand.u32 $0xC00, s23;
	s6 =	sadd.s32 $0x0, s6;
	[sflag:s19] =	ssyncset.done $0x0  }
0x267: {  	s0 =	sand.u32 $0x380, s23;
	s12 =	sor.u32 $0x70, s6;
	[sflag:s19] =	ssyncadd.s32 $0xFFFFF000  }
0x268: {  	s30 =	sor.u32 s0, s16;
	v2 =	vld [tilespmem:s12+$0x1100]  }
0x269: {  	s14 =	sor.u32 $0x60, s6;
	v6 =	vld [tilespmem:s30+$0x1120]  }
0x26a: {  	v3 =	vld [tilespmem:s14+$0x1100]  }
0x26b: {  	s18 =	simm.s32 $0x1;
	v4 =	vld [tilespmem:s30+$0x1100]  }
0x26c: {  	s0 =	sand.u32 $0x3, s18;
	v5 =	vld [tilespmem:s30+$0x1110]  }
0x26d: {  	s0 =	sshll.u32 s0, $0xA;
	v7 =	vld [tilespmem:s30+$0x1130]  }
0x26e: {  	s8 =	simm.s32 $0x400;
	s23 =	sadd.s32 $0x20, s0;
	s10 =	simm.s32 $0x20;
	v8 =	vld [tilespmem:s30+$0x1140];
	v6 =	vshll.u32 v6, $0x4  }
0x26f: {  	s16 =	sand.u32 $0xC00, s8;
	s18 =	sand.u32 $0x380, s10;
	s6 =	sor.u32 $0x60, s23;
	v9 =	vld [tilespmem:s30+$0x1150];
	v6 =	vor.u32 v0, v6  }
0x270: {  	s31 =	sor.u32 s18, s16;
	v11 =	vld [tilespmem:s6+$0x1100];
	v2 =	vshll.u32 v2, $0x4  }
0x271: {  	v12 =	vld [tilespmem:s31+$0x1100];
	v3 =	vshll.u32 v3, $0x4;
	v2 =	vor.u32 v0, v2  }
0x272: {  	v13 =	vld [tilespmem:s31+$0x1110];
	v4 =	vshll.u32 v4, $0x4;
	v3 =	vor.u32 v0, v3  }
0x273: {  	v14 =	vld [tilespmem:s31+$0x1120];
	v5 =	vshll.u32 v5, $0x4;
	v4 =	vor.u32 v0, v4  }
0x274: {  	s0 =	sor.u32 $0x70, s23;
	v5 =	vor.u32 v0, v5;
	v10 =	vld.idx.msk [tilespmem:v6+s2+$0x0], $0xffff  }
0x275: {  	v6 =	vld [tilespmem:s0+$0x1100]  }
0x276: {  	v2 =	vld.idx.msk [tilespmem:v2+s2+$0x0], $0xffff  }
0x277: {  	v7 =	vshll.u32 v7, $0x4;
	v3 =	vld.idx.msk [tilespmem:v3+s2+$0x0], $0xffff  }
0x278: {  	v8 =	vshll.u32 v8, $0x4;
	v7 =	vor.u32 v0, v7;
	v4 =	vld.idx.msk [tilespmem:v4+s2+$0x0], $0xffff  }
0x279: {  	v9 =	vshll.u32 v9, $0x4;
	v8 =	vor.u32 v0, v8;
	v5 =	vld.idx.msk [tilespmem:v5+s2+$0x0], $0xffff  }
0x27a: {  	v16 =	vld [tilespmem:s31+$0x1130];
	v15 =	vor.u32 v0, v9;
	v6 =	vshll.u32 v6, $0x4  }
0x27b: {  	v17 =	vld [tilespmem:s31+$0x1140];
	[tilespmem:s12+$0x9100] =	vst v2;
	v2 =	vshll.u32 v11, $0x4;
	v18 =	vor.u32 v0, v6  }
0x27c: {  	v9 =	vshll.u32 v12, $0x4;
	[tilespmem:s14+$0x9100] =	vst v3;
	v6 =	vld [tilespmem:s31+$0x1150];
	v11 =	vor.u32 v0, v2  }
0x27d: {  	v9 =	vor.u32 v0, v9;
	v3 =	vld.idx.msk [tilespmem:v7+s2+$0x0], $0xffff;
	[tilespmem:s30+$0x9100] =	vst v4;
	v2 =	vshll.u32 v13, $0x4  }
0x27e: {  	v4 =	vld.idx.msk [tilespmem:v8+s2+$0x0], $0xffff;
	[tilespmem:s30+$0x9110] =	vst v5;
	v7 =	vor.u32 v0, v2;
	v2 =	vshll.u32 v14, $0x4  }
0x27f: {  	v8 =	vshll.u32 v16, $0x4;
	v5 =	vld.idx.msk [tilespmem:v15+s2+$0x0], $0xffff;
	[tilespmem:s30+$0x9120] =	vst v10;
	v10 =	vor.u32 v0, v2  }
0x280: {  	v12 =	vshll.u32 v17, $0x4;
	s12 =	simm.s32 $0x8;
	s14 =	simm.s32 $0x2;
	v2 =	vor.u32 v0, v8;
	v8 =	vld.idx.msk [tilespmem:v18+s2+$0x0], $0xffff  }
.LBB2_20:
0x281: {  	s16 =	sand.u32 $0x3, s14;
	s12 =	sadd.s32 $0x8, s12;
	v12 =	vor.u32 v0, v12;
	v6 =	vshll.u32 v6, $0x4;
	v11 =	vld.idx.msk [tilespmem:v11+s2+$0x0], $0xffff;
	s8 =	sadd.s32 $0x400, s8  }
0x282: {  	s10 =	sadd.s32 $0x20, s10;
	s16 =	sshll.u32 s16, $0xA;
	p0 =	slt.u32 s12, $0xF8;
	v9 =	vld.idx.msk [tilespmem:v9+s2+$0x0], $0xffff;
	v13 =	vor.u32 v0, v6  }
0x283: {  	s18 =	sand.u32 $0xC00, s8;
	s23 =	sand.u32 $0x380, s10;
	s16 =	sadd.s32 s16, s10;
	v6 =	vld.idx.msk [tilespmem:v7+s2+$0x0], $0xffff;
	[tilespmem:s30+$0x9130] =	vst v3  }
0x284: {  	s18 =	sor.u32 s23, s18;
	s23 =	sor.u32 $0x60, s16;
	s16 =	sor.u32 $0x70, s16;
	v3 =	vld.idx.msk [tilespmem:v10+s2+$0x0], $0xffff;
	[tilespmem:s30+$0x9140] =	vst v4  }
0x285: {  	v4 =	vld [tilespmem:s16+$0x1100];
	[tilespmem:s30+$0x9150] =	vst v5;
	s30 =	smov.u32 s31;
	s31 =	smov.u32 s18  }
0x286: {  	v5 =	vld [tilespmem:s23+$0x1100];
	[tilespmem:s0+$0x9100] =	vst v8;
	s0 =	smov.u32 s16  }
0x287: {  	v7 =	vld [tilespmem:s31+$0x1100];
	[tilespmem:s6+$0x9100] =	vst v11;
	s6 =	smov.u32 s23  }
0x288: {  	v8 =	vld [tilespmem:s31+$0x1110];
	[tilespmem:s30+$0x9100] =	vst v9  }
0x289: {  	v10 =	vld [tilespmem:s31+$0x1120];
	[tilespmem:s30+$0x9110] =	vst v6  }
0x28a: {  	v14 =	vld [tilespmem:s31+$0x1130];
	v4 =	vshll.u32 v4, $0x4;
	[tilespmem:s30+$0x9120] =	vst v3  }
0x28b: {  	v15 =	vld [tilespmem:s31+$0x1140];
	v3 =	vshll.u32 v5, $0x4;
	v16 =	vor.u32 v0, v4  }
.Ltmp9:
0x28c: {  	v4 =	vshll.u32 v7, $0x4;
	v6 =	vld [tilespmem:s31+$0x1150];
	v11 =	vor.u32 v0, v3;
	(pc) =	sbr.rel @p0 .LBB2_20-.Ltmp9, $4  }
0x28d: {  	v9 =	vor.u32 v0, v4;
	v4 =	vshll.u32 v8, $0x4;
	v3 =	vld.idx.msk [tilespmem:v2+s2+$0x0], $0xffff  }
0x28e: {  	v7 =	vor.u32 v0, v4;
	v2 =	vshll.u32 v10, $0x4;
	v4 =	vld.idx.msk [tilespmem:v12+s2+$0x0], $0xffff  }
0x28f: {  	v10 =	vor.u32 v0, v2;
	v2 =	vshll.u32 v14, $0x4;
	v5 =	vld.idx.msk [tilespmem:v13+s2+$0x0], $0xffff  }
0x290: {  	s14 =	sadd.s32 $0x1, s14;
	v2 =	vor.u32 v0, v2;
	v12 =	vshll.u32 v15, $0x4;
	v8 =	vld.idx.msk [tilespmem:v16+s2+$0x0], $0xffff  }
0x291: {  	_ =	sdelay $0x3  }
0x292: {  	v12 =	vor.u32 v0, v12;
	v6 =	vshll.u32 v6, $0x4;
	v11 =	vld.idx.msk [tilespmem:v11+s2+$0x0], $0xffff  }
0x293: {  	v9 =	vld.idx.msk [tilespmem:v9+s2+$0x0], $0xffff;
	v6 =	vor.u32 v0, v6;
	[tilespmem:s30+$0x9130] =	vst v3  }
0x294: {  	v2 =	vld.idx.msk [tilespmem:v2+s2+$0x0], $0xffff;
	[tilespmem:s30+$0x9140] =	vst v4  }
0x295: {  	v3 =	vld.idx.msk [tilespmem:v7+s2+$0x0], $0xffff;
	[tilespmem:s30+$0x9150] =	vst v5  }
0x296: {  	v4 =	vld.idx.msk [tilespmem:v10+s2+$0x0], $0xffff;
	[tilespmem:s0+$0x9100] =	vst v8  }
0x297: {  	[tilespmem:s6+$0x9100] =	vst v11;
	v5 =	vld.idx.msk [tilespmem:v12+s2+$0x0], $0xffff  }
0x298: {  	[tilespmem:s31+$0x9100] =	vst v9;
	v6 =	vld.idx.msk [tilespmem:v6+s2+$0x0], $0xffff  }
0x299: {  	[tilespmem:s31+$0x9130] =	vst v2  }
0x29a: {  	[tilespmem:s31+$0x9110] =	vst v3  }
0x29b: {  	[tilespmem:s31+$0x9120] =	vst v4  }
0x29c: {  	[tilespmem:s31+$0x9140] =	vst v5  }
0x29d: {  	[tilespmem:s31+$0x9150] =	vst v6  }
0x29e: {  	s6 =	rddreg [dreg:$0x15]  }
0x29f: {  	s10 =	simm.s32 $0x0;
	s12 =	sld [smem:$0x7E9]  }
0x2a0: {  	[hbm4b:s6+s10] =	stream.linear.scatter [tilespmem:s4], [sflag:$0x9], $0x1000, $0x38;
	[tilespmem:$0x11100] =	vst v63  }
0x2a1: {  	s8 =	simm.s32 $0x1100  }
0x2a2: {  	[tilespmem:s8], [sflag:$0x1] =	stream.linear.gather [hbm4b:s12+s10], $0x1000, $0x38;
	[tilespmem:$0x11100] =	vst v63  }
0x2a3: {  	_ =	swait.ge [sflag:s5], $0x1000  }
0x2a4: {  	[sflag:s5] =	ssyncset.done $0x0  }
0x2a5: {  	s14 =	sand.u32 $0x3, s10;
	[sflag:s5] =	ssyncadd.s32 $0xFFFFF000  }
0x2a6: {  	s6 =	sshll.u32 s14, $0xA;
	_ =	swait.ge [sflag:s20], $0x1000  }
0x2a7: {  	s16 =	sand.u32 $0xC00, s10;
	s6 =	sadd.s32 $0x0, s6;
	[sflag:s20] =	ssyncset.done $0x0  }
0x2a8: {  	s0 =	sand.u32 $0x380, s10;
	s12 =	sor.u32 $0x70, s6;
	[sflag:s20] =	ssyncadd.s32 $0xFFFFF000  }
0x2a9: {  	s30 =	sor.u32 s0, s16;
	v2 =	vld [tilespmem:s12+$0x2100]  }
0x2aa: {  	s14 =	sor.u32 $0x60, s6;
	v6 =	vld [tilespmem:s30+$0x2120]  }
0x2ab: {  	v3 =	vld [tilespmem:s14+$0x2100]  }
0x2ac: {  	s18 =	simm.s32 $0x1;
	v4 =	vld [tilespmem:s30+$0x2100]  }
0x2ad: {  	s0 =	sand.u32 $0x3, s18;
	v5 =	vld [tilespmem:s30+$0x2110]  }
0x2ae: {  	s0 =	sshll.u32 s0, $0xA;
	v7 =	vld [tilespmem:s30+$0x2130]  }
0x2af: {  	s23 =	sadd.s32 $0x20, s0;
	s8 =	simm.s32 $0x400;
	s10 =	simm.s32 $0x20;
	v8 =	vld [tilespmem:s30+$0x2140];
	v6 =	vshll.u32 v6, $0x4  }
0x2b0: {  	s6 =	sor.u32 $0x60, s23;
	s16 =	sand.u32 $0xC00, s8;
	s18 =	sand.u32 $0x380, s10;
	v9 =	vld [tilespmem:s30+$0x2150];
	v6 =	vor.u32 v0, v6  }
0x2b1: {  	s31 =	sor.u32 s18, s16;
	v11 =	vld [tilespmem:s6+$0x2100];
	v2 =	vshll.u32 v2, $0x4  }
0x2b2: {  	v12 =	vld [tilespmem:s31+$0x2100];
	v3 =	vshll.u32 v3, $0x4;
	v2 =	vor.u32 v0, v2  }
0x2b3: {  	v13 =	vld [tilespmem:s31+$0x2110];
	v4 =	vshll.u32 v4, $0x4;
	v3 =	vor.u32 v0, v3  }
0x2b4: {  	v14 =	vld [tilespmem:s31+$0x2120];
	v5 =	vshll.u32 v5, $0x4;
	v4 =	vor.u32 v0, v4  }
0x2b5: {  	s0 =	sor.u32 $0x70, s23;
	v5 =	vor.u32 v0, v5;
	v10 =	vld.idx.msk [tilespmem:v6+s2+$0x0], $0xffff  }
0x2b6: {  	v6 =	vld [tilespmem:s0+$0x2100]  }
0x2b7: {  	v2 =	vld.idx.msk [tilespmem:v2+s2+$0x0], $0xffff  }
0x2b8: {  	v7 =	vshll.u32 v7, $0x4;
	v3 =	vld.idx.msk [tilespmem:v3+s2+$0x0], $0xffff  }
0x2b9: {  	v8 =	vshll.u32 v8, $0x4;
	v7 =	vor.u32 v0, v7;
	v4 =	vld.idx.msk [tilespmem:v4+s2+$0x0], $0xffff  }
0x2ba: {  	v9 =	vshll.u32 v9, $0x4;
	v8 =	vor.u32 v0, v8;
	v5 =	vld.idx.msk [tilespmem:v5+s2+$0x0], $0xffff  }
0x2bb: {  	v16 =	vld [tilespmem:s31+$0x2130];
	v15 =	vor.u32 v0, v9;
	v6 =	vshll.u32 v6, $0x4  }
0x2bc: {  	v17 =	vld [tilespmem:s31+$0x2140];
	[tilespmem:s12+$0xA100] =	vst v2;
	v2 =	vshll.u32 v11, $0x4;
	v18 =	vor.u32 v0, v6  }
0x2bd: {  	v9 =	vshll.u32 v12, $0x4;
	[tilespmem:s14+$0xA100] =	vst v3;
	v6 =	vld [tilespmem:s31+$0x2150];
	v11 =	vor.u32 v0, v2  }
0x2be: {  	v9 =	vor.u32 v0, v9;
	v3 =	vld.idx.msk [tilespmem:v7+s2+$0x0], $0xffff;
	[tilespmem:s30+$0xA100] =	vst v4;
	v2 =	vshll.u32 v13, $0x4  }
0x2bf: {  	v4 =	vld.idx.msk [tilespmem:v8+s2+$0x0], $0xffff;
	[tilespmem:s30+$0xA110] =	vst v5;
	v7 =	vor.u32 v0, v2;
	v2 =	vshll.u32 v14, $0x4  }
0x2c0: {  	v8 =	vshll.u32 v16, $0x4;
	v5 =	vld.idx.msk [tilespmem:v15+s2+$0x0], $0xffff;
	[tilespmem:s30+$0xA120] =	vst v10;
	v10 =	vor.u32 v0, v2  }
0x2c1: {  	v12 =	vshll.u32 v17, $0x4;
	s12 =	simm.s32 $0x8;
	s14 =	simm.s32 $0x2;
	v2 =	vor.u32 v0, v8;
	v8 =	vld.idx.msk [tilespmem:v18+s2+$0x0], $0xffff  }
.LBB2_22:
0x2c2: {  	s16 =	sand.u32 $0x3, s14;
	s12 =	sadd.s32 $0x8, s12;
	v12 =	vor.u32 v0, v12;
	v6 =	vshll.u32 v6, $0x4;
	v11 =	vld.idx.msk [tilespmem:v11+s2+$0x0], $0xffff;
	s8 =	sadd.s32 $0x400, s8  }
0x2c3: {  	s10 =	sadd.s32 $0x20, s10;
	s16 =	sshll.u32 s16, $0xA;
	p0 =	slt.u32 s12, $0xF8;
	v9 =	vld.idx.msk [tilespmem:v9+s2+$0x0], $0xffff;
	v13 =	vor.u32 v0, v6  }
0x2c4: {  	s18 =	sand.u32 $0xC00, s8;
	s23 =	sand.u32 $0x380, s10;
	s16 =	sadd.s32 s16, s10;
	v6 =	vld.idx.msk [tilespmem:v7+s2+$0x0], $0xffff;
	[tilespmem:s30+$0xA130] =	vst v3  }
0x2c5: {  	s18 =	sor.u32 s23, s18;
	s23 =	sor.u32 $0x60, s16;
	s16 =	sor.u32 $0x70, s16;
	v3 =	vld.idx.msk [tilespmem:v10+s2+$0x0], $0xffff;
	[tilespmem:s30+$0xA140] =	vst v4  }
0x2c6: {  	v4 =	vld [tilespmem:s16+$0x2100];
	[tilespmem:s30+$0xA150] =	vst v5;
	s30 =	smov.u32 s31;
	s31 =	smov.u32 s18  }
0x2c7: {  	v5 =	vld [tilespmem:s23+$0x2100];
	[tilespmem:s0+$0xA100] =	vst v8;
	s0 =	smov.u32 s16  }
0x2c8: {  	v7 =	vld [tilespmem:s31+$0x2100];
	[tilespmem:s6+$0xA100] =	vst v11;
	s6 =	smov.u32 s23  }
0x2c9: {  	v8 =	vld [tilespmem:s31+$0x2110];
	[tilespmem:s30+$0xA100] =	vst v9  }
0x2ca: {  	v10 =	vld [tilespmem:s31+$0x2120];
	[tilespmem:s30+$0xA110] =	vst v6  }
0x2cb: {  	v14 =	vld [tilespmem:s31+$0x2130];
	v4 =	vshll.u32 v4, $0x4;
	[tilespmem:s30+$0xA120] =	vst v3  }
0x2cc: {  	v15 =	vld [tilespmem:s31+$0x2140];
	v3 =	vshll.u32 v5, $0x4;
	v16 =	vor.u32 v0, v4  }
.Ltmp10:
0x2cd: {  	v4 =	vshll.u32 v7, $0x4;
	v6 =	vld [tilespmem:s31+$0x2150];
	v11 =	vor.u32 v0, v3;
	(pc) =	sbr.rel @p0 .LBB2_22-.Ltmp10, $4  }
0x2ce: {  	v9 =	vor.u32 v0, v4;
	v4 =	vshll.u32 v8, $0x4;
	v3 =	vld.idx.msk [tilespmem:v2+s2+$0x0], $0xffff  }
0x2cf: {  	v7 =	vor.u32 v0, v4;
	v2 =	vshll.u32 v10, $0x4;
	v4 =	vld.idx.msk [tilespmem:v12+s2+$0x0], $0xffff  }
0x2d0: {  	v10 =	vor.u32 v0, v2;
	v2 =	vshll.u32 v14, $0x4;
	v5 =	vld.idx.msk [tilespmem:v13+s2+$0x0], $0xffff  }
0x2d1: {  	s14 =	sadd.s32 $0x1, s14;
	v2 =	vor.u32 v0, v2;
	v12 =	vshll.u32 v15, $0x4;
	v8 =	vld.idx.msk [tilespmem:v16+s2+$0x0], $0xffff  }
0x2d2: {  	_ =	sdelay $0x3  }
0x2d3: {  	v12 =	vor.u32 v0, v12;
	v6 =	vshll.u32 v6, $0x4;
	v11 =	vld.idx.msk [tilespmem:v11+s2+$0x0], $0xffff  }
0x2d4: {  	v9 =	vld.idx.msk [tilespmem:v9+s2+$0x0], $0xffff;
	v6 =	vor.u32 v0, v6;
	[tilespmem:s30+$0xA130] =	vst v3  }
0x2d5: {  	v2 =	vld.idx.msk [tilespmem:v2+s2+$0x0], $0xffff;
	[tilespmem:s30+$0xA140] =	vst v4  }
0x2d6: {  	v3 =	vld.idx.msk [tilespmem:v7+s2+$0x0], $0xffff;
	[tilespmem:s30+$0xA150] =	vst v5  }
0x2d7: {  	v4 =	vld.idx.msk [tilespmem:v10+s2+$0x0], $0xffff;
	[tilespmem:s0+$0xA100] =	vst v8  }
0x2d8: {  	[tilespmem:s6+$0xA100] =	vst v11;
	v5 =	vld.idx.msk [tilespmem:v12+s2+$0x0], $0xffff  }
0x2d9: {  	[tilespmem:s31+$0xA100] =	vst v9;
	v6 =	vld.idx.msk [tilespmem:v6+s2+$0x0], $0xffff  }
0x2da: {  	[tilespmem:s31+$0xA130] =	vst v2  }
0x2db: {  	[tilespmem:s31+$0xA110] =	vst v3  }
0x2dc: {  	[tilespmem:s31+$0xA120] =	vst v4  }
0x2dd: {  	[tilespmem:s31+$0xA140] =	vst v5  }
0x2de: {  	[tilespmem:s31+$0xA150] =	vst v6  }
0x2df: {  	s6 =	rddreg [dreg:$0x16]  }
0x2e0: {  	s23 =	simm.s32 $0x0;
	s8 =	simm.s32 $0xA100;
	s10 =	sld [smem:$0x7ED]  }
0x2e1: {  	[hbm4b:s6+s23] =	stream.linear.scatter [tilespmem:s8], [sflag:$0xA], $0x1000, $0x38;
	[tilespmem:$0x11100] =	vst v63  }
0x2e2: {  	s12 =	simm.s32 $0x2100  }
0x2e3: {  	[tilespmem:s12], [sflag:$0x2] =	stream.linear.gather [hbm4b:s10+s23], $0x1000, $0x38;
	[tilespmem:$0x11100] =	vst v63  }
0x2e4: {  	_ =	swait.ge [sflag:s7], $0x1000  }
0x2e5: {  	[sflag:s7] =	ssyncset.done $0x0  }
0x2e6: {  	s14 =	sand.u32 $0x3, s23;
	[sflag:s7] =	ssyncadd.s32 $0xFFFFF000  }
0x2e7: {  	s6 =	sshll.u32 s14, $0xA;
	_ =	swait.ge [sflag:s21], $0x1000  }
0x2e8: {  	s16 =	sand.u32 $0xC00, s23;
	s6 =	sadd.s32 $0x0, s6;
	[sflag:s21] =	ssyncset.done $0x0  }
0x2e9: {  	s0 =	sand.u32 $0x380, s23;
	s12 =	sor.u32 $0x70, s6;
	[sflag:s21] =	ssyncadd.s32 $0xFFFFF000  }
0x2ea: {  	s30 =	sor.u32 s0, s16;
	v2 =	vld [tilespmem:s12+$0x3100]  }
0x2eb: {  	s14 =	sor.u32 $0x60, s6;
	v6 =	vld [tilespmem:s30+$0x3120]  }
0x2ec: {  	v3 =	vld [tilespmem:s14+$0x3100]  }
0x2ed: {  	s18 =	simm.s32 $0x1;
	v4 =	vld [tilespmem:s30+$0x3100]  }
0x2ee: {  	s0 =	sand.u32 $0x3, s18;
	v5 =	vld [tilespmem:s30+$0x3110]  }
0x2ef: {  	s0 =	sshll.u32 s0, $0xA;
	v7 =	vld [tilespmem:s30+$0x3130]  }
0x2f0: {  	s8 =	simm.s32 $0x400;
	s23 =	sadd.s32 $0x20, s0;
	s10 =	simm.s32 $0x20;
	v8 =	vld [tilespmem:s30+$0x3140];
	v6 =	vshll.u32 v6, $0x4  }
0x2f1: {  	s16 =	sand.u32 $0xC00, s8;
	s18 =	sand.u32 $0x380, s10;
	s6 =	sor.u32 $0x60, s23;
	v9 =	vld [tilespmem:s30+$0x3150];
	v6 =	vor.u32 v0, v6  }
0x2f2: {  	s31 =	sor.u32 s18, s16;
	v11 =	vld [tilespmem:s6+$0x3100];
	v2 =	vshll.u32 v2, $0x4  }
0x2f3: {  	v12 =	vld [tilespmem:s31+$0x3100];
	v3 =	vshll.u32 v3, $0x4;
	v2 =	vor.u32 v0, v2  }
0x2f4: {  	v13 =	vld [tilespmem:s31+$0x3110];
	v4 =	vshll.u32 v4, $0x4;
	v3 =	vor.u32 v0, v3  }
0x2f5: {  	v14 =	vld [tilespmem:s31+$0x3120];
	v5 =	vshll.u32 v5, $0x4;
	v4 =	vor.u32 v0, v4  }
0x2f6: {  	s0 =	sor.u32 $0x70, s23;
	v5 =	vor.u32 v0, v5;
	v10 =	vld.idx.msk [tilespmem:v6+s2+$0x0], $0xffff  }
0x2f7: {  	v6 =	vld [tilespmem:s0+$0x3100]  }
0x2f8: {  	v2 =	vld.idx.msk [tilespmem:v2+s2+$0x0], $0xffff  }
0x2f9: {  	v7 =	vshll.u32 v7, $0x4;
	v3 =	vld.idx.msk [tilespmem:v3+s2+$0x0], $0xffff  }
0x2fa: {  	v8 =	vshll.u32 v8, $0x4;
	v7 =	vor.u32 v0, v7;
	v4 =	vld.idx.msk [tilespmem:v4+s2+$0x0], $0xffff  }
0x2fb: {  	v9 =	vshll.u32 v9, $0x4;
	v8 =	vor.u32 v0, v8;
	v5 =	vld.idx.msk [tilespmem:v5+s2+$0x0], $0xffff  }
0x2fc: {  	v16 =	vld [tilespmem:s31+$0x3130];
	v15 =	vor.u32 v0, v9;
	v6 =	vshll.u32 v6, $0x4  }
0x2fd: {  	v17 =	vld [tilespmem:s31+$0x3140];
	[tilespmem:s12+$0xB100] =	vst v2;
	v2 =	vshll.u32 v11, $0x4;
	v18 =	vor.u32 v0, v6  }
0x2fe: {  	v9 =	vshll.u32 v12, $0x4;
	[tilespmem:s14+$0xB100] =	vst v3;
	v6 =	vld [tilespmem:s31+$0x3150];
	v11 =	vor.u32 v0, v2  }
0x2ff: {  	v9 =	vor.u32 v0, v9;
	v3 =	vld.idx.msk [tilespmem:v7+s2+$0x0], $0xffff;
	[tilespmem:s30+$0xB100] =	vst v4;
	v2 =	vshll.u32 v13, $0x4  }
0x300: {  	v4 =	vld.idx.msk [tilespmem:v8+s2+$0x0], $0xffff;
	[tilespmem:s30+$0xB110] =	vst v5;
	v7 =	vor.u32 v0, v2;
	v2 =	vshll.u32 v14, $0x4  }
0x301: {  	v8 =	vshll.u32 v16, $0x4;
	v5 =	vld.idx.msk [tilespmem:v15+s2+$0x0], $0xffff;
	[tilespmem:s30+$0xB120] =	vst v10;
	v10 =	vor.u32 v0, v2  }
0x302: {  	v12 =	vshll.u32 v17, $0x4;
	s12 =	simm.s32 $0x8;
	s14 =	simm.s32 $0x2;
	v2 =	vor.u32 v0, v8;
	v8 =	vld.idx.msk [tilespmem:v18+s2+$0x0], $0xffff  }
.LBB2_24:
0x303: {  	s16 =	sand.u32 $0x3, s14;
	s12 =	sadd.s32 $0x8, s12;
	v12 =	vor.u32 v0, v12;
	v6 =	vshll.u32 v6, $0x4;
	v11 =	vld.idx.msk [tilespmem:v11+s2+$0x0], $0xffff;
	s8 =	sadd.s32 $0x400, s8  }
0x304: {  	s10 =	sadd.s32 $0x20, s10;
	s16 =	sshll.u32 s16, $0xA;
	p0 =	slt.u32 s12, $0xF8;
	v9 =	vld.idx.msk [tilespmem:v9+s2+$0x0], $0xffff;
	v13 =	vor.u32 v0, v6  }
0x305: {  	s18 =	sand.u32 $0xC00, s8;
	s23 =	sand.u32 $0x380, s10;
	s16 =	sadd.s32 s16, s10;
	v6 =	vld.idx.msk [tilespmem:v7+s2+$0x0], $0xffff;
	[tilespmem:s30+$0xB130] =	vst v3  }
0x306: {  	s18 =	sor.u32 s23, s18;
	s23 =	sor.u32 $0x60, s16;
	s16 =	sor.u32 $0x70, s16;
	v3 =	vld.idx.msk [tilespmem:v10+s2+$0x0], $0xffff;
	[tilespmem:s30+$0xB140] =	vst v4  }
0x307: {  	v4 =	vld [tilespmem:s16+$0x3100];
	[tilespmem:s30+$0xB150] =	vst v5;
	s30 =	smov.u32 s31;
	s31 =	smov.u32 s18  }
0x308: {  	v5 =	vld [tilespmem:s23+$0x3100];
	[tilespmem:s0+$0xB100] =	vst v8;
	s0 =	smov.u32 s16  }
0x309: {  	v7 =	vld [tilespmem:s31+$0x3100];
	[tilespmem:s6+$0xB100] =	vst v11;
	s6 =	smov.u32 s23  }
0x30a: {  	v8 =	vld [tilespmem:s31+$0x3110];
	[tilespmem:s30+$0xB100] =	vst v9  }
0x30b: {  	v10 =	vld [tilespmem:s31+$0x3120];
	[tilespmem:s30+$0xB110] =	vst v6  }
0x30c: {  	v14 =	vld [tilespmem:s31+$0x3130];
	v4 =	vshll.u32 v4, $0x4;
	[tilespmem:s30+$0xB120] =	vst v3  }
0x30d: {  	v15 =	vld [tilespmem:s31+$0x3140];
	v3 =	vshll.u32 v5, $0x4;
	v16 =	vor.u32 v0, v4  }
.Ltmp11:
0x30e: {  	v4 =	vshll.u32 v7, $0x4;
	v6 =	vld [tilespmem:s31+$0x3150];
	v11 =	vor.u32 v0, v3;
	(pc) =	sbr.rel @p0 .LBB2_24-.Ltmp11, $4  }
0x30f: {  	v9 =	vor.u32 v0, v4;
	v4 =	vshll.u32 v8, $0x4;
	v3 =	vld.idx.msk [tilespmem:v2+s2+$0x0], $0xffff  }
0x310: {  	v7 =	vor.u32 v0, v4;
	v2 =	vshll.u32 v10, $0x4;
	v4 =	vld.idx.msk [tilespmem:v12+s2+$0x0], $0xffff  }
0x311: {  	v10 =	vor.u32 v0, v2;
	v2 =	vshll.u32 v14, $0x4;
	v5 =	vld.idx.msk [tilespmem:v13+s2+$0x0], $0xffff  }
0x312: {  	s14 =	sadd.s32 $0x1, s14;
	v2 =	vor.u32 v0, v2;
	v12 =	vshll.u32 v15, $0x4;
	v8 =	vld.idx.msk [tilespmem:v16+s2+$0x0], $0xffff  }
0x313: {  	_ =	sdelay $0x3  }
0x314: {  	v12 =	vor.u32 v0, v12;
	v6 =	vshll.u32 v6, $0x4;
	v11 =	vld.idx.msk [tilespmem:v11+s2+$0x0], $0xffff  }
0x315: {  	v9 =	vld.idx.msk [tilespmem:v9+s2+$0x0], $0xffff;
	v6 =	vor.u32 v0, v6;
	[tilespmem:s30+$0xB130] =	vst v3  }
0x316: {  	v2 =	vld.idx.msk [tilespmem:v2+s2+$0x0], $0xffff;
	[tilespmem:s30+$0xB140] =	vst v4  }
0x317: {  	v3 =	vld.idx.msk [tilespmem:v7+s2+$0x0], $0xffff;
	[tilespmem:s30+$0xB150] =	vst v5  }
0x318: {  	v4 =	vld.idx.msk [tilespmem:v10+s2+$0x0], $0xffff;
	[tilespmem:s0+$0xB100] =	vst v8  }
0x319: {  	[tilespmem:s6+$0xB100] =	vst v11;
	v5 =	vld.idx.msk [tilespmem:v12+s2+$0x0], $0xffff  }
0x31a: {  	[tilespmem:s31+$0xB100] =	vst v9;
	v6 =	vld.idx.msk [tilespmem:v6+s2+$0x0], $0xffff  }
0x31b: {  	[tilespmem:s31+$0xB130] =	vst v2  }
0x31c: {  	[tilespmem:s31+$0xB110] =	vst v3  }
0x31d: {  	[tilespmem:s31+$0xB120] =	vst v4  }
0x31e: {  	[tilespmem:s31+$0xB140] =	vst v5  }
0x31f: {  	[tilespmem:s31+$0xB150] =	vst v6  }
0x320: {  	s6 =	rddreg [dreg:$0x17]  }
0x321: {  	s23 =	simm.s32 $0x0;
	s8 =	simm.s32 $0xB100;
	s10 =	sld [smem:$0x7EE]  }
0x322: {  	[hbm4b:s6+s23] =	stream.linear.scatter [tilespmem:s8], [sflag:$0xB], $0x1000, $0x38;
	[tilespmem:$0x11100] =	vst v63  }
0x323: {  	s12 =	simm.s32 $0x3100  }
0x324: {  	[tilespmem:s12], [sflag:$0x3] =	stream.linear.gather [hbm4b:s10+s23], $0x1000, $0x38;
	[tilespmem:$0x11100] =	vst v63  }
0x325: {  	_ =	swait.ge [sflag:s9], $0x1000  }
0x326: {  	[sflag:s9] =	ssyncset.done $0x0  }
0x327: {  	s14 =	sand.u32 $0x3, s23;
	[sflag:s9] =	ssyncadd.s32 $0xFFFFF000  }
0x328: {  	s6 =	sshll.u32 s14, $0xA;
	_ =	swait.ge [sflag:s22], $0x1000  }
0x329: {  	s16 =	sand.u32 $0xC00, s23;
	s6 =	sadd.s32 $0x0, s6;
	[sflag:s22] =	ssyncset.done $0x0  }
0x32a: {  	s0 =	sand.u32 $0x380, s23;
	s12 =	sor.u32 $0x70, s6;
	[sflag:s22] =	ssyncadd.s32 $0xFFFFF000  }
0x32b: {  	s30 =	sor.u32 s0, s16;
	v2 =	vld [tilespmem:s12+$0x4100]  }
0x32c: {  	s14 =	sor.u32 $0x60, s6;
	v6 =	vld [tilespmem:s30+$0x4120]  }
0x32d: {  	v3 =	vld [tilespmem:s14+$0x4100]  }
0x32e: {  	s18 =	simm.s32 $0x1;
	v4 =	vld [tilespmem:s30+$0x4100]  }
0x32f: {  	s0 =	sand.u32 $0x3, s18;
	v5 =	vld [tilespmem:s30+$0x4110]  }
0x330: {  	s0 =	sshll.u32 s0, $0xA;
	v7 =	vld [tilespmem:s30+$0x4130]  }
0x331: {  	s8 =	simm.s32 $0x400;
	s23 =	sadd.s32 $0x20, s0;
	s10 =	simm.s32 $0x20;
	v8 =	vld [tilespmem:s30+$0x4140];
	v6 =	vshll.u32 v6, $0x4  }
0x332: {  	s16 =	sand.u32 $0xC00, s8;
	s18 =	sand.u32 $0x380, s10;
	s6 =	sor.u32 $0x60, s23;
	v9 =	vld [tilespmem:s30+$0x4150];
	v6 =	vor.u32 v0, v6  }
0x333: {  	s31 =	sor.u32 s18, s16;
	v11 =	vld [tilespmem:s6+$0x4100];
	v2 =	vshll.u32 v2, $0x4  }
0x334: {  	v12 =	vld [tilespmem:s31+$0x4100];
	v3 =	vshll.u32 v3, $0x4;
	v2 =	vor.u32 v0, v2  }
0x335: {  	v13 =	vld [tilespmem:s31+$0x4110];
	v4 =	vshll.u32 v4, $0x4;
	v3 =	vor.u32 v0, v3  }
0x336: {  	v14 =	vld [tilespmem:s31+$0x4120];
	v5 =	vshll.u32 v5, $0x4;
	v4 =	vor.u32 v0, v4  }
0x337: {  	s0 =	sor.u32 $0x70, s23;
	v5 =	vor.u32 v0, v5;
	v10 =	vld.idx.msk [tilespmem:v6+s2+$0x0], $0xffff  }
0x338: {  	v6 =	vld [tilespmem:s0+$0x4100]  }
0x339: {  	v2 =	vld.idx.msk [tilespmem:v2+s2+$0x0], $0xffff  }
0x33a: {  	v7 =	vshll.u32 v7, $0x4;
	v3 =	vld.idx.msk [tilespmem:v3+s2+$0x0], $0xffff  }
0x33b: {  	v8 =	vshll.u32 v8, $0x4;
	v7 =	vor.u32 v0, v7;
	v4 =	vld.idx.msk [tilespmem:v4+s2+$0x0], $0xffff  }
0x33c: {  	v9 =	vshll.u32 v9, $0x4;
	v8 =	vor.u32 v0, v8;
	v5 =	vld.idx.msk [tilespmem:v5+s2+$0x0], $0xffff  }
0x33d: {  	v16 =	vld [tilespmem:s31+$0x4130];
	v15 =	vor.u32 v0, v9;
	v6 =	vshll.u32 v6, $0x4  }
0x33e: {  	v17 =	vld [tilespmem:s31+$0x4140];
	[tilespmem:s12+$0xC100] =	vst v2;
	v2 =	vshll.u32 v11, $0x4;
	v18 =	vor.u32 v0, v6  }
0x33f: {  	v9 =	vshll.u32 v12, $0x4;
	[tilespmem:s14+$0xC100] =	vst v3;
	v6 =	vld [tilespmem:s31+$0x4150];
	v11 =	vor.u32 v0, v2  }
0x340: {  	v9 =	vor.u32 v0, v9;
	v3 =	vld.idx.msk [tilespmem:v7+s2+$0x0], $0xffff;
	[tilespmem:s30+$0xC100] =	vst v4;
	v2 =	vshll.u32 v13, $0x4  }
0x341: {  	v4 =	vld.idx.msk [tilespmem:v8+s2+$0x0], $0xffff;
	[tilespmem:s30+$0xC110] =	vst v5;
	v7 =	vor.u32 v0, v2;
	v2 =	vshll.u32 v14, $0x4  }
0x342: {  	v8 =	vshll.u32 v16, $0x4;
	v5 =	vld.idx.msk [tilespmem:v15+s2+$0x0], $0xffff;
	[tilespmem:s30+$0xC120] =	vst v10;
	v10 =	vor.u32 v0, v2  }
0x343: {  	v12 =	vshll.u32 v17, $0x4;
	s12 =	simm.s32 $0x8;
	s14 =	simm.s32 $0x2;
	v2 =	vor.u32 v0, v8;
	v8 =	vld.idx.msk [tilespmem:v18+s2+$0x0], $0xffff  }
.LBB2_26:
0x344: {  	s16 =	sand.u32 $0x3, s14;
	s12 =	sadd.s32 $0x8, s12;
	v12 =	vor.u32 v0, v12;
	v6 =	vshll.u32 v6, $0x4;
	v11 =	vld.idx.msk [tilespmem:v11+s2+$0x0], $0xffff;
	s8 =	sadd.s32 $0x400, s8  }
0x345: {  	s10 =	sadd.s32 $0x20, s10;
	s16 =	sshll.u32 s16, $0xA;
	p0 =	slt.u32 s12, $0xF8;
	v9 =	vld.idx.msk [tilespmem:v9+s2+$0x0], $0xffff;
	v13 =	vor.u32 v0, v6  }
0x346: {  	s18 =	sand.u32 $0xC00, s8;
	s23 =	sand.u32 $0x380, s10;
	s16 =	sadd.s32 s16, s10;
	v6 =	vld.idx.msk [tilespmem:v7+s2+$0x0], $0xffff;
	[tilespmem:s30+$0xC130] =	vst v3  }
0x347: {  	s18 =	sor.u32 s23, s18;
	s23 =	sor.u32 $0x60, s16;
	s16 =	sor.u32 $0x70, s16;
	v3 =	vld.idx.msk [tilespmem:v10+s2+$0x0], $0xffff;
	[tilespmem:s30+$0xC140] =	vst v4  }
0x348: {  	v4 =	vld [tilespmem:s16+$0x4100];
	[tilespmem:s30+$0xC150] =	vst v5;
	s30 =	smov.u32 s31;
	s31 =	smov.u32 s18  }
0x349: {  	v5 =	vld [tilespmem:s23+$0x4100];
	[tilespmem:s0+$0xC100] =	vst v8;
	s0 =	smov.u32 s16  }
0x34a: {  	v7 =	vld [tilespmem:s31+$0x4100];
	[tilespmem:s6+$0xC100] =	vst v11;
	s6 =	smov.u32 s23  }
0x34b: {  	v8 =	vld [tilespmem:s31+$0x4110];
	[tilespmem:s30+$0xC100] =	vst v9  }
0x34c: {  	v10 =	vld [tilespmem:s31+$0x4120];
	[tilespmem:s30+$0xC110] =	vst v6  }
0x34d: {  	v14 =	vld [tilespmem:s31+$0x4130];
	v4 =	vshll.u32 v4, $0x4;
	[tilespmem:s30+$0xC120] =	vst v3  }
0x34e: {  	v15 =	vld [tilespmem:s31+$0x4140];
	v3 =	vshll.u32 v5, $0x4;
	v16 =	vor.u32 v0, v4  }
.Ltmp12:
0x34f: {  	v4 =	vshll.u32 v7, $0x4;
	v6 =	vld [tilespmem:s31+$0x4150];
	v11 =	vor.u32 v0, v3;
	(pc) =	sbr.rel @p0 .LBB2_26-.Ltmp12, $4  }
0x350: {  	v9 =	vor.u32 v0, v4;
	v4 =	vshll.u32 v8, $0x4;
	v3 =	vld.idx.msk [tilespmem:v2+s2+$0x0], $0xffff  }
0x351: {  	v7 =	vor.u32 v0, v4;
	v2 =	vshll.u32 v10, $0x4;
	v4 =	vld.idx.msk [tilespmem:v12+s2+$0x0], $0xffff  }
0x352: {  	v10 =	vor.u32 v0, v2;
	v2 =	vshll.u32 v14, $0x4;
	v5 =	vld.idx.msk [tilespmem:v13+s2+$0x0], $0xffff  }
0x353: {  	s14 =	sadd.s32 $0x1, s14;
	v2 =	vor.u32 v0, v2;
	v12 =	vshll.u32 v15, $0x4;
	v8 =	vld.idx.msk [tilespmem:v16+s2+$0x0], $0xffff  }
0x354: {  	_ =	sdelay $0x3  }
0x355: {  	v12 =	vor.u32 v0, v12;
	v6 =	vshll.u32 v6, $0x4;
	v11 =	vld.idx.msk [tilespmem:v11+s2+$0x0], $0xffff  }
0x356: {  	v9 =	vld.idx.msk [tilespmem:v9+s2+$0x0], $0xffff;
	v6 =	vor.u32 v0, v6;
	[tilespmem:s30+$0xC130] =	vst v3  }
0x357: {  	v2 =	vld.idx.msk [tilespmem:v2+s2+$0x0], $0xffff;
	[tilespmem:s30+$0xC140] =	vst v4  }
0x358: {  	v3 =	vld.idx.msk [tilespmem:v7+s2+$0x0], $0xffff;
	[tilespmem:s30+$0xC150] =	vst v5  }
0x359: {  	v4 =	vld.idx.msk [tilespmem:v10+s2+$0x0], $0xffff;
	[tilespmem:s0+$0xC100] =	vst v8  }
0x35a: {  	[tilespmem:s6+$0xC100] =	vst v11;
	v5 =	vld.idx.msk [tilespmem:v12+s2+$0x0], $0xffff  }
0x35b: {  	[tilespmem:s31+$0xC100] =	vst v9;
	v6 =	vld.idx.msk [tilespmem:v6+s2+$0x0], $0xffff  }
0x35c: {  	[tilespmem:s31+$0xC130] =	vst v2  }
0x35d: {  	[tilespmem:s31+$0xC110] =	vst v3  }
0x35e: {  	[tilespmem:s31+$0xC120] =	vst v4  }
0x35f: {  	[tilespmem:s31+$0xC140] =	vst v5  }
0x360: {  	[tilespmem:s31+$0xC150] =	vst v6  }
0x361: {  	s6 =	rddreg [dreg:$0x19]  }
0x362: {  	s23 =	simm.s32 $0x0;
	s8 =	simm.s32 $0xC100;
	s10 =	sld [smem:$0x7EF]  }
0x363: {  	[hbm4b:s6+s23] =	stream.linear.scatter [tilespmem:s8], [sflag:$0xC], $0x1000, $0x38;
	[tilespmem:$0x11100] =	vst v63  }
0x364: {  	s12 =	simm.s32 $0x4100  }
0x365: {  	[tilespmem:s12], [sflag:$0x4] =	stream.linear.gather [hbm4b:s10+s23], $0x1000, $0x38;
	[tilespmem:$0x11100] =	vst v63  }
0x366: {  	_ =	swait.ge [sflag:s11], $0x1000  }
0x367: {  	[sflag:s11] =	ssyncset.done $0x0  }
0x368: {  	s14 =	sand.u32 $0x3, s23;
	[sflag:s11] =	ssyncadd.s32 $0xFFFFF000  }
0x369: {  	s6 =	sshll.u32 s14, $0xA;
	_ =	swait.ge [sflag:s24], $0x1000  }
0x36a: {  	s16 =	sand.u32 $0xC00, s23;
	s6 =	sadd.s32 $0x0, s6;
	[sflag:s24] =	ssyncset.done $0x0  }
0x36b: {  	s0 =	sand.u32 $0x380, s23;
	s12 =	sor.u32 $0x70, s6;
	[sflag:s24] =	ssyncadd.s32 $0xFFFFF000  }
0x36c: {  	s30 =	sor.u32 s0, s16;
	v2 =	vld [tilespmem:s12+$0x5100]  }
0x36d: {  	s14 =	sor.u32 $0x60, s6;
	v6 =	vld [tilespmem:s30+$0x5120]  }
0x36e: {  	v3 =	vld [tilespmem:s14+$0x5100]  }
0x36f: {  	s18 =	simm.s32 $0x1;
	v4 =	vld [tilespmem:s30+$0x5100]  }
0x370: {  	s0 =	sand.u32 $0x3, s18;
	v5 =	vld [tilespmem:s30+$0x5110]  }
0x371: {  	s0 =	sshll.u32 s0, $0xA;
	v7 =	vld [tilespmem:s30+$0x5130]  }
0x372: {  	s8 =	simm.s32 $0x400;
	s23 =	sadd.s32 $0x20, s0;
	s10 =	simm.s32 $0x20;
	v8 =	vld [tilespmem:s30+$0x5140];
	v6 =	vshll.u32 v6, $0x4  }
0x373: {  	s16 =	sand.u32 $0xC00, s8;
	s18 =	sand.u32 $0x380, s10;
	s6 =	sor.u32 $0x60, s23;
	v9 =	vld [tilespmem:s30+$0x5150];
	v6 =	vor.u32 v0, v6  }
0x374: {  	s31 =	sor.u32 s18, s16;
	v11 =	vld [tilespmem:s6+$0x5100];
	v2 =	vshll.u32 v2, $0x4  }
0x375: {  	v12 =	vld [tilespmem:s31+$0x5100];
	v3 =	vshll.u32 v3, $0x4;
	v2 =	vor.u32 v0, v2  }
0x376: {  	v13 =	vld [tilespmem:s31+$0x5110];
	v4 =	vshll.u32 v4, $0x4;
	v3 =	vor.u32 v0, v3  }
0x377: {  	v14 =	vld [tilespmem:s31+$0x5120];
	v5 =	vshll.u32 v5, $0x4;
	v4 =	vor.u32 v0, v4  }
0x378: {  	s0 =	sor.u32 $0x70, s23;
	v5 =	vor.u32 v0, v5;
	v10 =	vld.idx.msk [tilespmem:v6+s2+$0x0], $0xffff  }
0x379: {  	v6 =	vld [tilespmem:s0+$0x5100]  }
0x37a: {  	v2 =	vld.idx.msk [tilespmem:v2+s2+$0x0], $0xffff  }
0x37b: {  	v7 =	vshll.u32 v7, $0x4;
	v3 =	vld.idx.msk [tilespmem:v3+s2+$0x0], $0xffff  }
0x37c: {  	v8 =	vshll.u32 v8, $0x4;
	v7 =	vor.u32 v0, v7;
	v4 =	vld.idx.msk [tilespmem:v4+s2+$0x0], $0xffff  }
0x37d: {  	v9 =	vshll.u32 v9, $0x4;
	v8 =	vor.u32 v0, v8;
	v5 =	vld.idx.msk [tilespmem:v5+s2+$0x0], $0xffff  }
0x37e: {  	v16 =	vld [tilespmem:s31+$0x5130];
	v15 =	vor.u32 v0, v9;
	v6 =	vshll.u32 v6, $0x4  }
0x37f: {  	v17 =	vld [tilespmem:s31+$0x5140];
	[tilespmem:s12+$0xD100] =	vst v2;
	v2 =	vshll.u32 v11, $0x4;
	v18 =	vor.u32 v0, v6  }
0x380: {  	v9 =	vshll.u32 v12, $0x4;
	[tilespmem:s14+$0xD100] =	vst v3;
	v6 =	vld [tilespmem:s31+$0x5150];
	v11 =	vor.u32 v0, v2  }
0x381: {  	v9 =	vor.u32 v0, v9;
	v3 =	vld.idx.msk [tilespmem:v7+s2+$0x0], $0xffff;
	[tilespmem:s30+$0xD100] =	vst v4;
	v2 =	vshll.u32 v13, $0x4  }
0x382: {  	v4 =	vld.idx.msk [tilespmem:v8+s2+$0x0], $0xffff;
	[tilespmem:s30+$0xD110] =	vst v5;
	v7 =	vor.u32 v0, v2;
	v2 =	vshll.u32 v14, $0x4  }
0x383: {  	v8 =	vshll.u32 v16, $0x4;
	v5 =	vld.idx.msk [tilespmem:v15+s2+$0x0], $0xffff;
	[tilespmem:s30+$0xD120] =	vst v10;
	v10 =	vor.u32 v0, v2  }
0x384: {  	v12 =	vshll.u32 v17, $0x4;
	s12 =	simm.s32 $0x8;
	s14 =	simm.s32 $0x2;
	v2 =	vor.u32 v0, v8;
	v8 =	vld.idx.msk [tilespmem:v18+s2+$0x0], $0xffff  }
.LBB2_28:
0x385: {  	s16 =	sand.u32 $0x3, s14;
	s12 =	sadd.s32 $0x8, s12;
	v12 =	vor.u32 v0, v12;
	v6 =	vshll.u32 v6, $0x4;
	v11 =	vld.idx.msk [tilespmem:v11+s2+$0x0], $0xffff;
	s8 =	sadd.s32 $0x400, s8  }
0x386: {  	s10 =	sadd.s32 $0x20, s10;
	s16 =	sshll.u32 s16, $0xA;
	p0 =	slt.u32 s12, $0xF8;
	v9 =	vld.idx.msk [tilespmem:v9+s2+$0x0], $0xffff;
	v13 =	vor.u32 v0, v6  }
0x387: {  	s18 =	sand.u32 $0xC00, s8;
	s23 =	sand.u32 $0x380, s10;
	s16 =	sadd.s32 s16, s10;
	v6 =	vld.idx.msk [tilespmem:v7+s2+$0x0], $0xffff;
	[tilespmem:s30+$0xD130] =	vst v3  }
0x388: {  	s18 =	sor.u32 s23, s18;
	s23 =	sor.u32 $0x60, s16;
	s16 =	sor.u32 $0x70, s16;
	v3 =	vld.idx.msk [tilespmem:v10+s2+$0x0], $0xffff;
	[tilespmem:s30+$0xD140] =	vst v4  }
0x389: {  	v4 =	vld [tilespmem:s16+$0x5100];
	[tilespmem:s30+$0xD150] =	vst v5;
	s30 =	smov.u32 s31;
	s31 =	smov.u32 s18  }
0x38a: {  	v5 =	vld [tilespmem:s23+$0x5100];
	[tilespmem:s0+$0xD100] =	vst v8;
	s0 =	smov.u32 s16  }
0x38b: {  	v7 =	vld [tilespmem:s31+$0x5100];
	[tilespmem:s6+$0xD100] =	vst v11;
	s6 =	smov.u32 s23  }
0x38c: {  	v8 =	vld [tilespmem:s31+$0x5110];
	[tilespmem:s30+$0xD100] =	vst v9  }
0x38d: {  	v10 =	vld [tilespmem:s31+$0x5120];
	[tilespmem:s30+$0xD110] =	vst v6  }
0x38e: {  	v14 =	vld [tilespmem:s31+$0x5130];
	v4 =	vshll.u32 v4, $0x4;
	[tilespmem:s30+$0xD120] =	vst v3  }
0x38f: {  	v15 =	vld [tilespmem:s31+$0x5140];
	v3 =	vshll.u32 v5, $0x4;
	v16 =	vor.u32 v0, v4  }
.Ltmp13:
0x390: {  	v4 =	vshll.u32 v7, $0x4;
	v6 =	vld [tilespmem:s31+$0x5150];
	v11 =	vor.u32 v0, v3;
	(pc) =	sbr.rel @p0 .LBB2_28-.Ltmp13, $4  }
0x391: {  	v9 =	vor.u32 v0, v4;
	v4 =	vshll.u32 v8, $0x4;
	v3 =	vld.idx.msk [tilespmem:v2+s2+$0x0], $0xffff  }
0x392: {  	v7 =	vor.u32 v0, v4;
	v2 =	vshll.u32 v10, $0x4;
	v4 =	vld.idx.msk [tilespmem:v12+s2+$0x0], $0xffff  }
0x393: {  	v10 =	vor.u32 v0, v2;
	v2 =	vshll.u32 v14, $0x4;
	v5 =	vld.idx.msk [tilespmem:v13+s2+$0x0], $0xffff  }
0x394: {  	s14 =	sadd.s32 $0x1, s14;
	v2 =	vor.u32 v0, v2;
	v12 =	vshll.u32 v15, $0x4;
	v8 =	vld.idx.msk [tilespmem:v16+s2+$0x0], $0xffff  }
0x395: {  	_ =	sdelay $0x3  }
0x396: {  	v12 =	vor.u32 v0, v12;
	v6 =	vshll.u32 v6, $0x4;
	v11 =	vld.idx.msk [tilespmem:v11+s2+$0x0], $0xffff  }
0x397: {  	v9 =	vld.idx.msk [tilespmem:v9+s2+$0x0], $0xffff;
	v6 =	vor.u32 v0, v6;
	[tilespmem:s30+$0xD130] =	vst v3  }
0x398: {  	v2 =	vld.idx.msk [tilespmem:v2+s2+$0x0], $0xffff;
	[tilespmem:s30+$0xD140] =	vst v4  }
0x399: {  	v3 =	vld.idx.msk [tilespmem:v7+s2+$0x0], $0xffff;
	[tilespmem:s30+$0xD150] =	vst v5  }
0x39a: {  	v4 =	vld.idx.msk [tilespmem:v10+s2+$0x0], $0xffff;
	[tilespmem:s0+$0xD100] =	vst v8  }
0x39b: {  	[tilespmem:s6+$0xD100] =	vst v11;
	v5 =	vld.idx.msk [tilespmem:v12+s2+$0x0], $0xffff  }
0x39c: {  	[tilespmem:s31+$0xD100] =	vst v9;
	v6 =	vld.idx.msk [tilespmem:v6+s2+$0x0], $0xffff  }
0x39d: {  	[tilespmem:s31+$0xD130] =	vst v2  }
0x39e: {  	[tilespmem:s31+$0xD110] =	vst v3  }
0x39f: {  	[tilespmem:s31+$0xD120] =	vst v4  }
0x3a0: {  	[tilespmem:s31+$0xD140] =	vst v5  }
0x3a1: {  	[tilespmem:s31+$0xD150] =	vst v6  }
0x3a2: {  	s6 =	rddreg [dreg:$0x1b]  }
0x3a3: {  	s23 =	simm.s32 $0x0;
	s8 =	simm.s32 $0xD100;
	s10 =	sld [smem:$0x7F0]  }
0x3a4: {  	[hbm4b:s6+s23] =	stream.linear.scatter [tilespmem:s8], [sflag:$0xD], $0x1000, $0x38;
	[tilespmem:$0x11100] =	vst v63  }
0x3a5: {  	s12 =	simm.s32 $0x5100  }
0x3a6: {  	[tilespmem:s12], [sflag:$0x5] =	stream.linear.gather [hbm4b:s10+s23], $0x1000, $0x38;
	[tilespmem:$0x11100] =	vst v63  }
0x3a7: {  	_ =	swait.ge [sflag:s13], $0x1000  }
0x3a8: {  	[sflag:s13] =	ssyncset.done $0x0  }
0x3a9: {  	s14 =	sand.u32 $0x3, s23;
	[sflag:s13] =	ssyncadd.s32 $0xFFFFF000  }
0x3aa: {  	s6 =	sshll.u32 s14, $0xA;
	_ =	swait.ge [sflag:s25], $0x1000  }
0x3ab: {  	s16 =	sand.u32 $0xC00, s23;
	s6 =	sadd.s32 $0x0, s6;
	[sflag:s25] =	ssyncset.done $0x0  }
0x3ac: {  	s0 =	sand.u32 $0x380, s23;
	s12 =	sor.u32 $0x70, s6;
	[sflag:s25] =	ssyncadd.s32 $0xFFFFF000  }
0x3ad: {  	s30 =	sor.u32 s0, s16;
	v2 =	vld [tilespmem:s12+$0x6100]  }
0x3ae: {  	s14 =	sor.u32 $0x60, s6;
	v6 =	vld [tilespmem:s30+$0x6120]  }
0x3af: {  	v3 =	vld [tilespmem:s14+$0x6100]  }
0x3b0: {  	s18 =	simm.s32 $0x1;
	v4 =	vld [tilespmem:s30+$0x6100]  }
0x3b1: {  	s0 =	sand.u32 $0x3, s18;
	v5 =	vld [tilespmem:s30+$0x6110]  }
0x3b2: {  	s0 =	sshll.u32 s0, $0xA;
	v7 =	vld [tilespmem:s30+$0x6130]  }
0x3b3: {  	s8 =	simm.s32 $0x400;
	s23 =	sadd.s32 $0x20, s0;
	s10 =	simm.s32 $0x20;
	v8 =	vld [tilespmem:s30+$0x6140];
	v6 =	vshll.u32 v6, $0x4  }
0x3b4: {  	s16 =	sand.u32 $0xC00, s8;
	s18 =	sand.u32 $0x380, s10;
	s6 =	sor.u32 $0x60, s23;
	v9 =	vld [tilespmem:s30+$0x6150];
	v6 =	vor.u32 v0, v6  }
0x3b5: {  	s31 =	sor.u32 s18, s16;
	v11 =	vld [tilespmem:s6+$0x6100];
	v2 =	vshll.u32 v2, $0x4  }
0x3b6: {  	v12 =	vld [tilespmem:s31+$0x6100];
	v3 =	vshll.u32 v3, $0x4;
	v2 =	vor.u32 v0, v2  }
0x3b7: {  	v13 =	vld [tilespmem:s31+$0x6110];
	v4 =	vshll.u32 v4, $0x4;
	v3 =	vor.u32 v0, v3  }
0x3b8: {  	v14 =	vld [tilespmem:s31+$0x6120];
	v5 =	vshll.u32 v5, $0x4;
	v4 =	vor.u32 v0, v4  }
0x3b9: {  	s0 =	sor.u32 $0x70, s23;
	v5 =	vor.u32 v0, v5;
	v10 =	vld.idx.msk [tilespmem:v6+s2+$0x0], $0xffff  }
0x3ba: {  	v6 =	vld [tilespmem:s0+$0x6100]  }
0x3bb: {  	v2 =	vld.idx.msk [tilespmem:v2+s2+$0x0], $0xffff  }
0x3bc: {  	v7 =	vshll.u32 v7, $0x4;
	v3 =	vld.idx.msk [tilespmem:v3+s2+$0x0], $0xffff  }
0x3bd: {  	v8 =	vshll.u32 v8, $0x4;
	v7 =	vor.u32 v0, v7;
	v4 =	vld.idx.msk [tilespmem:v4+s2+$0x0], $0xffff  }
0x3be: {  	v9 =	vshll.u32 v9, $0x4;
	v8 =	vor.u32 v0, v8;
	v5 =	vld.idx.msk [tilespmem:v5+s2+$0x0], $0xffff  }
0x3bf: {  	v16 =	vld [tilespmem:s31+$0x6130];
	v15 =	vor.u32 v0, v9;
	v6 =	vshll.u32 v6, $0x4  }
0x3c0: {  	v17 =	vld [tilespmem:s31+$0x6140];
	[tilespmem:s12+$0xE100] =	vst v2;
	v2 =	vshll.u32 v11, $0x4;
	v18 =	vor.u32 v0, v6  }
0x3c1: {  	v9 =	vshll.u32 v12, $0x4;
	[tilespmem:s14+$0xE100] =	vst v3;
	v6 =	vld [tilespmem:s31+$0x6150];
	v11 =	vor.u32 v0, v2  }
0x3c2: {  	v9 =	vor.u32 v0, v9;
	v3 =	vld.idx.msk [tilespmem:v7+s2+$0x0], $0xffff;
	[tilespmem:s30+$0xE100] =	vst v4;
	v2 =	vshll.u32 v13, $0x4  }
0x3c3: {  	v4 =	vld.idx.msk [tilespmem:v8+s2+$0x0], $0xffff;
	[tilespmem:s30+$0xE110] =	vst v5;
	v7 =	vor.u32 v0, v2;
	v2 =	vshll.u32 v14, $0x4  }
0x3c4: {  	v8 =	vshll.u32 v16, $0x4;
	v5 =	vld.idx.msk [tilespmem:v15+s2+$0x0], $0xffff;
	[tilespmem:s30+$0xE120] =	vst v10;
	v10 =	vor.u32 v0, v2  }
0x3c5: {  	v12 =	vshll.u32 v17, $0x4;
	s12 =	simm.s32 $0x8;
	s14 =	simm.s32 $0x2;
	v2 =	vor.u32 v0, v8;
	v8 =	vld.idx.msk [tilespmem:v18+s2+$0x0], $0xffff  }
.LBB2_30:
0x3c6: {  	s16 =	sand.u32 $0x3, s14;
	s12 =	sadd.s32 $0x8, s12;
	v12 =	vor.u32 v0, v12;
	v6 =	vshll.u32 v6, $0x4;
	v11 =	vld.idx.msk [tilespmem:v11+s2+$0x0], $0xffff;
	s8 =	sadd.s32 $0x400, s8  }
0x3c7: {  	s10 =	sadd.s32 $0x20, s10;
	s16 =	sshll.u32 s16, $0xA;
	p0 =	slt.u32 s12, $0xF8;
	v9 =	vld.idx.msk [tilespmem:v9+s2+$0x0], $0xffff;
	v13 =	vor.u32 v0, v6  }
0x3c8: {  	s18 =	sand.u32 $0xC00, s8;
	s23 =	sand.u32 $0x380, s10;
	s16 =	sadd.s32 s16, s10;
	v6 =	vld.idx.msk [tilespmem:v7+s2+$0x0], $0xffff;
	[tilespmem:s30+$0xE130] =	vst v3  }
0x3c9: {  	s18 =	sor.u32 s23, s18;
	s23 =	sor.u32 $0x60, s16;
	s16 =	sor.u32 $0x70, s16;
	v3 =	vld.idx.msk [tilespmem:v10+s2+$0x0], $0xffff;
	[tilespmem:s30+$0xE140] =	vst v4  }
0x3ca: {  	v4 =	vld [tilespmem:s16+$0x6100];
	[tilespmem:s30+$0xE150] =	vst v5;
	s30 =	smov.u32 s31;
	s31 =	smov.u32 s18  }
0x3cb: {  	v5 =	vld [tilespmem:s23+$0x6100];
	[tilespmem:s0+$0xE100] =	vst v8;
	s0 =	smov.u32 s16  }
0x3cc: {  	v7 =	vld [tilespmem:s31+$0x6100];
	[tilespmem:s6+$0xE100] =	vst v11;
	s6 =	smov.u32 s23  }
0x3cd: {  	v8 =	vld [tilespmem:s31+$0x6110];
	[tilespmem:s30+$0xE100] =	vst v9  }
0x3ce: {  	v10 =	vld [tilespmem:s31+$0x6120];
	[tilespmem:s30+$0xE110] =	vst v6  }
0x3cf: {  	v14 =	vld [tilespmem:s31+$0x6130];
	v4 =	vshll.u32 v4, $0x4;
	[tilespmem:s30+$0xE120] =	vst v3  }
0x3d0: {  	v15 =	vld [tilespmem:s31+$0x6140];
	v3 =	vshll.u32 v5, $0x4;
	v16 =	vor.u32 v0, v4  }
.Ltmp14:
0x3d1: {  	v4 =	vshll.u32 v7, $0x4;
	v6 =	vld [tilespmem:s31+$0x6150];
	v11 =	vor.u32 v0, v3;
	(pc) =	sbr.rel @p0 .LBB2_30-.Ltmp14, $4  }
0x3d2: {  	v9 =	vor.u32 v0, v4;
	v4 =	vshll.u32 v8, $0x4;
	v3 =	vld.idx.msk [tilespmem:v2+s2+$0x0], $0xffff  }
0x3d3: {  	v7 =	vor.u32 v0, v4;
	v2 =	vshll.u32 v10, $0x4;
	v4 =	vld.idx.msk [tilespmem:v12+s2+$0x0], $0xffff  }
0x3d4: {  	v10 =	vor.u32 v0, v2;
	v2 =	vshll.u32 v14, $0x4;
	v5 =	vld.idx.msk [tilespmem:v13+s2+$0x0], $0xffff  }
0x3d5: {  	s14 =	sadd.s32 $0x1, s14;
	v2 =	vor.u32 v0, v2;
	v12 =	vshll.u32 v15, $0x4;
	v8 =	vld.idx.msk [tilespmem:v16+s2+$0x0], $0xffff  }
0x3d6: {  	_ =	sdelay $0x3  }
0x3d7: {  	v12 =	vor.u32 v0, v12;
	v6 =	vshll.u32 v6, $0x4;
	v11 =	vld.idx.msk [tilespmem:v11+s2+$0x0], $0xffff  }
0x3d8: {  	v9 =	vld.idx.msk [tilespmem:v9+s2+$0x0], $0xffff;
	v6 =	vor.u32 v0, v6;
	[tilespmem:s30+$0xE130] =	vst v3  }
0x3d9: {  	v2 =	vld.idx.msk [tilespmem:v2+s2+$0x0], $0xffff;
	[tilespmem:s30+$0xE140] =	vst v4  }
0x3da: {  	v3 =	vld.idx.msk [tilespmem:v7+s2+$0x0], $0xffff;
	[tilespmem:s30+$0xE150] =	vst v5  }
0x3db: {  	v4 =	vld.idx.msk [tilespmem:v10+s2+$0x0], $0xffff;
	[tilespmem:s0+$0xE100] =	vst v8  }
0x3dc: {  	[tilespmem:s6+$0xE100] =	vst v11;
	v5 =	vld.idx.msk [tilespmem:v12+s2+$0x0], $0xffff  }
0x3dd: {  	[tilespmem:s31+$0xE100] =	vst v9;
	v6 =	vld.idx.msk [tilespmem:v6+s2+$0x0], $0xffff  }
0x3de: {  	[tilespmem:s31+$0xE130] =	vst v2  }
0x3df: {  	[tilespmem:s31+$0xE110] =	vst v3  }
0x3e0: {  	[tilespmem:s31+$0xE120] =	vst v4  }
0x3e1: {  	[tilespmem:s31+$0xE140] =	vst v5  }
0x3e2: {  	[tilespmem:s31+$0xE150] =	vst v6  }
0x3e3: {  	s6 =	rddreg [dreg:$0x1d]  }
0x3e4: {  	s23 =	simm.s32 $0x0;
	s8 =	simm.s32 $0xE100;
	s10 =	sld [smem:$0x7F1]  }
0x3e5: {  	[hbm4b:s6+s23] =	stream.linear.scatter [tilespmem:s8], [sflag:$0xE], $0x1000, $0x38;
	[tilespmem:$0x11100] =	vst v63  }
0x3e6: {  	s12 =	simm.s32 $0x6100  }
0x3e7: {  	[tilespmem:s12], [sflag:$0x6] =	stream.linear.gather [hbm4b:s10+s23], $0x1000, $0x38;
	[tilespmem:$0x11100] =	vst v63  }
0x3e8: {  	_ =	swait.ge [sflag:s15], $0x1000  }
0x3e9: {  	[sflag:s15] =	ssyncset.done $0x0  }
0x3ea: {  	s14 =	sand.u32 $0x3, s23;
	[sflag:s15] =	ssyncadd.s32 $0xFFFFF000  }
0x3eb: {  	s6 =	sshll.u32 s14, $0xA;
	_ =	swait.ge [sflag:s26], $0x1000  }
0x3ec: {  	s16 =	sand.u32 $0xC00, s23;
	s6 =	sadd.s32 $0x0, s6;
	[sflag:s26] =	ssyncset.done $0x0  }
0x3ed: {  	s0 =	sand.u32 $0x380, s23;
	s12 =	sor.u32 $0x70, s6;
	[sflag:s26] =	ssyncadd.s32 $0xFFFFF000  }
0x3ee: {  	s30 =	sor.u32 s0, s16;
	v2 =	vld [tilespmem:s12+$0x7100]  }
0x3ef: {  	s14 =	sor.u32 $0x60, s6;
	v6 =	vld [tilespmem:s30+$0x7120]  }
0x3f0: {  	v3 =	vld [tilespmem:s14+$0x7100]  }
0x3f1: {  	s18 =	simm.s32 $0x1;
	v4 =	vld [tilespmem:s30+$0x7100]  }
0x3f2: {  	s0 =	sand.u32 $0x3, s18;
	v5 =	vld [tilespmem:s30+$0x7110]  }
0x3f3: {  	s0 =	sshll.u32 s0, $0xA;
	v7 =	vld [tilespmem:s30+$0x7130]  }
0x3f4: {  	s8 =	simm.s32 $0x400;
	s23 =	sadd.s32 $0x20, s0;
	s10 =	simm.s32 $0x20;
	v8 =	vld [tilespmem:s30+$0x7140];
	v6 =	vshll.u32 v6, $0x4  }
0x3f5: {  	s16 =	sand.u32 $0xC00, s8;
	s18 =	sand.u32 $0x380, s10;
	s6 =	sor.u32 $0x60, s23;
	v9 =	vld [tilespmem:s30+$0x7150];
	v6 =	vor.u32 v0, v6  }
0x3f6: {  	s31 =	sor.u32 s18, s16;
	v11 =	vld [tilespmem:s6+$0x7100];
	v2 =	vshll.u32 v2, $0x4  }
0x3f7: {  	v12 =	vld [tilespmem:s31+$0x7100];
	v3 =	vshll.u32 v3, $0x4;
	v2 =	vor.u32 v0, v2  }
0x3f8: {  	v13 =	vld [tilespmem:s31+$0x7110];
	v4 =	vshll.u32 v4, $0x4;
	v3 =	vor.u32 v0, v3  }
0x3f9: {  	v14 =	vld [tilespmem:s31+$0x7120];
	v5 =	vshll.u32 v5, $0x4;
	v4 =	vor.u32 v0, v4  }
0x3fa: {  	s0 =	sor.u32 $0x70, s23;
	v5 =	vor.u32 v0, v5;
	v10 =	vld.idx.msk [tilespmem:v6+s2+$0x0], $0xffff  }
0x3fb: {  	v6 =	vld [tilespmem:s0+$0x7100]  }
0x3fc: {  	v2 =	vld.idx.msk [tilespmem:v2+s2+$0x0], $0xffff  }
0x3fd: {  	v7 =	vshll.u32 v7, $0x4;
	v3 =	vld.idx.msk [tilespmem:v3+s2+$0x0], $0xffff  }
0x3fe: {  	v8 =	vshll.u32 v8, $0x4;
	v7 =	vor.u32 v0, v7;
	v4 =	vld.idx.msk [tilespmem:v4+s2+$0x0], $0xffff  }
0x3ff: {  	v9 =	vshll.u32 v9, $0x4;
	v8 =	vor.u32 v0, v8;
	v5 =	vld.idx.msk [tilespmem:v5+s2+$0x0], $0xffff  }
0x400: {  	v16 =	vld [tilespmem:s31+$0x7130];
	v15 =	vor.u32 v0, v9;
	v6 =	vshll.u32 v6, $0x4  }
0x401: {  	v17 =	vld [tilespmem:s31+$0x7140];
	[tilespmem:s12+$0xF100] =	vst v2;
	v2 =	vshll.u32 v11, $0x4;
	v18 =	vor.u32 v0, v6  }
0x402: {  	v9 =	vshll.u32 v12, $0x4;
	[tilespmem:s14+$0xF100] =	vst v3;
	v6 =	vld [tilespmem:s31+$0x7150];
	v11 =	vor.u32 v0, v2  }
0x403: {  	v9 =	vor.u32 v0, v9;
	v3 =	vld.idx.msk [tilespmem:v7+s2+$0x0], $0xffff;
	[tilespmem:s30+$0xF100] =	vst v4;
	v2 =	vshll.u32 v13, $0x4  }
0x404: {  	v4 =	vld.idx.msk [tilespmem:v8+s2+$0x0], $0xffff;
	[tilespmem:s30+$0xF110] =	vst v5;
	v7 =	vor.u32 v0, v2;
	v2 =	vshll.u32 v14, $0x4  }
0x405: {  	v8 =	vshll.u32 v16, $0x4;
	v5 =	vld.idx.msk [tilespmem:v15+s2+$0x0], $0xffff;
	[tilespmem:s30+$0xF120] =	vst v10;
	v10 =	vor.u32 v0, v2  }
0x406: {  	v12 =	vshll.u32 v17, $0x4;
	s12 =	simm.s32 $0x8;
	s14 =	simm.s32 $0x2;
	v2 =	vor.u32 v0, v8;
	v8 =	vld.idx.msk [tilespmem:v18+s2+$0x0], $0xffff  }
.LBB2_32:
0x407: {  	s16 =	sand.u32 $0x3, s14;
	s12 =	sadd.s32 $0x8, s12;
	v12 =	vor.u32 v0, v12;
	v6 =	vshll.u32 v6, $0x4;
	v11 =	vld.idx.msk [tilespmem:v11+s2+$0x0], $0xffff;
	s8 =	sadd.s32 $0x400, s8  }
0x408: {  	s10 =	sadd.s32 $0x20, s10;
	s16 =	sshll.u32 s16, $0xA;
	p0 =	slt.u32 s12, $0xF8;
	v9 =	vld.idx.msk [tilespmem:v9+s2+$0x0], $0xffff;
	v13 =	vor.u32 v0, v6  }
0x409: {  	s18 =	sand.u32 $0xC00, s8;
	s23 =	sand.u32 $0x380, s10;
	s16 =	sadd.s32 s16, s10;
	v6 =	vld.idx.msk [tilespmem:v7+s2+$0x0], $0xffff;
	[tilespmem:s30+$0xF130] =	vst v3  }
0x40a: {  	s18 =	sor.u32 s23, s18;
	s23 =	sor.u32 $0x60, s16;
	s16 =	sor.u32 $0x70, s16;
	v3 =	vld.idx.msk [tilespmem:v10+s2+$0x0], $0xffff;
	[tilespmem:s30+$0xF140] =	vst v4  }
0x40b: {  	v4 =	vld [tilespmem:s16+$0x7100];
	[tilespmem:s30+$0xF150] =	vst v5;
	s30 =	smov.u32 s31;
	s31 =	smov.u32 s18  }
0x40c: {  	v5 =	vld [tilespmem:s23+$0x7100];
	[tilespmem:s0+$0xF100] =	vst v8;
	s0 =	smov.u32 s16  }
0x40d: {  	v7 =	vld [tilespmem:s31+$0x7100];
	[tilespmem:s6+$0xF100] =	vst v11;
	s6 =	smov.u32 s23  }
0x40e: {  	v8 =	vld [tilespmem:s31+$0x7110];
	[tilespmem:s30+$0xF100] =	vst v9  }
0x40f: {  	v10 =	vld [tilespmem:s31+$0x7120];
	[tilespmem:s30+$0xF110] =	vst v6  }
0x410: {  	v14 =	vld [tilespmem:s31+$0x7130];
	v4 =	vshll.u32 v4, $0x4;
	[tilespmem:s30+$0xF120] =	vst v3  }
0x411: {  	v15 =	vld [tilespmem:s31+$0x7140];
	v3 =	vshll.u32 v5, $0x4;
	v16 =	vor.u32 v0, v4  }
.Ltmp15:
0x412: {  	v4 =	vshll.u32 v7, $0x4;
	v6 =	vld [tilespmem:s31+$0x7150];
	v11 =	vor.u32 v0, v3;
	(pc) =	sbr.rel @p0 .LBB2_32-.Ltmp15, $4  }
0x413: {  	v9 =	vor.u32 v0, v4;
	v4 =	vshll.u32 v8, $0x4;
	v3 =	vld.idx.msk [tilespmem:v2+s2+$0x0], $0xffff  }
0x414: {  	v7 =	vor.u32 v0, v4;
	v2 =	vshll.u32 v10, $0x4;
	v4 =	vld.idx.msk [tilespmem:v12+s2+$0x0], $0xffff  }
0x415: {  	v10 =	vor.u32 v0, v2;
	v2 =	vshll.u32 v14, $0x4;
	v5 =	vld.idx.msk [tilespmem:v13+s2+$0x0], $0xffff  }
0x416: {  	s14 =	sadd.s32 $0x1, s14;
	v2 =	vor.u32 v0, v2;
	v12 =	vshll.u32 v15, $0x4;
	v8 =	vld.idx.msk [tilespmem:v16+s2+$0x0], $0xffff  }
0x417: {  	_ =	sdelay $0x3  }
0x418: {  	v12 =	vor.u32 v0, v12;
	v6 =	vshll.u32 v6, $0x4;
	v11 =	vld.idx.msk [tilespmem:v11+s2+$0x0], $0xffff  }
0x419: {  	v9 =	vld.idx.msk [tilespmem:v9+s2+$0x0], $0xffff;
	v6 =	vor.u32 v0, v6;
	[tilespmem:s30+$0xF130] =	vst v3  }
0x41a: {  	v2 =	vld.idx.msk [tilespmem:v2+s2+$0x0], $0xffff;
	[tilespmem:s30+$0xF140] =	vst v4  }
0x41b: {  	v3 =	vld.idx.msk [tilespmem:v7+s2+$0x0], $0xffff;
	[tilespmem:s30+$0xF150] =	vst v5  }
0x41c: {  	v4 =	vld.idx.msk [tilespmem:v10+s2+$0x0], $0xffff;
	[tilespmem:s0+$0xF100] =	vst v8  }
0x41d: {  	[tilespmem:s6+$0xF100] =	vst v11;
	v5 =	vld.idx.msk [tilespmem:v12+s2+$0x0], $0xffff  }
0x41e: {  	[tilespmem:s31+$0xF100] =	vst v9;
	v6 =	vld.idx.msk [tilespmem:v6+s2+$0x0], $0xffff  }
0x41f: {  	[tilespmem:s31+$0xF130] =	vst v2  }
0x420: {  	[tilespmem:s31+$0xF110] =	vst v3  }
0x421: {  	[tilespmem:s31+$0xF120] =	vst v4  }
0x422: {  	[tilespmem:s31+$0xF140] =	vst v5  }
0x423: {  	[tilespmem:s31+$0xF150] =	vst v6  }
0x424: {  	s6 =	rddreg [dreg:$0x1f]  }
0x425: {  	s23 =	simm.s32 $0x0;
	s8 =	simm.s32 $0xF100;
	s10 =	sld [smem:$0x7F2]  }
0x426: {  	[hbm4b:s6+s23] =	stream.linear.scatter [tilespmem:s8], [sflag:$0xF], $0x1000, $0x38;
	[tilespmem:$0x11100] =	vst v63  }
0x427: {  	s12 =	simm.s32 $0x7100  }
0x428: {  	[tilespmem:s12], [sflag:$0x7] =	stream.linear.gather [hbm4b:s10+s23], $0x1000, $0x38;
	[tilespmem:$0x11100] =	vst v63  }
0x429: {  	_ =	swait.ge [sflag:s17], $0x1000  }
0x42a: {  	[sflag:s17] =	ssyncset.done $0x0  }
0x42b: {  	s14 =	sand.u32 $0x3, s23;
	[sflag:s17] =	ssyncadd.s32 $0xFFFFF000  }
0x42c: {  	s6 =	sshll.u32 s14, $0xA;
	_ =	swait.ge [sflag:s28], $0x1000  }
0x42d: {  	s16 =	sand.u32 $0xC00, s23;
	s6 =	sadd.s32 $0x0, s6;
	[sflag:s28] =	ssyncset.done $0x0  }
0x42e: {  	s0 =	sand.u32 $0x380, s23;
	s12 =	sor.u32 $0x70, s6;
	[sflag:s28] =	ssyncadd.s32 $0xFFFFF000  }
0x42f: {  	s30 =	sor.u32 s0, s16;
	v2 =	vld [tilespmem:s12+$0x8100]  }
0x430: {  	s14 =	sor.u32 $0x60, s6;
	v6 =	vld [tilespmem:s30+$0x8120]  }
0x431: {  	v3 =	vld [tilespmem:s14+$0x8100]  }
0x432: {  	s18 =	simm.s32 $0x1;
	v4 =	vld [tilespmem:s30+$0x8100]  }
0x433: {  	s0 =	sand.u32 $0x3, s18;
	v5 =	vld [tilespmem:s30+$0x8110]  }
0x434: {  	s0 =	sshll.u32 s0, $0xA;
	v7 =	vld [tilespmem:s30+$0x8130]  }
0x435: {  	s8 =	simm.s32 $0x400;
	s23 =	sadd.s32 $0x20, s0;
	s10 =	simm.s32 $0x20;
	v8 =	vld [tilespmem:s30+$0x8140];
	v6 =	vshll.u32 v6, $0x4  }
0x436: {  	s16 =	sand.u32 $0xC00, s8;
	s18 =	sand.u32 $0x380, s10;
	s6 =	sor.u32 $0x60, s23;
	v9 =	vld [tilespmem:s30+$0x8150];
	v6 =	vor.u32 v0, v6  }
0x437: {  	s31 =	sor.u32 s18, s16;
	v11 =	vld [tilespmem:s6+$0x8100];
	v2 =	vshll.u32 v2, $0x4  }
0x438: {  	v12 =	vld [tilespmem:s31+$0x8100];
	v3 =	vshll.u32 v3, $0x4;
	v2 =	vor.u32 v0, v2  }
0x439: {  	v13 =	vld [tilespmem:s31+$0x8110];
	v4 =	vshll.u32 v4, $0x4;
	v3 =	vor.u32 v0, v3  }
0x43a: {  	v14 =	vld [tilespmem:s31+$0x8120];
	v5 =	vshll.u32 v5, $0x4;
	v4 =	vor.u32 v0, v4  }
0x43b: {  	s0 =	sor.u32 $0x70, s23;
	v5 =	vor.u32 v0, v5;
	v10 =	vld.idx.msk [tilespmem:v6+s2+$0x0], $0xffff  }
0x43c: {  	v6 =	vld [tilespmem:s0+$0x8100]  }
0x43d: {  	v2 =	vld.idx.msk [tilespmem:v2+s2+$0x0], $0xffff  }
0x43e: {  	v7 =	vshll.u32 v7, $0x4;
	v3 =	vld.idx.msk [tilespmem:v3+s2+$0x0], $0xffff  }
0x43f: {  	v8 =	vshll.u32 v8, $0x4;
	v7 =	vor.u32 v0, v7;
	v4 =	vld.idx.msk [tilespmem:v4+s2+$0x0], $0xffff  }
0x440: {  	v9 =	vshll.u32 v9, $0x4;
	v8 =	vor.u32 v0, v8;
	v5 =	vld.idx.msk [tilespmem:v5+s2+$0x0], $0xffff  }
0x441: {  	v16 =	vld [tilespmem:s31+$0x8130];
	v15 =	vor.u32 v0, v9;
	v6 =	vshll.u32 v6, $0x4  }
0x442: {  	v17 =	vld [tilespmem:s31+$0x8140];
	[tilespmem:s12+$0x10100] =	vst v2;
	v2 =	vshll.u32 v11, $0x4;
	v18 =	vor.u32 v0, v6  }
0x443: {  	v9 =	vshll.u32 v12, $0x4;
	[tilespmem:s14+$0x10100] =	vst v3;
	v6 =	vld [tilespmem:s31+$0x8150];
	v11 =	vor.u32 v0, v2  }
0x444: {  	v9 =	vor.u32 v0, v9;
	v3 =	vld.idx.msk [tilespmem:v7+s2+$0x0], $0xffff;
	[tilespmem:s30+$0x10100] =	vst v4;
	v2 =	vshll.u32 v13, $0x4  }
0x445: {  	v4 =	vld.idx.msk [tilespmem:v8+s2+$0x0], $0xffff;
	[tilespmem:s30+$0x10110] =	vst v5;
	v7 =	vor.u32 v0, v2;
	v2 =	vshll.u32 v14, $0x4  }
0x446: {  	v8 =	vshll.u32 v16, $0x4;
	v5 =	vld.idx.msk [tilespmem:v15+s2+$0x0], $0xffff;
	[tilespmem:s30+$0x10120] =	vst v10;
	v10 =	vor.u32 v0, v2  }
0x447: {  	v12 =	vshll.u32 v17, $0x4;
	s12 =	simm.s32 $0x8;
	s14 =	simm.s32 $0x2;
	v2 =	vor.u32 v0, v8;
	v8 =	vld.idx.msk [tilespmem:v18+s2+$0x0], $0xffff  }
.LBB2_34:
0x448: {  	s16 =	sand.u32 $0x3, s14;
	s12 =	sadd.s32 $0x8, s12;
	v12 =	vor.u32 v0, v12;
	v6 =	vshll.u32 v6, $0x4;
	v11 =	vld.idx.msk [tilespmem:v11+s2+$0x0], $0xffff;
	s8 =	sadd.s32 $0x400, s8  }
0x449: {  	s10 =	sadd.s32 $0x20, s10;
	s16 =	sshll.u32 s16, $0xA;
	p0 =	slt.u32 s12, $0xF8;
	v9 =	vld.idx.msk [tilespmem:v9+s2+$0x0], $0xffff;
	v13 =	vor.u32 v0, v6  }
0x44a: {  	s18 =	sand.u32 $0xC00, s8;
	s23 =	sand.u32 $0x380, s10;
	s16 =	sadd.s32 s16, s10;
	v6 =	vld.idx.msk [tilespmem:v7+s2+$0x0], $0xffff;
	[tilespmem:s30+$0x10130] =	vst v3  }
0x44b: {  	s18 =	sor.u32 s23, s18;
	s23 =	sor.u32 $0x60, s16;
	s16 =	sor.u32 $0x70, s16;
	v3 =	vld.idx.msk [tilespmem:v10+s2+$0x0], $0xffff;
	[tilespmem:s30+$0x10140] =	vst v4  }
0x44c: {  	v4 =	vld [tilespmem:s16+$0x8100];
	[tilespmem:s30+$0x10150] =	vst v5;
	s30 =	smov.u32 s31;
	s31 =	smov.u32 s18  }
0x44d: {  	v5 =	vld [tilespmem:s23+$0x8100];
	[tilespmem:s0+$0x10100] =	vst v8;
	s0 =	smov.u32 s16  }
0x44e: {  	v7 =	vld [tilespmem:s31+$0x8100];
	[tilespmem:s6+$0x10100] =	vst v11;
	s6 =	smov.u32 s23  }
0x44f: {  	v8 =	vld [tilespmem:s31+$0x8110];
	[tilespmem:s30+$0x10100] =	vst v9  }
0x450: {  	v10 =	vld [tilespmem:s31+$0x8120];
	[tilespmem:s30+$0x10110] =	vst v6  }
0x451: {  	v14 =	vld [tilespmem:s31+$0x8130];
	v4 =	vshll.u32 v4, $0x4;
	[tilespmem:s30+$0x10120] =	vst v3  }
0x452: {  	v15 =	vld [tilespmem:s31+$0x8140];
	v3 =	vshll.u32 v5, $0x4;
	v16 =	vor.u32 v0, v4  }
.Ltmp16:
0x453: {  	v4 =	vshll.u32 v7, $0x4;
	v6 =	vld [tilespmem:s31+$0x8150];
	v11 =	vor.u32 v0, v3;
	(pc) =	sbr.rel @p0 .LBB2_34-.Ltmp16, $4  }
0x454: {  	v9 =	vor.u32 v0, v4;
	v4 =	vshll.u32 v8, $0x4;
	v3 =	vld.idx.msk [tilespmem:v2+s2+$0x0], $0xffff  }
0x455: {  	v7 =	vor.u32 v0, v4;
	v2 =	vshll.u32 v10, $0x4;
	v4 =	vld.idx.msk [tilespmem:v12+s2+$0x0], $0xffff  }
0x456: {  	v10 =	vor.u32 v0, v2;
	v2 =	vshll.u32 v14, $0x4;
	v5 =	vld.idx.msk [tilespmem:v13+s2+$0x0], $0xffff  }
0x457: {  	s14 =	sadd.s32 $0x1, s14;
	v2 =	vor.u32 v0, v2;
	v12 =	vshll.u32 v15, $0x4;
	v8 =	vld.idx.msk [tilespmem:v16+s2+$0x0], $0xffff  }
0x458: {  	_ =	sdelay $0x3  }
0x459: {  	v12 =	vor.u32 v0, v12;
	v6 =	vshll.u32 v6, $0x4;
	v11 =	vld.idx.msk [tilespmem:v11+s2+$0x0], $0xffff  }
0x45a: {  	v9 =	vld.idx.msk [tilespmem:v9+s2+$0x0], $0xffff;
	v6 =	vor.u32 v0, v6;
	[tilespmem:s30+$0x10130] =	vst v3  }
0x45b: {  	v2 =	vld.idx.msk [tilespmem:v2+s2+$0x0], $0xffff;
	[tilespmem:s30+$0x10140] =	vst v4  }
0x45c: {  	v3 =	vld.idx.msk [tilespmem:v7+s2+$0x0], $0xffff;
	[tilespmem:s30+$0x10150] =	vst v5  }
0x45d: {  	v4 =	vld.idx.msk [tilespmem:v10+s2+$0x0], $0xffff;
	[tilespmem:s0+$0x10100] =	vst v8  }
0x45e: {  	[tilespmem:s6+$0x10100] =	vst v11;
	v5 =	vld.idx.msk [tilespmem:v12+s2+$0x0], $0xffff  }
0x45f: {  	[tilespmem:s31+$0x10100] =	vst v9;
	v6 =	vld.idx.msk [tilespmem:v6+s2+$0x0], $0xffff  }
0x460: {  	[tilespmem:s31+$0x10130] =	vst v2  }
0x461: {  	[tilespmem:s31+$0x10110] =	vst v3  }
0x462: {  	[tilespmem:s31+$0x10120] =	vst v4  }
0x463: {  	[tilespmem:s31+$0x10140] =	vst v5  }
0x464: {  	[tilespmem:s31+$0x10150] =	vst v6  }
0x465: {  	s6 =	sld [smem:$0x7E8];
	_ =	sdelay $0x1  }
0x466: {  	s23 =	simm.s32 $0x0;
	s8 =	simm.s32 $0x10100;
	s10 =	sld [smem:$0x7F3]  }
0x467: {  	[hbm4b:s6+s23] =	stream.linear.scatter [tilespmem:s8], [sflag:$0x10], $0x1000, $0x38;
	[tilespmem:$0x11100] =	vst v63  }
0x468: {  	s12 =	simm.s32 $0x8100  }
0x469: {  	[tilespmem:s12], [sflag:$0x8] =	stream.linear.gather [hbm4b:s10+s23], $0x1000, $0x38;
	[tilespmem:$0x11100] =	vst v63  }
0x46a: {  	_ =	swait.ge [sflag:s3], $0x1000  }
0x46b: {  	[sflag:s3] =	ssyncset.done $0x0  }
0x46c: {  	s14 =	sand.u32 $0x3, s23;
	[sflag:s3] =	ssyncadd.s32 $0xFFFFF000  }
0x46d: {  	s6 =	sshll.u32 s14, $0xA;
	_ =	swait.ge [sflag:s19], $0x1000  }
0x46e: {  	s16 =	sand.u32 $0xC00, s23;
	s6 =	sadd.s32 $0x0, s6;
	[sflag:s19] =	ssyncset.done $0x0  }
0x46f: {  	s0 =	sand.u32 $0x380, s23;
	s12 =	sor.u32 $0x70, s6;
	[sflag:s19] =	ssyncadd.s32 $0xFFFFF000  }
0x470: {  	s30 =	sor.u32 s0, s16;
	v2 =	vld [tilespmem:s12+$0x1100]  }
0x471: {  	s14 =	sor.u32 $0x60, s6;
	v6 =	vld [tilespmem:s30+$0x1120]  }
0x472: {  	v3 =	vld [tilespmem:s14+$0x1100]  }
0x473: {  	s18 =	simm.s32 $0x1;
	v4 =	vld [tilespmem:s30+$0x1100]  }
0x474: {  	s0 =	sand.u32 $0x3, s18;
	v5 =	vld [tilespmem:s30+$0x1110]  }
0x475: {  	s0 =	sshll.u32 s0, $0xA;
	v7 =	vld [tilespmem:s30+$0x1130]  }
0x476: {  	s8 =	simm.s32 $0x400;
	s23 =	sadd.s32 $0x20, s0;
	s10 =	simm.s32 $0x20;
	v8 =	vld [tilespmem:s30+$0x1140];
	v6 =	vshll.u32 v6, $0x4  }
0x477: {  	s16 =	sand.u32 $0xC00, s8;
	s18 =	sand.u32 $0x380, s10;
	s6 =	sor.u32 $0x60, s23;
	v9 =	vld [tilespmem:s30+$0x1150];
	v6 =	vor.u32 v0, v6  }
0x478: {  	s31 =	sor.u32 s18, s16;
	v11 =	vld [tilespmem:s6+$0x1100];
	v2 =	vshll.u32 v2, $0x4  }
0x479: {  	v12 =	vld [tilespmem:s31+$0x1100];
	v3 =	vshll.u32 v3, $0x4;
	v2 =	vor.u32 v0, v2  }
0x47a: {  	v13 =	vld [tilespmem:s31+$0x1110];
	v4 =	vshll.u32 v4, $0x4;
	v3 =	vor.u32 v0, v3  }
0x47b: {  	v14 =	vld [tilespmem:s31+$0x1120];
	v5 =	vshll.u32 v5, $0x4;
	v4 =	vor.u32 v0, v4  }
0x47c: {  	s0 =	sor.u32 $0x70, s23;
	v5 =	vor.u32 v0, v5;
	v10 =	vld.idx.msk [tilespmem:v6+s2+$0x0], $0xffff  }
0x47d: {  	v6 =	vld [tilespmem:s0+$0x1100]  }
0x47e: {  	v2 =	vld.idx.msk [tilespmem:v2+s2+$0x0], $0xffff  }
0x47f: {  	v7 =	vshll.u32 v7, $0x4;
	v3 =	vld.idx.msk [tilespmem:v3+s2+$0x0], $0xffff  }
0x480: {  	v8 =	vshll.u32 v8, $0x4;
	v7 =	vor.u32 v0, v7;
	v4 =	vld.idx.msk [tilespmem:v4+s2+$0x0], $0xffff  }
0x481: {  	v9 =	vshll.u32 v9, $0x4;
	v8 =	vor.u32 v0, v8;
	v5 =	vld.idx.msk [tilespmem:v5+s2+$0x0], $0xffff  }
0x482: {  	v16 =	vld [tilespmem:s31+$0x1130];
	v15 =	vor.u32 v0, v9;
	v6 =	vshll.u32 v6, $0x4  }
0x483: {  	v17 =	vld [tilespmem:s31+$0x1140];
	[tilespmem:s12+$0x9100] =	vst v2;
	v2 =	vshll.u32 v11, $0x4;
	v18 =	vor.u32 v0, v6  }
0x484: {  	v9 =	vshll.u32 v12, $0x4;
	[tilespmem:s14+$0x9100] =	vst v3;
	v6 =	vld [tilespmem:s31+$0x1150];
	v11 =	vor.u32 v0, v2  }
0x485: {  	v9 =	vor.u32 v0, v9;
	v3 =	vld.idx.msk [tilespmem:v7+s2+$0x0], $0xffff;
	[tilespmem:s30+$0x9100] =	vst v4;
	v2 =	vshll.u32 v13, $0x4  }
0x486: {  	v4 =	vld.idx.msk [tilespmem:v8+s2+$0x0], $0xffff;
	[tilespmem:s30+$0x9110] =	vst v5;
	v7 =	vor.u32 v0, v2;
	v2 =	vshll.u32 v14, $0x4  }
0x487: {  	v8 =	vshll.u32 v16, $0x4;
	v5 =	vld.idx.msk [tilespmem:v15+s2+$0x0], $0xffff;
	[tilespmem:s30+$0x9120] =	vst v10;
	v10 =	vor.u32 v0, v2  }
0x488: {  	v12 =	vshll.u32 v17, $0x4;
	s12 =	simm.s32 $0x8;
	s14 =	simm.s32 $0x2;
	v2 =	vor.u32 v0, v8;
	v8 =	vld.idx.msk [tilespmem:v18+s2+$0x0], $0xffff  }
.LBB2_36:
0x489: {  	s16 =	sand.u32 $0x3, s14;
	s12 =	sadd.s32 $0x8, s12;
	v12 =	vor.u32 v0, v12;
	v6 =	vshll.u32 v6, $0x4;
	v11 =	vld.idx.msk [tilespmem:v11+s2+$0x0], $0xffff;
	s8 =	sadd.s32 $0x400, s8  }
0x48a: {  	s10 =	sadd.s32 $0x20, s10;
	s16 =	sshll.u32 s16, $0xA;
	p0 =	slt.u32 s12, $0xF8;
	v9 =	vld.idx.msk [tilespmem:v9+s2+$0x0], $0xffff;
	v13 =	vor.u32 v0, v6  }
0x48b: {  	s18 =	sand.u32 $0xC00, s8;
	s23 =	sand.u32 $0x380, s10;
	s16 =	sadd.s32 s16, s10;
	v6 =	vld.idx.msk [tilespmem:v7+s2+$0x0], $0xffff;
	[tilespmem:s30+$0x9130] =	vst v3  }
0x48c: {  	s18 =	sor.u32 s23, s18;
	s23 =	sor.u32 $0x60, s16;
	s16 =	sor.u32 $0x70, s16;
	v3 =	vld.idx.msk [tilespmem:v10+s2+$0x0], $0xffff;
	[tilespmem:s30+$0x9140] =	vst v4  }
0x48d: {  	v4 =	vld [tilespmem:s16+$0x1100];
	[tilespmem:s30+$0x9150] =	vst v5;
	s30 =	smov.u32 s31;
	s31 =	smov.u32 s18  }
0x48e: {  	v5 =	vld [tilespmem:s23+$0x1100];
	[tilespmem:s0+$0x9100] =	vst v8;
	s0 =	smov.u32 s16  }
0x48f: {  	v7 =	vld [tilespmem:s31+$0x1100];
	[tilespmem:s6+$0x9100] =	vst v11;
	s6 =	smov.u32 s23  }
0x490: {  	v8 =	vld [tilespmem:s31+$0x1110];
	[tilespmem:s30+$0x9100] =	vst v9  }
0x491: {  	v10 =	vld [tilespmem:s31+$0x1120];
	[tilespmem:s30+$0x9110] =	vst v6  }
0x492: {  	v14 =	vld [tilespmem:s31+$0x1130];
	v4 =	vshll.u32 v4, $0x4;
	[tilespmem:s30+$0x9120] =	vst v3  }
0x493: {  	v15 =	vld [tilespmem:s31+$0x1140];
	v3 =	vshll.u32 v5, $0x4;
	v16 =	vor.u32 v0, v4  }
.Ltmp17:
0x494: {  	v4 =	vshll.u32 v7, $0x4;
	v6 =	vld [tilespmem:s31+$0x1150];
	v11 =	vor.u32 v0, v3;
	(pc) =	sbr.rel @p0 .LBB2_36-.Ltmp17, $4  }
0x495: {  	v9 =	vor.u32 v0, v4;
	v4 =	vshll.u32 v8, $0x4;
	v3 =	vld.idx.msk [tilespmem:v2+s2+$0x0], $0xffff  }
0x496: {  	v7 =	vor.u32 v0, v4;
	v2 =	vshll.u32 v10, $0x4;
	v4 =	vld.idx.msk [tilespmem:v12+s2+$0x0], $0xffff  }
0x497: {  	v10 =	vor.u32 v0, v2;
	v2 =	vshll.u32 v14, $0x4;
	v5 =	vld.idx.msk [tilespmem:v13+s2+$0x0], $0xffff  }
0x498: {  	s14 =	sadd.s32 $0x1, s14;
	v2 =	vor.u32 v0, v2;
	v12 =	vshll.u32 v15, $0x4;
	v8 =	vld.idx.msk [tilespmem:v16+s2+$0x0], $0xffff  }
0x499: {  	_ =	sdelay $0x3  }
0x49a: {  	v12 =	vor.u32 v0, v12;
	v6 =	vshll.u32 v6, $0x4;
	v11 =	vld.idx.msk [tilespmem:v11+s2+$0x0], $0xffff  }
0x49b: {  	v9 =	vld.idx.msk [tilespmem:v9+s2+$0x0], $0xffff;
	v6 =	vor.u32 v0, v6;
	[tilespmem:s30+$0x9130] =	vst v3  }
0x49c: {  	v2 =	vld.idx.msk [tilespmem:v2+s2+$0x0], $0xffff;
	[tilespmem:s30+$0x9140] =	vst v4  }
0x49d: {  	v3 =	vld.idx.msk [tilespmem:v7+s2+$0x0], $0xffff;
	[tilespmem:s30+$0x9150] =	vst v5  }
0x49e: {  	v4 =	vld.idx.msk [tilespmem:v10+s2+$0x0], $0xffff;
	[tilespmem:s0+$0x9100] =	vst v8  }
0x49f: {  	[tilespmem:s6+$0x9100] =	vst v11;
	v5 =	vld.idx.msk [tilespmem:v12+s2+$0x0], $0xffff  }
0x4a0: {  	[tilespmem:s31+$0x9100] =	vst v9;
	v6 =	vld.idx.msk [tilespmem:v6+s2+$0x0], $0xffff  }
0x4a1: {  	[tilespmem:s31+$0x9130] =	vst v2  }
0x4a2: {  	[tilespmem:s31+$0x9110] =	vst v3  }
0x4a3: {  	[tilespmem:s31+$0x9120] =	vst v4  }
0x4a4: {  	[tilespmem:s31+$0x9140] =	vst v5  }
0x4a5: {  	[tilespmem:s31+$0x9150] =	vst v6  }
0x4a6: {  	s6 =	sld [smem:$0x7EA];
	_ =	sdelay $0x1  }
0x4a7: {  	s10 =	simm.s32 $0x0;
	s12 =	sld [smem:$0x7F4]  }
0x4a8: {  	[hbm4b:s6+s10] =	stream.linear.scatter [tilespmem:s4], [sflag:$0x9], $0x1000, $0x38;
	[tilespmem:$0x11100] =	vst v63  }
0x4a9: {  	s8 =	simm.s32 $0x1100  }
0x4aa: {  	[tilespmem:s8], [sflag:$0x1] =	stream.linear.gather [hbm4b:s12+s10], $0x1000, $0x38;
	[tilespmem:$0x11100] =	vst v63  }
0x4ab: {  	_ =	swait.ge [sflag:s5], $0x1000  }
0x4ac: {  	[sflag:s5] =	ssyncset.done $0x0  }
0x4ad: {  	s14 =	sand.u32 $0x3, s10;
	[sflag:s5] =	ssyncadd.s32 $0xFFFFF000  }
0x4ae: {  	s6 =	sshll.u32 s14, $0xA;
	_ =	swait.ge [sflag:s20], $0x1000  }
0x4af: {  	s16 =	sand.u32 $0xC00, s10;
	s6 =	sadd.s32 $0x0, s6;
	[sflag:s20] =	ssyncset.done $0x0  }
0x4b0: {  	s0 =	sand.u32 $0x380, s10;
	s12 =	sor.u32 $0x70, s6;
	[sflag:s20] =	ssyncadd.s32 $0xFFFFF000  }
0x4b1: {  	s30 =	sor.u32 s0, s16;
	v2 =	vld [tilespmem:s12+$0x2100]  }
0x4b2: {  	s14 =	sor.u32 $0x60, s6;
	v6 =	vld [tilespmem:s30+$0x2120]  }
0x4b3: {  	v3 =	vld [tilespmem:s14+$0x2100]  }
0x4b4: {  	s18 =	simm.s32 $0x1;
	v4 =	vld [tilespmem:s30+$0x2100]  }
0x4b5: {  	s0 =	sand.u32 $0x3, s18;
	v5 =	vld [tilespmem:s30+$0x2110]  }
0x4b6: {  	s0 =	sshll.u32 s0, $0xA;
	v7 =	vld [tilespmem:s30+$0x2130]  }
0x4b7: {  	s23 =	sadd.s32 $0x20, s0;
	s8 =	simm.s32 $0x400;
	s10 =	simm.s32 $0x20;
	v8 =	vld [tilespmem:s30+$0x2140];
	v6 =	vshll.u32 v6, $0x4  }
0x4b8: {  	s6 =	sor.u32 $0x60, s23;
	s16 =	sand.u32 $0xC00, s8;
	s18 =	sand.u32 $0x380, s10;
	v9 =	vld [tilespmem:s30+$0x2150];
	v6 =	vor.u32 v0, v6  }
0x4b9: {  	s31 =	sor.u32 s18, s16;
	v11 =	vld [tilespmem:s6+$0x2100];
	v2 =	vshll.u32 v2, $0x4  }
0x4ba: {  	v12 =	vld [tilespmem:s31+$0x2100];
	v3 =	vshll.u32 v3, $0x4;
	v2 =	vor.u32 v0, v2  }
0x4bb: {  	v13 =	vld [tilespmem:s31+$0x2110];
	v4 =	vshll.u32 v4, $0x4;
	v3 =	vor.u32 v0, v3  }
0x4bc: {  	v14 =	vld [tilespmem:s31+$0x2120];
	v5 =	vshll.u32 v5, $0x4;
	v4 =	vor.u32 v0, v4  }
0x4bd: {  	s0 =	sor.u32 $0x70, s23;
	v5 =	vor.u32 v0, v5;
	v10 =	vld.idx.msk [tilespmem:v6+s2+$0x0], $0xffff  }
0x4be: {  	v6 =	vld [tilespmem:s0+$0x2100]  }
0x4bf: {  	v2 =	vld.idx.msk [tilespmem:v2+s2+$0x0], $0xffff  }
0x4c0: {  	v7 =	vshll.u32 v7, $0x4;
	v3 =	vld.idx.msk [tilespmem:v3+s2+$0x0], $0xffff  }
0x4c1: {  	v8 =	vshll.u32 v8, $0x4;
	v7 =	vor.u32 v0, v7;
	v4 =	vld.idx.msk [tilespmem:v4+s2+$0x0], $0xffff  }
0x4c2: {  	v9 =	vshll.u32 v9, $0x4;
	v8 =	vor.u32 v0, v8;
	v5 =	vld.idx.msk [tilespmem:v5+s2+$0x0], $0xffff  }
0x4c3: {  	v16 =	vld [tilespmem:s31+$0x2130];
	v15 =	vor.u32 v0, v9;
	v6 =	vshll.u32 v6, $0x4  }
0x4c4: {  	v17 =	vld [tilespmem:s31+$0x2140];
	[tilespmem:s12+$0xA100] =	vst v2;
	v2 =	vshll.u32 v11, $0x4;
	v18 =	vor.u32 v0, v6  }
0x4c5: {  	v9 =	vshll.u32 v12, $0x4;
	[tilespmem:s14+$0xA100] =	vst v3;
	v6 =	vld [tilespmem:s31+$0x2150];
	v11 =	vor.u32 v0, v2  }
0x4c6: {  	v9 =	vor.u32 v0, v9;
	v3 =	vld.idx.msk [tilespmem:v7+s2+$0x0], $0xffff;
	[tilespmem:s30+$0xA100] =	vst v4;
	v2 =	vshll.u32 v13, $0x4  }
0x4c7: {  	v4 =	vld.idx.msk [tilespmem:v8+s2+$0x0], $0xffff;
	[tilespmem:s30+$0xA110] =	vst v5;
	v7 =	vor.u32 v0, v2;
	v2 =	vshll.u32 v14, $0x4  }
0x4c8: {  	v8 =	vshll.u32 v16, $0x4;
	v5 =	vld.idx.msk [tilespmem:v15+s2+$0x0], $0xffff;
	[tilespmem:s30+$0xA120] =	vst v10;
	v10 =	vor.u32 v0, v2  }
0x4c9: {  	v12 =	vshll.u32 v17, $0x4;
	s12 =	simm.s32 $0x8;
	s14 =	simm.s32 $0x2;
	v2 =	vor.u32 v0, v8;
	v8 =	vld.idx.msk [tilespmem:v18+s2+$0x0], $0xffff  }
.LBB2_38:
0x4ca: {  	s16 =	sand.u32 $0x3, s14;
	s12 =	sadd.s32 $0x8, s12;
	v12 =	vor.u32 v0, v12;
	v6 =	vshll.u32 v6, $0x4;
	v11 =	vld.idx.msk [tilespmem:v11+s2+$0x0], $0xffff;
	s8 =	sadd.s32 $0x400, s8  }
0x4cb: {  	s10 =	sadd.s32 $0x20, s10;
	s16 =	sshll.u32 s16, $0xA;
	p0 =	slt.u32 s12, $0xF8;
	v9 =	vld.idx.msk [tilespmem:v9+s2+$0x0], $0xffff;
	v13 =	vor.u32 v0, v6  }
0x4cc: {  	s18 =	sand.u32 $0xC00, s8;
	s23 =	sand.u32 $0x380, s10;
	s16 =	sadd.s32 s16, s10;
	v6 =	vld.idx.msk [tilespmem:v7+s2+$0x0], $0xffff;
	[tilespmem:s30+$0xA130] =	vst v3  }
0x4cd: {  	s18 =	sor.u32 s23, s18;
	s23 =	sor.u32 $0x60, s16;
	s16 =	sor.u32 $0x70, s16;
	v3 =	vld.idx.msk [tilespmem:v10+s2+$0x0], $0xffff;
	[tilespmem:s30+$0xA140] =	vst v4  }
0x4ce: {  	v4 =	vld [tilespmem:s16+$0x2100];
	[tilespmem:s30+$0xA150] =	vst v5;
	s30 =	smov.u32 s31;
	s31 =	smov.u32 s18  }
0x4cf: {  	v5 =	vld [tilespmem:s23+$0x2100];
	[tilespmem:s0+$0xA100] =	vst v8;
	s0 =	smov.u32 s16  }
0x4d0: {  	v7 =	vld [tilespmem:s31+$0x2100];
	[tilespmem:s6+$0xA100] =	vst v11;
	s6 =	smov.u32 s23  }
0x4d1: {  	v8 =	vld [tilespmem:s31+$0x2110];
	[tilespmem:s30+$0xA100] =	vst v9  }
0x4d2: {  	v10 =	vld [tilespmem:s31+$0x2120];
	[tilespmem:s30+$0xA110] =	vst v6  }
0x4d3: {  	v14 =	vld [tilespmem:s31+$0x2130];
	v4 =	vshll.u32 v4, $0x4;
	[tilespmem:s30+$0xA120] =	vst v3  }
0x4d4: {  	v15 =	vld [tilespmem:s31+$0x2140];
	v3 =	vshll.u32 v5, $0x4;
	v16 =	vor.u32 v0, v4  }
.Ltmp18:
0x4d5: {  	v4 =	vshll.u32 v7, $0x4;
	v6 =	vld [tilespmem:s31+$0x2150];
	v11 =	vor.u32 v0, v3;
	(pc) =	sbr.rel @p0 .LBB2_38-.Ltmp18, $4  }
0x4d6: {  	v9 =	vor.u32 v0, v4;
	v4 =	vshll.u32 v8, $0x4;
	v3 =	vld.idx.msk [tilespmem:v2+s2+$0x0], $0xffff  }
0x4d7: {  	v7 =	vor.u32 v0, v4;
	v2 =	vshll.u32 v10, $0x4;
	v4 =	vld.idx.msk [tilespmem:v12+s2+$0x0], $0xffff  }
0x4d8: {  	v10 =	vor.u32 v0, v2;
	v2 =	vshll.u32 v14, $0x4;
	v5 =	vld.idx.msk [tilespmem:v13+s2+$0x0], $0xffff  }
0x4d9: {  	s14 =	sadd.s32 $0x1, s14;
	v2 =	vor.u32 v0, v2;
	v12 =	vshll.u32 v15, $0x4;
	v8 =	vld.idx.msk [tilespmem:v16+s2+$0x0], $0xffff  }
0x4da: {  	_ =	sdelay $0x3  }
0x4db: {  	v12 =	vor.u32 v0, v12;
	v6 =	vshll.u32 v6, $0x4;
	v11 =	vld.idx.msk [tilespmem:v11+s2+$0x0], $0xffff  }
0x4dc: {  	v9 =	vld.idx.msk [tilespmem:v9+s2+$0x0], $0xffff;
	v6 =	vor.u32 v0, v6;
	[tilespmem:s30+$0xA130] =	vst v3  }
0x4dd: {  	v2 =	vld.idx.msk [tilespmem:v2+s2+$0x0], $0xffff;
	[tilespmem:s30+$0xA140] =	vst v4  }
0x4de: {  	v3 =	vld.idx.msk [tilespmem:v7+s2+$0x0], $0xffff;
	[tilespmem:s30+$0xA150] =	vst v5  }
0x4df: {  	v4 =	vld.idx.msk [tilespmem:v10+s2+$0x0], $0xffff;
	[tilespmem:s0+$0xA100] =	vst v8  }
0x4e0: {  	[tilespmem:s6+$0xA100] =	vst v11;
	v5 =	vld.idx.msk [tilespmem:v12+s2+$0x0], $0xffff  }
0x4e1: {  	[tilespmem:s31+$0xA100] =	vst v9;
	v6 =	vld.idx.msk [tilespmem:v6+s2+$0x0], $0xffff  }
0x4e2: {  	[tilespmem:s31+$0xA130] =	vst v2  }
0x4e3: {  	[tilespmem:s31+$0xA110] =	vst v3  }
0x4e4: {  	[tilespmem:s31+$0xA120] =	vst v4  }
0x4e5: {  	[tilespmem:s31+$0xA140] =	vst v5  }
0x4e6: {  	[tilespmem:s31+$0xA150] =	vst v6  }
0x4e7: {  	s6 =	sld [smem:$0x7F5];
	_ =	sdelay $0x1  }
0x4e8: {  	s10 =	simm.s32 $0x0;
	s8 =	simm.s32 $0xA100  }
0x4e9: {  	[hbm4b:s6+s10] =	stream.linear.scatter [tilespmem:s8], [sflag:$0xA], $0x1000, $0x38;
	[tilespmem:$0x11100] =	vst v63  }
0x4ea: {  	_ =	swait.ge [sflag:s7], $0x1000  }
0x4eb: {  	[sflag:s7] =	ssyncset.done $0x0  }
0x4ec: {  	s14 =	sand.u32 $0x3, s10;
	[sflag:s7] =	ssyncadd.s32 $0xFFFFF000  }
0x4ed: {  	s6 =	sshll.u32 s14, $0xA;
	_ =	swait.ge [sflag:s21], $0x1000  }
0x4ee: {  	s16 =	sand.u32 $0xC00, s10;
	s6 =	sadd.s32 $0x0, s6;
	[sflag:s21] =	ssyncset.done $0x0  }
0x4ef: {  	s0 =	sand.u32 $0x380, s10;
	s12 =	sor.u32 $0x70, s6;
	[sflag:s21] =	ssyncadd.s32 $0xFFFFF000  }
0x4f0: {  	s30 =	sor.u32 s0, s16;
	v2 =	vld [tilespmem:s12+$0x3100]  }
0x4f1: {  	s14 =	sor.u32 $0x60, s6;
	v6 =	vld [tilespmem:s30+$0x3120]  }
0x4f2: {  	v3 =	vld [tilespmem:s14+$0x3100]  }
0x4f3: {  	s18 =	simm.s32 $0x1;
	v4 =	vld [tilespmem:s30+$0x3100]  }
0x4f4: {  	s0 =	sand.u32 $0x3, s18;
	v5 =	vld [tilespmem:s30+$0x3110]  }
0x4f5: {  	s0 =	sshll.u32 s0, $0xA;
	v7 =	vld [tilespmem:s30+$0x3130]  }
0x4f6: {  	s23 =	sadd.s32 $0x20, s0;
	s8 =	simm.s32 $0x400;
	s10 =	simm.s32 $0x20;
	v8 =	vld [tilespmem:s30+$0x3140];
	v6 =	vshll.u32 v6, $0x4  }
0x4f7: {  	s16 =	sand.u32 $0xC00, s8;
	s18 =	sand.u32 $0x380, s10;
	s6 =	sor.u32 $0x60, s23;
	v9 =	vld [tilespmem:s30+$0x3150];
	v6 =	vor.u32 v0, v6  }
0x4f8: {  	s31 =	sor.u32 s18, s16;
	v11 =	vld [tilespmem:s6+$0x3100];
	v2 =	vshll.u32 v2, $0x4  }
0x4f9: {  	v12 =	vld [tilespmem:s31+$0x3100];
	v3 =	vshll.u32 v3, $0x4;
	v2 =	vor.u32 v0, v2  }
0x4fa: {  	v13 =	vld [tilespmem:s31+$0x3110];
	v4 =	vshll.u32 v4, $0x4;
	v3 =	vor.u32 v0, v3  }
0x4fb: {  	v14 =	vld [tilespmem:s31+$0x3120];
	v5 =	vshll.u32 v5, $0x4;
	v4 =	vor.u32 v0, v4  }
0x4fc: {  	s0 =	sor.u32 $0x70, s23;
	v5 =	vor.u32 v0, v5;
	v10 =	vld.idx.msk [tilespmem:v6+s2+$0x0], $0xffff  }
0x4fd: {  	v6 =	vld [tilespmem:s0+$0x3100]  }
0x4fe: {  	v2 =	vld.idx.msk [tilespmem:v2+s2+$0x0], $0xffff  }
0x4ff: {  	v7 =	vshll.u32 v7, $0x4;
	v3 =	vld.idx.msk [tilespmem:v3+s2+$0x0], $0xffff  }
0x500: {  	v8 =	vshll.u32 v8, $0x4;
	v7 =	vor.u32 v0, v7;
	v4 =	vld.idx.msk [tilespmem:v4+s2+$0x0], $0xffff  }
0x501: {  	v9 =	vshll.u32 v9, $0x4;
	v8 =	vor.u32 v0, v8;
	v5 =	vld.idx.msk [tilespmem:v5+s2+$0x0], $0xffff  }
0x502: {  	v16 =	vld [tilespmem:s31+$0x3130];
	v15 =	vor.u32 v0, v9;
	v6 =	vshll.u32 v6, $0x4  }
0x503: {  	v17 =	vld [tilespmem:s31+$0x3140];
	[tilespmem:s12+$0xB100] =	vst v2;
	v2 =	vshll.u32 v11, $0x4;
	v18 =	vor.u32 v0, v6  }
0x504: {  	v9 =	vshll.u32 v12, $0x4;
	[tilespmem:s14+$0xB100] =	vst v3;
	v6 =	vld [tilespmem:s31+$0x3150];
	v11 =	vor.u32 v0, v2  }
0x505: {  	v9 =	vor.u32 v0, v9;
	v3 =	vld.idx.msk [tilespmem:v7+s2+$0x0], $0xffff;
	[tilespmem:s30+$0xB100] =	vst v4;
	v2 =	vshll.u32 v13, $0x4  }
0x506: {  	v4 =	vld.idx.msk [tilespmem:v8+s2+$0x0], $0xffff;
	[tilespmem:s30+$0xB110] =	vst v5;
	v7 =	vor.u32 v0, v2;
	v2 =	vshll.u32 v14, $0x4  }
0x507: {  	v8 =	vshll.u32 v16, $0x4;
	v5 =	vld.idx.msk [tilespmem:v15+s2+$0x0], $0xffff;
	[tilespmem:s30+$0xB120] =	vst v10;
	v10 =	vor.u32 v0, v2  }
0x508: {  	v12 =	vshll.u32 v17, $0x4;
	s12 =	simm.s32 $0x8;
	s14 =	simm.s32 $0x2;
	v2 =	vor.u32 v0, v8;
	v8 =	vld.idx.msk [tilespmem:v18+s2+$0x0], $0xffff  }
.LBB2_40:
0x509: {  	s16 =	sand.u32 $0x3, s14;
	s12 =	sadd.s32 $0x8, s12;
	v12 =	vor.u32 v0, v12;
	v6 =	vshll.u32 v6, $0x4;
	v11 =	vld.idx.msk [tilespmem:v11+s2+$0x0], $0xffff;
	s8 =	sadd.s32 $0x400, s8  }
0x50a: {  	s10 =	sadd.s32 $0x20, s10;
	s16 =	sshll.u32 s16, $0xA;
	p0 =	slt.u32 s12, $0xF8;
	v9 =	vld.idx.msk [tilespmem:v9+s2+$0x0], $0xffff;
	v13 =	vor.u32 v0, v6  }
0x50b: {  	s18 =	sand.u32 $0xC00, s8;
	s23 =	sand.u32 $0x380, s10;
	s16 =	sadd.s32 s16, s10;
	v6 =	vld.idx.msk [tilespmem:v7+s2+$0x0], $0xffff;
	[tilespmem:s30+$0xB130] =	vst v3  }
0x50c: {  	s18 =	sor.u32 s23, s18;
	s23 =	sor.u32 $0x60, s16;
	s16 =	sor.u32 $0x70, s16;
	v3 =	vld.idx.msk [tilespmem:v10+s2+$0x0], $0xffff;
	[tilespmem:s30+$0xB140] =	vst v4  }
0x50d: {  	v4 =	vld [tilespmem:s16+$0x3100];
	[tilespmem:s30+$0xB150] =	vst v5;
	s30 =	smov.u32 s31;
	s31 =	smov.u32 s18  }
0x50e: {  	v5 =	vld [tilespmem:s23+$0x3100];
	[tilespmem:s0+$0xB100] =	vst v8;
	s0 =	smov.u32 s16  }
0x50f: {  	v7 =	vld [tilespmem:s31+$0x3100];
	[tilespmem:s6+$0xB100] =	vst v11;
	s6 =	smov.u32 s23  }
0x510: {  	v8 =	vld [tilespmem:s31+$0x3110];
	[tilespmem:s30+$0xB100] =	vst v9  }
0x511: {  	v10 =	vld [tilespmem:s31+$0x3120];
	[tilespmem:s30+$0xB110] =	vst v6  }
0x512: {  	v14 =	vld [tilespmem:s31+$0x3130];
	v4 =	vshll.u32 v4, $0x4;
	[tilespmem:s30+$0xB120] =	vst v3  }
0x513: {  	v15 =	vld [tilespmem:s31+$0x3140];
	v3 =	vshll.u32 v5, $0x4;
	v16 =	vor.u32 v0, v4  }
.Ltmp19:
0x514: {  	v4 =	vshll.u32 v7, $0x4;
	v6 =	vld [tilespmem:s31+$0x3150];
	v11 =	vor.u32 v0, v3;
	(pc) =	sbr.rel @p0 .LBB2_40-.Ltmp19, $4  }
0x515: {  	v9 =	vor.u32 v0, v4;
	v4 =	vshll.u32 v8, $0x4;
	v3 =	vld.idx.msk [tilespmem:v2+s2+$0x0], $0xffff  }
0x516: {  	v7 =	vor.u32 v0, v4;
	v2 =	vshll.u32 v10, $0x4;
	v4 =	vld.idx.msk [tilespmem:v12+s2+$0x0], $0xffff  }
0x517: {  	v10 =	vor.u32 v0, v2;
	v2 =	vshll.u32 v14, $0x4;
	v5 =	vld.idx.msk [tilespmem:v13+s2+$0x0], $0xffff  }
0x518: {  	s14 =	sadd.s32 $0x1, s14;
	v2 =	vor.u32 v0, v2;
	v12 =	vshll.u32 v15, $0x4;
	v8 =	vld.idx.msk [tilespmem:v16+s2+$0x0], $0xffff  }
0x519: {  	_ =	sdelay $0x3  }
0x51a: {  	v12 =	vor.u32 v0, v12;
	v6 =	vshll.u32 v6, $0x4;
	v11 =	vld.idx.msk [tilespmem:v11+s2+$0x0], $0xffff  }
0x51b: {  	v9 =	vld.idx.msk [tilespmem:v9+s2+$0x0], $0xffff;
	v6 =	vor.u32 v0, v6;
	[tilespmem:s30+$0xB130] =	vst v3  }
0x51c: {  	v2 =	vld.idx.msk [tilespmem:v2+s2+$0x0], $0xffff;
	[tilespmem:s30+$0xB140] =	vst v4  }
0x51d: {  	v3 =	vld.idx.msk [tilespmem:v7+s2+$0x0], $0xffff;
	[tilespmem:s30+$0xB150] =	vst v5  }
0x51e: {  	v4 =	vld.idx.msk [tilespmem:v10+s2+$0x0], $0xffff;
	[tilespmem:s0+$0xB100] =	vst v8  }
0x51f: {  	[tilespmem:s6+$0xB100] =	vst v11;
	v5 =	vld.idx.msk [tilespmem:v12+s2+$0x0], $0xffff  }
0x520: {  	[tilespmem:s31+$0xB100] =	vst v9;
	v6 =	vld.idx.msk [tilespmem:v6+s2+$0x0], $0xffff  }
0x521: {  	[tilespmem:s31+$0xB130] =	vst v2  }
0x522: {  	[tilespmem:s31+$0xB110] =	vst v3  }
0x523: {  	[tilespmem:s31+$0xB120] =	vst v4  }
0x524: {  	[tilespmem:s31+$0xB140] =	vst v5  }
0x525: {  	[tilespmem:s31+$0xB150] =	vst v6  }
0x526: {  	s6 =	sld [smem:$0x7F6];
	_ =	sdelay $0x1  }
0x527: {  	s10 =	simm.s32 $0x0;
	s8 =	simm.s32 $0xB100  }
0x528: {  	[hbm4b:s6+s10] =	stream.linear.scatter [tilespmem:s8], [sflag:$0xB], $0x1000, $0x38;
	[tilespmem:$0x11100] =	vst v63  }
0x529: {  	_ =	swait.ge [sflag:s9], $0x1000  }
0x52a: {  	[sflag:s9] =	ssyncset.done $0x0  }
0x52b: {  	s14 =	sand.u32 $0x3, s10;
	[sflag:s9] =	ssyncadd.s32 $0xFFFFF000  }
0x52c: {  	s6 =	sshll.u32 s14, $0xA;
	_ =	swait.ge [sflag:s22], $0x1000  }
0x52d: {  	s16 =	sand.u32 $0xC00, s10;
	s6 =	sadd.s32 $0x0, s6;
	[sflag:s22] =	ssyncset.done $0x0  }
0x52e: {  	s0 =	sand.u32 $0x380, s10;
	s12 =	sor.u32 $0x70, s6;
	[sflag:s22] =	ssyncadd.s32 $0xFFFFF000  }
0x52f: {  	s30 =	sor.u32 s0, s16;
	v2 =	vld [tilespmem:s12+$0x4100]  }
0x530: {  	s14 =	sor.u32 $0x60, s6;
	v6 =	vld [tilespmem:s30+$0x4120]  }
0x531: {  	v3 =	vld [tilespmem:s14+$0x4100]  }
0x532: {  	s18 =	simm.s32 $0x1;
	v4 =	vld [tilespmem:s30+$0x4100]  }
0x533: {  	s0 =	sand.u32 $0x3, s18;
	v5 =	vld [tilespmem:s30+$0x4110]  }
0x534: {  	s0 =	sshll.u32 s0, $0xA;
	v7 =	vld [tilespmem:s30+$0x4130]  }
0x535: {  	s23 =	sadd.s32 $0x20, s0;
	s8 =	simm.s32 $0x400;
	s10 =	simm.s32 $0x20;
	v8 =	vld [tilespmem:s30+$0x4140];
	v6 =	vshll.u32 v6, $0x4  }
0x536: {  	s16 =	sand.u32 $0xC00, s8;
	s18 =	sand.u32 $0x380, s10;
	s6 =	sor.u32 $0x60, s23;
	v9 =	vld [tilespmem:s30+$0x4150];
	v6 =	vor.u32 v0, v6  }
0x537: {  	s31 =	sor.u32 s18, s16;
	v11 =	vld [tilespmem:s6+$0x4100];
	v2 =	vshll.u32 v2, $0x4  }
0x538: {  	v12 =	vld [tilespmem:s31+$0x4100];
	v3 =	vshll.u32 v3, $0x4;
	v2 =	vor.u32 v0, v2  }
0x539: {  	v13 =	vld [tilespmem:s31+$0x4110];
	v4 =	vshll.u32 v4, $0x4;
	v3 =	vor.u32 v0, v3  }
0x53a: {  	v14 =	vld [tilespmem:s31+$0x4120];
	v5 =	vshll.u32 v5, $0x4;
	v4 =	vor.u32 v0, v4  }
0x53b: {  	s0 =	sor.u32 $0x70, s23;
	v5 =	vor.u32 v0, v5;
	v10 =	vld.idx.msk [tilespmem:v6+s2+$0x0], $0xffff  }
0x53c: {  	v6 =	vld [tilespmem:s0+$0x4100]  }
0x53d: {  	v2 =	vld.idx.msk [tilespmem:v2+s2+$0x0], $0xffff  }
0x53e: {  	v7 =	vshll.u32 v7, $0x4;
	v3 =	vld.idx.msk [tilespmem:v3+s2+$0x0], $0xffff  }
0x53f: {  	v8 =	vshll.u32 v8, $0x4;
	v7 =	vor.u32 v0, v7;
	v4 =	vld.idx.msk [tilespmem:v4+s2+$0x0], $0xffff  }
0x540: {  	v9 =	vshll.u32 v9, $0x4;
	v8 =	vor.u32 v0, v8;
	v5 =	vld.idx.msk [tilespmem:v5+s2+$0x0], $0xffff  }
0x541: {  	v16 =	vld [tilespmem:s31+$0x4130];
	v15 =	vor.u32 v0, v9;
	v6 =	vshll.u32 v6, $0x4  }
0x542: {  	v17 =	vld [tilespmem:s31+$0x4140];
	[tilespmem:s12+$0xC100] =	vst v2;
	v2 =	vshll.u32 v11, $0x4;
	v18 =	vor.u32 v0, v6  }
0x543: {  	v9 =	vshll.u32 v12, $0x4;
	[tilespmem:s14+$0xC100] =	vst v3;
	v6 =	vld [tilespmem:s31+$0x4150];
	v11 =	vor.u32 v0, v2  }
0x544: {  	v9 =	vor.u32 v0, v9;
	v3 =	vld.idx.msk [tilespmem:v7+s2+$0x0], $0xffff;
	[tilespmem:s30+$0xC100] =	vst v4;
	v2 =	vshll.u32 v13, $0x4  }
0x545: {  	v4 =	vld.idx.msk [tilespmem:v8+s2+$0x0], $0xffff;
	[tilespmem:s30+$0xC110] =	vst v5;
	v7 =	vor.u32 v0, v2;
	v2 =	vshll.u32 v14, $0x4  }
0x546: {  	v8 =	vshll.u32 v16, $0x4;
	v5 =	vld.idx.msk [tilespmem:v15+s2+$0x0], $0xffff;
	[tilespmem:s30+$0xC120] =	vst v10;
	v10 =	vor.u32 v0, v2  }
0x547: {  	v12 =	vshll.u32 v17, $0x4;
	s12 =	simm.s32 $0x8;
	s14 =	simm.s32 $0x2;
	v2 =	vor.u32 v0, v8;
	v8 =	vld.idx.msk [tilespmem:v18+s2+$0x0], $0xffff  }
.LBB2_42:
0x548: {  	s16 =	sand.u32 $0x3, s14;
	s12 =	sadd.s32 $0x8, s12;
	v12 =	vor.u32 v0, v12;
	v6 =	vshll.u32 v6, $0x4;
	v11 =	vld.idx.msk [tilespmem:v11+s2+$0x0], $0xffff;
	s8 =	sadd.s32 $0x400, s8  }
0x549: {  	s10 =	sadd.s32 $0x20, s10;
	s16 =	sshll.u32 s16, $0xA;
	p0 =	slt.u32 s12, $0xF8;
	v9 =	vld.idx.msk [tilespmem:v9+s2+$0x0], $0xffff;
	v13 =	vor.u32 v0, v6  }
0x54a: {  	s18 =	sand.u32 $0xC00, s8;
	s23 =	sand.u32 $0x380, s10;
	s16 =	sadd.s32 s16, s10;
	v6 =	vld.idx.msk [tilespmem:v7+s2+$0x0], $0xffff;
	[tilespmem:s30+$0xC130] =	vst v3  }
0x54b: {  	s18 =	sor.u32 s23, s18;
	s23 =	sor.u32 $0x60, s16;
	s16 =	sor.u32 $0x70, s16;
	v3 =	vld.idx.msk [tilespmem:v10+s2+$0x0], $0xffff;
	[tilespmem:s30+$0xC140] =	vst v4  }
0x54c: {  	v4 =	vld [tilespmem:s16+$0x4100];
	[tilespmem:s30+$0xC150] =	vst v5;
	s30 =	smov.u32 s31;
	s31 =	smov.u32 s18  }
0x54d: {  	v5 =	vld [tilespmem:s23+$0x4100];
	[tilespmem:s0+$0xC100] =	vst v8;
	s0 =	smov.u32 s16  }
0x54e: {  	v7 =	vld [tilespmem:s31+$0x4100];
	[tilespmem:s6+$0xC100] =	vst v11;
	s6 =	smov.u32 s23  }
0x54f: {  	v8 =	vld [tilespmem:s31+$0x4110];
	[tilespmem:s30+$0xC100] =	vst v9  }
0x550: {  	v10 =	vld [tilespmem:s31+$0x4120];
	[tilespmem:s30+$0xC110] =	vst v6  }
0x551: {  	v14 =	vld [tilespmem:s31+$0x4130];
	v4 =	vshll.u32 v4, $0x4;
	[tilespmem:s30+$0xC120] =	vst v3  }
0x552: {  	v15 =	vld [tilespmem:s31+$0x4140];
	v3 =	vshll.u32 v5, $0x4;
	v16 =	vor.u32 v0, v4  }
.Ltmp20:
0x553: {  	v4 =	vshll.u32 v7, $0x4;
	v6 =	vld [tilespmem:s31+$0x4150];
	v11 =	vor.u32 v0, v3;
	(pc) =	sbr.rel @p0 .LBB2_42-.Ltmp20, $4  }
0x554: {  	v9 =	vor.u32 v0, v4;
	v4 =	vshll.u32 v8, $0x4;
	v3 =	vld.idx.msk [tilespmem:v2+s2+$0x0], $0xffff  }
0x555: {  	v7 =	vor.u32 v0, v4;
	v2 =	vshll.u32 v10, $0x4;
	v4 =	vld.idx.msk [tilespmem:v12+s2+$0x0], $0xffff  }
0x556: {  	v10 =	vor.u32 v0, v2;
	v2 =	vshll.u32 v14, $0x4;
	v5 =	vld.idx.msk [tilespmem:v13+s2+$0x0], $0xffff  }
0x557: {  	s14 =	sadd.s32 $0x1, s14;
	v2 =	vor.u32 v0, v2;
	v12 =	vshll.u32 v15, $0x4;
	v8 =	vld.idx.msk [tilespmem:v16+s2+$0x0], $0xffff  }
0x558: {  	_ =	sdelay $0x3  }
0x559: {  	v12 =	vor.u32 v0, v12;
	v6 =	vshll.u32 v6, $0x4;
	v11 =	vld.idx.msk [tilespmem:v11+s2+$0x0], $0xffff  }
0x55a: {  	v9 =	vld.idx.msk [tilespmem:v9+s2+$0x0], $0xffff;
	v6 =	vor.u32 v0, v6;
	[tilespmem:s30+$0xC130] =	vst v3  }
0x55b: {  	v2 =	vld.idx.msk [tilespmem:v2+s2+$0x0], $0xffff;
	[tilespmem:s30+$0xC140] =	vst v4  }
0x55c: {  	v3 =	vld.idx.msk [tilespmem:v7+s2+$0x0], $0xffff;
	[tilespmem:s30+$0xC150] =	vst v5  }
0x55d: {  	v4 =	vld.idx.msk [tilespmem:v10+s2+$0x0], $0xffff;
	[tilespmem:s0+$0xC100] =	vst v8  }
0x55e: {  	[tilespmem:s6+$0xC100] =	vst v11;
	v5 =	vld.idx.msk [tilespmem:v12+s2+$0x0], $0xffff  }
0x55f: {  	[tilespmem:s31+$0xC100] =	vst v9;
	v6 =	vld.idx.msk [tilespmem:v6+s2+$0x0], $0xffff  }
0x560: {  	[tilespmem:s31+$0xC130] =	vst v2  }
0x561: {  	[tilespmem:s31+$0xC110] =	vst v3  }
0x562: {  	[tilespmem:s31+$0xC120] =	vst v4  }
0x563: {  	[tilespmem:s31+$0xC140] =	vst v5  }
0x564: {  	[tilespmem:s31+$0xC150] =	vst v6  }
0x565: {  	s6 =	sld [smem:$0x7F7];
	_ =	sdelay $0x1  }
0x566: {  	s10 =	simm.s32 $0x0;
	s8 =	simm.s32 $0xC100  }
0x567: {  	[hbm4b:s6+s10] =	stream.linear.scatter [tilespmem:s8], [sflag:$0xC], $0x1000, $0x38;
	[tilespmem:$0x11100] =	vst v63  }
0x568: {  	_ =	swait.ge [sflag:s11], $0x1000  }
0x569: {  	[sflag:s11] =	ssyncset.done $0x0  }
0x56a: {  	s14 =	sand.u32 $0x3, s10;
	[sflag:s11] =	ssyncadd.s32 $0xFFFFF000  }
0x56b: {  	s6 =	sshll.u32 s14, $0xA;
	_ =	swait.ge [sflag:s24], $0x1000  }
0x56c: {  	s16 =	sand.u32 $0xC00, s10;
	s6 =	sadd.s32 $0x0, s6;
	[sflag:s24] =	ssyncset.done $0x0  }
0x56d: {  	s0 =	sand.u32 $0x380, s10;
	s12 =	sor.u32 $0x70, s6;
	[sflag:s24] =	ssyncadd.s32 $0xFFFFF000  }
0x56e: {  	s30 =	sor.u32 s0, s16;
	v2 =	vld [tilespmem:s12+$0x5100]  }
0x56f: {  	s14 =	sor.u32 $0x60, s6;
	v6 =	vld [tilespmem:s30+$0x5120]  }
0x570: {  	v3 =	vld [tilespmem:s14+$0x5100]  }
0x571: {  	s18 =	simm.s32 $0x1;
	v4 =	vld [tilespmem:s30+$0x5100]  }
0x572: {  	s0 =	sand.u32 $0x3, s18;
	v5 =	vld [tilespmem:s30+$0x5110]  }
0x573: {  	s0 =	sshll.u32 s0, $0xA;
	v7 =	vld [tilespmem:s30+$0x5130]  }
0x574: {  	s23 =	sadd.s32 $0x20, s0;
	s8 =	simm.s32 $0x400;
	s10 =	simm.s32 $0x20;
	v8 =	vld [tilespmem:s30+$0x5140];
	v6 =	vshll.u32 v6, $0x4  }
0x575: {  	s16 =	sand.u32 $0xC00, s8;
	s18 =	sand.u32 $0x380, s10;
	s6 =	sor.u32 $0x60, s23;
	v9 =	vld [tilespmem:s30+$0x5150];
	v6 =	vor.u32 v0, v6  }
0x576: {  	s31 =	sor.u32 s18, s16;
	v11 =	vld [tilespmem:s6+$0x5100];
	v2 =	vshll.u32 v2, $0x4  }
0x577: {  	v12 =	vld [tilespmem:s31+$0x5100];
	v3 =	vshll.u32 v3, $0x4;
	v2 =	vor.u32 v0, v2  }
0x578: {  	v13 =	vld [tilespmem:s31+$0x5110];
	v4 =	vshll.u32 v4, $0x4;
	v3 =	vor.u32 v0, v3  }
0x579: {  	v14 =	vld [tilespmem:s31+$0x5120];
	v5 =	vshll.u32 v5, $0x4;
	v4 =	vor.u32 v0, v4  }
0x57a: {  	s0 =	sor.u32 $0x70, s23;
	v5 =	vor.u32 v0, v5;
	v10 =	vld.idx.msk [tilespmem:v6+s2+$0x0], $0xffff  }
0x57b: {  	v6 =	vld [tilespmem:s0+$0x5100]  }
0x57c: {  	v2 =	vld.idx.msk [tilespmem:v2+s2+$0x0], $0xffff  }
0x57d: {  	v7 =	vshll.u32 v7, $0x4;
	v3 =	vld.idx.msk [tilespmem:v3+s2+$0x0], $0xffff  }
0x57e: {  	v8 =	vshll.u32 v8, $0x4;
	v7 =	vor.u32 v0, v7;
	v4 =	vld.idx.msk [tilespmem:v4+s2+$0x0], $0xffff  }
0x57f: {  	v9 =	vshll.u32 v9, $0x4;
	v8 =	vor.u32 v0, v8;
	v5 =	vld.idx.msk [tilespmem:v5+s2+$0x0], $0xffff  }
0x580: {  	v16 =	vld [tilespmem:s31+$0x5130];
	v15 =	vor.u32 v0, v9;
	v6 =	vshll.u32 v6, $0x4  }
0x581: {  	v17 =	vld [tilespmem:s31+$0x5140];
	[tilespmem:s12+$0xD100] =	vst v2;
	v2 =	vshll.u32 v11, $0x4;
	v18 =	vor.u32 v0, v6  }
0x582: {  	v9 =	vshll.u32 v12, $0x4;
	[tilespmem:s14+$0xD100] =	vst v3;
	v6 =	vld [tilespmem:s31+$0x5150];
	v11 =	vor.u32 v0, v2  }
0x583: {  	v9 =	vor.u32 v0, v9;
	v3 =	vld.idx.msk [tilespmem:v7+s2+$0x0], $0xffff;
	[tilespmem:s30+$0xD100] =	vst v4;
	v2 =	vshll.u32 v13, $0x4  }
0x584: {  	v4 =	vld.idx.msk [tilespmem:v8+s2+$0x0], $0xffff;
	[tilespmem:s30+$0xD110] =	vst v5;
	v7 =	vor.u32 v0, v2;
	v2 =	vshll.u32 v14, $0x4  }
0x585: {  	v8 =	vshll.u32 v16, $0x4;
	v5 =	vld.idx.msk [tilespmem:v15+s2+$0x0], $0xffff;
	[tilespmem:s30+$0xD120] =	vst v10;
	v10 =	vor.u32 v0, v2  }
0x586: {  	v12 =	vshll.u32 v17, $0x4;
	s12 =	simm.s32 $0x8;
	s14 =	simm.s32 $0x2;
	v2 =	vor.u32 v0, v8;
	v8 =	vld.idx.msk [tilespmem:v18+s2+$0x0], $0xffff  }
.LBB2_44:
0x587: {  	s16 =	sand.u32 $0x3, s14;
	s12 =	sadd.s32 $0x8, s12;
	v12 =	vor.u32 v0, v12;
	v6 =	vshll.u32 v6, $0x4;
	v11 =	vld.idx.msk [tilespmem:v11+s2+$0x0], $0xffff;
	s8 =	sadd.s32 $0x400, s8  }
0x588: {  	s10 =	sadd.s32 $0x20, s10;
	s16 =	sshll.u32 s16, $0xA;
	p0 =	slt.u32 s12, $0xF8;
	v9 =	vld.idx.msk [tilespmem:v9+s2+$0x0], $0xffff;
	v13 =	vor.u32 v0, v6  }
0x589: {  	s18 =	sand.u32 $0xC00, s8;
	s23 =	sand.u32 $0x380, s10;
	s16 =	sadd.s32 s16, s10;
	v6 =	vld.idx.msk [tilespmem:v7+s2+$0x0], $0xffff;
	[tilespmem:s30+$0xD130] =	vst v3  }
0x58a: {  	s18 =	sor.u32 s23, s18;
	s23 =	sor.u32 $0x60, s16;
	s16 =	sor.u32 $0x70, s16;
	v3 =	vld.idx.msk [tilespmem:v10+s2+$0x0], $0xffff;
	[tilespmem:s30+$0xD140] =	vst v4  }
0x58b: {  	v4 =	vld [tilespmem:s16+$0x5100];
	[tilespmem:s30+$0xD150] =	vst v5;
	s30 =	smov.u32 s31;
	s31 =	smov.u32 s18  }
0x58c: {  	v5 =	vld [tilespmem:s23+$0x5100];
	[tilespmem:s0+$0xD100] =	vst v8;
	s0 =	smov.u32 s16  }
0x58d: {  	v7 =	vld [tilespmem:s31+$0x5100];
	[tilespmem:s6+$0xD100] =	vst v11;
	s6 =	smov.u32 s23  }
0x58e: {  	v8 =	vld [tilespmem:s31+$0x5110];
	[tilespmem:s30+$0xD100] =	vst v9  }
0x58f: {  	v10 =	vld [tilespmem:s31+$0x5120];
	[tilespmem:s30+$0xD110] =	vst v6  }
0x590: {  	v14 =	vld [tilespmem:s31+$0x5130];
	v4 =	vshll.u32 v4, $0x4;
	[tilespmem:s30+$0xD120] =	vst v3  }
0x591: {  	v15 =	vld [tilespmem:s31+$0x5140];
	v3 =	vshll.u32 v5, $0x4;
	v16 =	vor.u32 v0, v4  }
.Ltmp21:
0x592: {  	v4 =	vshll.u32 v7, $0x4;
	v6 =	vld [tilespmem:s31+$0x5150];
	v11 =	vor.u32 v0, v3;
	(pc) =	sbr.rel @p0 .LBB2_44-.Ltmp21, $4  }
0x593: {  	v9 =	vor.u32 v0, v4;
	v4 =	vshll.u32 v8, $0x4;
	v3 =	vld.idx.msk [tilespmem:v2+s2+$0x0], $0xffff  }
0x594: {  	v7 =	vor.u32 v0, v4;
	v2 =	vshll.u32 v10, $0x4;
	v4 =	vld.idx.msk [tilespmem:v12+s2+$0x0], $0xffff  }
0x595: {  	v10 =	vor.u32 v0, v2;
	v2 =	vshll.u32 v14, $0x4;
	v5 =	vld.idx.msk [tilespmem:v13+s2+$0x0], $0xffff  }
0x596: {  	s14 =	sadd.s32 $0x1, s14;
	v2 =	vor.u32 v0, v2;
	v12 =	vshll.u32 v15, $0x4;
	v8 =	vld.idx.msk [tilespmem:v16+s2+$0x0], $0xffff  }
0x597: {  	_ =	sdelay $0x3  }
0x598: {  	v12 =	vor.u32 v0, v12;
	v6 =	vshll.u32 v6, $0x4;
	v11 =	vld.idx.msk [tilespmem:v11+s2+$0x0], $0xffff  }
0x599: {  	v9 =	vld.idx.msk [tilespmem:v9+s2+$0x0], $0xffff;
	v6 =	vor.u32 v0, v6;
	[tilespmem:s30+$0xD130] =	vst v3  }
0x59a: {  	v2 =	vld.idx.msk [tilespmem:v2+s2+$0x0], $0xffff;
	[tilespmem:s30+$0xD140] =	vst v4  }
0x59b: {  	v3 =	vld.idx.msk [tilespmem:v7+s2+$0x0], $0xffff;
	[tilespmem:s30+$0xD150] =	vst v5  }
0x59c: {  	v4 =	vld.idx.msk [tilespmem:v10+s2+$0x0], $0xffff;
	[tilespmem:s0+$0xD100] =	vst v8  }
0x59d: {  	[tilespmem:s6+$0xD100] =	vst v11;
	v5 =	vld.idx.msk [tilespmem:v12+s2+$0x0], $0xffff  }
0x59e: {  	[tilespmem:s31+$0xD100] =	vst v9;
	v6 =	vld.idx.msk [tilespmem:v6+s2+$0x0], $0xffff  }
0x59f: {  	[tilespmem:s31+$0xD130] =	vst v2  }
0x5a0: {  	[tilespmem:s31+$0xD110] =	vst v3  }
0x5a1: {  	[tilespmem:s31+$0xD120] =	vst v4  }
0x5a2: {  	[tilespmem:s31+$0xD140] =	vst v5  }
0x5a3: {  	[tilespmem:s31+$0xD150] =	vst v6  }
0x5a4: {  	s6 =	sld [smem:$0x7F8];
	_ =	sdelay $0x1  }
0x5a5: {  	s10 =	simm.s32 $0x0;
	s8 =	simm.s32 $0xD100  }
0x5a6: {  	[hbm4b:s6+s10] =	stream.linear.scatter [tilespmem:s8], [sflag:$0xD], $0x1000, $0x38;
	[tilespmem:$0x11100] =	vst v63  }
0x5a7: {  	_ =	swait.ge [sflag:s13], $0x1000  }
0x5a8: {  	[sflag:s13] =	ssyncset.done $0x0  }
0x5a9: {  	s14 =	sand.u32 $0x3, s10;
	[sflag:s13] =	ssyncadd.s32 $0xFFFFF000  }
0x5aa: {  	s6 =	sshll.u32 s14, $0xA;
	_ =	swait.ge [sflag:s25], $0x1000  }
0x5ab: {  	s16 =	sand.u32 $0xC00, s10;
	s6 =	sadd.s32 $0x0, s6;
	[sflag:s25] =	ssyncset.done $0x0  }
0x5ac: {  	s0 =	sand.u32 $0x380, s10;
	s12 =	sor.u32 $0x70, s6;
	[sflag:s25] =	ssyncadd.s32 $0xFFFFF000  }
0x5ad: {  	s30 =	sor.u32 s0, s16;
	v2 =	vld [tilespmem:s12+$0x6100]  }
0x5ae: {  	s14 =	sor.u32 $0x60, s6;
	v6 =	vld [tilespmem:s30+$0x6120]  }
0x5af: {  	v3 =	vld [tilespmem:s14+$0x6100]  }
0x5b0: {  	s18 =	simm.s32 $0x1;
	v4 =	vld [tilespmem:s30+$0x6100]  }
0x5b1: {  	s0 =	sand.u32 $0x3, s18;
	v5 =	vld [tilespmem:s30+$0x6110]  }
0x5b2: {  	s0 =	sshll.u32 s0, $0xA;
	v7 =	vld [tilespmem:s30+$0x6130]  }
0x5b3: {  	s23 =	sadd.s32 $0x20, s0;
	s8 =	simm.s32 $0x400;
	s10 =	simm.s32 $0x20;
	v8 =	vld [tilespmem:s30+$0x6140];
	v6 =	vshll.u32 v6, $0x4  }
0x5b4: {  	s16 =	sand.u32 $0xC00, s8;
	s18 =	sand.u32 $0x380, s10;
	s6 =	sor.u32 $0x60, s23;
	v9 =	vld [tilespmem:s30+$0x6150];
	v6 =	vor.u32 v0, v6  }
0x5b5: {  	s31 =	sor.u32 s18, s16;
	v11 =	vld [tilespmem:s6+$0x6100];
	v2 =	vshll.u32 v2, $0x4  }
0x5b6: {  	v12 =	vld [tilespmem:s31+$0x6100];
	v3 =	vshll.u32 v3, $0x4;
	v2 =	vor.u32 v0, v2  }
0x5b7: {  	v13 =	vld [tilespmem:s31+$0x6110];
	v4 =	vshll.u32 v4, $0x4;
	v3 =	vor.u32 v0, v3  }
0x5b8: {  	v14 =	vld [tilespmem:s31+$0x6120];
	v5 =	vshll.u32 v5, $0x4;
	v4 =	vor.u32 v0, v4  }
0x5b9: {  	s0 =	sor.u32 $0x70, s23;
	v5 =	vor.u32 v0, v5;
	v10 =	vld.idx.msk [tilespmem:v6+s2+$0x0], $0xffff  }
0x5ba: {  	v6 =	vld [tilespmem:s0+$0x6100]  }
0x5bb: {  	v2 =	vld.idx.msk [tilespmem:v2+s2+$0x0], $0xffff  }
0x5bc: {  	v7 =	vshll.u32 v7, $0x4;
	v3 =	vld.idx.msk [tilespmem:v3+s2+$0x0], $0xffff  }
0x5bd: {  	v8 =	vshll.u32 v8, $0x4;
	v7 =	vor.u32 v0, v7;
	v4 =	vld.idx.msk [tilespmem:v4+s2+$0x0], $0xffff  }
0x5be: {  	v9 =	vshll.u32 v9, $0x4;
	v8 =	vor.u32 v0, v8;
	v5 =	vld.idx.msk [tilespmem:v5+s2+$0x0], $0xffff  }
0x5bf: {  	v16 =	vld [tilespmem:s31+$0x6130];
	v15 =	vor.u32 v0, v9;
	v6 =	vshll.u32 v6, $0x4  }
0x5c0: {  	v17 =	vld [tilespmem:s31+$0x6140];
	[tilespmem:s12+$0xE100] =	vst v2;
	v2 =	vshll.u32 v11, $0x4;
	v18 =	vor.u32 v0, v6  }
0x5c1: {  	v9 =	vshll.u32 v12, $0x4;
	[tilespmem:s14+$0xE100] =	vst v3;
	v6 =	vld [tilespmem:s31+$0x6150];
	v11 =	vor.u32 v0, v2  }
0x5c2: {  	v9 =	vor.u32 v0, v9;
	v3 =	vld.idx.msk [tilespmem:v7+s2+$0x0], $0xffff;
	[tilespmem:s30+$0xE100] =	vst v4;
	v2 =	vshll.u32 v13, $0x4  }
0x5c3: {  	v4 =	vld.idx.msk [tilespmem:v8+s2+$0x0], $0xffff;
	[tilespmem:s30+$0xE110] =	vst v5;
	v7 =	vor.u32 v0, v2;
	v2 =	vshll.u32 v14, $0x4  }
0x5c4: {  	v8 =	vshll.u32 v16, $0x4;
	v5 =	vld.idx.msk [tilespmem:v15+s2+$0x0], $0xffff;
	[tilespmem:s30+$0xE120] =	vst v10;
	v10 =	vor.u32 v0, v2  }
0x5c5: {  	v12 =	vshll.u32 v17, $0x4;
	s12 =	simm.s32 $0x8;
	s14 =	simm.s32 $0x2;
	v2 =	vor.u32 v0, v8;
	v8 =	vld.idx.msk [tilespmem:v18+s2+$0x0], $0xffff  }
.LBB2_46:
0x5c6: {  	s16 =	sand.u32 $0x3, s14;
	s12 =	sadd.s32 $0x8, s12;
	v12 =	vor.u32 v0, v12;
	v6 =	vshll.u32 v6, $0x4;
	v11 =	vld.idx.msk [tilespmem:v11+s2+$0x0], $0xffff;
	s8 =	sadd.s32 $0x400, s8  }
0x5c7: {  	s10 =	sadd.s32 $0x20, s10;
	s16 =	sshll.u32 s16, $0xA;
	p0 =	slt.u32 s12, $0xF8;
	v9 =	vld.idx.msk [tilespmem:v9+s2+$0x0], $0xffff;
	v13 =	vor.u32 v0, v6  }
0x5c8: {  	s18 =	sand.u32 $0xC00, s8;
	s23 =	sand.u32 $0x380, s10;
	s16 =	sadd.s32 s16, s10;
	v6 =	vld.idx.msk [tilespmem:v7+s2+$0x0], $0xffff;
	[tilespmem:s30+$0xE130] =	vst v3  }
0x5c9: {  	s18 =	sor.u32 s23, s18;
	s23 =	sor.u32 $0x60, s16;
	s16 =	sor.u32 $0x70, s16;
	v3 =	vld.idx.msk [tilespmem:v10+s2+$0x0], $0xffff;
	[tilespmem:s30+$0xE140] =	vst v4  }
0x5ca: {  	v4 =	vld [tilespmem:s16+$0x6100];
	[tilespmem:s30+$0xE150] =	vst v5;
	s30 =	smov.u32 s31;
	s31 =	smov.u32 s18  }
0x5cb: {  	v5 =	vld [tilespmem:s23+$0x6100];
	[tilespmem:s0+$0xE100] =	vst v8;
	s0 =	smov.u32 s16  }
0x5cc: {  	v7 =	vld [tilespmem:s31+$0x6100];
	[tilespmem:s6+$0xE100] =	vst v11;
	s6 =	smov.u32 s23  }
0x5cd: {  	v8 =	vld [tilespmem:s31+$0x6110];
	[tilespmem:s30+$0xE100] =	vst v9  }
0x5ce: {  	v10 =	vld [tilespmem:s31+$0x6120];
	[tilespmem:s30+$0xE110] =	vst v6  }
0x5cf: {  	v14 =	vld [tilespmem:s31+$0x6130];
	v4 =	vshll.u32 v4, $0x4;
	[tilespmem:s30+$0xE120] =	vst v3  }
0x5d0: {  	v15 =	vld [tilespmem:s31+$0x6140];
	v3 =	vshll.u32 v5, $0x4;
	v16 =	vor.u32 v0, v4  }
.Ltmp22:
0x5d1: {  	v4 =	vshll.u32 v7, $0x4;
	v6 =	vld [tilespmem:s31+$0x6150];
	v11 =	vor.u32 v0, v3;
	(pc) =	sbr.rel @p0 .LBB2_46-.Ltmp22, $4  }
0x5d2: {  	v9 =	vor.u32 v0, v4;
	v4 =	vshll.u32 v8, $0x4;
	v3 =	vld.idx.msk [tilespmem:v2+s2+$0x0], $0xffff  }
0x5d3: {  	v7 =	vor.u32 v0, v4;
	v2 =	vshll.u32 v10, $0x4;
	v4 =	vld.idx.msk [tilespmem:v12+s2+$0x0], $0xffff  }
0x5d4: {  	v10 =	vor.u32 v0, v2;
	v2 =	vshll.u32 v14, $0x4;
	v5 =	vld.idx.msk [tilespmem:v13+s2+$0x0], $0xffff  }
0x5d5: {  	s14 =	sadd.s32 $0x1, s14;
	v2 =	vor.u32 v0, v2;
	v12 =	vshll.u32 v15, $0x4;
	v8 =	vld.idx.msk [tilespmem:v16+s2+$0x0], $0xffff  }
0x5d6: {  	_ =	sdelay $0x3  }
0x5d7: {  	v12 =	vor.u32 v0, v12;
	v6 =	vshll.u32 v6, $0x4;
	v11 =	vld.idx.msk [tilespmem:v11+s2+$0x0], $0xffff  }
0x5d8: {  	v9 =	vld.idx.msk [tilespmem:v9+s2+$0x0], $0xffff;
	v6 =	vor.u32 v0, v6;
	[tilespmem:s30+$0xE130] =	vst v3  }
0x5d9: {  	v2 =	vld.idx.msk [tilespmem:v2+s2+$0x0], $0xffff;
	[tilespmem:s30+$0xE140] =	vst v4  }
0x5da: {  	v3 =	vld.idx.msk [tilespmem:v7+s2+$0x0], $0xffff;
	[tilespmem:s30+$0xE150] =	vst v5  }
0x5db: {  	v4 =	vld.idx.msk [tilespmem:v10+s2+$0x0], $0xffff;
	[tilespmem:s0+$0xE100] =	vst v8  }
0x5dc: {  	[tilespmem:s6+$0xE100] =	vst v11;
	v5 =	vld.idx.msk [tilespmem:v12+s2+$0x0], $0xffff  }
0x5dd: {  	[tilespmem:s31+$0xE100] =	vst v9;
	v6 =	vld.idx.msk [tilespmem:v6+s2+$0x0], $0xffff  }
0x5de: {  	[tilespmem:s31+$0xE130] =	vst v2  }
0x5df: {  	[tilespmem:s31+$0xE110] =	vst v3  }
0x5e0: {  	[tilespmem:s31+$0xE120] =	vst v4  }
0x5e1: {  	[tilespmem:s31+$0xE140] =	vst v5  }
0x5e2: {  	[tilespmem:s31+$0xE150] =	vst v6  }
0x5e3: {  	s6 =	sld [smem:$0x7F9];
	_ =	sdelay $0x1  }
0x5e4: {  	s10 =	simm.s32 $0x0;
	s8 =	simm.s32 $0xE100  }
0x5e5: {  	[hbm4b:s6+s10] =	stream.linear.scatter [tilespmem:s8], [sflag:$0xE], $0x1000, $0x38;
	[tilespmem:$0x11100] =	vst v63  }
0x5e6: {  	_ =	swait.ge [sflag:s15], $0x1000  }
0x5e7: {  	[sflag:s15] =	ssyncset.done $0x0  }
0x5e8: {  	s14 =	sand.u32 $0x3, s10;
	[sflag:s15] =	ssyncadd.s32 $0xFFFFF000  }
0x5e9: {  	s6 =	sshll.u32 s14, $0xA;
	_ =	swait.ge [sflag:s26], $0x1000  }
0x5ea: {  	s16 =	sand.u32 $0xC00, s10;
	s6 =	sadd.s32 $0x0, s6;
	[sflag:s26] =	ssyncset.done $0x0  }
0x5eb: {  	s0 =	sand.u32 $0x380, s10;
	s12 =	sor.u32 $0x70, s6;
	[sflag:s26] =	ssyncadd.s32 $0xFFFFF000  }
0x5ec: {  	s30 =	sor.u32 s0, s16;
	v2 =	vld [tilespmem:s12+$0x7100]  }
0x5ed: {  	s14 =	sor.u32 $0x60, s6;
	v6 =	vld [tilespmem:s30+$0x7120]  }
0x5ee: {  	v3 =	vld [tilespmem:s14+$0x7100]  }
0x5ef: {  	s18 =	simm.s32 $0x1;
	v4 =	vld [tilespmem:s30+$0x7100]  }
0x5f0: {  	s0 =	sand.u32 $0x3, s18;
	v5 =	vld [tilespmem:s30+$0x7110]  }
0x5f1: {  	s0 =	sshll.u32 s0, $0xA;
	v7 =	vld [tilespmem:s30+$0x7130]  }
0x5f2: {  	s23 =	sadd.s32 $0x20, s0;
	s8 =	simm.s32 $0x400;
	s10 =	simm.s32 $0x20;
	v8 =	vld [tilespmem:s30+$0x7140];
	v6 =	vshll.u32 v6, $0x4  }
0x5f3: {  	s16 =	sand.u32 $0xC00, s8;
	s18 =	sand.u32 $0x380, s10;
	s6 =	sor.u32 $0x60, s23;
	v9 =	vld [tilespmem:s30+$0x7150];
	v6 =	vor.u32 v0, v6  }
0x5f4: {  	s31 =	sor.u32 s18, s16;
	v11 =	vld [tilespmem:s6+$0x7100];
	v2 =	vshll.u32 v2, $0x4  }
0x5f5: {  	v12 =	vld [tilespmem:s31+$0x7100];
	v3 =	vshll.u32 v3, $0x4;
	v2 =	vor.u32 v0, v2  }
0x5f6: {  	v13 =	vld [tilespmem:s31+$0x7110];
	v4 =	vshll.u32 v4, $0x4;
	v3 =	vor.u32 v0, v3  }
0x5f7: {  	v14 =	vld [tilespmem:s31+$0x7120];
	v5 =	vshll.u32 v5, $0x4;
	v4 =	vor.u32 v0, v4  }
0x5f8: {  	s0 =	sor.u32 $0x70, s23;
	v5 =	vor.u32 v0, v5;
	v10 =	vld.idx.msk [tilespmem:v6+s2+$0x0], $0xffff  }
0x5f9: {  	v6 =	vld [tilespmem:s0+$0x7100]  }
0x5fa: {  	v2 =	vld.idx.msk [tilespmem:v2+s2+$0x0], $0xffff  }
0x5fb: {  	v7 =	vshll.u32 v7, $0x4;
	v3 =	vld.idx.msk [tilespmem:v3+s2+$0x0], $0xffff  }
0x5fc: {  	v8 =	vshll.u32 v8, $0x4;
	v7 =	vor.u32 v0, v7;
	v4 =	vld.idx.msk [tilespmem:v4+s2+$0x0], $0xffff  }
0x5fd: {  	v9 =	vshll.u32 v9, $0x4;
	v8 =	vor.u32 v0, v8;
	v5 =	vld.idx.msk [tilespmem:v5+s2+$0x0], $0xffff  }
0x5fe: {  	v16 =	vld [tilespmem:s31+$0x7130];
	v15 =	vor.u32 v0, v9;
	v6 =	vshll.u32 v6, $0x4  }
0x5ff: {  	v17 =	vld [tilespmem:s31+$0x7140];
	[tilespmem:s12+$0xF100] =	vst v2;
	v2 =	vshll.u32 v11, $0x4;
	v18 =	vor.u32 v0, v6  }
0x600: {  	v9 =	vshll.u32 v12, $0x4;
	[tilespmem:s14+$0xF100] =	vst v3;
	v6 =	vld [tilespmem:s31+$0x7150];
	v11 =	vor.u32 v0, v2  }
0x601: {  	v9 =	vor.u32 v0, v9;
	v3 =	vld.idx.msk [tilespmem:v7+s2+$0x0], $0xffff;
	[tilespmem:s30+$0xF100] =	vst v4;
	v2 =	vshll.u32 v13, $0x4  }
0x602: {  	v4 =	vld.idx.msk [tilespmem:v8+s2+$0x0], $0xffff;
	[tilespmem:s30+$0xF110] =	vst v5;
	v7 =	vor.u32 v0, v2;
	v2 =	vshll.u32 v14, $0x4  }
0x603: {  	v8 =	vshll.u32 v16, $0x4;
	v5 =	vld.idx.msk [tilespmem:v15+s2+$0x0], $0xffff;
	[tilespmem:s30+$0xF120] =	vst v10;
	v10 =	vor.u32 v0, v2  }
0x604: {  	v12 =	vshll.u32 v17, $0x4;
	s12 =	simm.s32 $0x8;
	s14 =	simm.s32 $0x2;
	v2 =	vor.u32 v0, v8;
	v8 =	vld.idx.msk [tilespmem:v18+s2+$0x0], $0xffff  }
.LBB2_48:
0x605: {  	s16 =	sand.u32 $0x3, s14;
	s12 =	sadd.s32 $0x8, s12;
	v12 =	vor.u32 v0, v12;
	v6 =	vshll.u32 v6, $0x4;
	v11 =	vld.idx.msk [tilespmem:v11+s2+$0x0], $0xffff;
	s8 =	sadd.s32 $0x400, s8  }
0x606: {  	s10 =	sadd.s32 $0x20, s10;
	s16 =	sshll.u32 s16, $0xA;
	p0 =	slt.u32 s12, $0xF8;
	v9 =	vld.idx.msk [tilespmem:v9+s2+$0x0], $0xffff;
	v13 =	vor.u32 v0, v6  }
0x607: {  	s18 =	sand.u32 $0xC00, s8;
	s23 =	sand.u32 $0x380, s10;
	s16 =	sadd.s32 s16, s10;
	v6 =	vld.idx.msk [tilespmem:v7+s2+$0x0], $0xffff;
	[tilespmem:s30+$0xF130] =	vst v3  }
0x608: {  	s18 =	sor.u32 s23, s18;
	s23 =	sor.u32 $0x60, s16;
	s16 =	sor.u32 $0x70, s16;
	v3 =	vld.idx.msk [tilespmem:v10+s2+$0x0], $0xffff;
	[tilespmem:s30+$0xF140] =	vst v4  }
0x609: {  	v4 =	vld [tilespmem:s16+$0x7100];
	[tilespmem:s30+$0xF150] =	vst v5;
	s30 =	smov.u32 s31;
	s31 =	smov.u32 s18  }
0x60a: {  	v5 =	vld [tilespmem:s23+$0x7100];
	[tilespmem:s0+$0xF100] =	vst v8;
	s0 =	smov.u32 s16  }
0x60b: {  	v7 =	vld [tilespmem:s31+$0x7100];
	[tilespmem:s6+$0xF100] =	vst v11;
	s6 =	smov.u32 s23  }
0x60c: {  	v8 =	vld [tilespmem:s31+$0x7110];
	[tilespmem:s30+$0xF100] =	vst v9  }
0x60d: {  	v10 =	vld [tilespmem:s31+$0x7120];
	[tilespmem:s30+$0xF110] =	vst v6  }
0x60e: {  	v14 =	vld [tilespmem:s31+$0x7130];
	v4 =	vshll.u32 v4, $0x4;
	[tilespmem:s30+$0xF120] =	vst v3  }
0x60f: {  	v15 =	vld [tilespmem:s31+$0x7140];
	v3 =	vshll.u32 v5, $0x4;
	v16 =	vor.u32 v0, v4  }
.Ltmp23:
0x610: {  	v4 =	vshll.u32 v7, $0x4;
	v6 =	vld [tilespmem:s31+$0x7150];
	v11 =	vor.u32 v0, v3;
	(pc) =	sbr.rel @p0 .LBB2_48-.Ltmp23, $4  }
0x611: {  	v9 =	vor.u32 v0, v4;
	v4 =	vshll.u32 v8, $0x4;
	v3 =	vld.idx.msk [tilespmem:v2+s2+$0x0], $0xffff  }
0x612: {  	v7 =	vor.u32 v0, v4;
	v2 =	vshll.u32 v10, $0x4;
	v4 =	vld.idx.msk [tilespmem:v12+s2+$0x0], $0xffff  }
0x613: {  	v10 =	vor.u32 v0, v2;
	v2 =	vshll.u32 v14, $0x4;
	v5 =	vld.idx.msk [tilespmem:v13+s2+$0x0], $0xffff  }
0x614: {  	s14 =	sadd.s32 $0x1, s14;
	v2 =	vor.u32 v0, v2;
	v12 =	vshll.u32 v15, $0x4;
	v8 =	vld.idx.msk [tilespmem:v16+s2+$0x0], $0xffff  }
0x615: {  	_ =	sdelay $0x3  }
0x616: {  	v12 =	vor.u32 v0, v12;
	v6 =	vshll.u32 v6, $0x4;
	v11 =	vld.idx.msk [tilespmem:v11+s2+$0x0], $0xffff  }
0x617: {  	v9 =	vld.idx.msk [tilespmem:v9+s2+$0x0], $0xffff;
	v6 =	vor.u32 v0, v6;
	[tilespmem:s30+$0xF130] =	vst v3  }
0x618: {  	v2 =	vld.idx.msk [tilespmem:v2+s2+$0x0], $0xffff;
	[tilespmem:s30+$0xF140] =	vst v4  }
0x619: {  	v3 =	vld.idx.msk [tilespmem:v7+s2+$0x0], $0xffff;
	[tilespmem:s30+$0xF150] =	vst v5  }
0x61a: {  	v4 =	vld.idx.msk [tilespmem:v10+s2+$0x0], $0xffff;
	[tilespmem:s0+$0xF100] =	vst v8  }
0x61b: {  	[tilespmem:s6+$0xF100] =	vst v11;
	v5 =	vld.idx.msk [tilespmem:v12+s2+$0x0], $0xffff  }
0x61c: {  	[tilespmem:s31+$0xF100] =	vst v9;
	v6 =	vld.idx.msk [tilespmem:v6+s2+$0x0], $0xffff  }
0x61d: {  	[tilespmem:s31+$0xF130] =	vst v2  }
0x61e: {  	[tilespmem:s31+$0xF110] =	vst v3  }
0x61f: {  	[tilespmem:s31+$0xF120] =	vst v4  }
0x620: {  	[tilespmem:s31+$0xF140] =	vst v5  }
0x621: {  	[tilespmem:s31+$0xF150] =	vst v6  }
0x622: {  	s6 =	sld [smem:$0x7FA];
	_ =	sdelay $0x1  }
0x623: {  	s10 =	simm.s32 $0x0;
	s8 =	simm.s32 $0xF100  }
0x624: {  	[hbm4b:s6+s10] =	stream.linear.scatter [tilespmem:s8], [sflag:$0xF], $0x1000, $0x38;
	[tilespmem:$0x11100] =	vst v63  }
0x625: {  	_ =	swait.ge [sflag:s17], $0x1000  }
0x626: {  	[sflag:s17] =	ssyncset.done $0x0  }
0x627: {  	s14 =	sand.u32 $0x3, s10;
	[sflag:s17] =	ssyncadd.s32 $0xFFFFF000  }
0x628: {  	s6 =	sshll.u32 s14, $0xA;
	_ =	swait.ge [sflag:s28], $0x1000  }
0x629: {  	s16 =	sand.u32 $0xC00, s10;
	s6 =	sadd.s32 $0x0, s6;
	[sflag:s28] =	ssyncset.done $0x0  }
0x62a: {  	s0 =	sand.u32 $0x380, s10;
	s12 =	sor.u32 $0x70, s6;
	[sflag:s28] =	ssyncadd.s32 $0xFFFFF000  }
0x62b: {  	s30 =	sor.u32 s0, s16;
	v2 =	vld [tilespmem:s12+$0x8100]  }
0x62c: {  	s14 =	sor.u32 $0x60, s6;
	v6 =	vld [tilespmem:s30+$0x8120]  }
0x62d: {  	v3 =	vld [tilespmem:s14+$0x8100]  }
0x62e: {  	s18 =	simm.s32 $0x1;
	v4 =	vld [tilespmem:s30+$0x8100]  }
0x62f: {  	s0 =	sand.u32 $0x3, s18;
	v5 =	vld [tilespmem:s30+$0x8110]  }
0x630: {  	s0 =	sshll.u32 s0, $0xA;
	v7 =	vld [tilespmem:s30+$0x8130]  }
0x631: {  	s23 =	sadd.s32 $0x20, s0;
	s8 =	simm.s32 $0x400;
	s10 =	simm.s32 $0x20;
	v8 =	vld [tilespmem:s30+$0x8140];
	v6 =	vshll.u32 v6, $0x4  }
0x632: {  	s16 =	sand.u32 $0xC00, s8;
	s18 =	sand.u32 $0x380, s10;
	s6 =	sor.u32 $0x60, s23;
	v9 =	vld [tilespmem:s30+$0x8150];
	v6 =	vor.u32 v0, v6  }
0x633: {  	s31 =	sor.u32 s18, s16;
	v11 =	vld [tilespmem:s6+$0x8100];
	v2 =	vshll.u32 v2, $0x4  }
0x634: {  	v12 =	vld [tilespmem:s31+$0x8100];
	v3 =	vshll.u32 v3, $0x4;
	v2 =	vor.u32 v0, v2  }
0x635: {  	v13 =	vld [tilespmem:s31+$0x8110];
	v4 =	vshll.u32 v4, $0x4;
	v3 =	vor.u32 v0, v3  }
0x636: {  	v14 =	vld [tilespmem:s31+$0x8120];
	v5 =	vshll.u32 v5, $0x4;
	v4 =	vor.u32 v0, v4  }
0x637: {  	s0 =	sor.u32 $0x70, s23;
	v5 =	vor.u32 v0, v5;
	v10 =	vld.idx.msk [tilespmem:v6+s2+$0x0], $0xffff  }
0x638: {  	v6 =	vld [tilespmem:s0+$0x8100]  }
0x639: {  	v2 =	vld.idx.msk [tilespmem:v2+s2+$0x0], $0xffff  }
0x63a: {  	v7 =	vshll.u32 v7, $0x4;
	v3 =	vld.idx.msk [tilespmem:v3+s2+$0x0], $0xffff  }
0x63b: {  	v8 =	vshll.u32 v8, $0x4;
	v7 =	vor.u32 v0, v7;
	v4 =	vld.idx.msk [tilespmem:v4+s2+$0x0], $0xffff  }
0x63c: {  	v9 =	vshll.u32 v9, $0x4;
	v8 =	vor.u32 v0, v8;
	v5 =	vld.idx.msk [tilespmem:v5+s2+$0x0], $0xffff  }
0x63d: {  	v16 =	vld [tilespmem:s31+$0x8130];
	v15 =	vor.u32 v0, v9;
	v6 =	vshll.u32 v6, $0x4  }
0x63e: {  	v17 =	vld [tilespmem:s31+$0x8140];
	[tilespmem:s12+$0x10100] =	vst v2;
	v2 =	vshll.u32 v11, $0x4;
	v18 =	vor.u32 v0, v6  }
0x63f: {  	v9 =	vshll.u32 v12, $0x4;
	[tilespmem:s14+$0x10100] =	vst v3;
	v6 =	vld [tilespmem:s31+$0x8150];
	v11 =	vor.u32 v0, v2  }
0x640: {  	v9 =	vor.u32 v0, v9;
	v3 =	vld.idx.msk [tilespmem:v7+s2+$0x0], $0xffff;
	[tilespmem:s30+$0x10100] =	vst v4;
	v2 =	vshll.u32 v13, $0x4  }
0x641: {  	v4 =	vld.idx.msk [tilespmem:v8+s2+$0x0], $0xffff;
	[tilespmem:s30+$0x10110] =	vst v5;
	v7 =	vor.u32 v0, v2;
	v2 =	vshll.u32 v14, $0x4  }
0x642: {  	v8 =	vshll.u32 v16, $0x4;
	v5 =	vld.idx.msk [tilespmem:v15+s2+$0x0], $0xffff;
	[tilespmem:s30+$0x10120] =	vst v10;
	v10 =	vor.u32 v0, v2  }
0x643: {  	v12 =	vshll.u32 v17, $0x4;
	s12 =	simm.s32 $0x8;
	s14 =	simm.s32 $0x2;
	v2 =	vor.u32 v0, v8;
	v8 =	vld.idx.msk [tilespmem:v18+s2+$0x0], $0xffff  }
.LBB2_50:
0x644: {  	s16 =	sand.u32 $0x3, s14;
	s12 =	sadd.s32 $0x8, s12;
	v12 =	vor.u32 v0, v12;
	v6 =	vshll.u32 v6, $0x4;
	v11 =	vld.idx.msk [tilespmem:v11+s2+$0x0], $0xffff;
	s8 =	sadd.s32 $0x400, s8  }
0x645: {  	s10 =	sadd.s32 $0x20, s10;
	s16 =	sshll.u32 s16, $0xA;
	p0 =	slt.u32 s12, $0xF8;
	v9 =	vld.idx.msk [tilespmem:v9+s2+$0x0], $0xffff;
	v13 =	vor.u32 v0, v6  }
0x646: {  	s18 =	sand.u32 $0xC00, s8;
	s23 =	sand.u32 $0x380, s10;
	s16 =	sadd.s32 s16, s10;
	v6 =	vld.idx.msk [tilespmem:v7+s2+$0x0], $0xffff;
	[tilespmem:s30+$0x10130] =	vst v3  }
0x647: {  	s18 =	sor.u32 s23, s18;
	s23 =	sor.u32 $0x60, s16;
	s16 =	sor.u32 $0x70, s16;
	v3 =	vld.idx.msk [tilespmem:v10+s2+$0x0], $0xffff;
	[tilespmem:s30+$0x10140] =	vst v4  }
0x648: {  	v4 =	vld [tilespmem:s16+$0x8100];
	[tilespmem:s30+$0x10150] =	vst v5;
	s30 =	smov.u32 s31;
	s31 =	smov.u32 s18  }
0x649: {  	v5 =	vld [tilespmem:s23+$0x8100];
	[tilespmem:s0+$0x10100] =	vst v8;
	s0 =	smov.u32 s16  }
0x64a: {  	v7 =	vld [tilespmem:s31+$0x8100];
	[tilespmem:s6+$0x10100] =	vst v11;
	s6 =	smov.u32 s23  }
0x64b: {  	v8 =	vld [tilespmem:s31+$0x8110];
	[tilespmem:s30+$0x10100] =	vst v9  }
0x64c: {  	v10 =	vld [tilespmem:s31+$0x8120];
	[tilespmem:s30+$0x10110] =	vst v6  }
0x64d: {  	v14 =	vld [tilespmem:s31+$0x8130];
	v4 =	vshll.u32 v4, $0x4;
	[tilespmem:s30+$0x10120] =	vst v3  }
0x64e: {  	v15 =	vld [tilespmem:s31+$0x8140];
	v3 =	vshll.u32 v5, $0x4;
	v16 =	vor.u32 v0, v4  }
.Ltmp24:
0x64f: {  	v4 =	vshll.u32 v7, $0x4;
	v6 =	vld [tilespmem:s31+$0x8150];
	v11 =	vor.u32 v0, v3;
	(pc) =	sbr.rel @p0 .LBB2_50-.Ltmp24, $4  }
0x650: {  	v9 =	vor.u32 v0, v4;
	v4 =	vshll.u32 v8, $0x4;
	v3 =	vld.idx.msk [tilespmem:v2+s2+$0x0], $0xffff  }
0x651: {  	v7 =	vor.u32 v0, v4;
	v2 =	vshll.u32 v10, $0x4;
	v4 =	vld.idx.msk [tilespmem:v12+s2+$0x0], $0xffff  }
0x652: {  	v10 =	vor.u32 v0, v2;
	v2 =	vshll.u32 v14, $0x4;
	v5 =	vld.idx.msk [tilespmem:v13+s2+$0x0], $0xffff  }
0x653: {  	s14 =	sadd.s32 $0x1, s14;
	v2 =	vor.u32 v0, v2;
	v12 =	vshll.u32 v15, $0x4;
	v8 =	vld.idx.msk [tilespmem:v16+s2+$0x0], $0xffff  }
0x654: {  	_ =	sdelay $0x3  }
0x655: {  	v12 =	vor.u32 v0, v12;
	v6 =	vshll.u32 v6, $0x4;
	v11 =	vld.idx.msk [tilespmem:v11+s2+$0x0], $0xffff  }
0x656: {  	v9 =	vld.idx.msk [tilespmem:v9+s2+$0x0], $0xffff;
	v6 =	vor.u32 v0, v6;
	[tilespmem:s30+$0x10130] =	vst v3  }
0x657: {  	v2 =	vld.idx.msk [tilespmem:v2+s2+$0x0], $0xffff;
	[tilespmem:s30+$0x10140] =	vst v4  }
0x658: {  	v3 =	vld.idx.msk [tilespmem:v7+s2+$0x0], $0xffff;
	[tilespmem:s30+$0x10150] =	vst v5  }
0x659: {  	v4 =	vld.idx.msk [tilespmem:v10+s2+$0x0], $0xffff;
	[tilespmem:s0+$0x10100] =	vst v8  }
0x65a: {  	[tilespmem:s6+$0x10100] =	vst v11;
	v5 =	vld.idx.msk [tilespmem:v12+s2+$0x0], $0xffff  }
0x65b: {  	[tilespmem:s31+$0x10100] =	vst v9;
	v6 =	vld.idx.msk [tilespmem:v6+s2+$0x0], $0xffff  }
0x65c: {  	[tilespmem:s31+$0x10130] =	vst v2  }
0x65d: {  	[tilespmem:s31+$0x10110] =	vst v3  }
0x65e: {  	[tilespmem:s31+$0x10120] =	vst v4  }
0x65f: {  	[tilespmem:s31+$0x10140] =	vst v5  }
0x660: {  	[tilespmem:s31+$0x10150] =	vst v6  }
0x661: {  	s6 =	sld [smem:$0x7FB];
	_ =	sdelay $0x1  }
0x662: {  	s10 =	simm.s32 $0x0;
	s8 =	simm.s32 $0x10100  }
0x663: {  	[hbm4b:s6+s10] =	stream.linear.scatter [tilespmem:s8], [sflag:$0x10], $0x1000, $0x38;
	[tilespmem:$0x11100] =	vst v63  }
0x664: {  	_ =	swait.ge [sflag:s3], $0x1000  }
0x665: {  	[sflag:s3] =	ssyncset.done $0x0  }
0x666: {  	s14 =	sand.u32 $0x3, s10;
	[sflag:s3] =	ssyncadd.s32 $0xFFFFF000  }
0x667: {  	s6 =	sshll.u32 s14, $0xA;
	_ =	swait.ge [sflag:s19], $0x1000  }
0x668: {  	s16 =	sand.u32 $0xC00, s10;
	s6 =	sadd.s32 $0x0, s6;
	[sflag:s19] =	ssyncset.done $0x0  }
0x669: {  	s0 =	sand.u32 $0x380, s10;
	s12 =	sor.u32 $0x70, s6;
	[sflag:s19] =	ssyncadd.s32 $0xFFFFF000  }
0x66a: {  	s30 =	sor.u32 s0, s16;
	v2 =	vld [tilespmem:s12+$0x1100]  }
0x66b: {  	s14 =	sor.u32 $0x60, s6;
	v6 =	vld [tilespmem:s30+$0x1120]  }
0x66c: {  	v3 =	vld [tilespmem:s14+$0x1100]  }
0x66d: {  	s18 =	simm.s32 $0x1;
	v4 =	vld [tilespmem:s30+$0x1100]  }
0x66e: {  	s0 =	sand.u32 $0x3, s18;
	v5 =	vld [tilespmem:s30+$0x1110]  }
0x66f: {  	s0 =	sshll.u32 s0, $0xA;
	v7 =	vld [tilespmem:s30+$0x1130]  }
0x670: {  	s23 =	sadd.s32 $0x20, s0;
	s8 =	simm.s32 $0x400;
	s10 =	simm.s32 $0x20;
	v8 =	vld [tilespmem:s30+$0x1140];
	v6 =	vshll.u32 v6, $0x4  }
0x671: {  	s16 =	sand.u32 $0xC00, s8;
	s18 =	sand.u32 $0x380, s10;
	s6 =	sor.u32 $0x60, s23;
	v9 =	vld [tilespmem:s30+$0x1150];
	v6 =	vor.u32 v0, v6  }
0x672: {  	s31 =	sor.u32 s18, s16;
	v11 =	vld [tilespmem:s6+$0x1100];
	v2 =	vshll.u32 v2, $0x4  }
0x673: {  	v12 =	vld [tilespmem:s31+$0x1100];
	v3 =	vshll.u32 v3, $0x4;
	v2 =	vor.u32 v0, v2  }
0x674: {  	v13 =	vld [tilespmem:s31+$0x1110];
	v4 =	vshll.u32 v4, $0x4;
	v3 =	vor.u32 v0, v3  }
0x675: {  	v14 =	vld [tilespmem:s31+$0x1120];
	v5 =	vshll.u32 v5, $0x4;
	v4 =	vor.u32 v0, v4  }
0x676: {  	s0 =	sor.u32 $0x70, s23;
	v5 =	vor.u32 v0, v5;
	v10 =	vld.idx.msk [tilespmem:v6+s2+$0x0], $0xffff  }
0x677: {  	v6 =	vld [tilespmem:s0+$0x1100]  }
0x678: {  	v2 =	vld.idx.msk [tilespmem:v2+s2+$0x0], $0xffff  }
0x679: {  	v7 =	vshll.u32 v7, $0x4;
	v3 =	vld.idx.msk [tilespmem:v3+s2+$0x0], $0xffff  }
0x67a: {  	v8 =	vshll.u32 v8, $0x4;
	v7 =	vor.u32 v0, v7;
	v4 =	vld.idx.msk [tilespmem:v4+s2+$0x0], $0xffff  }
0x67b: {  	v9 =	vshll.u32 v9, $0x4;
	v8 =	vor.u32 v0, v8;
	v5 =	vld.idx.msk [tilespmem:v5+s2+$0x0], $0xffff  }
0x67c: {  	v16 =	vld [tilespmem:s31+$0x1130];
	v15 =	vor.u32 v0, v9;
	v6 =	vshll.u32 v6, $0x4  }
0x67d: {  	v17 =	vld [tilespmem:s31+$0x1140];
	[tilespmem:s12+$0x9100] =	vst v2;
	v2 =	vshll.u32 v11, $0x4;
	v18 =	vor.u32 v0, v6  }
0x67e: {  	v9 =	vshll.u32 v12, $0x4;
	[tilespmem:s14+$0x9100] =	vst v3;
	v6 =	vld [tilespmem:s31+$0x1150];
	v11 =	vor.u32 v0, v2  }
0x67f: {  	v9 =	vor.u32 v0, v9;
	v3 =	vld.idx.msk [tilespmem:v7+s2+$0x0], $0xffff;
	[tilespmem:s30+$0x9100] =	vst v4;
	v2 =	vshll.u32 v13, $0x4  }
0x680: {  	v4 =	vld.idx.msk [tilespmem:v8+s2+$0x0], $0xffff;
	[tilespmem:s30+$0x9110] =	vst v5;
	v7 =	vor.u32 v0, v2;
	v2 =	vshll.u32 v14, $0x4  }
0x681: {  	v8 =	vshll.u32 v16, $0x4;
	v5 =	vld.idx.msk [tilespmem:v15+s2+$0x0], $0xffff;
	[tilespmem:s30+$0x9120] =	vst v10;
	v10 =	vor.u32 v0, v2  }
0x682: {  	v12 =	vshll.u32 v17, $0x4;
	s12 =	simm.s32 $0x8;
	s14 =	simm.s32 $0x2;
	v2 =	vor.u32 v0, v8;
	v8 =	vld.idx.msk [tilespmem:v18+s2+$0x0], $0xffff  }
.LBB2_52:
0x683: {  	s16 =	sand.u32 $0x3, s14;
	s12 =	sadd.s32 $0x8, s12;
	v12 =	vor.u32 v0, v12;
	v6 =	vshll.u32 v6, $0x4;
	v11 =	vld.idx.msk [tilespmem:v11+s2+$0x0], $0xffff;
	s8 =	sadd.s32 $0x400, s8  }
0x684: {  	s10 =	sadd.s32 $0x20, s10;
	s16 =	sshll.u32 s16, $0xA;
	p0 =	slt.u32 s12, $0xF8;
	v9 =	vld.idx.msk [tilespmem:v9+s2+$0x0], $0xffff;
	v13 =	vor.u32 v0, v6  }
0x685: {  	s18 =	sand.u32 $0xC00, s8;
	s23 =	sand.u32 $0x380, s10;
	s16 =	sadd.s32 s16, s10;
	v6 =	vld.idx.msk [tilespmem:v7+s2+$0x0], $0xffff;
	[tilespmem:s30+$0x9130] =	vst v3  }
0x686: {  	s18 =	sor.u32 s23, s18;
	s23 =	sor.u32 $0x60, s16;
	s16 =	sor.u32 $0x70, s16;
	v3 =	vld.idx.msk [tilespmem:v10+s2+$0x0], $0xffff;
	[tilespmem:s30+$0x9140] =	vst v4  }
0x687: {  	v4 =	vld [tilespmem:s16+$0x1100];
	[tilespmem:s30+$0x9150] =	vst v5;
	s30 =	smov.u32 s31;
	s31 =	smov.u32 s18  }
0x688: {  	v5 =	vld [tilespmem:s23+$0x1100];
	[tilespmem:s0+$0x9100] =	vst v8;
	s0 =	smov.u32 s16  }
0x689: {  	v7 =	vld [tilespmem:s31+$0x1100];
	[tilespmem:s6+$0x9100] =	vst v11;
	s6 =	smov.u32 s23  }
0x68a: {  	v8 =	vld [tilespmem:s31+$0x1110];
	[tilespmem:s30+$0x9100] =	vst v9  }
0x68b: {  	v10 =	vld [tilespmem:s31+$0x1120];
	[tilespmem:s30+$0x9110] =	vst v6  }
0x68c: {  	v14 =	vld [tilespmem:s31+$0x1130];
	v4 =	vshll.u32 v4, $0x4;
	[tilespmem:s30+$0x9120] =	vst v3  }
0x68d: {  	v15 =	vld [tilespmem:s31+$0x1140];
	v3 =	vshll.u32 v5, $0x4;
	v16 =	vor.u32 v0, v4  }
.Ltmp25:
0x68e: {  	v4 =	vshll.u32 v7, $0x4;
	v6 =	vld [tilespmem:s31+$0x1150];
	v11 =	vor.u32 v0, v3;
	(pc) =	sbr.rel @p0 .LBB2_52-.Ltmp25, $4  }
0x68f: {  	v9 =	vor.u32 v0, v4;
	v4 =	vshll.u32 v8, $0x4;
	v3 =	vld.idx.msk [tilespmem:v2+s2+$0x0], $0xffff  }
0x690: {  	v7 =	vor.u32 v0, v4;
	v2 =	vshll.u32 v10, $0x4;
	v4 =	vld.idx.msk [tilespmem:v12+s2+$0x0], $0xffff  }
0x691: {  	v10 =	vor.u32 v0, v2;
	v2 =	vshll.u32 v14, $0x4;
	v5 =	vld.idx.msk [tilespmem:v13+s2+$0x0], $0xffff  }
0x692: {  	s14 =	sadd.s32 $0x1, s14;
	v2 =	vor.u32 v0, v2;
	v12 =	vshll.u32 v15, $0x4;
	v8 =	vld.idx.msk [tilespmem:v16+s2+$0x0], $0xffff  }
0x693: {  	_ =	sdelay $0x3  }
0x694: {  	v12 =	vor.u32 v0, v12;
	v6 =	vshll.u32 v6, $0x4;
	v11 =	vld.idx.msk [tilespmem:v11+s2+$0x0], $0xffff  }
0x695: {  	v9 =	vld.idx.msk [tilespmem:v9+s2+$0x0], $0xffff;
	v6 =	vor.u32 v0, v6;
	[tilespmem:s30+$0x9130] =	vst v3  }
0x696: {  	v62 =	vld.idx.msk [tilespmem:v10+s2+$0x0], $0xffff;
	[tilespmem:s30+$0x9140] =	vst v4  }
0x697: {  	v2 =	vld.idx.msk [tilespmem:v2+s2+$0x0], $0xffff;
	[tilespmem:s30+$0x9150] =	vst v5  }
0x698: {  	v3 =	vld.idx.msk [tilespmem:v7+s2+$0x0], $0xffff;
	[tilespmem:s0+$0x9100] =	vst v8  }
0x699: {  	[tilespmem:s6+$0x9100] =	vst v11;
	v63 =	vld.idx.msk [tilespmem:v12+s2+$0x0], $0xffff  }
0x69a: {  	[tilespmem:s31+$0x9100] =	vst v9;
	v6 =	vld.idx.msk [tilespmem:v6+s2+$0x0], $0xffff  }
0x69b: {  	[tilespmem:s31+$0x9120] =	vst v62  }
0x69c: {  	[tilespmem:s31+$0x9130] =	vst v2  }
0x69d: {  	[tilespmem:s31+$0x9110] =	vst v3  }
0x69e: {  	[tilespmem:s31+$0x9140] =	vst v63  }
0x69f: {  	[tilespmem:s31+$0x9150] =	vst v6  }
0x6a0: {  	s0 =	sld [smem:$0x7FC];
	_ =	sdelay $0x2  }
0x6a1: {  	[hbm4b:s0+s1] =	stream.linear.scatter [tilespmem:s4], [sflag:$0x9], $0x1000, $0x38;
	[tilespmem:$0x11100] =	vst v63  }
0x6a2: {  	_ =	swait.ge [sflag:s20], $0x1000  }
0x6a3: {  	[sflag:s20] =	ssyncset.done $0x0  }
0x6a4: {  	[sflag:s20] =	ssyncadd.s32 $0xFFFFF000  }
0x6a5: {  	_ =	swait.ge [sflag:s21], $0x1000  }
0x6a6: {  	[sflag:s21] =	ssyncset.done $0x0  }
0x6a7: {  	[sflag:s21] =	ssyncadd.s32 $0xFFFFF000  }
0x6a8: {  	_ =	swait.ge [sflag:s22], $0x1000  }
0x6a9: {  	[sflag:s22] =	ssyncset.done $0x0  }
0x6aa: {  	[sflag:s22] =	ssyncadd.s32 $0xFFFFF000  }
0x6ab: {  	_ =	swait.ge [sflag:s24], $0x1000  }
0x6ac: {  	[sflag:s24] =	ssyncset.done $0x0  }
0x6ad: {  	[sflag:s24] =	ssyncadd.s32 $0xFFFFF000  }
0x6ae: {  	_ =	swait.ge [sflag:s25], $0x1000  }
0x6af: {  	[sflag:s25] =	ssyncset.done $0x0  }
0x6b0: {  	[sflag:s25] =	ssyncadd.s32 $0xFFFFF000  }
0x6b1: {  	_ =	swait.ge [sflag:s26], $0x1000  }
0x6b2: {  	[sflag:s26] =	ssyncset.done $0x0  }
0x6b3: {  	[sflag:s26] =	ssyncadd.s32 $0xFFFFF000  }
0x6b4: {  	_ =	swait.ge [sflag:s28], $0x1000  }
0x6b5: {  	[sflag:s28] =	ssyncset.done $0x0  }
0x6b6: {  	[sflag:s28] =	ssyncadd.s32 $0xFFFFF000  }
0x6b7: {  	_ =	swait.ge [sflag:s19], $0x1000  }
0x6b8: {  	s31 =	sld [smem:$0x7FD];
	_ =	sdelay $0x1  }
0x6b9: {  	s29 =	sadd.s32 $0x1, s29  }
0x6ba: {  	p0 =	sne.s32 s29, s31  }
.Ltmp26:
0x6bb: {  	_ = 	snop;
	(pc) =	sbr.rel @p0 .LBB2_1-.Ltmp26, $3  }
0x6bc: {  	_ =	sdelay $0x1  }
0x6bd: {  	[sflag:s19] =	ssyncset.done $0x0  }
0x6be: {  	[sflag:s19] =	ssyncadd.s32 $0xFFFFF000  }
0x6bf: {  	_ =	sfence.sel $0x180000  }
0x6c0: {  	[bflag:$0x0] =	sbarrier.arrive $0xFFFF  }
0x6c1: {  	_ =	strace $0x90000047  }
0x6c2: {  	s0 =	stileid.u32;
	[bflag:$0x2] =	sbarrier.arrive $0xFFFF  }
0x6c3: {  	p0 =	sne.s32 s0, $0x0;
	s0 =	rddreg [dreg:$0x3]  }
0x6c4: {  	s0 =	sadd.s32 @!p0 $0x100000, s0  }
0x6c5: {  	[sflag:s0] =	ssyncadd.tile.s32 @!p0 $0x1;
	_ =	shalt  }
.Lfunc_end2:
_tile_overlayer_lowered:
.L_overlay_start_2:
0x6c6: {  	(tag) =	ssettag $0x2  }
0x6c7: {  	s0 =	rddreg [dreg:$0x0];
	s2 =	stileid.u32  }
0x6c8: {  	s1 =	rddreg [dreg:$0x1];
	p0 =	sne.s32 s2, $0x0  }
0x6c9: {  	s3 =	rddreg [dreg:$0x2];
	[bflag:$0x3] =	sbarrier.arrive $0xFFFF;
	s2 =	simm.s32 @!p0 $0x1C11  }
0x6ca: {  	[timem:s3], [sflag:s2] =	dma.local @!p0 [hbm:s0], s1  }
0x6cb: {  	s0 =	simm.s32 @!p0 $0x11  }
0x6cc: {  	_ =	swait.ge @!p0 [sflag:s0], s1  }
0x6cd: {  	s1 =	ssub.s32 @!p0 $0x0, s1;
	[sflag:s0] =	ssyncset.done @!p0 $0x0  }
0x6ce: {  	[sflag:s0] =	ssyncadd.s32 @!p0 s1  }
0x6cf: {  	[bflag:$0x3] =	sbarrier.arrive $0xFFFF  }
0x6d0: {  	_ =	shalt  }

</sc_bundles>
